<compile_context>
chip_gen: v7x
topology: tpu7x:2x2x1
jax: 0.10.2.dev20260603
libtpu: 0.0.44.dev20260713+nightly
codegen_flags: <defaults>
</compile_context>

<pallas_src>
import functools

import jax
import jax.numpy as jnp
from jax import lax
from jax.experimental import pallas as pl
from jax.experimental.pallas import tpu as pltpu
from jax.experimental.pallas import tpu_sc as plsc

N = 10000
E = 320000
D = 128
G = 64
EPS = 1e-5

NC = 2
NS = 16
NW = NC * NS

CHUNK = 128
NCHUNK = 80
NB = 8
NBLK = NCHUNK // NB
T_EDGES = CHUNK * NCHUNK
EPAD = T_EDGES * NW
NSCRAP = 112
NPAD = N + NSCRAP
ROWS_PER_TILE = NPAD // NS


@functools.partial(
    pl.kernel,
    out_type=jax.ShapeDtypeStruct((NC, NPAD, D), jnp.float32),
    mesh=plsc.VectorSubcoreMesh(core_axis_name="c", subcore_axis_name="s",
                                num_cores=NC, num_subcores=NS),
    scratch_types=[
        pltpu.VMEM((2, NB, CHUNK), jnp.int32),
        pltpu.VMEM((2, NB, CHUNK), jnp.int32),
        pltpu.VMEM((2, CHUNK, D), jnp.float32),
        pltpu.VMEM_SHARED((NPAD, D), jnp.float32),
        pltpu.SemaphoreType.DMA,
        pltpu.SemaphoreType.DMA,
        pltpu.SemaphoreType.DMA,
        pltpu.SemaphoreType.DMA,
    ],
)
def _sc_agg(m_hbm, srcp_hbm, dstp_hbm, zeros_hbm, out_hbm,
            src_v, dst_v, rows_v, agg_sh, sem_is, sem_id, sem_r0, sem_r1):
    c = lax.axis_index("c")
    s = lax.axis_index("s")
    wid = c * NS + s
    base = wid * NCHUNK
    sem_r = (sem_r0, sem_r1)

    pltpu.sync_copy(srcp_hbm.at[pl.ds(base, NB)], src_v.at[0])
    pltpu.sync_copy(dstp_hbm.at[pl.ds(base, NB)], dst_v.at[0])

    zr = s * ROWS_PER_TILE
    pltpu.sync_copy(zeros_hbm.at[pl.ds(zr, ROWS_PER_TILE)],
                    agg_sh.at[pl.ds(zr, ROWS_PER_TILE)])
    plsc.subcore_barrier()

    pltpu.async_copy(m_hbm.at[src_v.at[0, 0]], rows_v.at[0], sem_r0)

    def blk(b, _):
        bs = b % 2
        ns = (b + 1) % 2
        nxt = pl.ds(base + (b + 1) * NB, NB)

        @pl.when(b + 1 < NBLK)
        def _():
            pltpu.async_copy(srcp_hbm.at[nxt], src_v.at[ns], sem_is)
            pltpu.async_copy(dstp_hbm.at[nxt], dst_v.at[ns], sem_id)

        for k in range(NB):
            rs = k % 2
            rn = (k + 1) % 2
            pltpu.make_async_copy(m_hbm.at[src_v.at[bs, k]], rows_v.at[rs],
                                  sem_r[rs]).wait()
            if k < NB - 1:
                pltpu.async_copy(m_hbm.at[src_v.at[bs, k + 1]],
                                 rows_v.at[rn], sem_r[rn])
            else:
                @pl.when(b + 1 < NBLK)
                def _():
                    pltpu.make_async_copy(srcp_hbm.at[nxt], src_v.at[ns],
                                          sem_is).wait()
                    pltpu.make_async_copy(dstp_hbm.at[nxt], dst_v.at[ns],
                                          sem_id).wait()
                    pltpu.async_copy(m_hbm.at[src_v.at[ns, 0]],
                                     rows_v.at[rn], sem_r[rn])
            pltpu.sync_copy(rows_v.at[rs], agg_sh.at[dst_v.at[bs, k]],
                            add=True)
        return 0

    lax.fori_loop(0, NBLK, blk, 0)

    plsc.subcore_barrier()
    pltpu.sync_copy(agg_sh.at[pl.ds(zr, ROWS_PER_TILE)],
                    out_hbm.at[c].at[pl.ds(zr, ROWS_PER_TILE)])




def _mm_t(a, w):
    return lax.dot_general(a, w, (((1,), (1,)), ((), ())),
                           preferred_element_type=jnp.float32)


def _col_mean(y, rows):
    ones = jnp.ones((8, rows), jnp.float32)
    s = lax.dot_general(ones, y, (((1,), (0,)), ((), ())),
                        precision=lax.Precision.HIGHEST,
                        preferred_element_type=jnp.float32)
    return s[0:1, :] / rows


def _bn_relu(y, g, bt):
    rows = y.shape[0]
    mu = _col_mean(y, rows)
    d = y - mu
    va = _col_mean(d * d, rows)
    return jnp.maximum(d / jnp.sqrt(va + EPS) * g + bt, 0.0)


def _in_body(x_ref, w_ref, b_ref, g_ref, bt_ref, c_ref, h_ref, m_ref):
    y = _mm_t(x_ref[:], w_ref[:]) + b_ref[:]
    h = _bn_relu(y, g_ref[:], bt_ref[:])
    h_ref[:] = h
    m_ref[:] = jnp.maximum(h + jnp.maximum(c_ref[:], 0.0), 0.0)


_tc_in = pl.pallas_call(
    _in_body,
    out_shape=[jax.ShapeDtypeStruct((N, D), jnp.float32),
               jax.ShapeDtypeStruct((N, D), jnp.float32)],
)


def _layer_body(h_ref, p_ref, w_ref, g_ref, bt_ref, c_ref, ho_ref, m_ref):
    hp = h_ref[:] + p_ref[0, :N, :] + p_ref[1, :N, :]
    t = _bn_relu(_mm_t(hp, w_ref[:]), g_ref[:], bt_ref[:])
    hn = t + h_ref[:]
    ho_ref[:] = hn
    m_ref[:] = jnp.maximum(hn + jnp.maximum(c_ref[:], 0.0), 0.0)


_tc_layer = pl.pallas_call(
    _layer_body,
    out_shape=[jax.ShapeDtypeStruct((N, D), jnp.float32),
               jax.ShapeDtypeStruct((N, D), jnp.float32)],
)


def _out_body(h_ref, p_ref, w_ref, g_ref, bt_ref, b_ref,
              w1_ref, b1_ref, g1_ref, bt1_ref, w2_ref, b2_ref, o_ref):
    hp = h_ref[:] + p_ref[0, :N, :] + p_ref[1, :N, :]
    t = _bn_relu(_mm_t(hp, w_ref[:]), g_ref[:], bt_ref[:])
    hn = t + h_ref[:]
    mask = (b_ref[:] == lax.broadcasted_iota(jnp.int32, (N, G), 1))
    pooled = lax.dot_general(mask.astype(jnp.float32), hn,
                             (((0,), (0,)), ((), ())),
                             precision=lax.Precision.HIGHEST,
                             preferred_element_type=jnp.float32)
    o = _bn_relu(_mm_t(pooled, w1_ref[:]) + b1_ref[:], g1_ref[:], bt1_ref[:])
    o_ref[:] = _mm_t(o, w2_ref[:]) + b2_ref[:]


_tc_out = pl.pallas_call(
    _out_body,
    out_shape=jax.ShapeDtypeStruct((G, D), jnp.float32),
)


def kernel(x, edge_index, batch, W_in, b_in, g_in, bt_in, We, be, ge, bte,
           Wc, gn, btn, W1, b1, g1, bt1, W2, b2):
    src = edge_index[0]
    dst = edge_index[1]
    npad = EPAD - E
    pad_i = jnp.arange(npad, dtype=jnp.int32)
    srcp = jnp.concatenate([src, (pad_i * 89) % N]).reshape(EPAD // CHUNK, CHUNK)
    dstp = jnp.concatenate([dst, N + pad_i % NSCRAP]).reshape(EPAD // CHUNK, CHUNK)
    zeros = jnp.zeros((NPAD, D), jnp.float32)
    batch2 = batch.reshape(N, 1)

    r = lambda v: v.reshape(1, D)

    h, m = _tc_in(x, W_in, r(b_in), r(g_in), r(bt_in), r(bte[0]))
    for i in range(2):
        parts = _sc_agg(m, srcp, dstp, zeros)
        h, m = _tc_layer(h, parts, Wc[i], r(gn[i]), r(btn[i]), r(bte[i + 1]))
    parts = _sc_agg(m, srcp, dstp, zeros)
    return _tc_out(h, parts, Wc[2], r(gn[2]), r(btn[2]), batch2,
                   W1, r(b1), r(g1), r(bt1), W2, r(b2))

# --- scband reference (transcript-rebuilt; emitter-appended) ---
"""Pipeline reference for scband-gnn-edge-16793322128023 (READ-ONLY COPY).

The authoritative reference and input builder live on the scoring server;
editing this copy changes nothing except your own understanding.
"""

import jax, jax.numpy as jnp
import numpy as np

N = 10000
E = 320000
D = 128
L = 3
G = 64

def _bn(x, g, b, eps=1e-5):
    m = jnp.mean(x, axis=0)
    v = jnp.var(x, axis=0)
    return (x - m) / jnp.sqrt(v + eps) * g + b

def setup_inputs(seed: int = 0):
    key = jax.random.key(seed)
    ks = jax.random.split(key, 16)
    s = 1.0 / np.sqrt(D)
    inp = {}
    inp["x"] = jax.random.normal(ks[0], (N, D), dtype=jnp.float32)
    inp["edge_index"] = jax.random.randint(ks[1], (2, E), 0, N, dtype=jnp.int32)
    inp["batch"] = jnp.sort(jax.random.randint(ks[2], (N,), 0, G, dtype=jnp.int32))
    inp["W_in"] = jax.random.normal(ks[3], (D, D), dtype=jnp.float32) * s
    inp["b_in"] = jax.random.normal(ks[4], (D,), dtype=jnp.float32) * 0.05
    inp["g_in"] = jnp.ones((D,), dtype=jnp.float32)
    inp["bt_in"] = jnp.zeros((D,), dtype=jnp.float32)
    inp["We"] = jax.random.normal(ks[5], (L, D, 1), dtype=jnp.float32)
    inp["be"] = jax.random.normal(ks[6], (L, D), dtype=jnp.float32) * 0.05
    inp["ge"] = jnp.ones((L, D), dtype=jnp.float32)
    inp["bte"] = jax.random.normal(ks[7], (L, D), dtype=jnp.float32) * 0.05
    inp["Wc"] = jax.random.normal(ks[8], (L, D, D), dtype=jnp.float32) * s
    inp["gn"] = jnp.ones((L, D), dtype=jnp.float32)
    inp["btn"] = jnp.zeros((L, D), dtype=jnp.float32)
    inp["W1"] = jax.random.normal(ks[9], (D, D), dtype=jnp.float32) * s
    inp["b1"] = jax.random.normal(ks[10], (D,), dtype=jnp.float32) * 0.05
    inp["g1"] = jnp.ones((D,), dtype=jnp.float32)
    inp["bt1"] = jnp.zeros((D,), dtype=jnp.float32)
    inp["W2"] = jax.random.normal(ks[11], (D, D), dtype=jnp.float32) * s
    inp["b2"] = jax.random.normal(ks[12], (D,), dtype=jnp.float32) * 0.05
    return inp

def reference(x, edge_index, batch, W_in, b_in, g_in, bt_in, We, be, ge, bte, Wc, gn, btn, W1, b1, g1, bt1, W2, b2):
    src = edge_index[0]
    dst = edge_index[1]
    # input encoder: MLP(nfeat_node, nhid, nlayer=1) = Linear -> BN -> ReLU
    h = jax.nn.relu(_bn(x @ W_in.T + b_in, g_in, bt_in))
    prev = h
    # ori_edge_attr = zeros([E]) -> .float().view(-1, 1)
    ez = jnp.zeros((E, 1), dtype=jnp.float32)
    for i in range(L):
        # edge encoder: MLP(1, nhid, nlayer=1)
        ea = jax.nn.relu(_bn(ez @ We[i].T + be[i], ge[i], bte[i]))
        # GINEConv-style: sum_j relu(x_j + e_ij), then (x + agg) @ W (bias=False since bn)
        msg = jax.nn.relu(h[src] + ea)
        agg = jax.ops.segment_sum(msg, dst, num_segments=N)
        h = (h + agg) @ Wc[i].T
        h = jax.nn.relu(_bn(h, gn[i], btn[i]))
        # dropout p=0 is a no-op; residual
        h = h + prev
        prev = h
    # pooling='add'
    pooled = jax.ops.segment_sum(h, batch, num_segments=G)
    # output encoder: MLP(nhid, nout, nlayer=2, final act off, with norm)
    o = jax.nn.relu(_bn(pooled @ W1.T + b1, g1, bt1))
    return o @ W2.T + b2

if __name__ == "__main__":
    import jax
    _d = setup_inputs()
    print(jax.jit(kernel)(*tuple(_d.values())))

</pallas_src>

<mosaic_0001>
#map = affine_map<(d0, d1) -> (0, 0)>
#map1 = affine_map<(d0, d1) -> (0, 0, 0)>
module attributes {stable_mosaic.version = 14 : i64} {
  func.func @_sc_agg(%arg0: i32, %arg1: i32, %arg2: memref<10000x128xf32, #tpu.memory_space<hbm>>, %arg3: memref<2560x128xi32, #tpu.memory_space<hbm>>, %arg4: memref<2560x128xi32, #tpu.memory_space<hbm>>, %arg5: memref<10112x128xf32, #tpu.memory_space<hbm>>, %arg6: memref<2x10112x128xf32, #tpu.memory_space<hbm>>, %arg7: memref<2x8x128xi32, #tpu.memory_space<vmem>>, %arg8: memref<2x8x128xi32, #tpu.memory_space<vmem>>, %arg9: memref<2x128x128xf32, #tpu.memory_space<vmem>>, %arg10: memref<10112x128xf32, #tpu.memory_space<vmem_shared>>, %arg11: memref<!tpu.dma_semaphore, #tpu.memory_space<semaphore_mem>>, %arg12: memref<!tpu.dma_semaphore, #tpu.memory_space<semaphore_mem>>, %arg13: memref<!tpu.dma_semaphore, #tpu.memory_space<semaphore_mem>>, %arg14: memref<!tpu.dma_semaphore, #tpu.memory_space<semaphore_mem>>) attributes {dimension_semantics = [#tpu.dimension_semantics<core_parallel>, #tpu.dimension_semantics<subcore_parallel>], iteration_bounds = array<i64: 2, 16>, scalar_prefetch = 0 : i64, scratch_operands = 8 : i64, tpu.core_type = #tpu.core_type<sc_vector_subcore>, window_params = [{transform_indices = #map}, {transform_indices = #map}, {transform_indices = #map}, {transform_indices = #map}, {transform_indices = #map1}]} {
    %mul3A = arith.constant 16 : i32
    %mul3A_0 = arith.muli %arg0, %mul3A : i32
    %add3A = arith.addi %mul3A_0, %arg1 : i32
    %mul3A_1 = arith.constant 80 : i32
    %mul3A_2 = arith.muli %add3A, %mul3A_1 : i32
    %run_scoped3A = arith.constant 0 : i32
    "tpu.region"() ({
      %run_scoped3A_25 = tpu.sem_alloc : memref<!tpu.dma_semaphore, #tpu.memory_space<semaphore_mem>>
      %dma_start3A_26 = arith.constant 0 : i32
      %dma_start3A_27 = arith.constant 0 : i32
      %dma_start3A_28 = tpu.memref_slice %arg7[%run_scoped3A, %dma_start3A_26, %dma_start3A_27] : memref<2x8x128xi32, #tpu.memory_space<vmem>> -> memref<1x8x128xi32, #tpu.memory_space<vmem>>
      %dma_start3A_29 = tpu.memref_squeeze %dma_start3A_28 : memref<1x8x128xi32, #tpu.memory_space<vmem>> -> memref<8x128xi32, #tpu.memory_space<vmem>>
      %dma_start3A_30 = arith.constant 0 : i32
      %dma_start3A_31 = tpu.memref_slice %arg3[%mul3A_2, %dma_start3A_30] : memref<2560x128xi32, #tpu.memory_space<hbm>> -> memref<8x128xi32, #tpu.memory_space<hbm>>
      %dma_start3A_32 = arith.constant 0 : i32
      %dma_start3A_33 = arith.constant 0 : i32
      %dma_start3A_34 = tpu.memref_slice %arg7[%run_scoped3A, %dma_start3A_32, %dma_start3A_33] : memref<2x8x128xi32, #tpu.memory_space<vmem>> -> memref<1x8x128xi32, #tpu.memory_space<vmem>>
      %dma_start3A_35 = tpu.memref_squeeze %dma_start3A_34 : memref<1x8x128xi32, #tpu.memory_space<vmem>> -> memref<8x128xi32, #tpu.memory_space<vmem>>
      %dma_start3A_36 = arith.constant 0 : i32
      %dma_start3A_37 = tpu.memref_slice %arg3[%mul3A_2, %dma_start3A_36] : memref<2560x128xi32, #tpu.memory_space<hbm>> -> memref<8x128xi32, #tpu.memory_space<hbm>>
      tpu.enqueue_dma source(%dma_start3A_37 : memref<8x128xi32, #tpu.memory_space<hbm>>) target(%dma_start3A_35 : memref<8x128xi32, #tpu.memory_space<vmem>>) target_semaphore(%run_scoped3A_25 : memref<!tpu.dma_semaphore, #tpu.memory_space<semaphore_mem>>)
      %dma_wait3A = arith.constant 0 : i32
      %dma_wait3A_38 = arith.constant 0 : i32
      %dma_wait3A_39 = tpu.memref_slice %arg7[%run_scoped3A, %dma_wait3A, %dma_wait3A_38] : memref<2x8x128xi32, #tpu.memory_space<vmem>> -> memref<1x8x128xi32, #tpu.memory_space<vmem>>
      %dma_wait3A_40 = tpu.memref_squeeze %dma_wait3A_39 : memref<1x8x128xi32, #tpu.memory_space<vmem>> -> memref<8x128xi32, #tpu.memory_space<vmem>>
      %dma_wait3A_41 = arith.constant 0 : i32
      %dma_wait3A_42 = tpu.memref_slice %arg3[%mul3A_2, %dma_wait3A_41] : memref<2560x128xi32, #tpu.memory_space<hbm>> -> memref<8x128xi32, #tpu.memory_space<hbm>>
      %dma_wait3A_43 = arith.constant 0 : i32
      %dma_wait3A_44 = arith.constant 0 : i32
      %dma_wait3A_45 = tpu.memref_slice %arg7[%run_scoped3A, %dma_wait3A_43, %dma_wait3A_44] : memref<2x8x128xi32, #tpu.memory_space<vmem>> -> memref<1x8x128xi32, #tpu.memory_space<vmem>>
      %dma_wait3A_46 = tpu.memref_squeeze %dma_wait3A_45 : memref<1x8x128xi32, #tpu.memory_space<vmem>> -> memref<8x128xi32, #tpu.memory_space<vmem>>
      %dma_wait3A_47 = arith.constant 0 : i32
      %dma_wait3A_48 = tpu.memref_slice %arg3[%mul3A_2, %dma_wait3A_47] : memref<2560x128xi32, #tpu.memory_space<hbm>> -> memref<8x128xi32, #tpu.memory_space<hbm>>
      tpu.wait_dma2 semaphore(%run_scoped3A_25 : memref<!tpu.dma_semaphore, #tpu.memory_space<semaphore_mem>>) src(%dma_wait3A_48 : memref<8x128xi32, #tpu.memory_space<hbm>>) dst(%dma_wait3A_46 : memref<8x128xi32, #tpu.memory_space<vmem>>)
      tpu.yield
    }) : () -> ()
    %run_scoped3A_3 = arith.constant 0 : i32
    "tpu.region"() ({
      %run_scoped3A_25 = tpu.sem_alloc : memref<!tpu.dma_semaphore, #tpu.memory_space<semaphore_mem>>
      %dma_start3A_26 = arith.constant 0 : i32
      %dma_start3A_27 = arith.constant 0 : i32
      %dma_start3A_28 = tpu.memref_slice %arg8[%run_scoped3A_3, %dma_start3A_26, %dma_start3A_27] : memref<2x8x128xi32, #tpu.memory_space<vmem>> -> memref<1x8x128xi32, #tpu.memory_space<vmem>>
      %dma_start3A_29 = tpu.memref_squeeze %dma_start3A_28 : memref<1x8x128xi32, #tpu.memory_space<vmem>> -> memref<8x128xi32, #tpu.memory_space<vmem>>
      %dma_start3A_30 = arith.constant 0 : i32
      %dma_start3A_31 = tpu.memref_slice %arg4[%mul3A_2, %dma_start3A_30] : memref<2560x128xi32, #tpu.memory_space<hbm>> -> memref<8x128xi32, #tpu.memory_space<hbm>>
      %dma_start3A_32 = arith.constant 0 : i32
      %dma_start3A_33 = arith.constant 0 : i32
      %dma_start3A_34 = tpu.memref_slice %arg8[%run_scoped3A_3, %dma_start3A_32, %dma_start3A_33] : memref<2x8x128xi32, #tpu.memory_space<vmem>> -> memref<1x8x128xi32, #tpu.memory_space<vmem>>
      %dma_start3A_35 = tpu.memref_squeeze %dma_start3A_34 : memref<1x8x128xi32, #tpu.memory_space<vmem>> -> memref<8x128xi32, #tpu.memory_space<vmem>>
      %dma_start3A_36 = arith.constant 0 : i32
      %dma_start3A_37 = tpu.memref_slice %arg4[%mul3A_2, %dma_start3A_36] : memref<2560x128xi32, #tpu.memory_space<hbm>> -> memref<8x128xi32, #tpu.memory_space<hbm>>
      tpu.enqueue_dma source(%dma_start3A_37 : memref<8x128xi32, #tpu.memory_space<hbm>>) target(%dma_start3A_35 : memref<8x128xi32, #tpu.memory_space<vmem>>) target_semaphore(%run_scoped3A_25 : memref<!tpu.dma_semaphore, #tpu.memory_space<semaphore_mem>>)
      %dma_wait3A = arith.constant 0 : i32
      %dma_wait3A_38 = arith.constant 0 : i32
      %dma_wait3A_39 = tpu.memref_slice %arg8[%run_scoped3A_3, %dma_wait3A, %dma_wait3A_38] : memref<2x8x128xi32, #tpu.memory_space<vmem>> -> memref<1x8x128xi32, #tpu.memory_space<vmem>>
      %dma_wait3A_40 = tpu.memref_squeeze %dma_wait3A_39 : memref<1x8x128xi32, #tpu.memory_space<vmem>> -> memref<8x128xi32, #tpu.memory_space<vmem>>
      %dma_wait3A_41 = arith.constant 0 : i32
      %dma_wait3A_42 = tpu.memref_slice %arg4[%mul3A_2, %dma_wait3A_41] : memref<2560x128xi32, #tpu.memory_space<hbm>> -> memref<8x128xi32, #tpu.memory_space<hbm>>
      %dma_wait3A_43 = arith.constant 0 : i32
      %dma_wait3A_44 = arith.constant 0 : i32
      %dma_wait3A_45 = tpu.memref_slice %arg8[%run_scoped3A_3, %dma_wait3A_43, %dma_wait3A_44] : memref<2x8x128xi32, #tpu.memory_space<vmem>> -> memref<1x8x128xi32, #tpu.memory_space<vmem>>
      %dma_wait3A_46 = tpu.memref_squeeze %dma_wait3A_45 : memref<1x8x128xi32, #tpu.memory_space<vmem>> -> memref<8x128xi32, #tpu.memory_space<vmem>>
      %dma_wait3A_47 = arith.constant 0 : i32
      %dma_wait3A_48 = tpu.memref_slice %arg4[%mul3A_2, %dma_wait3A_47] : memref<2560x128xi32, #tpu.memory_space<hbm>> -> memref<8x128xi32, #tpu.memory_space<hbm>>
      tpu.wait_dma2 semaphore(%run_scoped3A_25 : memref<!tpu.dma_semaphore, #tpu.memory_space<semaphore_mem>>) src(%dma_wait3A_48 : memref<8x128xi32, #tpu.memory_space<hbm>>) dst(%dma_wait3A_46 : memref<8x128xi32, #tpu.memory_space<vmem>>)
      tpu.yield
    }) : () -> ()
    %mul3A_4 = arith.constant 632 : i32
    %mul3A_5 = arith.muli %arg1, %mul3A_4 : i32
    "tpu.region"() ({
      %run_scoped3A_25 = tpu.sem_alloc : memref<!tpu.dma_semaphore, #tpu.memory_space<semaphore_mem>>
      %dma_start3A_26 = arith.constant 0 : i32
      %dma_start3A_27 = tpu.memref_slice %arg10[%mul3A_5, %dma_start3A_26] : memref<10112x128xf32, #tpu.memory_space<vmem_shared>> -> memref<632x128xf32, #tpu.memory_space<vmem_shared>>
      %dma_start3A_28 = arith.constant 0 : i32
      %dma_start3A_29 = tpu.memref_slice %arg5[%mul3A_5, %dma_start3A_28] : memref<10112x128xf32, #tpu.memory_space<hbm>> -> memref<632x128xf32, #tpu.memory_space<hbm>>
      tpu.enqueue_dma source(%dma_start3A_29 : memref<632x128xf32, #tpu.memory_space<hbm>>) target(%dma_start3A_27 : memref<632x128xf32, #tpu.memory_space<vmem_shared>>) target_semaphore(%run_scoped3A_25 : memref<!tpu.dma_semaphore, #tpu.memory_space<semaphore_mem>>)
      %dma_wait3A = arith.constant 0 : i32
      %dma_wait3A_30 = tpu.memref_slice %arg10[%mul3A_5, %dma_wait3A] : memref<10112x128xf32, #tpu.memory_space<vmem_shared>> -> memref<632x128xf32, #tpu.memory_space<vmem_shared>>
      %dma_wait3A_31 = arith.constant 0 : i32
      %dma_wait3A_32 = tpu.memref_slice %arg5[%mul3A_5, %dma_wait3A_31] : memref<10112x128xf32, #tpu.memory_space<hbm>> -> memref<632x128xf32, #tpu.memory_space<hbm>>
      tpu.wait_dma2 semaphore(%run_scoped3A_25 : memref<!tpu.dma_semaphore, #tpu.memory_space<semaphore_mem>>) src(%dma_wait3A_32 : memref<632x128xf32, #tpu.memory_space<hbm>>) dst(%dma_wait3A_30 : memref<632x128xf32, #tpu.memory_space<vmem_shared>>)
      tpu.yield
    }) : () -> ()
    %barrier3A = arith.constant 0 : index
    tpu.barrier barrier_id(%barrier3A)
    %dma_start3A = arith.constant 0 : i32
    %dma_start3A_6 = arith.constant 0 : i32
    %dma_start3A_7 = arith.constant 0 : i32
    %dma_start3A_8 = arith.constant 0 : i32
    %dma_start3A_9 = arith.constant 0 : i32
    %dma_start3A_10 = tpu.memref_slice %arg9[%dma_start3A_7, %dma_start3A_8, %dma_start3A_9] : memref<2x128x128xf32, #tpu.memory_space<vmem>> -> memref<1x128x128xf32, #tpu.memory_space<vmem>>
    %dma_start3A_11 = tpu.memref_squeeze %dma_start3A_10 : memref<1x128x128xf32, #tpu.memory_space<vmem>> -> memref<128x128xf32, #tpu.memory_space<vmem>>
    %dma_start3A_12 = arith.constant 0 : i32
    %dma_start3A_13 = tpu.memref_slice %arg7[%dma_start3A, %dma_start3A_6, %dma_start3A_12] : memref<2x8x128xi32, #tpu.memory_space<vmem>> -> memref<1x1x128xi32, #tpu.memory_space<vmem>>
    %dma_start3A_14 = tpu.memref_squeeze %dma_start3A_13 : memref<1x1x128xi32, #tpu.memory_space<vmem>> -> memref<128xi32, #tpu.memory_space<vmem>>
    %dma_start3A_15 = arith.constant 0 : i32
    %dma_start3A_16 = arith.constant 0 : i32
    %dma_start3A_17 = tpu.memref_slice %arg2[%dma_start3A_15, %dma_start3A_16] : memref<10000x128xf32, #tpu.memory_space<hbm>> -> memref<10000x128xf32, #tpu.memory_space<hbm>>
    tpu.enqueue_indirect_dma source(%dma_start3A_17 : memref<10000x128xf32, #tpu.memory_space<hbm>>) target(%dma_start3A_11 : memref<128x128xf32, #tpu.memory_space<vmem>>) offsets(%dma_start3A_14 : memref<128xi32, #tpu.memory_space<vmem>>) semaphore(%arg13 : memref<!tpu.dma_semaphore, #tpu.memory_space<semaphore_mem>>)
    %scan3A = arith.constant 0 : i32
    %scan3A_18 = arith.constant 0 : i32
    %scan3A_19 = arith.constant 10 : i32
    %scan3A_20 = arith.addi %scan3A_18, %scan3A_19 : i32
    %scan3A_21 = arith.constant 1 : i32
    %scan3A_22 = scf.for %scan3A_25 = %scan3A_18 to %scan3A_20 step %scan3A_21 iter_args(%scan3A_26 = %scan3A) -> (i32)  : i32 {
      %jit3A = arith.constant 2 : i32
      %eq3A = arith.constant 0 : i32
      %eq3A_27 = arith.cmpi eq, %jit3A, %eq3A : i32
      %jit3A_28 = arith.constant 1 : i32
      %select_n3A = arith.select %eq3A_27, %jit3A_28, %jit3A : i32
      %rem3A = arith.remsi %scan3A_25, %select_n3A : i32
      %ne3A = arith.constant 0 : i32
      %ne3A_29 = arith.cmpi ne, %rem3A, %ne3A : i32
      %lt3A = arith.constant 0 : i32
      %lt3A_30 = arith.cmpi slt, %rem3A, %lt3A : i32
      %lt3A_31 = arith.constant 0 : i32
      %lt3A_32 = arith.cmpi slt, %select_n3A, %lt3A_31 : i32
      %ne3A_33 = arith.xori %lt3A_30, %lt3A_32 : i1
      %and3A = arith.andi %ne3A_33, %ne3A_29 : i1
      %add3A_34 = arith.addi %rem3A, %select_n3A : i32
      %select_n3A_35 = arith.select %and3A, %add3A_34, %rem3A : i32
      %add3A_36 = arith.constant 1 : i32
      %add3A_37 = arith.addi %scan3A_25, %add3A_36 : i32
      %jit3A_38 = arith.constant 2 : i32
      %eq3A_39 = arith.constant 0 : i32
      %eq3A_40 = arith.cmpi eq, %jit3A_38, %eq3A_39 : i32
      %jit3A_41 = arith.constant 1 : i32
      %select_n3A_42 = arith.select %eq3A_40, %jit3A_41, %jit3A_38 : i32
      %rem3A_43 = arith.remsi %add3A_37, %select_n3A_42 : i32
      %ne3A_44 = arith.constant 0 : i32
      %ne3A_45 = arith.cmpi ne, %rem3A_43, %ne3A_44 : i32
      %lt3A_46 = arith.constant 0 : i32
      %lt3A_47 = arith.cmpi slt, %rem3A_43, %lt3A_46 : i32
      %lt3A_48 = arith.constant 0 : i32
      %lt3A_49 = arith.cmpi slt, %select_n3A_42, %lt3A_48 : i32
      %ne3A_50 = arith.xori %lt3A_47, %lt3A_49 : i1
      %and3A_51 = arith.andi %ne3A_50, %ne3A_45 : i1
      %add3A_52 = arith.addi %rem3A_43, %select_n3A_42 : i32
      %select_n3A_53 = arith.select %and3A_51, %add3A_52, %rem3A_43 : i32
      %add3A_54 = arith.constant 1 : i32
      %add3A_55 = arith.addi %scan3A_25, %add3A_54 : i32
      %mul3A_56 = arith.constant 8 : i32
      %mul3A_57 = arith.muli %add3A_55, %mul3A_56 : i32
      %add3A_58 = arith.addi %mul3A_2, %mul3A_57 : i32
      %add3A_59 = arith.constant 1 : i32
      %add3A_60 = arith.addi %scan3A_25, %add3A_59 : i32
      %lt3A_61 = arith.constant 10 : i32
      %lt3A_62 = arith.cmpi slt, %add3A_60, %lt3A_61 : i32
      %convert_element_type3A = arith.extui %lt3A_62 : i1 to i32
      %cond3A = arith.constant 0 : i32
      %cond3A_63 = arith.cmpi ne, %convert_element_type3A, %cond3A : i32
      scf.if %cond3A_63 {
        %dma_start3A_267 = arith.constant 0 : i32
        %dma_start3A_268 = arith.constant 0 : i32
        %dma_start3A_269 = tpu.memref_slice %arg7[%select_n3A_53, %dma_start3A_267, %dma_start3A_268] : memref<2x8x128xi32, #tpu.memory_space<vmem>> -> memref<1x8x128xi32, #tpu.memory_space<vmem>>
        %dma_start3A_270 = tpu.memref_squeeze %dma_start3A_269 : memref<1x8x128xi32, #tpu.memory_space<vmem>> -> memref<8x128xi32, #tpu.memory_space<vmem>>
        %dma_start3A_271 = arith.constant 0 : i32
        %dma_start3A_272 = tpu.memref_slice %arg3[%add3A_58, %dma_start3A_271] : memref<2560x128xi32, #tpu.memory_space<hbm>> -> memref<8x128xi32, #tpu.memory_space<hbm>>
        %dma_start3A_273 = arith.constant 0 : i32
        %dma_start3A_274 = arith.constant 0 : i32
        %dma_start3A_275 = tpu.memref_slice %arg7[%select_n3A_53, %dma_start3A_273, %dma_start3A_274] : memref<2x8x128xi32, #tpu.memory_space<vmem>> -> memref<1x8x128xi32, #tpu.memory_space<vmem>>
        %dma_start3A_276 = tpu.memref_squeeze %dma_start3A_275 : memref<1x8x128xi32, #tpu.memory_space<vmem>> -> memref<8x128xi32, #tpu.memory_space<vmem>>
        %dma_start3A_277 = arith.constant 0 : i32
        %dma_start3A_278 = tpu.memref_slice %arg3[%add3A_58, %dma_start3A_277] : memref<2560x128xi32, #tpu.memory_space<hbm>> -> memref<8x128xi32, #tpu.memory_space<hbm>>
        tpu.enqueue_dma source(%dma_start3A_278 : memref<8x128xi32, #tpu.memory_space<hbm>>) target(%dma_start3A_276 : memref<8x128xi32, #tpu.memory_space<vmem>>) target_semaphore(%arg11 : memref<!tpu.dma_semaphore, #tpu.memory_space<semaphore_mem>>)
        %dma_start3A_279 = arith.constant 0 : i32
        %dma_start3A_280 = arith.constant 0 : i32
        %dma_start3A_281 = tpu.memref_slice %arg8[%select_n3A_53, %dma_start3A_279, %dma_start3A_280] : memref<2x8x128xi32, #tpu.memory_space<vmem>> -> memref<1x8x128xi32, #tpu.memory_space<vmem>>
        %dma_start3A_282 = tpu.memref_squeeze %dma_start3A_281 : memref<1x8x128xi32, #tpu.memory_space<vmem>> -> memref<8x128xi32, #tpu.memory_space<vmem>>
        %dma_start3A_283 = arith.constant 0 : i32
        %dma_start3A_284 = tpu.memref_slice %arg4[%add3A_58, %dma_start3A_283] : memref<2560x128xi32, #tpu.memory_space<hbm>> -> memref<8x128xi32, #tpu.memory_space<hbm>>
        %dma_start3A_285 = arith.constant 0 : i32
        %dma_start3A_286 = arith.constant 0 : i32
        %dma_start3A_287 = tpu.memref_slice %arg8[%select_n3A_53, %dma_start3A_285, %dma_start3A_286] : memref<2x8x128xi32, #tpu.memory_space<vmem>> -> memref<1x8x128xi32, #tpu.memory_space<vmem>>
        %dma_start3A_288 = tpu.memref_squeeze %dma_start3A_287 : memref<1x8x128xi32, #tpu.memory_space<vmem>> -> memref<8x128xi32, #tpu.memory_space<vmem>>
        %dma_start3A_289 = arith.constant 0 : i32
        %dma_start3A_290 = tpu.memref_slice %arg4[%add3A_58, %dma_start3A_289] : memref<2560x128xi32, #tpu.memory_space<hbm>> -> memref<8x128xi32, #tpu.memory_space<hbm>>
        tpu.enqueue_dma source(%dma_start3A_290 : memref<8x128xi32, #tpu.memory_space<hbm>>) target(%dma_start3A_288 : memref<8x128xi32, #tpu.memory_space<vmem>>) target_semaphore(%arg12 : memref<!tpu.dma_semaphore, #tpu.memory_space<semaphore_mem>>)
      } else {
      }
      %dma_wait3A = arith.constant 0 : i32
      %dma_wait3A_64 = arith.constant 0 : i32
      %dma_wait3A_65 = arith.constant 0 : i32
      %dma_wait3A_66 = arith.constant 0 : i32
      %dma_wait3A_67 = tpu.memref_slice %arg9[%dma_wait3A_64, %dma_wait3A_65, %dma_wait3A_66] : memref<2x128x128xf32, #tpu.memory_space<vmem>> -> memref<1x128x128xf32, #tpu.memory_space<vmem>>
      %dma_wait3A_68 = tpu.memref_squeeze %dma_wait3A_67 : memref<1x128x128xf32, #tpu.memory_space<vmem>> -> memref<128x128xf32, #tpu.memory_space<vmem>>
      %dma_wait3A_69 = arith.constant 0 : i32
      %dma_wait3A_70 = tpu.memref_slice %arg7[%select_n3A_35, %dma_wait3A, %dma_wait3A_69] : memref<2x8x128xi32, #tpu.memory_space<vmem>> -> memref<1x1x128xi32, #tpu.memory_space<vmem>>
      %dma_wait3A_71 = tpu.memref_squeeze %dma_wait3A_70 : memref<1x1x128xi32, #tpu.memory_space<vmem>> -> memref<128xi32, #tpu.memory_space<vmem>>
      %dma_wait3A_72 = arith.constant 0 : i32
      %dma_wait3A_73 = arith.constant 0 : i32
      %dma_wait3A_74 = tpu.memref_slice %arg2[%dma_wait3A_72, %dma_wait3A_73] : memref<10000x128xf32, #tpu.memory_space<hbm>> -> memref<10000x128xf32, #tpu.memory_space<hbm>>
      tpu.wait_indirect_dma semaphore(%arg13 : memref<!tpu.dma_semaphore, #tpu.memory_space<semaphore_mem>>) src(%dma_wait3A_74 : memref<10000x128xf32, #tpu.memory_space<hbm>>) dst(%dma_wait3A_68 : memref<128x128xf32, #tpu.memory_space<vmem>>)
      %dma_start3A_75 = arith.constant 1 : i32
      %dma_start3A_76 = arith.constant 1 : i32
      %dma_start3A_77 = arith.constant 0 : i32
      %dma_start3A_78 = arith.constant 0 : i32
      %dma_start3A_79 = tpu.memref_slice %arg9[%dma_start3A_76, %dma_start3A_77, %dma_start3A_78] : memref<2x128x128xf32, #tpu.memory_space<vmem>> -> memref<1x128x128xf32, #tpu.memory_space<vmem>>
      %dma_start3A_80 = tpu.memref_squeeze %dma_start3A_79 : memref<1x128x128xf32, #tpu.memory_space<vmem>> -> memref<128x128xf32, #tpu.memory_space<vmem>>
      %dma_start3A_81 = arith.constant 0 : i32
      %dma_start3A_82 = tpu.memref_slice %arg7[%select_n3A_35, %dma_start3A_75, %dma_start3A_81] : memref<2x8x128xi32, #tpu.memory_space<vmem>> -> memref<1x1x128xi32, #tpu.memory_space<vmem>>
      %dma_start3A_83 = tpu.memref_squeeze %dma_start3A_82 : memref<1x1x128xi32, #tpu.memory_space<vmem>> -> memref<128xi32, #tpu.memory_space<vmem>>
      %dma_start3A_84 = arith.constant 0 : i32
      %dma_start3A_85 = arith.constant 0 : i32
      %dma_start3A_86 = tpu.memref_slice %arg2[%dma_start3A_84, %dma_start3A_85] : memref<10000x128xf32, #tpu.memory_space<hbm>> -> memref<10000x128xf32, #tpu.memory_space<hbm>>
      tpu.enqueue_indirect_dma source(%dma_start3A_86 : memref<10000x128xf32, #tpu.memory_space<hbm>>) target(%dma_start3A_80 : memref<128x128xf32, #tpu.memory_space<vmem>>) offsets(%dma_start3A_83 : memref<128xi32, #tpu.memory_space<vmem>>) semaphore(%arg14 : memref<!tpu.dma_semaphore, #tpu.memory_space<semaphore_mem>>)
      %run_scoped3A_87 = arith.constant 0 : i32
      %run_scoped3A_88 = arith.constant 0 : i32
      "tpu.region"() ({
        %run_scoped3A_267 = tpu.sem_alloc : memref<!tpu.dma_semaphore, #tpu.memory_space<semaphore_mem>>
        %dma_start3A_268 = arith.constant 0 : i32
        %dma_start3A_269 = arith.constant 0 : i32
        %dma_start3A_270 = tpu.memref_slice %arg9[%run_scoped3A_87, %dma_start3A_268, %dma_start3A_269] : memref<2x128x128xf32, #tpu.memory_space<vmem>> -> memref<1x128x128xf32, #tpu.memory_space<vmem>>
        %dma_start3A_271 = tpu.memref_squeeze %dma_start3A_270 : memref<1x128x128xf32, #tpu.memory_space<vmem>> -> memref<128x128xf32, #tpu.memory_space<vmem>>
        %dma_start3A_272 = arith.constant 0 : i32
        %dma_start3A_273 = tpu.memref_slice %arg8[%select_n3A_35, %run_scoped3A_88, %dma_start3A_272] : memref<2x8x128xi32, #tpu.memory_space<vmem>> -> memref<1x1x128xi32, #tpu.memory_space<vmem>>
        %dma_start3A_274 = tpu.memref_squeeze %dma_start3A_273 : memref<1x1x128xi32, #tpu.memory_space<vmem>> -> memref<128xi32, #tpu.memory_space<vmem>>
        %dma_start3A_275 = arith.constant 0 : i32
        %dma_start3A_276 = arith.constant 0 : i32
        %dma_start3A_277 = tpu.memref_slice %arg10[%dma_start3A_275, %dma_start3A_276] : memref<10112x128xf32, #tpu.memory_space<vmem_shared>> -> memref<10112x128xf32, #tpu.memory_space<vmem_shared>>
        tpu.enqueue_indirect_dma source(%dma_start3A_271 : memref<128x128xf32, #tpu.memory_space<vmem>>) target(%dma_start3A_277 : memref<10112x128xf32, #tpu.memory_space<vmem_shared>>) offsets(%dma_start3A_274 : memref<128xi32, #tpu.memory_space<vmem>>) semaphore(%run_scoped3A_267 : memref<!tpu.dma_semaphore, #tpu.memory_space<semaphore_mem>>) {add = true}
        %dma_wait3A_278 = arith.constant 0 : i32
        %dma_wait3A_279 = arith.constant 0 : i32
        %dma_wait3A_280 = tpu.memref_slice %arg9[%run_scoped3A_87, %dma_wait3A_278, %dma_wait3A_279] : memref<2x128x128xf32, #tpu.memory_space<vmem>> -> memref<1x128x128xf32, #tpu.memory_space<vmem>>
        %dma_wait3A_281 = tpu.memref_squeeze %dma_wait3A_280 : memref<1x128x128xf32, #tpu.memory_space<vmem>> -> memref<128x128xf32, #tpu.memory_space<vmem>>
        %dma_wait3A_282 = arith.constant 0 : i32
        %dma_wait3A_283 = tpu.memref_slice %arg8[%select_n3A_35, %run_scoped3A_88, %dma_wait3A_282] : memref<2x8x128xi32, #tpu.memory_space<vmem>> -> memref<1x1x128xi32, #tpu.memory_space<vmem>>
        %dma_wait3A_284 = tpu.memref_squeeze %dma_wait3A_283 : memref<1x1x128xi32, #tpu.memory_space<vmem>> -> memref<128xi32, #tpu.memory_space<vmem>>
        %dma_wait3A_285 = arith.constant 0 : i32
        %dma_wait3A_286 = arith.constant 0 : i32
        %dma_wait3A_287 = tpu.memref_slice %arg10[%dma_wait3A_285, %dma_wait3A_286] : memref<10112x128xf32, #tpu.memory_space<vmem_shared>> -> memref<10112x128xf32, #tpu.memory_space<vmem_shared>>
        tpu.wait_indirect_dma semaphore(%run_scoped3A_267 : memref<!tpu.dma_semaphore, #tpu.memory_space<semaphore_mem>>) src(%dma_wait3A_281 : memref<128x128xf32, #tpu.memory_space<vmem>>) dst(%dma_wait3A_287 : memref<10112x128xf32, #tpu.memory_space<vmem_shared>>)
        tpu.yield
      }) : () -> ()
      %dma_wait3A_89 = arith.constant 1 : i32
      %dma_wait3A_90 = arith.constant 1 : i32
      %dma_wait3A_91 = arith.constant 0 : i32
      %dma_wait3A_92 = arith.constant 0 : i32
      %dma_wait3A_93 = tpu.memref_slice %arg9[%dma_wait3A_90, %dma_wait3A_91, %dma_wait3A_92] : memref<2x128x128xf32, #tpu.memory_space<vmem>> -> memref<1x128x128xf32, #tpu.memory_space<vmem>>
      %dma_wait3A_94 = tpu.memref_squeeze %dma_wait3A_93 : memref<1x128x128xf32, #tpu.memory_space<vmem>> -> memref<128x128xf32, #tpu.memory_space<vmem>>
      %dma_wait3A_95 = arith.constant 0 : i32
      %dma_wait3A_96 = tpu.memref_slice %arg7[%select_n3A_35, %dma_wait3A_89, %dma_wait3A_95] : memref<2x8x128xi32, #tpu.memory_space<vmem>> -> memref<1x1x128xi32, #tpu.memory_space<vmem>>
      %dma_wait3A_97 = tpu.memref_squeeze %dma_wait3A_96 : memref<1x1x128xi32, #tpu.memory_space<vmem>> -> memref<128xi32, #tpu.memory_space<vmem>>
      %dma_wait3A_98 = arith.constant 0 : i32
      %dma_wait3A_99 = arith.constant 0 : i32
      %dma_wait3A_100 = tpu.memref_slice %arg2[%dma_wait3A_98, %dma_wait3A_99] : memref<10000x128xf32, #tpu.memory_space<hbm>> -> memref<10000x128xf32, #tpu.memory_space<hbm>>
      tpu.wait_indirect_dma semaphore(%arg14 : memref<!tpu.dma_semaphore, #tpu.memory_space<semaphore_mem>>) src(%dma_wait3A_100 : memref<10000x128xf32, #tpu.memory_space<hbm>>) dst(%dma_wait3A_94 : memref<128x128xf32, #tpu.memory_space<vmem>>)
      %dma_start3A_101 = arith.constant 2 : i32
      %dma_start3A_102 = arith.constant 0 : i32
      %dma_start3A_103 = arith.constant 0 : i32
      %dma_start3A_104 = arith.constant 0 : i32
      %dma_start3A_105 = tpu.memref_slice %arg9[%dma_start3A_102, %dma_start3A_103, %dma_start3A_104] : memref<2x128x128xf32, #tpu.memory_space<vmem>> -> memref<1x128x128xf32, #tpu.memory_space<vmem>>
      %dma_start3A_106 = tpu.memref_squeeze %dma_start3A_105 : memref<1x128x128xf32, #tpu.memory_space<vmem>> -> memref<128x128xf32, #tpu.memory_space<vmem>>
      %dma_start3A_107 = arith.constant 0 : i32
      %dma_start3A_108 = tpu.memref_slice %arg7[%select_n3A_35, %dma_start3A_101, %dma_start3A_107] : memref<2x8x128xi32, #tpu.memory_space<vmem>> -> memref<1x1x128xi32, #tpu.memory_space<vmem>>
      %dma_start3A_109 = tpu.memref_squeeze %dma_start3A_108 : memref<1x1x128xi32, #tpu.memory_space<vmem>> -> memref<128xi32, #tpu.memory_space<vmem>>
      %dma_start3A_110 = arith.constant 0 : i32
      %dma_start3A_111 = arith.constant 0 : i32
      %dma_start3A_112 = tpu.memref_slice %arg2[%dma_start3A_110, %dma_start3A_111] : memref<10000x128xf32, #tpu.memory_space<hbm>> -> memref<10000x128xf32, #tpu.memory_space<hbm>>
      tpu.enqueue_indirect_dma source(%dma_start3A_112 : memref<10000x128xf32, #tpu.memory_space<hbm>>) target(%dma_start3A_106 : memref<128x128xf32, #tpu.memory_space<vmem>>) offsets(%dma_start3A_109 : memref<128xi32, #tpu.memory_space<vmem>>) semaphore(%arg13 : memref<!tpu.dma_semaphore, #tpu.memory_space<semaphore_mem>>)
      %run_scoped3A_113 = arith.constant 1 : i32
      %run_scoped3A_114 = arith.constant 1 : i32
      "tpu.region"() ({
        %run_scoped3A_267 = tpu.sem_alloc : memref<!tpu.dma_semaphore, #tpu.memory_space<semaphore_mem>>
        %dma_start3A_268 = arith.constant 0 : i32
        %dma_start3A_269 = arith.constant 0 : i32
        %dma_start3A_270 = tpu.memref_slice %arg9[%run_scoped3A_113, %dma_start3A_268, %dma_start3A_269] : memref<2x128x128xf32, #tpu.memory_space<vmem>> -> memref<1x128x128xf32, #tpu.memory_space<vmem>>
        %dma_start3A_271 = tpu.memref_squeeze %dma_start3A_270 : memref<1x128x128xf32, #tpu.memory_space<vmem>> -> memref<128x128xf32, #tpu.memory_space<vmem>>
        %dma_start3A_272 = arith.constant 0 : i32
        %dma_start3A_273 = tpu.memref_slice %arg8[%select_n3A_35, %run_scoped3A_114, %dma_start3A_272] : memref<2x8x128xi32, #tpu.memory_space<vmem>> -> memref<1x1x128xi32, #tpu.memory_space<vmem>>
        %dma_start3A_274 = tpu.memref_squeeze %dma_start3A_273 : memref<1x1x128xi32, #tpu.memory_space<vmem>> -> memref<128xi32, #tpu.memory_space<vmem>>
        %dma_start3A_275 = arith.constant 0 : i32
        %dma_start3A_276 = arith.constant 0 : i32
        %dma_start3A_277 = tpu.memref_slice %arg10[%dma_start3A_275, %dma_start3A_276] : memref<10112x128xf32, #tpu.memory_space<vmem_shared>> -> memref<10112x128xf32, #tpu.memory_space<vmem_shared>>
        tpu.enqueue_indirect_dma source(%dma_start3A_271 : memref<128x128xf32, #tpu.memory_space<vmem>>) target(%dma_start3A_277 : memref<10112x128xf32, #tpu.memory_space<vmem_shared>>) offsets(%dma_start3A_274 : memref<128xi32, #tpu.memory_space<vmem>>) semaphore(%run_scoped3A_267 : memref<!tpu.dma_semaphore, #tpu.memory_space<semaphore_mem>>) {add = true}
        %dma_wait3A_278 = arith.constant 0 : i32
        %dma_wait3A_279 = arith.constant 0 : i32
        %dma_wait3A_280 = tpu.memref_slice %arg9[%run_scoped3A_113, %dma_wait3A_278, %dma_wait3A_279] : memref<2x128x128xf32, #tpu.memory_space<vmem>> -> memref<1x128x128xf32, #tpu.memory_space<vmem>>
        %dma_wait3A_281 = tpu.memref_squeeze %dma_wait3A_280 : memref<1x128x128xf32, #tpu.memory_space<vmem>> -> memref<128x128xf32, #tpu.memory_space<vmem>>
        %dma_wait3A_282 = arith.constant 0 : i32
        %dma_wait3A_283 = tpu.memref_slice %arg8[%select_n3A_35, %run_scoped3A_114, %dma_wait3A_282] : memref<2x8x128xi32, #tpu.memory_space<vmem>> -> memref<1x1x128xi32, #tpu.memory_space<vmem>>
        %dma_wait3A_284 = tpu.memref_squeeze %dma_wait3A_283 : memref<1x1x128xi32, #tpu.memory_space<vmem>> -> memref<128xi32, #tpu.memory_space<vmem>>
        %dma_wait3A_285 = arith.constant 0 : i32
        %dma_wait3A_286 = arith.constant 0 : i32
        %dma_wait3A_287 = tpu.memref_slice %arg10[%dma_wait3A_285, %dma_wait3A_286] : memref<10112x128xf32, #tpu.memory_space<vmem_shared>> -> memref<10112x128xf32, #tpu.memory_space<vmem_shared>>
        tpu.wait_indirect_dma semaphore(%run_scoped3A_267 : memref<!tpu.dma_semaphore, #tpu.memory_space<semaphore_mem>>) src(%dma_wait3A_281 : memref<128x128xf32, #tpu.memory_space<vmem>>) dst(%dma_wait3A_287 : memref<10112x128xf32, #tpu.memory_space<vmem_shared>>)
        tpu.yield
      }) : () -> ()
      %dma_wait3A_115 = arith.constant 2 : i32
      %dma_wait3A_116 = arith.constant 0 : i32
      %dma_wait3A_117 = arith.constant 0 : i32
      %dma_wait3A_118 = arith.constant 0 : i32
      %dma_wait3A_119 = tpu.memref_slice %arg9[%dma_wait3A_116, %dma_wait3A_117, %dma_wait3A_118] : memref<2x128x128xf32, #tpu.memory_space<vmem>> -> memref<1x128x128xf32, #tpu.memory_space<vmem>>
      %dma_wait3A_120 = tpu.memref_squeeze %dma_wait3A_119 : memref<1x128x128xf32, #tpu.memory_space<vmem>> -> memref<128x128xf32, #tpu.memory_space<vmem>>
      %dma_wait3A_121 = arith.constant 0 : i32
      %dma_wait3A_122 = tpu.memref_slice %arg7[%select_n3A_35, %dma_wait3A_115, %dma_wait3A_121] : memref<2x8x128xi32, #tpu.memory_space<vmem>> -> memref<1x1x128xi32, #tpu.memory_space<vmem>>
      %dma_wait3A_123 = tpu.memref_squeeze %dma_wait3A_122 : memref<1x1x128xi32, #tpu.memory_space<vmem>> -> memref<128xi32, #tpu.memory_space<vmem>>
      %dma_wait3A_124 = arith.constant 0 : i32
      %dma_wait3A_125 = arith.constant 0 : i32
      %dma_wait3A_126 = tpu.memref_slice %arg2[%dma_wait3A_124, %dma_wait3A_125] : memref<10000x128xf32, #tpu.memory_space<hbm>> -> memref<10000x128xf32, #tpu.memory_space<hbm>>
      tpu.wait_indirect_dma semaphore(%arg13 : memref<!tpu.dma_semaphore, #tpu.memory_space<semaphore_mem>>) src(%dma_wait3A_126 : memref<10000x128xf32, #tpu.memory_space<hbm>>) dst(%dma_wait3A_120 : memref<128x128xf32, #tpu.memory_space<vmem>>)
      %dma_start3A_127 = arith.constant 3 : i32
      %dma_start3A_128 = arith.constant 1 : i32
      %dma_start3A_129 = arith.constant 0 : i32
      %dma_start3A_130 = arith.constant 0 : i32
      %dma_start3A_131 = tpu.memref_slice %arg9[%dma_start3A_128, %dma_start3A_129, %dma_start3A_130] : memref<2x128x128xf32, #tpu.memory_space<vmem>> -> memref<1x128x128xf32, #tpu.memory_space<vmem>>
      %dma_start3A_132 = tpu.memref_squeeze %dma_start3A_131 : memref<1x128x128xf32, #tpu.memory_space<vmem>> -> memref<128x128xf32, #tpu.memory_space<vmem>>
      %dma_start3A_133 = arith.constant 0 : i32
      %dma_start3A_134 = tpu.memref_slice %arg7[%select_n3A_35, %dma_start3A_127, %dma_start3A_133] : memref<2x8x128xi32, #tpu.memory_space<vmem>> -> memref<1x1x128xi32, #tpu.memory_space<vmem>>
      %dma_start3A_135 = tpu.memref_squeeze %dma_start3A_134 : memref<1x1x128xi32, #tpu.memory_space<vmem>> -> memref<128xi32, #tpu.memory_space<vmem>>
      %dma_start3A_136 = arith.constant 0 : i32
      %dma_start3A_137 = arith.constant 0 : i32
      %dma_start3A_138 = tpu.memref_slice %arg2[%dma_start3A_136, %dma_start3A_137] : memref<10000x128xf32, #tpu.memory_space<hbm>> -> memref<10000x128xf32, #tpu.memory_space<hbm>>
      tpu.enqueue_indirect_dma source(%dma_start3A_138 : memref<10000x128xf32, #tpu.memory_space<hbm>>) target(%dma_start3A_132 : memref<128x128xf32, #tpu.memory_space<vmem>>) offsets(%dma_start3A_135 : memref<128xi32, #tpu.memory_space<vmem>>) semaphore(%arg14 : memref<!tpu.dma_semaphore, #tpu.memory_space<semaphore_mem>>)
      %run_scoped3A_139 = arith.constant 0 : i32
      %run_scoped3A_140 = arith.constant 2 : i32
      "tpu.region"() ({
        %run_scoped3A_267 = tpu.sem_alloc : memref<!tpu.dma_semaphore, #tpu.memory_space<semaphore_mem>>
        %dma_start3A_268 = arith.constant 0 : i32
        %dma_start3A_269 = arith.constant 0 : i32
        %dma_start3A_270 = tpu.memref_slice %arg9[%run_scoped3A_139, %dma_start3A_268, %dma_start3A_269] : memref<2x128x128xf32, #tpu.memory_space<vmem>> -> memref<1x128x128xf32, #tpu.memory_space<vmem>>
        %dma_start3A_271 = tpu.memref_squeeze %dma_start3A_270 : memref<1x128x128xf32, #tpu.memory_space<vmem>> -> memref<128x128xf32, #tpu.memory_space<vmem>>
        %dma_start3A_272 = arith.constant 0 : i32
        %dma_start3A_273 = tpu.memref_slice %arg8[%select_n3A_35, %run_scoped3A_140, %dma_start3A_272] : memref<2x8x128xi32, #tpu.memory_space<vmem>> -> memref<1x1x128xi32, #tpu.memory_space<vmem>>
        %dma_start3A_274 = tpu.memref_squeeze %dma_start3A_273 : memref<1x1x128xi32, #tpu.memory_space<vmem>> -> memref<128xi32, #tpu.memory_space<vmem>>
        %dma_start3A_275 = arith.constant 0 : i32
        %dma_start3A_276 = arith.constant 0 : i32
        %dma_start3A_277 = tpu.memref_slice %arg10[%dma_start3A_275, %dma_start3A_276] : memref<10112x128xf32, #tpu.memory_space<vmem_shared>> -> memref<10112x128xf32, #tpu.memory_space<vmem_shared>>
        tpu.enqueue_indirect_dma source(%dma_start3A_271 : memref<128x128xf32, #tpu.memory_space<vmem>>) target(%dma_start3A_277 : memref<10112x128xf32, #tpu.memory_space<vmem_shared>>) offsets(%dma_start3A_274 : memref<128xi32, #tpu.memory_space<vmem>>) semaphore(%run_scoped3A_267 : memref<!tpu.dma_semaphore, #tpu.memory_space<semaphore_mem>>) {add = true}
        %dma_wait3A_278 = arith.constant 0 : i32
        %dma_wait3A_279 = arith.constant 0 : i32
        %dma_wait3A_280 = tpu.memref_slice %arg9[%run_scoped3A_139, %dma_wait3A_278, %dma_wait3A_279] : memref<2x128x128xf32, #tpu.memory_space<vmem>> -> memref<1x128x128xf32, #tpu.memory_space<vmem>>
        %dma_wait3A_281 = tpu.memref_squeeze %dma_wait3A_280 : memref<1x128x128xf32, #tpu.memory_space<vmem>> -> memref<128x128xf32, #tpu.memory_space<vmem>>
        %dma_wait3A_282 = arith.constant 0 : i32
        %dma_wait3A_283 = tpu.memref_slice %arg8[%select_n3A_35, %run_scoped3A_140, %dma_wait3A_282] : memref<2x8x128xi32, #tpu.memory_space<vmem>> -> memref<1x1x128xi32, #tpu.memory_space<vmem>>
        %dma_wait3A_284 = tpu.memref_squeeze %dma_wait3A_283 : memref<1x1x128xi32, #tpu.memory_space<vmem>> -> memref<128xi32, #tpu.memory_space<vmem>>
        %dma_wait3A_285 = arith.constant 0 : i32
        %dma_wait3A_286 = arith.constant 0 : i32
        %dma_wait3A_287 = tpu.memref_slice %arg10[%dma_wait3A_285, %dma_wait3A_286] : memref<10112x128xf32, #tpu.memory_space<vmem_shared>> -> memref<10112x128xf32, #tpu.memory_space<vmem_shared>>
        tpu.wait_indirect_dma semaphore(%run_scoped3A_267 : memref<!tpu.dma_semaphore, #tpu.memory_space<semaphore_mem>>) src(%dma_wait3A_281 : memref<128x128xf32, #tpu.memory_space<vmem>>) dst(%dma_wait3A_287 : memref<10112x128xf32, #tpu.memory_space<vmem_shared>>)
        tpu.yield
      }) : () -> ()
      %dma_wait3A_141 = arith.constant 3 : i32
      %dma_wait3A_142 = arith.constant 1 : i32
      %dma_wait3A_143 = arith.constant 0 : i32
      %dma_wait3A_144 = arith.constant 0 : i32
      %dma_wait3A_145 = tpu.memref_slice %arg9[%dma_wait3A_142, %dma_wait3A_143, %dma_wait3A_144] : memref<2x128x128xf32, #tpu.memory_space<vmem>> -> memref<1x128x128xf32, #tpu.memory_space<vmem>>
      %dma_wait3A_146 = tpu.memref_squeeze %dma_wait3A_145 : memref<1x128x128xf32, #tpu.memory_space<vmem>> -> memref<128x128xf32, #tpu.memory_space<vmem>>
      %dma_wait3A_147 = arith.constant 0 : i32
      %dma_wait3A_148 = tpu.memref_slice %arg7[%select_n3A_35, %dma_wait3A_141, %dma_wait3A_147] : memref<2x8x128xi32, #tpu.memory_space<vmem>> -> memref<1x1x128xi32, #tpu.memory_space<vmem>>
      %dma_wait3A_149 = tpu.memref_squeeze %dma_wait3A_148 : memref<1x1x128xi32, #tpu.memory_space<vmem>> -> memref<128xi32, #tpu.memory_space<vmem>>
      %dma_wait3A_150 = arith.constant 0 : i32
      %dma_wait3A_151 = arith.constant 0 : i32
      %dma_wait3A_152 = tpu.memref_slice %arg2[%dma_wait3A_150, %dma_wait3A_151] : memref<10000x128xf32, #tpu.memory_space<hbm>> -> memref<10000x128xf32, #tpu.memory_space<hbm>>
      tpu.wait_indirect_dma semaphore(%arg14 : memref<!tpu.dma_semaphore, #tpu.memory_space<semaphore_mem>>) src(%dma_wait3A_152 : memref<10000x128xf32, #tpu.memory_space<hbm>>) dst(%dma_wait3A_146 : memref<128x128xf32, #tpu.memory_space<vmem>>)
      %dma_start3A_153 = arith.constant 4 : i32
      %dma_start3A_154 = arith.constant 0 : i32
      %dma_start3A_155 = arith.constant 0 : i32
      %dma_start3A_156 = arith.constant 0 : i32
      %dma_start3A_157 = tpu.memref_slice %arg9[%dma_start3A_154, %dma_start3A_155, %dma_start3A_156] : memref<2x128x128xf32, #tpu.memory_space<vmem>> -> memref<1x128x128xf32, #tpu.memory_space<vmem>>
      %dma_start3A_158 = tpu.memref_squeeze %dma_start3A_157 : memref<1x128x128xf32, #tpu.memory_space<vmem>> -> memref<128x128xf32, #tpu.memory_space<vmem>>
      %dma_start3A_159 = arith.constant 0 : i32
      %dma_start3A_160 = tpu.memref_slice %arg7[%select_n3A_35, %dma_start3A_153, %dma_start3A_159] : memref<2x8x128xi32, #tpu.memory_space<vmem>> -> memref<1x1x128xi32, #tpu.memory_space<vmem>>
      %dma_start3A_161 = tpu.memref_squeeze %dma_start3A_160 : memref<1x1x128xi32, #tpu.memory_space<vmem>> -> memref<128xi32, #tpu.memory_space<vmem>>
      %dma_start3A_162 = arith.constant 0 : i32
      %dma_start3A_163 = arith.constant 0 : i32
      %dma_start3A_164 = tpu.memref_slice %arg2[%dma_start3A_162, %dma_start3A_163] : memref<10000x128xf32, #tpu.memory_space<hbm>> -> memref<10000x128xf32, #tpu.memory_space<hbm>>
      tpu.enqueue_indirect_dma source(%dma_start3A_164 : memref<10000x128xf32, #tpu.memory_space<hbm>>) target(%dma_start3A_158 : memref<128x128xf32, #tpu.memory_space<vmem>>) offsets(%dma_start3A_161 : memref<128xi32, #tpu.memory_space<vmem>>) semaphore(%arg13 : memref<!tpu.dma_semaphore, #tpu.memory_space<semaphore_mem>>)
      %run_scoped3A_165 = arith.constant 1 : i32
      %run_scoped3A_166 = arith.constant 3 : i32
      "tpu.region"() ({
        %run_scoped3A_267 = tpu.sem_alloc : memref<!tpu.dma_semaphore, #tpu.memory_space<semaphore_mem>>
        %dma_start3A_268 = arith.constant 0 : i32
        %dma_start3A_269 = arith.constant 0 : i32
        %dma_start3A_270 = tpu.memref_slice %arg9[%run_scoped3A_165, %dma_start3A_268, %dma_start3A_269] : memref<2x128x128xf32, #tpu.memory_space<vmem>> -> memref<1x128x128xf32, #tpu.memory_space<vmem>>
        %dma_start3A_271 = tpu.memref_squeeze %dma_start3A_270 : memref<1x128x128xf32, #tpu.memory_space<vmem>> -> memref<128x128xf32, #tpu.memory_space<vmem>>
        %dma_start3A_272 = arith.constant 0 : i32
        %dma_start3A_273 = tpu.memref_slice %arg8[%select_n3A_35, %run_scoped3A_166, %dma_start3A_272] : memref<2x8x128xi32, #tpu.memory_space<vmem>> -> memref<1x1x128xi32, #tpu.memory_space<vmem>>
        %dma_start3A_274 = tpu.memref_squeeze %dma_start3A_273 : memref<1x1x128xi32, #tpu.memory_space<vmem>> -> memref<128xi32, #tpu.memory_space<vmem>>
        %dma_start3A_275 = arith.constant 0 : i32
        %dma_start3A_276 = arith.constant 0 : i32
        %dma_start3A_277 = tpu.memref_slice %arg10[%dma_start3A_275, %dma_start3A_276] : memref<10112x128xf32, #tpu.memory_space<vmem_shared>> -> memref<10112x128xf32, #tpu.memory_space<vmem_shared>>
        tpu.enqueue_indirect_dma source(%dma_start3A_271 : memref<128x128xf32, #tpu.memory_space<vmem>>) target(%dma_start3A_277 : memref<10112x128xf32, #tpu.memory_space<vmem_shared>>) offsets(%dma_start3A_274 : memref<128xi32, #tpu.memory_space<vmem>>) semaphore(%run_scoped3A_267 : memref<!tpu.dma_semaphore, #tpu.memory_space<semaphore_mem>>) {add = true}
        %dma_wait3A_278 = arith.constant 0 : i32
        %dma_wait3A_279 = arith.constant 0 : i32
        %dma_wait3A_280 = tpu.memref_slice %arg9[%run_scoped3A_165, %dma_wait3A_278, %dma_wait3A_279] : memref<2x128x128xf32, #tpu.memory_space<vmem>> -> memref<1x128x128xf32, #tpu.memory_space<vmem>>
        %dma_wait3A_281 = tpu.memref_squeeze %dma_wait3A_280 : memref<1x128x128xf32, #tpu.memory_space<vmem>> -> memref<128x128xf32, #tpu.memory_space<vmem>>
        %dma_wait3A_282 = arith.constant 0 : i32
        %dma_wait3A_283 = tpu.memref_slice %arg8[%select_n3A_35, %run_scoped3A_166, %dma_wait3A_282] : memref<2x8x128xi32, #tpu.memory_space<vmem>> -> memref<1x1x128xi32, #tpu.memory_space<vmem>>
        %dma_wait3A_284 = tpu.memref_squeeze %dma_wait3A_283 : memref<1x1x128xi32, #tpu.memory_space<vmem>> -> memref<128xi32, #tpu.memory_space<vmem>>
        %dma_wait3A_285 = arith.constant 0 : i32
        %dma_wait3A_286 = arith.constant 0 : i32
        %dma_wait3A_287 = tpu.memref_slice %arg10[%dma_wait3A_285, %dma_wait3A_286] : memref<10112x128xf32, #tpu.memory_space<vmem_shared>> -> memref<10112x128xf32, #tpu.memory_space<vmem_shared>>
        tpu.wait_indirect_dma semaphore(%run_scoped3A_267 : memref<!tpu.dma_semaphore, #tpu.memory_space<semaphore_mem>>) src(%dma_wait3A_281 : memref<128x128xf32, #tpu.memory_space<vmem>>) dst(%dma_wait3A_287 : memref<10112x128xf32, #tpu.memory_space<vmem_shared>>)
        tpu.yield
      }) : () -> ()
      %dma_wait3A_167 = arith.constant 4 : i32
      %dma_wait3A_168 = arith.constant 0 : i32
      %dma_wait3A_169 = arith.constant 0 : i32
      %dma_wait3A_170 = arith.constant 0 : i32
      %dma_wait3A_171 = tpu.memref_slice %arg9[%dma_wait3A_168, %dma_wait3A_169, %dma_wait3A_170] : memref<2x128x128xf32, #tpu.memory_space<vmem>> -> memref<1x128x128xf32, #tpu.memory_space<vmem>>
      %dma_wait3A_172 = tpu.memref_squeeze %dma_wait3A_171 : memref<1x128x128xf32, #tpu.memory_space<vmem>> -> memref<128x128xf32, #tpu.memory_space<vmem>>
      %dma_wait3A_173 = arith.constant 0 : i32
      %dma_wait3A_174 = tpu.memref_slice %arg7[%select_n3A_35, %dma_wait3A_167, %dma_wait3A_173] : memref<2x8x128xi32, #tpu.memory_space<vmem>> -> memref<1x1x128xi32, #tpu.memory_space<vmem>>
      %dma_wait3A_175 = tpu.memref_squeeze %dma_wait3A_174 : memref<1x1x128xi32, #tpu.memory_space<vmem>> -> memref<128xi32, #tpu.memory_space<vmem>>
      %dma_wait3A_176 = arith.constant 0 : i32
      %dma_wait3A_177 = arith.constant 0 : i32
      %dma_wait3A_178 = tpu.memref_slice %arg2[%dma_wait3A_176, %dma_wait3A_177] : memref<10000x128xf32, #tpu.memory_space<hbm>> -> memref<10000x128xf32, #tpu.memory_space<hbm>>
      tpu.wait_indirect_dma semaphore(%arg13 : memref<!tpu.dma_semaphore, #tpu.memory_space<semaphore_mem>>) src(%dma_wait3A_178 : memref<10000x128xf32, #tpu.memory_space<hbm>>) dst(%dma_wait3A_172 : memref<128x128xf32, #tpu.memory_space<vmem>>)
      %dma_start3A_179 = arith.constant 5 : i32
      %dma_start3A_180 = arith.constant 1 : i32
      %dma_start3A_181 = arith.constant 0 : i32
      %dma_start3A_182 = arith.constant 0 : i32
      %dma_start3A_183 = tpu.memref_slice %arg9[%dma_start3A_180, %dma_start3A_181, %dma_start3A_182] : memref<2x128x128xf32, #tpu.memory_space<vmem>> -> memref<1x128x128xf32, #tpu.memory_space<vmem>>
      %dma_start3A_184 = tpu.memref_squeeze %dma_start3A_183 : memref<1x128x128xf32, #tpu.memory_space<vmem>> -> memref<128x128xf32, #tpu.memory_space<vmem>>
      %dma_start3A_185 = arith.constant 0 : i32
      %dma_start3A_186 = tpu.memref_slice %arg7[%select_n3A_35, %dma_start3A_179, %dma_start3A_185] : memref<2x8x128xi32, #tpu.memory_space<vmem>> -> memref<1x1x128xi32, #tpu.memory_space<vmem>>
      %dma_start3A_187 = tpu.memref_squeeze %dma_start3A_186 : memref<1x1x128xi32, #tpu.memory_space<vmem>> -> memref<128xi32, #tpu.memory_space<vmem>>
      %dma_start3A_188 = arith.constant 0 : i32
      %dma_start3A_189 = arith.constant 0 : i32
      %dma_start3A_190 = tpu.memref_slice %arg2[%dma_start3A_188, %dma_start3A_189] : memref<10000x128xf32, #tpu.memory_space<hbm>> -> memref<10000x128xf32, #tpu.memory_space<hbm>>
      tpu.enqueue_indirect_dma source(%dma_start3A_190 : memref<10000x128xf32, #tpu.memory_space<hbm>>) target(%dma_start3A_184 : memref<128x128xf32, #tpu.memory_space<vmem>>) offsets(%dma_start3A_187 : memref<128xi32, #tpu.memory_space<vmem>>) semaphore(%arg14 : memref<!tpu.dma_semaphore, #tpu.memory_space<semaphore_mem>>)
      %run_scoped3A_191 = arith.constant 0 : i32
      %run_scoped3A_192 = arith.constant 4 : i32
      "tpu.region"() ({
        %run_scoped3A_267 = tpu.sem_alloc : memref<!tpu.dma_semaphore, #tpu.memory_space<semaphore_mem>>
        %dma_start3A_268 = arith.constant 0 : i32
        %dma_start3A_269 = arith.constant 0 : i32
        %dma_start3A_270 = tpu.memref_slice %arg9[%run_scoped3A_191, %dma_start3A_268, %dma_start3A_269] : memref<2x128x128xf32, #tpu.memory_space<vmem>> -> memref<1x128x128xf32, #tpu.memory_space<vmem>>
        %dma_start3A_271 = tpu.memref_squeeze %dma_start3A_270 : memref<1x128x128xf32, #tpu.memory_space<vmem>> -> memref<128x128xf32, #tpu.memory_space<vmem>>
        %dma_start3A_272 = arith.constant 0 : i32
        %dma_start3A_273 = tpu.memref_slice %arg8[%select_n3A_35, %run_scoped3A_192, %dma_start3A_272] : memref<2x8x128xi32, #tpu.memory_space<vmem>> -> memref<1x1x128xi32, #tpu.memory_space<vmem>>
        %dma_start3A_274 = tpu.memref_squeeze %dma_start3A_273 : memref<1x1x128xi32, #tpu.memory_space<vmem>> -> memref<128xi32, #tpu.memory_space<vmem>>
        %dma_start3A_275 = arith.constant 0 : i32
        %dma_start3A_276 = arith.constant 0 : i32
        %dma_start3A_277 = tpu.memref_slice %arg10[%dma_start3A_275, %dma_start3A_276] : memref<10112x128xf32, #tpu.memory_space<vmem_shared>> -> memref<10112x128xf32, #tpu.memory_space<vmem_shared>>
        tpu.enqueue_indirect_dma source(%dma_start3A_271 : memref<128x128xf32, #tpu.memory_space<vmem>>) target(%dma_start3A_277 : memref<10112x128xf32, #tpu.memory_space<vmem_shared>>) offsets(%dma_start3A_274 : memref<128xi32, #tpu.memory_space<vmem>>) semaphore(%run_scoped3A_267 : memref<!tpu.dma_semaphore, #tpu.memory_space<semaphore_mem>>) {add = true}
        %dma_wait3A_278 = arith.constant 0 : i32
        %dma_wait3A_279 = arith.constant 0 : i32
        %dma_wait3A_280 = tpu.memref_slice %arg9[%run_scoped3A_191, %dma_wait3A_278, %dma_wait3A_279] : memref<2x128x128xf32, #tpu.memory_space<vmem>> -> memref<1x128x128xf32, #tpu.memory_space<vmem>>
        %dma_wait3A_281 = tpu.memref_squeeze %dma_wait3A_280 : memref<1x128x128xf32, #tpu.memory_space<vmem>> -> memref<128x128xf32, #tpu.memory_space<vmem>>
        %dma_wait3A_282 = arith.constant 0 : i32
        %dma_wait3A_283 = tpu.memref_slice %arg8[%select_n3A_35, %run_scoped3A_192, %dma_wait3A_282] : memref<2x8x128xi32, #tpu.memory_space<vmem>> -> memref<1x1x128xi32, #tpu.memory_space<vmem>>
        %dma_wait3A_284 = tpu.memref_squeeze %dma_wait3A_283 : memref<1x1x128xi32, #tpu.memory_space<vmem>> -> memref<128xi32, #tpu.memory_space<vmem>>
        %dma_wait3A_285 = arith.constant 0 : i32
        %dma_wait3A_286 = arith.constant 0 : i32
        %dma_wait3A_287 = tpu.memref_slice %arg10[%dma_wait3A_285, %dma_wait3A_286] : memref<10112x128xf32, #tpu.memory_space<vmem_shared>> -> memref<10112x128xf32, #tpu.memory_space<vmem_shared>>
        tpu.wait_indirect_dma semaphore(%run_scoped3A_267 : memref<!tpu.dma_semaphore, #tpu.memory_space<semaphore_mem>>) src(%dma_wait3A_281 : memref<128x128xf32, #tpu.memory_space<vmem>>) dst(%dma_wait3A_287 : memref<10112x128xf32, #tpu.memory_space<vmem_shared>>)
        tpu.yield
      }) : () -> ()
      %dma_wait3A_193 = arith.constant 5 : i32
      %dma_wait3A_194 = arith.constant 1 : i32
      %dma_wait3A_195 = arith.constant 0 : i32
      %dma_wait3A_196 = arith.constant 0 : i32
      %dma_wait3A_197 = tpu.memref_slice %arg9[%dma_wait3A_194, %dma_wait3A_195, %dma_wait3A_196] : memref<2x128x128xf32, #tpu.memory_space<vmem>> -> memref<1x128x128xf32, #tpu.memory_space<vmem>>
      %dma_wait3A_198 = tpu.memref_squeeze %dma_wait3A_197 : memref<1x128x128xf32, #tpu.memory_space<vmem>> -> memref<128x128xf32, #tpu.memory_space<vmem>>
      %dma_wait3A_199 = arith.constant 0 : i32
      %dma_wait3A_200 = tpu.memref_slice %arg7[%select_n3A_35, %dma_wait3A_193, %dma_wait3A_199] : memref<2x8x128xi32, #tpu.memory_space<vmem>> -> memref<1x1x128xi32, #tpu.memory_space<vmem>>
      %dma_wait3A_201 = tpu.memref_squeeze %dma_wait3A_200 : memref<1x1x128xi32, #tpu.memory_space<vmem>> -> memref<128xi32, #tpu.memory_space<vmem>>
      %dma_wait3A_202 = arith.constant 0 : i32
      %dma_wait3A_203 = arith.constant 0 : i32
      %dma_wait3A_204 = tpu.memref_slice %arg2[%dma_wait3A_202, %dma_wait3A_203] : memref<10000x128xf32, #tpu.memory_space<hbm>> -> memref<10000x128xf32, #tpu.memory_space<hbm>>
      tpu.wait_indirect_dma semaphore(%arg14 : memref<!tpu.dma_semaphore, #tpu.memory_space<semaphore_mem>>) src(%dma_wait3A_204 : memref<10000x128xf32, #tpu.memory_space<hbm>>) dst(%dma_wait3A_198 : memref<128x128xf32, #tpu.memory_space<vmem>>)
      %dma_start3A_205 = arith.constant 6 : i32
      %dma_start3A_206 = arith.constant 0 : i32
      %dma_start3A_207 = arith.constant 0 : i32
      %dma_start3A_208 = arith.constant 0 : i32
      %dma_start3A_209 = tpu.memref_slice %arg9[%dma_start3A_206, %dma_start3A_207, %dma_start3A_208] : memref<2x128x128xf32, #tpu.memory_space<vmem>> -> memref<1x128x128xf32, #tpu.memory_space<vmem>>
      %dma_start3A_210 = tpu.memref_squeeze %dma_start3A_209 : memref<1x128x128xf32, #tpu.memory_space<vmem>> -> memref<128x128xf32, #tpu.memory_space<vmem>>
      %dma_start3A_211 = arith.constant 0 : i32
      %dma_start3A_212 = tpu.memref_slice %arg7[%select_n3A_35, %dma_start3A_205, %dma_start3A_211] : memref<2x8x128xi32, #tpu.memory_space<vmem>> -> memref<1x1x128xi32, #tpu.memory_space<vmem>>
      %dma_start3A_213 = tpu.memref_squeeze %dma_start3A_212 : memref<1x1x128xi32, #tpu.memory_space<vmem>> -> memref<128xi32, #tpu.memory_space<vmem>>
      %dma_start3A_214 = arith.constant 0 : i32
      %dma_start3A_215 = arith.constant 0 : i32
      %dma_start3A_216 = tpu.memref_slice %arg2[%dma_start3A_214, %dma_start3A_215] : memref<10000x128xf32, #tpu.memory_space<hbm>> -> memref<10000x128xf32, #tpu.memory_space<hbm>>
      tpu.enqueue_indirect_dma source(%dma_start3A_216 : memref<10000x128xf32, #tpu.memory_space<hbm>>) target(%dma_start3A_210 : memref<128x128xf32, #tpu.memory_space<vmem>>) offsets(%dma_start3A_213 : memref<128xi32, #tpu.memory_space<vmem>>) semaphore(%arg13 : memref<!tpu.dma_semaphore, #tpu.memory_space<semaphore_mem>>)
      %run_scoped3A_217 = arith.constant 1 : i32
      %run_scoped3A_218 = arith.constant 5 : i32
      "tpu.region"() ({
        %run_scoped3A_267 = tpu.sem_alloc : memref<!tpu.dma_semaphore, #tpu.memory_space<semaphore_mem>>
        %dma_start3A_268 = arith.constant 0 : i32
        %dma_start3A_269 = arith.constant 0 : i32
        %dma_start3A_270 = tpu.memref_slice %arg9[%run_scoped3A_217, %dma_start3A_268, %dma_start3A_269] : memref<2x128x128xf32, #tpu.memory_space<vmem>> -> memref<1x128x128xf32, #tpu.memory_space<vmem>>
        %dma_start3A_271 = tpu.memref_squeeze %dma_start3A_270 : memref<1x128x128xf32, #tpu.memory_space<vmem>> -> memref<128x128xf32, #tpu.memory_space<vmem>>
        %dma_start3A_272 = arith.constant 0 : i32
        %dma_start3A_273 = tpu.memref_slice %arg8[%select_n3A_35, %run_scoped3A_218, %dma_start3A_272] : memref<2x8x128xi32, #tpu.memory_space<vmem>> -> memref<1x1x128xi32, #tpu.memory_space<vmem>>
        %dma_start3A_274 = tpu.memref_squeeze %dma_start3A_273 : memref<1x1x128xi32, #tpu.memory_space<vmem>> -> memref<128xi32, #tpu.memory_space<vmem>>
        %dma_start3A_275 = arith.constant 0 : i32
        %dma_start3A_276 = arith.constant 0 : i32
        %dma_start3A_277 = tpu.memref_slice %arg10[%dma_start3A_275, %dma_start3A_276] : memref<10112x128xf32, #tpu.memory_space<vmem_shared>> -> memref<10112x128xf32, #tpu.memory_space<vmem_shared>>
        tpu.enqueue_indirect_dma source(%dma_start3A_271 : memref<128x128xf32, #tpu.memory_space<vmem>>) target(%dma_start3A_277 : memref<10112x128xf32, #tpu.memory_space<vmem_shared>>) offsets(%dma_start3A_274 : memref<128xi32, #tpu.memory_space<vmem>>) semaphore(%run_scoped3A_267 : memref<!tpu.dma_semaphore, #tpu.memory_space<semaphore_mem>>) {add = true}
        %dma_wait3A_278 = arith.constant 0 : i32
        %dma_wait3A_279 = arith.constant 0 : i32
        %dma_wait3A_280 = tpu.memref_slice %arg9[%run_scoped3A_217, %dma_wait3A_278, %dma_wait3A_279] : memref<2x128x128xf32, #tpu.memory_space<vmem>> -> memref<1x128x128xf32, #tpu.memory_space<vmem>>
        %dma_wait3A_281 = tpu.memref_squeeze %dma_wait3A_280 : memref<1x128x128xf32, #tpu.memory_space<vmem>> -> memref<128x128xf32, #tpu.memory_space<vmem>>
        %dma_wait3A_282 = arith.constant 0 : i32
        %dma_wait3A_283 = tpu.memref_slice %arg8[%select_n3A_35, %run_scoped3A_218, %dma_wait3A_282] : memref<2x8x128xi32, #tpu.memory_space<vmem>> -> memref<1x1x128xi32, #tpu.memory_space<vmem>>
        %dma_wait3A_284 = tpu.memref_squeeze %dma_wait3A_283 : memref<1x1x128xi32, #tpu.memory_space<vmem>> -> memref<128xi32, #tpu.memory_space<vmem>>
        %dma_wait3A_285 = arith.constant 0 : i32
        %dma_wait3A_286 = arith.constant 0 : i32
        %dma_wait3A_287 = tpu.memref_slice %arg10[%dma_wait3A_285, %dma_wait3A_286] : memref<10112x128xf32, #tpu.memory_space<vmem_shared>> -> memref<10112x128xf32, #tpu.memory_space<vmem_shared>>
        tpu.wait_indirect_dma semaphore(%run_scoped3A_267 : memref<!tpu.dma_semaphore, #tpu.memory_space<semaphore_mem>>) src(%dma_wait3A_281 : memref<128x128xf32, #tpu.memory_space<vmem>>) dst(%dma_wait3A_287 : memref<10112x128xf32, #tpu.memory_space<vmem_shared>>)
        tpu.yield
      }) : () -> ()
      %dma_wait3A_219 = arith.constant 6 : i32
      %dma_wait3A_220 = arith.constant 0 : i32
      %dma_wait3A_221 = arith.constant 0 : i32
      %dma_wait3A_222 = arith.constant 0 : i32
      %dma_wait3A_223 = tpu.memref_slice %arg9[%dma_wait3A_220, %dma_wait3A_221, %dma_wait3A_222] : memref<2x128x128xf32, #tpu.memory_space<vmem>> -> memref<1x128x128xf32, #tpu.memory_space<vmem>>
      %dma_wait3A_224 = tpu.memref_squeeze %dma_wait3A_223 : memref<1x128x128xf32, #tpu.memory_space<vmem>> -> memref<128x128xf32, #tpu.memory_space<vmem>>
      %dma_wait3A_225 = arith.constant 0 : i32
      %dma_wait3A_226 = tpu.memref_slice %arg7[%select_n3A_35, %dma_wait3A_219, %dma_wait3A_225] : memref<2x8x128xi32, #tpu.memory_space<vmem>> -> memref<1x1x128xi32, #tpu.memory_space<vmem>>
      %dma_wait3A_227 = tpu.memref_squeeze %dma_wait3A_226 : memref<1x1x128xi32, #tpu.memory_space<vmem>> -> memref<128xi32, #tpu.memory_space<vmem>>
      %dma_wait3A_228 = arith.constant 0 : i32
      %dma_wait3A_229 = arith.constant 0 : i32
      %dma_wait3A_230 = tpu.memref_slice %arg2[%dma_wait3A_228, %dma_wait3A_229] : memref<10000x128xf32, #tpu.memory_space<hbm>> -> memref<10000x128xf32, #tpu.memory_space<hbm>>
      tpu.wait_indirect_dma semaphore(%arg13 : memref<!tpu.dma_semaphore, #tpu.memory_space<semaphore_mem>>) src(%dma_wait3A_230 : memref<10000x128xf32, #tpu.memory_space<hbm>>) dst(%dma_wait3A_224 : memref<128x128xf32, #tpu.memory_space<vmem>>)
      %dma_start3A_231 = arith.constant 7 : i32
      %dma_start3A_232 = arith.constant 1 : i32
      %dma_start3A_233 = arith.constant 0 : i32
      %dma_start3A_234 = arith.constant 0 : i32
      %dma_start3A_235 = tpu.memref_slice %arg9[%dma_start3A_232, %dma_start3A_233, %dma_start3A_234] : memref<2x128x128xf32, #tpu.memory_space<vmem>> -> memref<1x128x128xf32, #tpu.memory_space<vmem>>
      %dma_start3A_236 = tpu.memref_squeeze %dma_start3A_235 : memref<1x128x128xf32, #tpu.memory_space<vmem>> -> memref<128x128xf32, #tpu.memory_space<vmem>>
      %dma_start3A_237 = arith.constant 0 : i32
      %dma_start3A_238 = tpu.memref_slice %arg7[%select_n3A_35, %dma_start3A_231, %dma_start3A_237] : memref<2x8x128xi32, #tpu.memory_space<vmem>> -> memref<1x1x128xi32, #tpu.memory_space<vmem>>
      %dma_start3A_239 = tpu.memref_squeeze %dma_start3A_238 : memref<1x1x128xi32, #tpu.memory_space<vmem>> -> memref<128xi32, #tpu.memory_space<vmem>>
      %dma_start3A_240 = arith.constant 0 : i32
      %dma_start3A_241 = arith.constant 0 : i32
      %dma_start3A_242 = tpu.memref_slice %arg2[%dma_start3A_240, %dma_start3A_241] : memref<10000x128xf32, #tpu.memory_space<hbm>> -> memref<10000x128xf32, #tpu.memory_space<hbm>>
      tpu.enqueue_indirect_dma source(%dma_start3A_242 : memref<10000x128xf32, #tpu.memory_space<hbm>>) target(%dma_start3A_236 : memref<128x128xf32, #tpu.memory_space<vmem>>) offsets(%dma_start3A_239 : memref<128xi32, #tpu.memory_space<vmem>>) semaphore(%arg14 : memref<!tpu.dma_semaphore, #tpu.memory_space<semaphore_mem>>)
      %run_scoped3A_243 = arith.constant 0 : i32
      %run_scoped3A_244 = arith.constant 6 : i32
      "tpu.region"() ({
        %run_scoped3A_267 = tpu.sem_alloc : memref<!tpu.dma_semaphore, #tpu.memory_space<semaphore_mem>>
        %dma_start3A_268 = arith.constant 0 : i32
        %dma_start3A_269 = arith.constant 0 : i32
        %dma_start3A_270 = tpu.memref_slice %arg9[%run_scoped3A_243, %dma_start3A_268, %dma_start3A_269] : memref<2x128x128xf32, #tpu.memory_space<vmem>> -> memref<1x128x128xf32, #tpu.memory_space<vmem>>
        %dma_start3A_271 = tpu.memref_squeeze %dma_start3A_270 : memref<1x128x128xf32, #tpu.memory_space<vmem>> -> memref<128x128xf32, #tpu.memory_space<vmem>>
        %dma_start3A_272 = arith.constant 0 : i32
        %dma_start3A_273 = tpu.memref_slice %arg8[%select_n3A_35, %run_scoped3A_244, %dma_start3A_272] : memref<2x8x128xi32, #tpu.memory_space<vmem>> -> memref<1x1x128xi32, #tpu.memory_space<vmem>>
        %dma_start3A_274 = tpu.memref_squeeze %dma_start3A_273 : memref<1x1x128xi32, #tpu.memory_space<vmem>> -> memref<128xi32, #tpu.memory_space<vmem>>
        %dma_start3A_275 = arith.constant 0 : i32
        %dma_start3A_276 = arith.constant 0 : i32
        %dma_start3A_277 = tpu.memref_slice %arg10[%dma_start3A_275, %dma_start3A_276] : memref<10112x128xf32, #tpu.memory_space<vmem_shared>> -> memref<10112x128xf32, #tpu.memory_space<vmem_shared>>
        tpu.enqueue_indirect_dma source(%dma_start3A_271 : memref<128x128xf32, #tpu.memory_space<vmem>>) target(%dma_start3A_277 : memref<10112x128xf32, #tpu.memory_space<vmem_shared>>) offsets(%dma_start3A_274 : memref<128xi32, #tpu.memory_space<vmem>>) semaphore(%run_scoped3A_267 : memref<!tpu.dma_semaphore, #tpu.memory_space<semaphore_mem>>) {add = true}
        %dma_wait3A_278 = arith.constant 0 : i32
        %dma_wait3A_279 = arith.constant 0 : i32
        %dma_wait3A_280 = tpu.memref_slice %arg9[%run_scoped3A_243, %dma_wait3A_278, %dma_wait3A_279] : memref<2x128x128xf32, #tpu.memory_space<vmem>> -> memref<1x128x128xf32, #tpu.memory_space<vmem>>
        %dma_wait3A_281 = tpu.memref_squeeze %dma_wait3A_280 : memref<1x128x128xf32, #tpu.memory_space<vmem>> -> memref<128x128xf32, #tpu.memory_space<vmem>>
        %dma_wait3A_282 = arith.constant 0 : i32
        %dma_wait3A_283 = tpu.memref_slice %arg8[%select_n3A_35, %run_scoped3A_244, %dma_wait3A_282] : memref<2x8x128xi32, #tpu.memory_space<vmem>> -> memref<1x1x128xi32, #tpu.memory_space<vmem>>
        %dma_wait3A_284 = tpu.memref_squeeze %dma_wait3A_283 : memref<1x1x128xi32, #tpu.memory_space<vmem>> -> memref<128xi32, #tpu.memory_space<vmem>>
        %dma_wait3A_285 = arith.constant 0 : i32
        %dma_wait3A_286 = arith.constant 0 : i32
        %dma_wait3A_287 = tpu.memref_slice %arg10[%dma_wait3A_285, %dma_wait3A_286] : memref<10112x128xf32, #tpu.memory_space<vmem_shared>> -> memref<10112x128xf32, #tpu.memory_space<vmem_shared>>
        tpu.wait_indirect_dma semaphore(%run_scoped3A_267 : memref<!tpu.dma_semaphore, #tpu.memory_space<semaphore_mem>>) src(%dma_wait3A_281 : memref<128x128xf32, #tpu.memory_space<vmem>>) dst(%dma_wait3A_287 : memref<10112x128xf32, #tpu.memory_space<vmem_shared>>)
        tpu.yield
      }) : () -> ()
      %dma_wait3A_245 = arith.constant 7 : i32
      %dma_wait3A_246 = arith.constant 1 : i32
      %dma_wait3A_247 = arith.constant 0 : i32
      %dma_wait3A_248 = arith.constant 0 : i32
      %dma_wait3A_249 = tpu.memref_slice %arg9[%dma_wait3A_246, %dma_wait3A_247, %dma_wait3A_248] : memref<2x128x128xf32, #tpu.memory_space<vmem>> -> memref<1x128x128xf32, #tpu.memory_space<vmem>>
      %dma_wait3A_250 = tpu.memref_squeeze %dma_wait3A_249 : memref<1x128x128xf32, #tpu.memory_space<vmem>> -> memref<128x128xf32, #tpu.memory_space<vmem>>
      %dma_wait3A_251 = arith.constant 0 : i32
      %dma_wait3A_252 = tpu.memref_slice %arg7[%select_n3A_35, %dma_wait3A_245, %dma_wait3A_251] : memref<2x8x128xi32, #tpu.memory_space<vmem>> -> memref<1x1x128xi32, #tpu.memory_space<vmem>>
      %dma_wait3A_253 = tpu.memref_squeeze %dma_wait3A_252 : memref<1x1x128xi32, #tpu.memory_space<vmem>> -> memref<128xi32, #tpu.memory_space<vmem>>
      %dma_wait3A_254 = arith.constant 0 : i32
      %dma_wait3A_255 = arith.constant 0 : i32
      %dma_wait3A_256 = tpu.memref_slice %arg2[%dma_wait3A_254, %dma_wait3A_255] : memref<10000x128xf32, #tpu.memory_space<hbm>> -> memref<10000x128xf32, #tpu.memory_space<hbm>>
      tpu.wait_indirect_dma semaphore(%arg14 : memref<!tpu.dma_semaphore, #tpu.memory_space<semaphore_mem>>) src(%dma_wait3A_256 : memref<10000x128xf32, #tpu.memory_space<hbm>>) dst(%dma_wait3A_250 : memref<128x128xf32, #tpu.memory_space<vmem>>)
      %add3A_257 = arith.constant 1 : i32
      %add3A_258 = arith.addi %scan3A_25, %add3A_257 : i32
      %lt3A_259 = arith.constant 10 : i32
      %lt3A_260 = arith.cmpi slt, %add3A_258, %lt3A_259 : i32
      %convert_element_type3A_261 = arith.extui %lt3A_260 : i1 to i32
      %cond3A_262 = arith.constant 0 : i32
      %cond3A_263 = arith.cmpi ne, %convert_element_type3A_261, %cond3A_262 : i32
      scf.if %cond3A_263 {
        %dma_wait3A_267 = arith.constant 0 : i32
        %dma_wait3A_268 = arith.constant 0 : i32
        %dma_wait3A_269 = tpu.memref_slice %arg7[%select_n3A_53, %dma_wait3A_267, %dma_wait3A_268] : memref<2x8x128xi32, #tpu.memory_space<vmem>> -> memref<1x8x128xi32, #tpu.memory_space<vmem>>
        %dma_wait3A_270 = tpu.memref_squeeze %dma_wait3A_269 : memref<1x8x128xi32, #tpu.memory_space<vmem>> -> memref<8x128xi32, #tpu.memory_space<vmem>>
        %dma_wait3A_271 = arith.constant 0 : i32
        %dma_wait3A_272 = tpu.memref_slice %arg3[%add3A_58, %dma_wait3A_271] : memref<2560x128xi32, #tpu.memory_space<hbm>> -> memref<8x128xi32, #tpu.memory_space<hbm>>
        %dma_wait3A_273 = arith.constant 0 : i32
        %dma_wait3A_274 = arith.constant 0 : i32
        %dma_wait3A_275 = tpu.memref_slice %arg7[%select_n3A_53, %dma_wait3A_273, %dma_wait3A_274] : memref<2x8x128xi32, #tpu.memory_space<vmem>> -> memref<1x8x128xi32, #tpu.memory_space<vmem>>
        %dma_wait3A_276 = tpu.memref_squeeze %dma_wait3A_275 : memref<1x8x128xi32, #tpu.memory_space<vmem>> -> memref<8x128xi32, #tpu.memory_space<vmem>>
        %dma_wait3A_277 = arith.constant 0 : i32
        %dma_wait3A_278 = tpu.memref_slice %arg3[%add3A_58, %dma_wait3A_277] : memref<2560x128xi32, #tpu.memory_space<hbm>> -> memref<8x128xi32, #tpu.memory_space<hbm>>
        tpu.wait_dma2 semaphore(%arg11 : memref<!tpu.dma_semaphore, #tpu.memory_space<semaphore_mem>>) src(%dma_wait3A_278 : memref<8x128xi32, #tpu.memory_space<hbm>>) dst(%dma_wait3A_276 : memref<8x128xi32, #tpu.memory_space<vmem>>)
        %dma_wait3A_279 = arith.constant 0 : i32
        %dma_wait3A_280 = arith.constant 0 : i32
        %dma_wait3A_281 = tpu.memref_slice %arg8[%select_n3A_53, %dma_wait3A_279, %dma_wait3A_280] : memref<2x8x128xi32, #tpu.memory_space<vmem>> -> memref<1x8x128xi32, #tpu.memory_space<vmem>>
        %dma_wait3A_282 = tpu.memref_squeeze %dma_wait3A_281 : memref<1x8x128xi32, #tpu.memory_space<vmem>> -> memref<8x128xi32, #tpu.memory_space<vmem>>
        %dma_wait3A_283 = arith.constant 0 : i32
        %dma_wait3A_284 = tpu.memref_slice %arg4[%add3A_58, %dma_wait3A_283] : memref<2560x128xi32, #tpu.memory_space<hbm>> -> memref<8x128xi32, #tpu.memory_space<hbm>>
        %dma_wait3A_285 = arith.constant 0 : i32
        %dma_wait3A_286 = arith.constant 0 : i32
        %dma_wait3A_287 = tpu.memref_slice %arg8[%select_n3A_53, %dma_wait3A_285, %dma_wait3A_286] : memref<2x8x128xi32, #tpu.memory_space<vmem>> -> memref<1x8x128xi32, #tpu.memory_space<vmem>>
        %dma_wait3A_288 = tpu.memref_squeeze %dma_wait3A_287 : memref<1x8x128xi32, #tpu.memory_space<vmem>> -> memref<8x128xi32, #tpu.memory_space<vmem>>
        %dma_wait3A_289 = arith.constant 0 : i32
        %dma_wait3A_290 = tpu.memref_slice %arg4[%add3A_58, %dma_wait3A_289] : memref<2560x128xi32, #tpu.memory_space<hbm>> -> memref<8x128xi32, #tpu.memory_space<hbm>>
        tpu.wait_dma2 semaphore(%arg12 : memref<!tpu.dma_semaphore, #tpu.memory_space<semaphore_mem>>) src(%dma_wait3A_290 : memref<8x128xi32, #tpu.memory_space<hbm>>) dst(%dma_wait3A_288 : memref<8x128xi32, #tpu.memory_space<vmem>>)
        %dma_start3A_291 = arith.constant 0 : i32
        %dma_start3A_292 = arith.constant 0 : i32
        %dma_start3A_293 = arith.constant 0 : i32
        %dma_start3A_294 = arith.constant 0 : i32
        %dma_start3A_295 = tpu.memref_slice %arg9[%dma_start3A_292, %dma_start3A_293, %dma_start3A_294] : memref<2x128x128xf32, #tpu.memory_space<vmem>> -> memref<1x128x128xf32, #tpu.memory_space<vmem>>
        %dma_start3A_296 = tpu.memref_squeeze %dma_start3A_295 : memref<1x128x128xf32, #tpu.memory_space<vmem>> -> memref<128x128xf32, #tpu.memory_space<vmem>>
        %dma_start3A_297 = arith.constant 0 : i32
        %dma_start3A_298 = tpu.memref_slice %arg7[%select_n3A_53, %dma_start3A_291, %dma_start3A_297] : memref<2x8x128xi32, #tpu.memory_space<vmem>> -> memref<1x1x128xi32, #tpu.memory_space<vmem>>
        %dma_start3A_299 = tpu.memref_squeeze %dma_start3A_298 : memref<1x1x128xi32, #tpu.memory_space<vmem>> -> memref<128xi32, #tpu.memory_space<vmem>>
        %dma_start3A_300 = arith.constant 0 : i32
        %dma_start3A_301 = arith.constant 0 : i32
        %dma_start3A_302 = tpu.memref_slice %arg2[%dma_start3A_300, %dma_start3A_301] : memref<10000x128xf32, #tpu.memory_space<hbm>> -> memref<10000x128xf32, #tpu.memory_space<hbm>>
        tpu.enqueue_indirect_dma source(%dma_start3A_302 : memref<10000x128xf32, #tpu.memory_space<hbm>>) target(%dma_start3A_296 : memref<128x128xf32, #tpu.memory_space<vmem>>) offsets(%dma_start3A_299 : memref<128xi32, #tpu.memory_space<vmem>>) semaphore(%arg13 : memref<!tpu.dma_semaphore, #tpu.memory_space<semaphore_mem>>)
      } else {
      }
      %run_scoped3A_264 = arith.constant 1 : i32
      %run_scoped3A_265 = arith.constant 7 : i32
      "tpu.region"() ({
        %run_scoped3A_267 = tpu.sem_alloc : memref<!tpu.dma_semaphore, #tpu.memory_space<semaphore_mem>>
        %dma_start3A_268 = arith.constant 0 : i32
        %dma_start3A_269 = arith.constant 0 : i32
        %dma_start3A_270 = tpu.memref_slice %arg9[%run_scoped3A_264, %dma_start3A_268, %dma_start3A_269] : memref<2x128x128xf32, #tpu.memory_space<vmem>> -> memref<1x128x128xf32, #tpu.memory_space<vmem>>
        %dma_start3A_271 = tpu.memref_squeeze %dma_start3A_270 : memref<1x128x128xf32, #tpu.memory_space<vmem>> -> memref<128x128xf32, #tpu.memory_space<vmem>>
        %dma_start3A_272 = arith.constant 0 : i32
        %dma_start3A_273 = tpu.memref_slice %arg8[%select_n3A_35, %run_scoped3A_265, %dma_start3A_272] : memref<2x8x128xi32, #tpu.memory_space<vmem>> -> memref<1x1x128xi32, #tpu.memory_space<vmem>>
        %dma_start3A_274 = tpu.memref_squeeze %dma_start3A_273 : memref<1x1x128xi32, #tpu.memory_space<vmem>> -> memref<128xi32, #tpu.memory_space<vmem>>
        %dma_start3A_275 = arith.constant 0 : i32
        %dma_start3A_276 = arith.constant 0 : i32
        %dma_start3A_277 = tpu.memref_slice %arg10[%dma_start3A_275, %dma_start3A_276] : memref<10112x128xf32, #tpu.memory_space<vmem_shared>> -> memref<10112x128xf32, #tpu.memory_space<vmem_shared>>
        tpu.enqueue_indirect_dma source(%dma_start3A_271 : memref<128x128xf32, #tpu.memory_space<vmem>>) target(%dma_start3A_277 : memref<10112x128xf32, #tpu.memory_space<vmem_shared>>) offsets(%dma_start3A_274 : memref<128xi32, #tpu.memory_space<vmem>>) semaphore(%run_scoped3A_267 : memref<!tpu.dma_semaphore, #tpu.memory_space<semaphore_mem>>) {add = true}
        %dma_wait3A_278 = arith.constant 0 : i32
        %dma_wait3A_279 = arith.constant 0 : i32
        %dma_wait3A_280 = tpu.memref_slice %arg9[%run_scoped3A_264, %dma_wait3A_278, %dma_wait3A_279] : memref<2x128x128xf32, #tpu.memory_space<vmem>> -> memref<1x128x128xf32, #tpu.memory_space<vmem>>
        %dma_wait3A_281 = tpu.memref_squeeze %dma_wait3A_280 : memref<1x128x128xf32, #tpu.memory_space<vmem>> -> memref<128x128xf32, #tpu.memory_space<vmem>>
        %dma_wait3A_282 = arith.constant 0 : i32
        %dma_wait3A_283 = tpu.memref_slice %arg8[%select_n3A_35, %run_scoped3A_265, %dma_wait3A_282] : memref<2x8x128xi32, #tpu.memory_space<vmem>> -> memref<1x1x128xi32, #tpu.memory_space<vmem>>
        %dma_wait3A_284 = tpu.memref_squeeze %dma_wait3A_283 : memref<1x1x128xi32, #tpu.memory_space<vmem>> -> memref<128xi32, #tpu.memory_space<vmem>>
        %dma_wait3A_285 = arith.constant 0 : i32
        %dma_wait3A_286 = arith.constant 0 : i32
        %dma_wait3A_287 = tpu.memref_slice %arg10[%dma_wait3A_285, %dma_wait3A_286] : memref<10112x128xf32, #tpu.memory_space<vmem_shared>> -> memref<10112x128xf32, #tpu.memory_space<vmem_shared>>
        tpu.wait_indirect_dma semaphore(%run_scoped3A_267 : memref<!tpu.dma_semaphore, #tpu.memory_space<semaphore_mem>>) src(%dma_wait3A_281 : memref<128x128xf32, #tpu.memory_space<vmem>>) dst(%dma_wait3A_287 : memref<10112x128xf32, #tpu.memory_space<vmem_shared>>)
        tpu.yield
      }) : () -> ()
      %scan3A_266 = arith.constant 0 : i32
      scf.yield %scan3A_266 : i32
    }
    %scan3A_23 = arith.constant 10 : i32
    %barrier3A_24 = arith.constant 0 : index
    tpu.barrier barrier_id(%barrier3A_24)
    "tpu.region"() ({
      %run_scoped3A_25 = tpu.sem_alloc : memref<!tpu.dma_semaphore, #tpu.memory_space<semaphore_mem>>
      %dma_start3A_26 = arith.constant 0 : i32
      %dma_start3A_27 = arith.constant 0 : i32
      %dma_start3A_28 = tpu.memref_slice %arg6[%arg0, %dma_start3A_26, %dma_start3A_27] : memref<2x10112x128xf32, #tpu.memory_space<hbm>> -> memref<1x10112x128xf32, #tpu.memory_space<hbm>>
      %dma_start3A_29 = tpu.memref_squeeze %dma_start3A_28 : memref<1x10112x128xf32, #tpu.memory_space<hbm>> -> memref<10112x128xf32, #tpu.memory_space<hbm>>
      %dma_start3A_30 = arith.constant 0 : i32
      %dma_start3A_31 = tpu.memref_slice %dma_start3A_29[%mul3A_5, %dma_start3A_30] : memref<10112x128xf32, #tpu.memory_space<hbm>> -> memref<632x128xf32, #tpu.memory_space<hbm>>
      %dma_start3A_32 = arith.constant 0 : i32
      %dma_start3A_33 = tpu.memref_slice %arg10[%mul3A_5, %dma_start3A_32] : memref<10112x128xf32, #tpu.memory_space<vmem_shared>> -> memref<632x128xf32, #tpu.memory_space<vmem_shared>>
      tpu.enqueue_dma source(%dma_start3A_33 : memref<632x128xf32, #tpu.memory_space<vmem_shared>>) target(%dma_start3A_31 : memref<632x128xf32, #tpu.memory_space<hbm>>) target_semaphore(%run_scoped3A_25 : memref<!tpu.dma_semaphore, #tpu.memory_space<semaphore_mem>>)
      %dma_wait3A = arith.constant 0 : i32
      %dma_wait3A_34 = arith.constant 0 : i32
      %dma_wait3A_35 = tpu.memref_slice %arg6[%arg0, %dma_wait3A, %dma_wait3A_34] : memref<2x10112x128xf32, #tpu.memory_space<hbm>> -> memref<1x10112x128xf32, #tpu.memory_space<hbm>>
      %dma_wait3A_36 = tpu.memref_squeeze %dma_wait3A_35 : memref<1x10112x128xf32, #tpu.memory_space<hbm>> -> memref<10112x128xf32, #tpu.memory_space<hbm>>
      %dma_wait3A_37 = arith.constant 0 : i32
      %dma_wait3A_38 = tpu.memref_slice %dma_wait3A_36[%mul3A_5, %dma_wait3A_37] : memref<10112x128xf32, #tpu.memory_space<hbm>> -> memref<632x128xf32, #tpu.memory_space<hbm>>
      %dma_wait3A_39 = arith.constant 0 : i32
      %dma_wait3A_40 = tpu.memref_slice %arg10[%mul3A_5, %dma_wait3A_39] : memref<10112x128xf32, #tpu.memory_space<vmem_shared>> -> memref<632x128xf32, #tpu.memory_space<vmem_shared>>
      tpu.wait_dma2 semaphore(%run_scoped3A_25 : memref<!tpu.dma_semaphore, #tpu.memory_space<semaphore_mem>>) src(%dma_wait3A_40 : memref<632x128xf32, #tpu.memory_space<vmem_shared>>) dst(%dma_wait3A_38 : memref<632x128xf32, #tpu.memory_space<hbm>>)
      tpu.yield
    }) : () -> ()
    return
  }
}

#map = affine_map<(d0, d1) -> (0, 0)>
#map1 = affine_map<(d0, d1) -> (0, 0, 0)>
module attributes {stable_mosaic.version = 14 : i64} {
  func.func @_sc_agg(%arg0: i32, %arg1: i32, %arg2: memref<10000x128xf32, #tpu.memory_space<hbm>>, %arg3: memref<2560x128xi32, #tpu.memory_space<hbm>>, %arg4: memref<2560x128xi32, #tpu.memory_space<hbm>>, %arg5: memref<10112x128xf32, #tpu.memory_space<hbm>>, %arg6: memref<2x10112x128xf32, #tpu.memory_space<hbm>>, %arg7: memref<2x8x128xi32, #tpu.memory_space<vmem>>, %arg8: memref<2x8x128xi32, #tpu.memory_space<vmem>>, %arg9: memref<2x128x128xf32, #tpu.memory_space<vmem>>, %arg10: memref<10112x128xf32, #tpu.memory_space<vmem_shared>>, %arg11: memref<!tpu.dma_semaphore, #tpu.memory_space<semaphore_mem>>, %arg12: memref<!tpu.dma_semaphore, #tpu.memory_space<semaphore_mem>>, %arg13: memref<!tpu.dma_semaphore, #tpu.memory_space<semaphore_mem>>, %arg14: memref<!tpu.dma_semaphore, #tpu.memory_space<semaphore_mem>>) attributes {dimension_semantics = [#tpu.dimension_semantics<core_parallel>, #tpu.dimension_semantics<subcore_parallel>], iteration_bounds = array<i64: 2, 16>, scalar_prefetch = 0 : i64, scratch_operands = 8 : i64, tpu.core_type = #tpu.core_type<sc_vector_subcore>, window_params = [{transform_indices = #map}, {transform_indices = #map}, {transform_indices = #map}, {transform_indices = #map}, {transform_indices = #map1}]} {
    %mul3A = arith.constant 16 : i32
    %mul3A_0 = arith.muli %arg0, %mul3A : i32
    %add3A = arith.addi %mul3A_0, %arg1 : i32
    %mul3A_1 = arith.constant 80 : i32
    %mul3A_2 = arith.muli %add3A, %mul3A_1 : i32
    %run_scoped3A = arith.constant 0 : i32
    "tpu.region"() ({
      %run_scoped3A_25 = tpu.sem_alloc : memref<!tpu.dma_semaphore, #tpu.memory_space<semaphore_mem>>
      %dma_start3A_26 = arith.constant 0 : i32
      %dma_start3A_27 = arith.constant 0 : i32
      %dma_start3A_28 = tpu.memref_slice %arg7[%run_scoped3A, %dma_start3A_26, %dma_start3A_27] : memref<2x8x128xi32, #tpu.memory_space<vmem>> -> memref<1x8x128xi32, #tpu.memory_space<vmem>>
      %dma_start3A_29 = tpu.memref_squeeze %dma_start3A_28 : memref<1x8x128xi32, #tpu.memory_space<vmem>> -> memref<8x128xi32, #tpu.memory_space<vmem>>
      %dma_start3A_30 = arith.constant 0 : i32
      %dma_start3A_31 = tpu.memref_slice %arg3[%mul3A_2, %dma_start3A_30] : memref<2560x128xi32, #tpu.memory_space<hbm>> -> memref<8x128xi32, #tpu.memory_space<hbm>>
      %dma_start3A_32 = arith.constant 0 : i32
      %dma_start3A_33 = arith.constant 0 : i32
      %dma_start3A_34 = tpu.memref_slice %arg7[%run_scoped3A, %dma_start3A_32, %dma_start3A_33] : memref<2x8x128xi32, #tpu.memory_space<vmem>> -> memref<1x8x128xi32, #tpu.memory_space<vmem>>
      %dma_start3A_35 = tpu.memref_squeeze %dma_start3A_34 : memref<1x8x128xi32, #tpu.memory_space<vmem>> -> memref<8x128xi32, #tpu.memory_space<vmem>>
      %dma_start3A_36 = arith.constant 0 : i32
      %dma_start3A_37 = tpu.memref_slice %arg3[%mul3A_2, %dma_start3A_36] : memref<2560x128xi32, #tpu.memory_space<hbm>> -> memref<8x128xi32, #tpu.memory_space<hbm>>
      tpu.enqueue_dma source(%dma_start3A_37 : memref<8x128xi32, #tpu.memory_space<hbm>>) target(%dma_start3A_35 : memref<8x128xi32, #tpu.memory_space<vmem>>) target_semaphore(%run_scoped3A_25 : memref<!tpu.dma_semaphore, #tpu.memory_space<semaphore_mem>>)
      %dma_wait3A = arith.constant 0 : i32
      %dma_wait3A_38 = arith.constant 0 : i32
      %dma_wait3A_39 = tpu.memref_slice %arg7[%run_scoped3A, %dma_wait3A, %dma_wait3A_38] : memref<2x8x128xi32, #tpu.memory_space<vmem>> -> memref<1x8x128xi32, #tpu.memory_space<vmem>>
      %dma_wait3A_40 = tpu.memref_squeeze %dma_wait3A_39 : memref<1x8x128xi32, #tpu.memory_space<vmem>> -> memref<8x128xi32, #tpu.memory_space<vmem>>
      %dma_wait3A_41 = arith.constant 0 : i32
      %dma_wait3A_42 = tpu.memref_slice %arg3[%mul3A_2, %dma_wait3A_41] : memref<2560x128xi32, #tpu.memory_space<hbm>> -> memref<8x128xi32, #tpu.memory_space<hbm>>
      %dma_wait3A_43 = arith.constant 0 : i32
      %dma_wait3A_44 = arith.constant 0 : i32
      %dma_wait3A_45 = tpu.memref_slice %arg7[%run_scoped3A, %dma_wait3A_43, %dma_wait3A_44] : memref<2x8x128xi32, #tpu.memory_space<vmem>> -> memref<1x8x128xi32, #tpu.memory_space<vmem>>
      %dma_wait3A_46 = tpu.memref_squeeze %dma_wait3A_45 : memref<1x8x128xi32, #tpu.memory_space<vmem>> -> memref<8x128xi32, #tpu.memory_space<vmem>>
      %dma_wait3A_47 = arith.constant 0 : i32
      %dma_wait3A_48 = tpu.memref_slice %arg3[%mul3A_2, %dma_wait3A_47] : memref<2560x128xi32, #tpu.memory_space<hbm>> -> memref<8x128xi32, #tpu.memory_space<hbm>>
      tpu.wait_dma2 semaphore(%run_scoped3A_25 : memref<!tpu.dma_semaphore, #tpu.memory_space<semaphore_mem>>) src(%dma_wait3A_48 : memref<8x128xi32, #tpu.memory_space<hbm>>) dst(%dma_wait3A_46 : memref<8x128xi32, #tpu.memory_space<vmem>>)
      tpu.yield
    }) : () -> ()
    %run_scoped3A_3 = arith.constant 0 : i32
    "tpu.region"() ({
      %run_scoped3A_25 = tpu.sem_alloc : memref<!tpu.dma_semaphore, #tpu.memory_space<semaphore_mem>>
      %dma_start3A_26 = arith.constant 0 : i32
      %dma_start3A_27 = arith.constant 0 : i32
      %dma_start3A_28 = tpu.memref_slice %arg8[%run_scoped3A_3, %dma_start3A_26, %dma_start3A_27] : memref<2x8x128xi32, #tpu.memory_space<vmem>> -> memref<1x8x128xi32, #tpu.memory_space<vmem>>
      %dma_start3A_29 = tpu.memref_squeeze %dma_start3A_28 : memref<1x8x128xi32, #tpu.memory_space<vmem>> -> memref<8x128xi32, #tpu.memory_space<vmem>>
      %dma_start3A_30 = arith.constant 0 : i32
      %dma_start3A_31 = tpu.memref_slice %arg4[%mul3A_2, %dma_start3A_30] : memref<2560x128xi32, #tpu.memory_space<hbm>> -> memref<8x128xi32, #tpu.memory_space<hbm>>
      %dma_start3A_32 = arith.constant 0 : i32
      %dma_start3A_33 = arith.constant 0 : i32
      %dma_start3A_34 = tpu.memref_slice %arg8[%run_scoped3A_3, %dma_start3A_32, %dma_start3A_33] : memref<2x8x128xi32, #tpu.memory_space<vmem>> -> memref<1x8x128xi32, #tpu.memory_space<vmem>>
      %dma_start3A_35 = tpu.memref_squeeze %dma_start3A_34 : memref<1x8x128xi32, #tpu.memory_space<vmem>> -> memref<8x128xi32, #tpu.memory_space<vmem>>
      %dma_start3A_36 = arith.constant 0 : i32
      %dma_start3A_37 = tpu.memref_slice %arg4[%mul3A_2, %dma_start3A_36] : memref<2560x128xi32, #tpu.memory_space<hbm>> -> memref<8x128xi32, #tpu.memory_space<hbm>>
      tpu.enqueue_dma source(%dma_start3A_37 : memref<8x128xi32, #tpu.memory_space<hbm>>) target(%dma_start3A_35 : memref<8x128xi32, #tpu.memory_space<vmem>>) target_semaphore(%run_scoped3A_25 : memref<!tpu.dma_semaphore, #tpu.memory_space<semaphore_mem>>)
      %dma_wait3A = arith.constant 0 : i32
      %dma_wait3A_38 = arith.constant 0 : i32
      %dma_wait3A_39 = tpu.memref_slice %arg8[%run_scoped3A_3, %dma_wait3A, %dma_wait3A_38] : memref<2x8x128xi32, #tpu.memory_space<vmem>> -> memref<1x8x128xi32, #tpu.memory_space<vmem>>
      %dma_wait3A_40 = tpu.memref_squeeze %dma_wait3A_39 : memref<1x8x128xi32, #tpu.memory_space<vmem>> -> memref<8x128xi32, #tpu.memory_space<vmem>>
      %dma_wait3A_41 = arith.constant 0 : i32
      %dma_wait3A_42 = tpu.memref_slice %arg4[%mul3A_2, %dma_wait3A_41] : memref<2560x128xi32, #tpu.memory_space<hbm>> -> memref<8x128xi32, #tpu.memory_space<hbm>>
      %dma_wait3A_43 = arith.constant 0 : i32
      %dma_wait3A_44 = arith.constant 0 : i32
      %dma_wait3A_45 = tpu.memref_slice %arg8[%run_scoped3A_3, %dma_wait3A_43, %dma_wait3A_44] : memref<2x8x128xi32, #tpu.memory_space<vmem>> -> memref<1x8x128xi32, #tpu.memory_space<vmem>>
      %dma_wait3A_46 = tpu.memref_squeeze %dma_wait3A_45 : memref<1x8x128xi32, #tpu.memory_space<vmem>> -> memref<8x128xi32, #tpu.memory_space<vmem>>
      %dma_wait3A_47 = arith.constant 0 : i32
      %dma_wait3A_48 = tpu.memref_slice %arg4[%mul3A_2, %dma_wait3A_47] : memref<2560x128xi32, #tpu.memory_space<hbm>> -> memref<8x128xi32, #tpu.memory_space<hbm>>
      tpu.wait_dma2 semaphore(%run_scoped3A_25 : memref<!tpu.dma_semaphore, #tpu.memory_space<semaphore_mem>>) src(%dma_wait3A_48 : memref<8x128xi32, #tpu.memory_space<hbm>>) dst(%dma_wait3A_46 : memref<8x128xi32, #tpu.memory_space<vmem>>)
      tpu.yield
    }) : () -> ()
    %mul3A_4 = arith.constant 632 : i32
    %mul3A_5 = arith.muli %arg1, %mul3A_4 : i32
    "tpu.region"() ({
      %run_scoped3A_25 = tpu.sem_alloc : memref<!tpu.dma_semaphore, #tpu.memory_space<semaphore_mem>>
      %dma_start3A_26 = arith.constant 0 : i32
      %dma_start3A_27 = tpu.memref_slice %arg10[%mul3A_5, %dma_start3A_26] : memref<10112x128xf32, #tpu.memory_space<vmem_shared>> -> memref<632x128xf32, #tpu.memory_space<vmem_shared>>
      %dma_start3A_28 = arith.constant 0 : i32
      %dma_start3A_29 = tpu.memref_slice %arg5[%mul3A_5, %dma_start3A_28] : memref<10112x128xf32, #tpu.memory_space<hbm>> -> memref<632x128xf32, #tpu.memory_space<hbm>>
      tpu.enqueue_dma source(%dma_start3A_29 : memref<632x128xf32, #tpu.memory_space<hbm>>) target(%dma_start3A_27 : memref<632x128xf32, #tpu.memory_space<vmem_shared>>) target_semaphore(%run_scoped3A_25 : memref<!tpu.dma_semaphore, #tpu.memory_space<semaphore_mem>>)
      %dma_wait3A = arith.constant 0 : i32
      %dma_wait3A_30 = tpu.memref_slice %arg10[%mul3A_5, %dma_wait3A] : memref<10112x128xf32, #tpu.memory_space<vmem_shared>> -> memref<632x128xf32, #tpu.memory_space<vmem_shared>>
      %dma_wait3A_31 = arith.constant 0 : i32
      %dma_wait3A_32 = tpu.memref_slice %arg5[%mul3A_5, %dma_wait3A_31] : memref<10112x128xf32, #tpu.memory_space<hbm>> -> memref<632x128xf32, #tpu.memory_space<hbm>>
      tpu.wait_dma2 semaphore(%run_scoped3A_25 : memref<!tpu.dma_semaphore, #tpu.memory_space<semaphore_mem>>) src(%dma_wait3A_32 : memref<632x128xf32, #tpu.memory_space<hbm>>) dst(%dma_wait3A_30 : memref<632x128xf32, #tpu.memory_space<vmem_shared>>)
      tpu.yield
    }) : () -> ()
    %barrier3A = arith.constant 0 : index
    tpu.barrier barrier_id(%barrier3A)
    %dma_start3A = arith.constant 0 : i32
    %dma_start3A_6 = arith.constant 0 : i32
    %dma_start3A_7 = arith.constant 0 : i32
    %dma_start3A_8 = arith.constant 0 : i32
    %dma_start3A_9 = arith.constant 0 : i32
    %dma_start3A_10 = tpu.memref_slice %arg9[%dma_start3A_7, %dma_start3A_8, %dma_start3A_9] : memref<2x128x128xf32, #tpu.memory_space<vmem>> -> memref<1x128x128xf32, #tpu.memory_space<vmem>>
    %dma_start3A_11 = tpu.memref_squeeze %dma_start3A_10 : memref<1x128x128xf32, #tpu.memory_space<vmem>> -> memref<128x128xf32, #tpu.memory_space<vmem>>
    %dma_start3A_12 = arith.constant 0 : i32
    %dma_start3A_13 = tpu.memref_slice %arg7[%dma_start3A, %dma_start3A_6, %dma_start3A_12] : memref<2x8x128xi32, #tpu.memory_space<vmem>> -> memref<1x1x128xi32, #tpu.memory_space<vmem>>
    %dma_start3A_14 = tpu.memref_squeeze %dma_start3A_13 : memref<1x1x128xi32, #tpu.memory_space<vmem>> -> memref<128xi32, #tpu.memory_space<vmem>>
    %dma_start3A_15 = arith.constant 0 : i32
    %dma_start3A_16 = arith.constant 0 : i32
    %dma_start3A_17 = tpu.memref_slice %arg2[%dma_start3A_15, %dma_start3A_16] : memref<10000x128xf32, #tpu.memory_space<hbm>> -> memref<10000x128xf32, #tpu.memory_space<hbm>>
    tpu.enqueue_indirect_dma source(%dma_start3A_17 : memref<10000x128xf32, #tpu.memory_space<hbm>>) target(%dma_start3A_11 : memref<128x128xf32, #tpu.memory_space<vmem>>) offsets(%dma_start3A_14 : memref<128xi32, #tpu.memory_space<vmem>>) semaphore(%arg13 : memref<!tpu.dma_semaphore, #tpu.memory_space<semaphore_mem>>)
    %scan3A = arith.constant 0 : i32
    %scan3A_18 = arith.constant 0 : i32
    %scan3A_19 = arith.constant 10 : i32
    %scan3A_20 = arith.addi %scan3A_18, %scan3A_19 : i32
    %scan3A_21 = arith.constant 1 : i32
    %scan3A_22 = scf.for %scan3A_25 = %scan3A_18 to %scan3A_20 step %scan3A_21 iter_args(%scan3A_26 = %scan3A) -> (i32)  : i32 {
      %jit3A = arith.constant 2 : i32
      %eq3A = arith.constant 0 : i32
      %eq3A_27 = arith.cmpi eq, %jit3A, %eq3A : i32
      %jit3A_28 = arith.constant 1 : i32
      %select_n3A = arith.select %eq3A_27, %jit3A_28, %jit3A : i32
      %rem3A = arith.remsi %scan3A_25, %select_n3A : i32
      %ne3A = arith.constant 0 : i32
      %ne3A_29 = arith.cmpi ne, %rem3A, %ne3A : i32
      %lt3A = arith.constant 0 : i32
      %lt3A_30 = arith.cmpi slt, %rem3A, %lt3A : i32
      %lt3A_31 = arith.constant 0 : i32
      %lt3A_32 = arith.cmpi slt, %select_n3A, %lt3A_31 : i32
      %ne3A_33 = arith.xori %lt3A_30, %lt3A_32 : i1
      %and3A = arith.andi %ne3A_33, %ne3A_29 : i1
      %add3A_34 = arith.addi %rem3A, %select_n3A : i32
      %select_n3A_35 = arith.select %and3A, %add3A_34, %rem3A : i32
      %add3A_36 = arith.constant 1 : i32
      %add3A_37 = arith.addi %scan3A_25, %add3A_36 : i32
      %jit3A_38 = arith.constant 2 : i32
      %eq3A_39 = arith.constant 0 : i32
      %eq3A_40 = arith.cmpi eq, %jit3A_38, %eq3A_39 : i32
      %jit3A_41 = arith.constant 1 : i32
      %select_n3A_42 = arith.select %eq3A_40, %jit3A_41, %jit3A_38 : i32
      %rem3A_43 = arith.remsi %add3A_37, %select_n3A_42 : i32
      %ne3A_44 = arith.constant 0 : i32
      %ne3A_45 = arith.cmpi ne, %rem3A_43, %ne3A_44 : i32
      %lt3A_46 = arith.constant 0 : i32
      %lt3A_47 = arith.cmpi slt, %rem3A_43, %lt3A_46 : i32
      %lt3A_48 = arith.constant 0 : i32
      %lt3A_49 = arith.cmpi slt, %select_n3A_42, %lt3A_48 : i32
      %ne3A_50 = arith.xori %lt3A_47, %lt3A_49 : i1
      %and3A_51 = arith.andi %ne3A_50, %ne3A_45 : i1
      %add3A_52 = arith.addi %rem3A_43, %select_n3A_42 : i32
      %select_n3A_53 = arith.select %and3A_51, %add3A_52, %rem3A_43 : i32
      %add3A_54 = arith.constant 1 : i32
      %add3A_55 = arith.addi %scan3A_25, %add3A_54 : i32
      %mul3A_56 = arith.constant 8 : i32
      %mul3A_57 = arith.muli %add3A_55, %mul3A_56 : i32
      %add3A_58 = arith.addi %mul3A_2, %mul3A_57 : i32
      %add3A_59 = arith.constant 1 : i32
      %add3A_60 = arith.addi %scan3A_25, %add3A_59 : i32
      %lt3A_61 = arith.constant 10 : i32
      %lt3A_62 = arith.cmpi slt, %add3A_60, %lt3A_61 : i32
      %convert_element_type3A = arith.extui %lt3A_62 : i1 to i32
      %cond3A = arith.constant 0 : i32
      %cond3A_63 = arith.cmpi ne, %convert_element_type3A, %cond3A : i32
      scf.if %cond3A_63 {
        %dma_start3A_267 = arith.constant 0 : i32
        %dma_start3A_268 = arith.constant 0 : i32
        %dma_start3A_269 = tpu.memref_slice %arg7[%select_n3A_53, %dma_start3A_267, %dma_start3A_268] : memref<2x8x128xi32, #tpu.memory_space<vmem>> -> memref<1x8x128xi32, #tpu.memory_space<vmem>>
        %dma_start3A_270 = tpu.memref_squeeze %dma_start3A_269 : memref<1x8x128xi32, #tpu.memory_space<vmem>> -> memref<8x128xi32, #tpu.memory_space<vmem>>
        %dma_start3A_271 = arith.constant 0 : i32
        %dma_start3A_272 = tpu.memref_slice %arg3[%add3A_58, %dma_start3A_271] : memref<2560x128xi32, #tpu.memory_space<hbm>> -> memref<8x128xi32, #tpu.memory_space<hbm>>
        %dma_start3A_273 = arith.constant 0 : i32
        %dma_start3A_274 = arith.constant 0 : i32
        %dma_start3A_275 = tpu.memref_slice %arg7[%select_n3A_53, %dma_start3A_273, %dma_start3A_274] : memref<2x8x128xi32, #tpu.memory_space<vmem>> -> memref<1x8x128xi32, #tpu.memory_space<vmem>>
        %dma_start3A_276 = tpu.memref_squeeze %dma_start3A_275 : memref<1x8x128xi32, #tpu.memory_space<vmem>> -> memref<8x128xi32, #tpu.memory_space<vmem>>
        %dma_start3A_277 = arith.constant 0 : i32
        %dma_start3A_278 = tpu.memref_slice %arg3[%add3A_58, %dma_start3A_277] : memref<2560x128xi32, #tpu.memory_space<hbm>> -> memref<8x128xi32, #tpu.memory_space<hbm>>
        tpu.enqueue_dma source(%dma_start3A_278 : memref<8x128xi32, #tpu.memory_space<hbm>>) target(%dma_start3A_276 : memref<8x128xi32, #tpu.memory_space<vmem>>) target_semaphore(%arg11 : memref<!tpu.dma_semaphore, #tpu.memory_space<semaphore_mem>>)
        %dma_start3A_279 = arith.constant 0 : i32
        %dma_start3A_280 = arith.constant 0 : i32
        %dma_start3A_281 = tpu.memref_slice %arg8[%select_n3A_53, %dma_start3A_279, %dma_start3A_280] : memref<2x8x128xi32, #tpu.memory_space<vmem>> -> memref<1x8x128xi32, #tpu.memory_space<vmem>>
        %dma_start3A_282 = tpu.memref_squeeze %dma_start3A_281 : memref<1x8x128xi32, #tpu.memory_space<vmem>> -> memref<8x128xi32, #tpu.memory_space<vmem>>
        %dma_start3A_283 = arith.constant 0 : i32
        %dma_start3A_284 = tpu.memref_slice %arg4[%add3A_58, %dma_start3A_283] : memref<2560x128xi32, #tpu.memory_space<hbm>> -> memref<8x128xi32, #tpu.memory_space<hbm>>
        %dma_start3A_285 = arith.constant 0 : i32
        %dma_start3A_286 = arith.constant 0 : i32
        %dma_start3A_287 = tpu.memref_slice %arg8[%select_n3A_53, %dma_start3A_285, %dma_start3A_286] : memref<2x8x128xi32, #tpu.memory_space<vmem>> -> memref<1x8x128xi32, #tpu.memory_space<vmem>>
        %dma_start3A_288 = tpu.memref_squeeze %dma_start3A_287 : memref<1x8x128xi32, #tpu.memory_space<vmem>> -> memref<8x128xi32, #tpu.memory_space<vmem>>
        %dma_start3A_289 = arith.constant 0 : i32
        %dma_start3A_290 = tpu.memref_slice %arg4[%add3A_58, %dma_start3A_289] : memref<2560x128xi32, #tpu.memory_space<hbm>> -> memref<8x128xi32, #tpu.memory_space<hbm>>
        tpu.enqueue_dma source(%dma_start3A_290 : memref<8x128xi32, #tpu.memory_space<hbm>>) target(%dma_start3A_288 : memref<8x128xi32, #tpu.memory_space<vmem>>) target_semaphore(%arg12 : memref<!tpu.dma_semaphore, #tpu.memory_space<semaphore_mem>>)
      } else {
      }
      %dma_wait3A = arith.constant 0 : i32
      %dma_wait3A_64 = arith.constant 0 : i32
      %dma_wait3A_65 = arith.constant 0 : i32
      %dma_wait3A_66 = arith.constant 0 : i32
      %dma_wait3A_67 = tpu.memref_slice %arg9[%dma_wait3A_64, %dma_wait3A_65, %dma_wait3A_66] : memref<2x128x128xf32, #tpu.memory_space<vmem>> -> memref<1x128x128xf32, #tpu.memory_space<vmem>>
      %dma_wait3A_68 = tpu.memref_squeeze %dma_wait3A_67 : memref<1x128x128xf32, #tpu.memory_space<vmem>> -> memref<128x128xf32, #tpu.memory_space<vmem>>
      %dma_wait3A_69 = arith.constant 0 : i32
      %dma_wait3A_70 = tpu.memref_slice %arg7[%select_n3A_35, %dma_wait3A, %dma_wait3A_69] : memref<2x8x128xi32, #tpu.memory_space<vmem>> -> memref<1x1x128xi32, #tpu.memory_space<vmem>>
      %dma_wait3A_71 = tpu.memref_squeeze %dma_wait3A_70 : memref<1x1x128xi32, #tpu.memory_space<vmem>> -> memref<128xi32, #tpu.memory_space<vmem>>
      %dma_wait3A_72 = arith.constant 0 : i32
      %dma_wait3A_73 = arith.constant 0 : i32
      %dma_wait3A_74 = tpu.memref_slice %arg2[%dma_wait3A_72, %dma_wait3A_73] : memref<10000x128xf32, #tpu.memory_space<hbm>> -> memref<10000x128xf32, #tpu.memory_space<hbm>>
      tpu.wait_indirect_dma semaphore(%arg13 : memref<!tpu.dma_semaphore, #tpu.memory_space<semaphore_mem>>) src(%dma_wait3A_74 : memref<10000x128xf32, #tpu.memory_space<hbm>>) dst(%dma_wait3A_68 : memref<128x128xf32, #tpu.memory_space<vmem>>)
      %dma_start3A_75 = arith.constant 1 : i32
      %dma_start3A_76 = arith.constant 1 : i32
      %dma_start3A_77 = arith.constant 0 : i32
      %dma_start3A_78 = arith.constant 0 : i32
      %dma_start3A_79 = tpu.memref_slice %arg9[%dma_start3A_76, %dma_start3A_77, %dma_start3A_78] : memref<2x128x128xf32, #tpu.memory_space<vmem>> -> memref<1x128x128xf32, #tpu.memory_space<vmem>>
      %dma_start3A_80 = tpu.memref_squeeze %dma_start3A_79 : memref<1x128x128xf32, #tpu.memory_space<vmem>> -> memref<128x128xf32, #tpu.memory_space<vmem>>
      %dma_start3A_81 = arith.constant 0 : i32
      %dma_start3A_82 = tpu.memref_slice %arg7[%select_n3A_35, %dma_start3A_75, %dma_start3A_81] : memref<2x8x128xi32, #tpu.memory_space<vmem>> -> memref<1x1x128xi32, #tpu.memory_space<vmem>>
      %dma_start3A_83 = tpu.memref_squeeze %dma_start3A_82 : memref<1x1x128xi32, #tpu.memory_space<vmem>> -> memref<128xi32, #tpu.memory_space<vmem>>
      %dma_start3A_84 = arith.constant 0 : i32
      %dma_start3A_85 = arith.constant 0 : i32
      %dma_start3A_86 = tpu.memref_slice %arg2[%dma_start3A_84, %dma_start3A_85] : memref<10000x128xf32, #tpu.memory_space<hbm>> -> memref<10000x128xf32, #tpu.memory_space<hbm>>
      tpu.enqueue_indirect_dma source(%dma_start3A_86 : memref<10000x128xf32, #tpu.memory_space<hbm>>) target(%dma_start3A_80 : memref<128x128xf32, #tpu.memory_space<vmem>>) offsets(%dma_start3A_83 : memref<128xi32, #tpu.memory_space<vmem>>) semaphore(%arg14 : memref<!tpu.dma_semaphore, #tpu.memory_space<semaphore_mem>>)
      %run_scoped3A_87 = arith.constant 0 : i32
      %run_scoped3A_88 = arith.constant 0 : i32
      "tpu.region"() ({
        %run_scoped3A_267 = tpu.sem_alloc : memref<!tpu.dma_semaphore, #tpu.memory_space<semaphore_mem>>
        %dma_start3A_268 = arith.constant 0 : i32
        %dma_start3A_269 = arith.constant 0 : i32
        %dma_start3A_270 = tpu.memref_slice %arg9[%run_scoped3A_87, %dma_start3A_268, %dma_start3A_269] : memref<2x128x128xf32, #tpu.memory_space<vmem>> -> memref<1x128x128xf32, #tpu.memory_space<vmem>>
        %dma_start3A_271 = tpu.memref_squeeze %dma_start3A_270 : memref<1x128x128xf32, #tpu.memory_space<vmem>> -> memref<128x128xf32, #tpu.memory_space<vmem>>
        %dma_start3A_272 = arith.constant 0 : i32
        %dma_start3A_273 = tpu.memref_slice %arg8[%select_n3A_35, %run_scoped3A_88, %dma_start3A_272] : memref<2x8x128xi32, #tpu.memory_space<vmem>> -> memref<1x1x128xi32, #tpu.memory_space<vmem>>
        %dma_start3A_274 = tpu.memref_squeeze %dma_start3A_273 : memref<1x1x128xi32, #tpu.memory_space<vmem>> -> memref<128xi32, #tpu.memory_space<vmem>>
        %dma_start3A_275 = arith.constant 0 : i32
        %dma_start3A_276 = arith.constant 0 : i32
        %dma_start3A_277 = tpu.memref_slice %arg10[%dma_start3A_275, %dma_start3A_276] : memref<10112x128xf32, #tpu.memory_space<vmem_shared>> -> memref<10112x128xf32, #tpu.memory_space<vmem_shared>>
        tpu.enqueue_indirect_dma source(%dma_start3A_271 : memref<128x128xf32, #tpu.memory_space<vmem>>) target(%dma_start3A_277 : memref<10112x128xf32, #tpu.memory_space<vmem_shared>>) offsets(%dma_start3A_274 : memref<128xi32, #tpu.memory_space<vmem>>) semaphore(%run_scoped3A_267 : memref<!tpu.dma_semaphore, #tpu.memory_space<semaphore_mem>>) {add = true}
        %dma_wait3A_278 = arith.constant 0 : i32
        %dma_wait3A_279 = arith.constant 0 : i32
        %dma_wait3A_280 = tpu.memref_slice %arg9[%run_scoped3A_87, %dma_wait3A_278, %dma_wait3A_279] : memref<2x128x128xf32, #tpu.memory_space<vmem>> -> memref<1x128x128xf32, #tpu.memory_space<vmem>>
        %dma_wait3A_281 = tpu.memref_squeeze %dma_wait3A_280 : memref<1x128x128xf32, #tpu.memory_space<vmem>> -> memref<128x128xf32, #tpu.memory_space<vmem>>
        %dma_wait3A_282 = arith.constant 0 : i32
        %dma_wait3A_283 = tpu.memref_slice %arg8[%select_n3A_35, %run_scoped3A_88, %dma_wait3A_282] : memref<2x8x128xi32, #tpu.memory_space<vmem>> -> memref<1x1x128xi32, #tpu.memory_space<vmem>>
        %dma_wait3A_284 = tpu.memref_squeeze %dma_wait3A_283 : memref<1x1x128xi32, #tpu.memory_space<vmem>> -> memref<128xi32, #tpu.memory_space<vmem>>
        %dma_wait3A_285 = arith.constant 0 : i32
        %dma_wait3A_286 = arith.constant 0 : i32
        %dma_wait3A_287 = tpu.memref_slice %arg10[%dma_wait3A_285, %dma_wait3A_286] : memref<10112x128xf32, #tpu.memory_space<vmem_shared>> -> memref<10112x128xf32, #tpu.memory_space<vmem_shared>>
        tpu.wait_indirect_dma semaphore(%run_scoped3A_267 : memref<!tpu.dma_semaphore, #tpu.memory_space<semaphore_mem>>) src(%dma_wait3A_281 : memref<128x128xf32, #tpu.memory_space<vmem>>) dst(%dma_wait3A_287 : memref<10112x128xf32, #tpu.memory_space<vmem_shared>>)
        tpu.yield
      }) : () -> ()
      %dma_wait3A_89 = arith.constant 1 : i32
      %dma_wait3A_90 = arith.constant 1 : i32
      %dma_wait3A_91 = arith.constant 0 : i32
      %dma_wait3A_92 = arith.constant 0 : i32
      %dma_wait3A_93 = tpu.memref_slice %arg9[%dma_wait3A_90, %dma_wait3A_91, %dma_wait3A_92] : memref<2x128x128xf32, #tpu.memory_space<vmem>> -> memref<1x128x128xf32, #tpu.memory_space<vmem>>
      %dma_wait3A_94 = tpu.memref_squeeze %dma_wait3A_93 : memref<1x128x128xf32, #tpu.memory_space<vmem>> -> memref<128x128xf32, #tpu.memory_space<vmem>>
      %dma_wait3A_95 = arith.constant 0 : i32
      %dma_wait3A_96 = tpu.memref_slice %arg7[%select_n3A_35, %dma_wait3A_89, %dma_wait3A_95] : memref<2x8x128xi32, #tpu.memory_space<vmem>> -> memref<1x1x128xi32, #tpu.memory_space<vmem>>
      %dma_wait3A_97 = tpu.memref_squeeze %dma_wait3A_96 : memref<1x1x128xi32, #tpu.memory_space<vmem>> -> memref<128xi32, #tpu.memory_space<vmem>>
      %dma_wait3A_98 = arith.constant 0 : i32
      %dma_wait3A_99 = arith.constant 0 : i32
      %dma_wait3A_100 = tpu.memref_slice %arg2[%dma_wait3A_98, %dma_wait3A_99] : memref<10000x128xf32, #tpu.memory_space<hbm>> -> memref<10000x128xf32, #tpu.memory_space<hbm>>
      tpu.wait_indirect_dma semaphore(%arg14 : memref<!tpu.dma_semaphore, #tpu.memory_space<semaphore_mem>>) src(%dma_wait3A_100 : memref<10000x128xf32, #tpu.memory_space<hbm>>) dst(%dma_wait3A_94 : memref<128x128xf32, #tpu.memory_space<vmem>>)
      %dma_start3A_101 = arith.constant 2 : i32
      %dma_start3A_102 = arith.constant 0 : i32
      %dma_start3A_103 = arith.constant 0 : i32
      %dma_start3A_104 = arith.constant 0 : i32
      %dma_start3A_105 = tpu.memref_slice %arg9[%dma_start3A_102, %dma_start3A_103, %dma_start3A_104] : memref<2x128x128xf32, #tpu.memory_space<vmem>> -> memref<1x128x128xf32, #tpu.memory_space<vmem>>
      %dma_start3A_106 = tpu.memref_squeeze %dma_start3A_105 : memref<1x128x128xf32, #tpu.memory_space<vmem>> -> memref<128x128xf32, #tpu.memory_space<vmem>>
      %dma_start3A_107 = arith.constant 0 : i32
      %dma_start3A_108 = tpu.memref_slice %arg7[%select_n3A_35, %dma_start3A_101, %dma_start3A_107] : memref<2x8x128xi32, #tpu.memory_space<vmem>> -> memref<1x1x128xi32, #tpu.memory_space<vmem>>
      %dma_start3A_109 = tpu.memref_squeeze %dma_start3A_108 : memref<1x1x128xi32, #tpu.memory_space<vmem>> -> memref<128xi32, #tpu.memory_space<vmem>>
      %dma_start3A_110 = arith.constant 0 : i32
      %dma_start3A_111 = arith.constant 0 : i32
      %dma_start3A_112 = tpu.memref_slice %arg2[%dma_start3A_110, %dma_start3A_111] : memref<10000x128xf32, #tpu.memory_space<hbm>> -> memref<10000x128xf32, #tpu.memory_space<hbm>>
      tpu.enqueue_indirect_dma source(%dma_start3A_112 : memref<10000x128xf32, #tpu.memory_space<hbm>>) target(%dma_start3A_106 : memref<128x128xf32, #tpu.memory_space<vmem>>) offsets(%dma_start3A_109 : memref<128xi32, #tpu.memory_space<vmem>>) semaphore(%arg13 : memref<!tpu.dma_semaphore, #tpu.memory_space<semaphore_mem>>)
      %run_scoped3A_113 = arith.constant 1 : i32
      %run_scoped3A_114 = arith.constant 1 : i32
      "tpu.region"() ({
        %run_scoped3A_267 = tpu.sem_alloc : memref<!tpu.dma_semaphore, #tpu.memory_space<semaphore_mem>>
        %dma_start3A_268 = arith.constant 0 : i32
        %dma_start3A_269 = arith.constant 0 : i32
        %dma_start3A_270 = tpu.memref_slice %arg9[%run_scoped3A_113, %dma_start3A_268, %dma_start3A_269] : memref<2x128x128xf32, #tpu.memory_space<vmem>> -> memref<1x128x128xf32, #tpu.memory_space<vmem>>
        %dma_start3A_271 = tpu.memref_squeeze %dma_start3A_270 : memref<1x128x128xf32, #tpu.memory_space<vmem>> -> memref<128x128xf32, #tpu.memory_space<vmem>>
        %dma_start3A_272 = arith.constant 0 : i32
        %dma_start3A_273 = tpu.memref_slice %arg8[%select_n3A_35, %run_scoped3A_114, %dma_start3A_272] : memref<2x8x128xi32, #tpu.memory_space<vmem>> -> memref<1x1x128xi32, #tpu.memory_space<vmem>>
        %dma_start3A_274 = tpu.memref_squeeze %dma_start3A_273 : memref<1x1x128xi32, #tpu.memory_space<vmem>> -> memref<128xi32, #tpu.memory_space<vmem>>
        %dma_start3A_275 = arith.constant 0 : i32
        %dma_start3A_276 = arith.constant 0 : i32
        %dma_start3A_277 = tpu.memref_slice %arg10[%dma_start3A_275, %dma_start3A_276] : memref<10112x128xf32, #tpu.memory_space<vmem_shared>> -> memref<10112x128xf32, #tpu.memory_space<vmem_shared>>
        tpu.enqueue_indirect_dma source(%dma_start3A_271 : memref<128x128xf32, #tpu.memory_space<vmem>>) target(%dma_start3A_277 : memref<10112x128xf32, #tpu.memory_space<vmem_shared>>) offsets(%dma_start3A_274 : memref<128xi32, #tpu.memory_space<vmem>>) semaphore(%run_scoped3A_267 : memref<!tpu.dma_semaphore, #tpu.memory_space<semaphore_mem>>) {add = true}
        %dma_wait3A_278 = arith.constant 0 : i32
        %dma_wait3A_279 = arith.constant 0 : i32
        %dma_wait3A_280 = tpu.memref_slice %arg9[%run_scoped3A_113, %dma_wait3A_278, %dma_wait3A_279] : memref<2x128x128xf32, #tpu.memory_space<vmem>> -> memref<1x128x128xf32, #tpu.memory_space<vmem>>
        %dma_wait3A_281 = tpu.memref_squeeze %dma_wait3A_280 : memref<1x128x128xf32, #tpu.memory_space<vmem>> -> memref<128x128xf32, #tpu.memory_space<vmem>>
        %dma_wait3A_282 = arith.constant 0 : i32
        %dma_wait3A_283 = tpu.memref_slice %arg8[%select_n3A_35, %run_scoped3A_114, %dma_wait3A_282] : memref<2x8x128xi32, #tpu.memory_space<vmem>> -> memref<1x1x128xi32, #tpu.memory_space<vmem>>
        %dma_wait3A_284 = tpu.memref_squeeze %dma_wait3A_283 : memref<1x1x128xi32, #tpu.memory_space<vmem>> -> memref<128xi32, #tpu.memory_space<vmem>>
        %dma_wait3A_285 = arith.constant 0 : i32
        %dma_wait3A_286 = arith.constant 0 : i32
        %dma_wait3A_287 = tpu.memref_slice %arg10[%dma_wait3A_285, %dma_wait3A_286] : memref<10112x128xf32, #tpu.memory_space<vmem_shared>> -> memref<10112x128xf32, #tpu.memory_space<vmem_shared>>
        tpu.wait_indirect_dma semaphore(%run_scoped3A_267 : memref<!tpu.dma_semaphore, #tpu.memory_space<semaphore_mem>>) src(%dma_wait3A_281 : memref<128x128xf32, #tpu.memory_space<vmem>>) dst(%dma_wait3A_287 : memref<10112x128xf32, #tpu.memory_space<vmem_shared>>)
        tpu.yield
      }) : () -> ()
      %dma_wait3A_115 = arith.constant 2 : i32
      %dma_wait3A_116 = arith.constant 0 : i32
      %dma_wait3A_117 = arith.constant 0 : i32
      %dma_wait3A_118 = arith.constant 0 : i32
      %dma_wait3A_119 = tpu.memref_slice %arg9[%dma_wait3A_116, %dma_wait3A_117, %dma_wait3A_118] : memref<2x128x128xf32, #tpu.memory_space<vmem>> -> memref<1x128x128xf32, #tpu.memory_space<vmem>>
      %dma_wait3A_120 = tpu.memref_squeeze %dma_wait3A_119 : memref<1x128x128xf32, #tpu.memory_space<vmem>> -> memref<128x128xf32, #tpu.memory_space<vmem>>
      %dma_wait3A_121 = arith.constant 0 : i32
      %dma_wait3A_122 = tpu.memref_slice %arg7[%select_n3A_35, %dma_wait3A_115, %dma_wait3A_121] : memref<2x8x128xi32, #tpu.memory_space<vmem>> -> memref<1x1x128xi32, #tpu.memory_space<vmem>>
      %dma_wait3A_123 = tpu.memref_squeeze %dma_wait3A_122 : memref<1x1x128xi32, #tpu.memory_space<vmem>> -> memref<128xi32, #tpu.memory_space<vmem>>
      %dma_wait3A_124 = arith.constant 0 : i32
      %dma_wait3A_125 = arith.constant 0 : i32
      %dma_wait3A_126 = tpu.memref_slice %arg2[%dma_wait3A_124, %dma_wait3A_125] : memref<10000x128xf32, #tpu.memory_space<hbm>> -> memref<10000x128xf32, #tpu.memory_space<hbm>>
      tpu.wait_indirect_dma semaphore(%arg13 : memref<!tpu.dma_semaphore, #tpu.memory_space<semaphore_mem>>) src(%dma_wait3A_126 : memref<10000x128xf32, #tpu.memory_space<hbm>>) dst(%dma_wait3A_120 : memref<128x128xf32, #tpu.memory_space<vmem>>)
      %dma_start3A_127 = arith.constant 3 : i32
      %dma_start3A_128 = arith.constant 1 : i32
      %dma_start3A_129 = arith.constant 0 : i32
      %dma_start3A_130 = arith.constant 0 : i32
      %dma_start3A_131 = tpu.memref_slice %arg9[%dma_start3A_128, %dma_start3A_129, %dma_start3A_130] : memref<2x128x128xf32, #tpu.memory_space<vmem>> -> memref<1x128x128xf32, #tpu.memory_space<vmem>>
      %dma_start3A_132 = tpu.memref_squeeze %dma_start3A_131 : memref<1x128x128xf32, #tpu.memory_space<vmem>> -> memref<128x128xf32, #tpu.memory_space<vmem>>
      %dma_start3A_133 = arith.constant 0 : i32
      %dma_start3A_134 = tpu.memref_slice %arg7[%select_n3A_35, %dma_start3A_127, %dma_start3A_133] : memref<2x8x128xi32, #tpu.memory_space<vmem>> -> memref<1x1x128xi32, #tpu.memory_space<vmem>>
      %dma_start3A_135 = tpu.memref_squeeze %dma_start3A_134 : memref<1x1x128xi32, #tpu.memory_space<vmem>> -> memref<128xi32, #tpu.memory_space<vmem>>
      %dma_start3A_136 = arith.constant 0 : i32
      %dma_start3A_137 = arith.constant 0 : i32
      %dma_start3A_138 = tpu.memref_slice %arg2[%dma_start3A_136, %dma_start3A_137] : memref<10000x128xf32, #tpu.memory_space<hbm>> -> memref<10000x128xf32, #tpu.memory_space<hbm>>
      tpu.enqueue_indirect_dma source(%dma_start3A_138 : memref<10000x128xf32, #tpu.memory_space<hbm>>) target(%dma_start3A_132 : memref<128x128xf32, #tpu.memory_space<vmem>>) offsets(%dma_start3A_135 : memref<128xi32, #tpu.memory_space<vmem>>) semaphore(%arg14 : memref<!tpu.dma_semaphore, #tpu.memory_space<semaphore_mem>>)
      %run_scoped3A_139 = arith.constant 0 : i32
      %run_scoped3A_140 = arith.constant 2 : i32
      "tpu.region"() ({
        %run_scoped3A_267 = tpu.sem_alloc : memref<!tpu.dma_semaphore, #tpu.memory_space<semaphore_mem>>
        %dma_start3A_268 = arith.constant 0 : i32
        %dma_start3A_269 = arith.constant 0 : i32
        %dma_start3A_270 = tpu.memref_slice %arg9[%run_scoped3A_139, %dma_start3A_268, %dma_start3A_269] : memref<2x128x128xf32, #tpu.memory_space<vmem>> -> memref<1x128x128xf32, #tpu.memory_space<vmem>>
        %dma_start3A_271 = tpu.memref_squeeze %dma_start3A_270 : memref<1x128x128xf32, #tpu.memory_space<vmem>> -> memref<128x128xf32, #tpu.memory_space<vmem>>
        %dma_start3A_272 = arith.constant 0 : i32
        %dma_start3A_273 = tpu.memref_slice %arg8[%select_n3A_35, %run_scoped3A_140, %dma_start3A_272] : memref<2x8x128xi32, #tpu.memory_space<vmem>> -> memref<1x1x128xi32, #tpu.memory_space<vmem>>
        %dma_start3A_274 = tpu.memref_squeeze %dma_start3A_273 : memref<1x1x128xi32, #tpu.memory_space<vmem>> -> memref<128xi32, #tpu.memory_space<vmem>>
        %dma_start3A_275 = arith.constant 0 : i32
        %dma_start3A_276 = arith.constant 0 : i32
        %dma_start3A_277 = tpu.memref_slice %arg10[%dma_start3A_275, %dma_start3A_276] : memref<10112x128xf32, #tpu.memory_space<vmem_shared>> -> memref<10112x128xf32, #tpu.memory_space<vmem_shared>>
        tpu.enqueue_indirect_dma source(%dma_start3A_271 : memref<128x128xf32, #tpu.memory_space<vmem>>) target(%dma_start3A_277 : memref<10112x128xf32, #tpu.memory_space<vmem_shared>>) offsets(%dma_start3A_274 : memref<128xi32, #tpu.memory_space<vmem>>) semaphore(%run_scoped3A_267 : memref<!tpu.dma_semaphore, #tpu.memory_space<semaphore_mem>>) {add = true}
        %dma_wait3A_278 = arith.constant 0 : i32
        %dma_wait3A_279 = arith.constant 0 : i32
        %dma_wait3A_280 = tpu.memref_slice %arg9[%run_scoped3A_139, %dma_wait3A_278, %dma_wait3A_279] : memref<2x128x128xf32, #tpu.memory_space<vmem>> -> memref<1x128x128xf32, #tpu.memory_space<vmem>>
        %dma_wait3A_281 = tpu.memref_squeeze %dma_wait3A_280 : memref<1x128x128xf32, #tpu.memory_space<vmem>> -> memref<128x128xf32, #tpu.memory_space<vmem>>
        %dma_wait3A_282 = arith.constant 0 : i32
        %dma_wait3A_283 = tpu.memref_slice %arg8[%select_n3A_35, %run_scoped3A_140, %dma_wait3A_282] : memref<2x8x128xi32, #tpu.memory_space<vmem>> -> memref<1x1x128xi32, #tpu.memory_space<vmem>>
        %dma_wait3A_284 = tpu.memref_squeeze %dma_wait3A_283 : memref<1x1x128xi32, #tpu.memory_space<vmem>> -> memref<128xi32, #tpu.memory_space<vmem>>
        %dma_wait3A_285 = arith.constant 0 : i32
        %dma_wait3A_286 = arith.constant 0 : i32
        %dma_wait3A_287 = tpu.memref_slice %arg10[%dma_wait3A_285, %dma_wait3A_286] : memref<10112x128xf32, #tpu.memory_space<vmem_shared>> -> memref<10112x128xf32, #tpu.memory_space<vmem_shared>>
        tpu.wait_indirect_dma semaphore(%run_scoped3A_267 : memref<!tpu.dma_semaphore, #tpu.memory_space<semaphore_mem>>) src(%dma_wait3A_281 : memref<128x128xf32, #tpu.memory_space<vmem>>) dst(%dma_wait3A_287 : memref<10112x128xf32, #tpu.memory_space<vmem_shared>>)
        tpu.yield
      }) : () -> ()
      %dma_wait3A_141 = arith.constant 3 : i32
      %dma_wait3A_142 = arith.constant 1 : i32
      %dma_wait3A_143 = arith.constant 0 : i32
      %dma_wait3A_144 = arith.constant 0 : i32
      %dma_wait3A_145 = tpu.memref_slice %arg9[%dma_wait3A_142, %dma_wait3A_143, %dma_wait3A_144] : memref<2x128x128xf32, #tpu.memory_space<vmem>> -> memref<1x128x128xf32, #tpu.memory_space<vmem>>
      %dma_wait3A_146 = tpu.memref_squeeze %dma_wait3A_145 : memref<1x128x128xf32, #tpu.memory_space<vmem>> -> memref<128x128xf32, #tpu.memory_space<vmem>>
      %dma_wait3A_147 = arith.constant 0 : i32
      %dma_wait3A_148 = tpu.memref_slice %arg7[%select_n3A_35, %dma_wait3A_141, %dma_wait3A_147] : memref<2x8x128xi32, #tpu.memory_space<vmem>> -> memref<1x1x128xi32, #tpu.memory_space<vmem>>
      %dma_wait3A_149 = tpu.memref_squeeze %dma_wait3A_148 : memref<1x1x128xi32, #tpu.memory_space<vmem>> -> memref<128xi32, #tpu.memory_space<vmem>>
      %dma_wait3A_150 = arith.constant 0 : i32
      %dma_wait3A_151 = arith.constant 0 : i32
      %dma_wait3A_152 = tpu.memref_slice %arg2[%dma_wait3A_150, %dma_wait3A_151] : memref<10000x128xf32, #tpu.memory_space<hbm>> -> memref<10000x128xf32, #tpu.memory_space<hbm>>
      tpu.wait_indirect_dma semaphore(%arg14 : memref<!tpu.dma_semaphore, #tpu.memory_space<semaphore_mem>>) src(%dma_wait3A_152 : memref<10000x128xf32, #tpu.memory_space<hbm>>) dst(%dma_wait3A_146 : memref<128x128xf32, #tpu.memory_space<vmem>>)
      %dma_start3A_153 = arith.constant 4 : i32
      %dma_start3A_154 = arith.constant 0 : i32
      %dma_start3A_155 = arith.constant 0 : i32
      %dma_start3A_156 = arith.constant 0 : i32
      %dma_start3A_157 = tpu.memref_slice %arg9[%dma_start3A_154, %dma_start3A_155, %dma_start3A_156] : memref<2x128x128xf32, #tpu.memory_space<vmem>> -> memref<1x128x128xf32, #tpu.memory_space<vmem>>
      %dma_start3A_158 = tpu.memref_squeeze %dma_start3A_157 : memref<1x128x128xf32, #tpu.memory_space<vmem>> -> memref<128x128xf32, #tpu.memory_space<vmem>>
      %dma_start3A_159 = arith.constant 0 : i32
      %dma_start3A_160 = tpu.memref_slice %arg7[%select_n3A_35, %dma_start3A_153, %dma_start3A_159] : memref<2x8x128xi32, #tpu.memory_space<vmem>> -> memref<1x1x128xi32, #tpu.memory_space<vmem>>
      %dma_start3A_161 = tpu.memref_squeeze %dma_start3A_160 : memref<1x1x128xi32, #tpu.memory_space<vmem>> -> memref<128xi32, #tpu.memory_space<vmem>>
      %dma_start3A_162 = arith.constant 0 : i32
      %dma_start3A_163 = arith.constant 0 : i32
      %dma_start3A_164 = tpu.memref_slice %arg2[%dma_start3A_162, %dma_start3A_163] : memref<10000x128xf32, #tpu.memory_space<hbm>> -> memref<10000x128xf32, #tpu.memory_space<hbm>>
      tpu.enqueue_indirect_dma source(%dma_start3A_164 : memref<10000x128xf32, #tpu.memory_space<hbm>>) target(%dma_start3A_158 : memref<128x128xf32, #tpu.memory_space<vmem>>) offsets(%dma_start3A_161 : memref<128xi32, #tpu.memory_space<vmem>>) semaphore(%arg13 : memref<!tpu.dma_semaphore, #tpu.memory_space<semaphore_mem>>)
      %run_scoped3A_165 = arith.constant 1 : i32
      %run_scoped3A_166 = arith.constant 3 : i32
      "tpu.region"() ({
        %run_scoped3A_267 = tpu.sem_alloc : memref<!tpu.dma_semaphore, #tpu.memory_space<semaphore_mem>>
        %dma_start3A_268 = arith.constant 0 : i32
        %dma_start3A_269 = arith.constant 0 : i32
        %dma_start3A_270 = tpu.memref_slice %arg9[%run_scoped3A_165, %dma_start3A_268, %dma_start3A_269] : memref<2x128x128xf32, #tpu.memory_space<vmem>> -> memref<1x128x128xf32, #tpu.memory_space<vmem>>
        %dma_start3A_271 = tpu.memref_squeeze %dma_start3A_270 : memref<1x128x128xf32, #tpu.memory_space<vmem>> -> memref<128x128xf32, #tpu.memory_space<vmem>>
        %dma_start3A_272 = arith.constant 0 : i32
        %dma_start3A_273 = tpu.memref_slice %arg8[%select_n3A_35, %run_scoped3A_166, %dma_start3A_272] : memref<2x8x128xi32, #tpu.memory_space<vmem>> -> memref<1x1x128xi32, #tpu.memory_space<vmem>>
        %dma_start3A_274 = tpu.memref_squeeze %dma_start3A_273 : memref<1x1x128xi32, #tpu.memory_space<vmem>> -> memref<128xi32, #tpu.memory_space<vmem>>
        %dma_start3A_275 = arith.constant 0 : i32
        %dma_start3A_276 = arith.constant 0 : i32
        %dma_start3A_277 = tpu.memref_slice %arg10[%dma_start3A_275, %dma_start3A_276] : memref<10112x128xf32, #tpu.memory_space<vmem_shared>> -> memref<10112x128xf32, #tpu.memory_space<vmem_shared>>
        tpu.enqueue_indirect_dma source(%dma_start3A_271 : memref<128x128xf32, #tpu.memory_space<vmem>>) target(%dma_start3A_277 : memref<10112x128xf32, #tpu.memory_space<vmem_shared>>) offsets(%dma_start3A_274 : memref<128xi32, #tpu.memory_space<vmem>>) semaphore(%run_scoped3A_267 : memref<!tpu.dma_semaphore, #tpu.memory_space<semaphore_mem>>) {add = true}
        %dma_wait3A_278 = arith.constant 0 : i32
        %dma_wait3A_279 = arith.constant 0 : i32
        %dma_wait3A_280 = tpu.memref_slice %arg9[%run_scoped3A_165, %dma_wait3A_278, %dma_wait3A_279] : memref<2x128x128xf32, #tpu.memory_space<vmem>> -> memref<1x128x128xf32, #tpu.memory_space<vmem>>
        %dma_wait3A_281 = tpu.memref_squeeze %dma_wait3A_280 : memref<1x128x128xf32, #tpu.memory_space<vmem>> -> memref<128x128xf32, #tpu.memory_space<vmem>>
        %dma_wait3A_282 = arith.constant 0 : i32
        %dma_wait3A_283 = tpu.memref_slice %arg8[%select_n3A_35, %run_scoped3A_166, %dma_wait3A_282] : memref<2x8x128xi32, #tpu.memory_space<vmem>> -> memref<1x1x128xi32, #tpu.memory_space<vmem>>
        %dma_wait3A_284 = tpu.memref_squeeze %dma_wait3A_283 : memref<1x1x128xi32, #tpu.memory_space<vmem>> -> memref<128xi32, #tpu.memory_space<vmem>>
        %dma_wait3A_285 = arith.constant 0 : i32
        %dma_wait3A_286 = arith.constant 0 : i32
        %dma_wait3A_287 = tpu.memref_slice %arg10[%dma_wait3A_285, %dma_wait3A_286] : memref<10112x128xf32, #tpu.memory_space<vmem_shared>> -> memref<10112x128xf32, #tpu.memory_space<vmem_shared>>
        tpu.wait_indirect_dma semaphore(%run_scoped3A_267 : memref<!tpu.dma_semaphore, #tpu.memory_space<semaphore_mem>>) src(%dma_wait3A_281 : memref<128x128xf32, #tpu.memory_space<vmem>>) dst(%dma_wait3A_287 : memref<10112x128xf32, #tpu.memory_space<vmem_shared>>)
        tpu.yield
      }) : () -> ()
      %dma_wait3A_167 = arith.constant 4 : i32
      %dma_wait3A_168 = arith.constant 0 : i32
      %dma_wait3A_169 = arith.constant 0 : i32
      %dma_wait3A_170 = arith.constant 0 : i32
      %dma_wait3A_171 = tpu.memref_slice %arg9[%dma_wait3A_168, %dma_wait3A_169, %dma_wait3A_170] : memref<2x128x128xf32, #tpu.memory_space<vmem>> -> memref<1x128x128xf32, #tpu.memory_space<vmem>>
      %dma_wait3A_172 = tpu.memref_squeeze %dma_wait3A_171 : memref<1x128x128xf32, #tpu.memory_space<vmem>> -> memref<128x128xf32, #tpu.memory_space<vmem>>
      %dma_wait3A_173 = arith.constant 0 : i32
      %dma_wait3A_174 = tpu.memref_slice %arg7[%select_n3A_35, %dma_wait3A_167, %dma_wait3A_173] : memref<2x8x128xi32, #tpu.memory_space<vmem>> -> memref<1x1x128xi32, #tpu.memory_space<vmem>>
      %dma_wait3A_175 = tpu.memref_squeeze %dma_wait3A_174 : memref<1x1x128xi32, #tpu.memory_space<vmem>> -> memref<128xi32, #tpu.memory_space<vmem>>
      %dma_wait3A_176 = arith.constant 0 : i32
      %dma_wait3A_177 = arith.constant 0 : i32
      %dma_wait3A_178 = tpu.memref_slice %arg2[%dma_wait3A_176, %dma_wait3A_177] : memref<10000x128xf32, #tpu.memory_space<hbm>> -> memref<10000x128xf32, #tpu.memory_space<hbm>>
      tpu.wait_indirect_dma semaphore(%arg13 : memref<!tpu.dma_semaphore, #tpu.memory_space<semaphore_mem>>) src(%dma_wait3A_178 : memref<10000x128xf32, #tpu.memory_space<hbm>>) dst(%dma_wait3A_172 : memref<128x128xf32, #tpu.memory_space<vmem>>)
      %dma_start3A_179 = arith.constant 5 : i32
      %dma_start3A_180 = arith.constant 1 : i32
      %dma_start3A_181 = arith.constant 0 : i32
      %dma_start3A_182 = arith.constant 0 : i32
      %dma_start3A_183 = tpu.memref_slice %arg9[%dma_start3A_180, %dma_start3A_181, %dma_start3A_182] : memref<2x128x128xf32, #tpu.memory_space<vmem>> -> memref<1x128x128xf32, #tpu.memory_space<vmem>>
      %dma_start3A_184 = tpu.memref_squeeze %dma_start3A_183 : memref<1x128x128xf32, #tpu.memory_space<vmem>> -> memref<128x128xf32, #tpu.memory_space<vmem>>
      %dma_start3A_185 = arith.constant 0 : i32
      %dma_start3A_186 = tpu.memref_slice %arg7[%select_n3A_35, %dma_start3A_179, %dma_start3A_185] : memref<2x8x128xi32, #tpu.memory_space<vmem>> -> memref<1x1x128xi32, #tpu.memory_space<vmem>>
      %dma_start3A_187 = tpu.memref_squeeze %dma_start3A_186 : memref<1x1x128xi32, #tpu.memory_space<vmem>> -> memref<128xi32, #tpu.memory_space<vmem>>
      %dma_start3A_188 = arith.constant 0 : i32
      %dma_start3A_189 = arith.constant 0 : i32
      %dma_start3A_190 = tpu.memref_slice %arg2[%dma_start3A_188, %dma_start3A_189] : memref<10000x128xf32, #tpu.memory_space<hbm>> -> memref<10000x128xf32, #tpu.memory_space<hbm>>
      tpu.enqueue_indirect_dma source(%dma_start3A_190 : memref<10000x128xf32, #tpu.memory_space<hbm>>) target(%dma_start3A_184 : memref<128x128xf32, #tpu.memory_space<vmem>>) offsets(%dma_start3A_187 : memref<128xi32, #tpu.memory_space<vmem>>) semaphore(%arg14 : memref<!tpu.dma_semaphore, #tpu.memory_space<semaphore_mem>>)
      %run_scoped3A_191 = arith.constant 0 : i32
      %run_scoped3A_192 = arith.constant 4 : i32
      "tpu.region"() ({
        %run_scoped3A_267 = tpu.sem_alloc : memref<!tpu.dma_semaphore, #tpu.memory_space<semaphore_mem>>
        %dma_start3A_268 = arith.constant 0 : i32
        %dma_start3A_269 = arith.constant 0 : i32
        %dma_start3A_270 = tpu.memref_slice %arg9[%run_scoped3A_191, %dma_start3A_268, %dma_start3A_269] : memref<2x128x128xf32, #tpu.memory_space<vmem>> -> memref<1x128x128xf32, #tpu.memory_space<vmem>>
        %dma_start3A_271 = tpu.memref_squeeze %dma_start3A_270 : memref<1x128x128xf32, #tpu.memory_space<vmem>> -> memref<128x128xf32, #tpu.memory_space<vmem>>
        %dma_start3A_272 = arith.constant 0 : i32
        %dma_start3A_273 = tpu.memref_slice %arg8[%select_n3A_35, %run_scoped3A_192, %dma_start3A_272] : memref<2x8x128xi32, #tpu.memory_space<vmem>> -> memref<1x1x128xi32, #tpu.memory_space<vmem>>
        %dma_start3A_274 = tpu.memref_squeeze %dma_start3A_273 : memref<1x1x128xi32, #tpu.memory_space<vmem>> -> memref<128xi32, #tpu.memory_space<vmem>>
        %dma_start3A_275 = arith.constant 0 : i32
        %dma_start3A_276 = arith.constant 0 : i32
        %dma_start3A_277 = tpu.memref_slice %arg10[%dma_start3A_275, %dma_start3A_276] : memref<10112x128xf32, #tpu.memory_space<vmem_shared>> -> memref<10112x128xf32, #tpu.memory_space<vmem_shared>>
        tpu.enqueue_indirect_dma source(%dma_start3A_271 : memref<128x128xf32, #tpu.memory_space<vmem>>) target(%dma_start3A_277 : memref<10112x128xf32, #tpu.memory_space<vmem_shared>>) offsets(%dma_start3A_274 : memref<128xi32, #tpu.memory_space<vmem>>) semaphore(%run_scoped3A_267 : memref<!tpu.dma_semaphore, #tpu.memory_space<semaphore_mem>>) {add = true}
        %dma_wait3A_278 = arith.constant 0 : i32
        %dma_wait3A_279 = arith.constant 0 : i32
        %dma_wait3A_280 = tpu.memref_slice %arg9[%run_scoped3A_191, %dma_wait3A_278, %dma_wait3A_279] : memref<2x128x128xf32, #tpu.memory_space<vmem>> -> memref<1x128x128xf32, #tpu.memory_space<vmem>>
        %dma_wait3A_281 = tpu.memref_squeeze %dma_wait3A_280 : memref<1x128x128xf32, #tpu.memory_space<vmem>> -> memref<128x128xf32, #tpu.memory_space<vmem>>
        %dma_wait3A_282 = arith.constant 0 : i32
        %dma_wait3A_283 = tpu.memref_slice %arg8[%select_n3A_35, %run_scoped3A_192, %dma_wait3A_282] : memref<2x8x128xi32, #tpu.memory_space<vmem>> -> memref<1x1x128xi32, #tpu.memory_space<vmem>>
        %dma_wait3A_284 = tpu.memref_squeeze %dma_wait3A_283 : memref<1x1x128xi32, #tpu.memory_space<vmem>> -> memref<128xi32, #tpu.memory_space<vmem>>
        %dma_wait3A_285 = arith.constant 0 : i32
        %dma_wait3A_286 = arith.constant 0 : i32
        %dma_wait3A_287 = tpu.memref_slice %arg10[%dma_wait3A_285, %dma_wait3A_286] : memref<10112x128xf32, #tpu.memory_space<vmem_shared>> -> memref<10112x128xf32, #tpu.memory_space<vmem_shared>>
        tpu.wait_indirect_dma semaphore(%run_scoped3A_267 : memref<!tpu.dma_semaphore, #tpu.memory_space<semaphore_mem>>) src(%dma_wait3A_281 : memref<128x128xf32, #tpu.memory_space<vmem>>) dst(%dma_wait3A_287 : memref<10112x128xf32, #tpu.memory_space<vmem_shared>>)
        tpu.yield
      }) : () -> ()
      %dma_wait3A_193 = arith.constant 5 : i32
      %dma_wait3A_194 = arith.constant 1 : i32
      %dma_wait3A_195 = arith.constant 0 : i32
      %dma_wait3A_196 = arith.constant 0 : i32
      %dma_wait3A_197 = tpu.memref_slice %arg9[%dma_wait3A_194, %dma_wait3A_195, %dma_wait3A_196] : memref<2x128x128xf32, #tpu.memory_space<vmem>> -> memref<1x128x128xf32, #tpu.memory_space<vmem>>
      %dma_wait3A_198 = tpu.memref_squeeze %dma_wait3A_197 : memref<1x128x128xf32, #tpu.memory_space<vmem>> -> memref<128x128xf32, #tpu.memory_space<vmem>>
      %dma_wait3A_199 = arith.constant 0 : i32
      %dma_wait3A_200 = tpu.memref_slice %arg7[%select_n3A_35, %dma_wait3A_193, %dma_wait3A_199] : memref<2x8x128xi32, #tpu.memory_space<vmem>> -> memref<1x1x128xi32, #tpu.memory_space<vmem>>
      %dma_wait3A_201 = tpu.memref_squeeze %dma_wait3A_200 : memref<1x1x128xi32, #tpu.memory_space<vmem>> -> memref<128xi32, #tpu.memory_space<vmem>>
      %dma_wait3A_202 = arith.constant 0 : i32
      %dma_wait3A_203 = arith.constant 0 : i32
      %dma_wait3A_204 = tpu.memref_slice %arg2[%dma_wait3A_202, %dma_wait3A_203] : memref<10000x128xf32, #tpu.memory_space<hbm>> -> memref<10000x128xf32, #tpu.memory_space<hbm>>
      tpu.wait_indirect_dma semaphore(%arg14 : memref<!tpu.dma_semaphore, #tpu.memory_space<semaphore_mem>>) src(%dma_wait3A_204 : memref<10000x128xf32, #tpu.memory_space<hbm>>) dst(%dma_wait3A_198 : memref<128x128xf32, #tpu.memory_space<vmem>>)
      %dma_start3A_205 = arith.constant 6 : i32
      %dma_start3A_206 = arith.constant 0 : i32
      %dma_start3A_207 = arith.constant 0 : i32
      %dma_start3A_208 = arith.constant 0 : i32
      %dma_start3A_209 = tpu.memref_slice %arg9[%dma_start3A_206, %dma_start3A_207, %dma_start3A_208] : memref<2x128x128xf32, #tpu.memory_space<vmem>> -> memref<1x128x128xf32, #tpu.memory_space<vmem>>
      %dma_start3A_210 = tpu.memref_squeeze %dma_start3A_209 : memref<1x128x128xf32, #tpu.memory_space<vmem>> -> memref<128x128xf32, #tpu.memory_space<vmem>>
      %dma_start3A_211 = arith.constant 0 : i32
      %dma_start3A_212 = tpu.memref_slice %arg7[%select_n3A_35, %dma_start3A_205, %dma_start3A_211] : memref<2x8x128xi32, #tpu.memory_space<vmem>> -> memref<1x1x128xi32, #tpu.memory_space<vmem>>
      %dma_start3A_213 = tpu.memref_squeeze %dma_start3A_212 : memref<1x1x128xi32, #tpu.memory_space<vmem>> -> memref<128xi32, #tpu.memory_space<vmem>>
      %dma_start3A_214 = arith.constant 0 : i32
      %dma_start3A_215 = arith.constant 0 : i32
      %dma_start3A_216 = tpu.memref_slice %arg2[%dma_start3A_214, %dma_start3A_215] : memref<10000x128xf32, #tpu.memory_space<hbm>> -> memref<10000x128xf32, #tpu.memory_space<hbm>>
      tpu.enqueue_indirect_dma source(%dma_start3A_216 : memref<10000x128xf32, #tpu.memory_space<hbm>>) target(%dma_start3A_210 : memref<128x128xf32, #tpu.memory_space<vmem>>) offsets(%dma_start3A_213 : memref<128xi32, #tpu.memory_space<vmem>>) semaphore(%arg13 : memref<!tpu.dma_semaphore, #tpu.memory_space<semaphore_mem>>)
      %run_scoped3A_217 = arith.constant 1 : i32
      %run_scoped3A_218 = arith.constant 5 : i32
      "tpu.region"() ({
        %run_scoped3A_267 = tpu.sem_alloc : memref<!tpu.dma_semaphore, #tpu.memory_space<semaphore_mem>>
        %dma_start3A_268 = arith.constant 0 : i32
        %dma_start3A_269 = arith.constant 0 : i32
        %dma_start3A_270 = tpu.memref_slice %arg9[%run_scoped3A_217, %dma_start3A_268, %dma_start3A_269] : memref<2x128x128xf32, #tpu.memory_space<vmem>> -> memref<1x128x128xf32, #tpu.memory_space<vmem>>
        %dma_start3A_271 = tpu.memref_squeeze %dma_start3A_270 : memref<1x128x128xf32, #tpu.memory_space<vmem>> -> memref<128x128xf32, #tpu.memory_space<vmem>>
        %dma_start3A_272 = arith.constant 0 : i32
        %dma_start3A_273 = tpu.memref_slice %arg8[%select_n3A_35, %run_scoped3A_218, %dma_start3A_272] : memref<2x8x128xi32, #tpu.memory_space<vmem>> -> memref<1x1x128xi32, #tpu.memory_space<vmem>>
        %dma_start3A_274 = tpu.memref_squeeze %dma_start3A_273 : memref<1x1x128xi32, #tpu.memory_space<vmem>> -> memref<128xi32, #tpu.memory_space<vmem>>
        %dma_start3A_275 = arith.constant 0 : i32
        %dma_start3A_276 = arith.constant 0 : i32
        %dma_start3A_277 = tpu.memref_slice %arg10[%dma_start3A_275, %dma_start3A_276] : memref<10112x128xf32, #tpu.memory_space<vmem_shared>> -> memref<10112x128xf32, #tpu.memory_space<vmem_shared>>
        tpu.enqueue_indirect_dma source(%dma_start3A_271 : memref<128x128xf32, #tpu.memory_space<vmem>>) target(%dma_start3A_277 : memref<10112x128xf32, #tpu.memory_space<vmem_shared>>) offsets(%dma_start3A_274 : memref<128xi32, #tpu.memory_space<vmem>>) semaphore(%run_scoped3A_267 : memref<!tpu.dma_semaphore, #tpu.memory_space<semaphore_mem>>) {add = true}
        %dma_wait3A_278 = arith.constant 0 : i32
        %dma_wait3A_279 = arith.constant 0 : i32
        %dma_wait3A_280 = tpu.memref_slice %arg9[%run_scoped3A_217, %dma_wait3A_278, %dma_wait3A_279] : memref<2x128x128xf32, #tpu.memory_space<vmem>> -> memref<1x128x128xf32, #tpu.memory_space<vmem>>
        %dma_wait3A_281 = tpu.memref_squeeze %dma_wait3A_280 : memref<1x128x128xf32, #tpu.memory_space<vmem>> -> memref<128x128xf32, #tpu.memory_space<vmem>>
        %dma_wait3A_282 = arith.constant 0 : i32
        %dma_wait3A_283 = tpu.memref_slice %arg8[%select_n3A_35, %run_scoped3A_218, %dma_wait3A_282] : memref<2x8x128xi32, #tpu.memory_space<vmem>> -> memref<1x1x128xi32, #tpu.memory_space<vmem>>
        %dma_wait3A_284 = tpu.memref_squeeze %dma_wait3A_283 : memref<1x1x128xi32, #tpu.memory_space<vmem>> -> memref<128xi32, #tpu.memory_space<vmem>>
        %dma_wait3A_285 = arith.constant 0 : i32
        %dma_wait3A_286 = arith.constant 0 : i32
        %dma_wait3A_287 = tpu.memref_slice %arg10[%dma_wait3A_285, %dma_wait3A_286] : memref<10112x128xf32, #tpu.memory_space<vmem_shared>> -> memref<10112x128xf32, #tpu.memory_space<vmem_shared>>
        tpu.wait_indirect_dma semaphore(%run_scoped3A_267 : memref<!tpu.dma_semaphore, #tpu.memory_space<semaphore_mem>>) src(%dma_wait3A_281 : memref<128x128xf32, #tpu.memory_space<vmem>>) dst(%dma_wait3A_287 : memref<10112x128xf32, #tpu.memory_space<vmem_shared>>)
        tpu.yield
      }) : () -> ()
      %dma_wait3A_219 = arith.constant 6 : i32
      %dma_wait3A_220 = arith.constant 0 : i32
      %dma_wait3A_221 = arith.constant 0 : i32
      %dma_wait3A_222 = arith.constant 0 : i32
      %dma_wait3A_223 = tpu.memref_slice %arg9[%dma_wait3A_220, %dma_wait3A_221, %dma_wait3A_222] : memref<2x128x128xf32, #tpu.memory_space<vmem>> -> memref<1x128x128xf32, #tpu.memory_space<vmem>>
      %dma_wait3A_224 = tpu.memref_squeeze %dma_wait3A_223 : memref<1x128x128xf32, #tpu.memory_space<vmem>> -> memref<128x128xf32, #tpu.memory_space<vmem>>
      %dma_wait3A_225 = arith.constant 0 : i32
      %dma_wait3A_226 = tpu.memref_slice %arg7[%select_n3A_35, %dma_wait3A_219, %dma_wait3A_225] : memref<2x8x128xi32, #tpu.memory_space<vmem>> -> memref<1x1x128xi32, #tpu.memory_space<vmem>>
      %dma_wait3A_227 = tpu.memref_squeeze %dma_wait3A_226 : memref<1x1x128xi32, #tpu.memory_space<vmem>> -> memref<128xi32, #tpu.memory_space<vmem>>
      %dma_wait3A_228 = arith.constant 0 : i32
      %dma_wait3A_229 = arith.constant 0 : i32
      %dma_wait3A_230 = tpu.memref_slice %arg2[%dma_wait3A_228, %dma_wait3A_229] : memref<10000x128xf32, #tpu.memory_space<hbm>> -> memref<10000x128xf32, #tpu.memory_space<hbm>>
      tpu.wait_indirect_dma semaphore(%arg13 : memref<!tpu.dma_semaphore, #tpu.memory_space<semaphore_mem>>) src(%dma_wait3A_230 : memref<10000x128xf32, #tpu.memory_space<hbm>>) dst(%dma_wait3A_224 : memref<128x128xf32, #tpu.memory_space<vmem>>)
      %dma_start3A_231 = arith.constant 7 : i32
      %dma_start3A_232 = arith.constant 1 : i32
      %dma_start3A_233 = arith.constant 0 : i32
      %dma_start3A_234 = arith.constant 0 : i32
      %dma_start3A_235 = tpu.memref_slice %arg9[%dma_start3A_232, %dma_start3A_233, %dma_start3A_234] : memref<2x128x128xf32, #tpu.memory_space<vmem>> -> memref<1x128x128xf32, #tpu.memory_space<vmem>>
      %dma_start3A_236 = tpu.memref_squeeze %dma_start3A_235 : memref<1x128x128xf32, #tpu.memory_space<vmem>> -> memref<128x128xf32, #tpu.memory_space<vmem>>
      %dma_start3A_237 = arith.constant 0 : i32
      %dma_start3A_238 = tpu.memref_slice %arg7[%select_n3A_35, %dma_start3A_231, %dma_start3A_237] : memref<2x8x128xi32, #tpu.memory_space<vmem>> -> memref<1x1x128xi32, #tpu.memory_space<vmem>>
      %dma_start3A_239 = tpu.memref_squeeze %dma_start3A_238 : memref<1x1x128xi32, #tpu.memory_space<vmem>> -> memref<128xi32, #tpu.memory_space<vmem>>
      %dma_start3A_240 = arith.constant 0 : i32
      %dma_start3A_241 = arith.constant 0 : i32
      %dma_start3A_242 = tpu.memref_slice %arg2[%dma_start3A_240, %dma_start3A_241] : memref<10000x128xf32, #tpu.memory_space<hbm>> -> memref<10000x128xf32, #tpu.memory_space<hbm>>
      tpu.enqueue_indirect_dma source(%dma_start3A_242 : memref<10000x128xf32, #tpu.memory_space<hbm>>) target(%dma_start3A_236 : memref<128x128xf32, #tpu.memory_space<vmem>>) offsets(%dma_start3A_239 : memref<128xi32, #tpu.memory_space<vmem>>) semaphore(%arg14 : memref<!tpu.dma_semaphore, #tpu.memory_space<semaphore_mem>>)
      %run_scoped3A_243 = arith.constant 0 : i32
      %run_scoped3A_244 = arith.constant 6 : i32
      "tpu.region"() ({
        %run_scoped3A_267 = tpu.sem_alloc : memref<!tpu.dma_semaphore, #tpu.memory_space<semaphore_mem>>
        %dma_start3A_268 = arith.constant 0 : i32
        %dma_start3A_269 = arith.constant 0 : i32
        %dma_start3A_270 = tpu.memref_slice %arg9[%run_scoped3A_243, %dma_start3A_268, %dma_start3A_269] : memref<2x128x128xf32, #tpu.memory_space<vmem>> -> memref<1x128x128xf32, #tpu.memory_space<vmem>>
        %dma_start3A_271 = tpu.memref_squeeze %dma_start3A_270 : memref<1x128x128xf32, #tpu.memory_space<vmem>> -> memref<128x128xf32, #tpu.memory_space<vmem>>
        %dma_start3A_272 = arith.constant 0 : i32
        %dma_start3A_273 = tpu.memref_slice %arg8[%select_n3A_35, %run_scoped3A_244, %dma_start3A_272] : memref<2x8x128xi32, #tpu.memory_space<vmem>> -> memref<1x1x128xi32, #tpu.memory_space<vmem>>
        %dma_start3A_274 = tpu.memref_squeeze %dma_start3A_273 : memref<1x1x128xi32, #tpu.memory_space<vmem>> -> memref<128xi32, #tpu.memory_space<vmem>>
        %dma_start3A_275 = arith.constant 0 : i32
        %dma_start3A_276 = arith.constant 0 : i32
        %dma_start3A_277 = tpu.memref_slice %arg10[%dma_start3A_275, %dma_start3A_276] : memref<10112x128xf32, #tpu.memory_space<vmem_shared>> -> memref<10112x128xf32, #tpu.memory_space<vmem_shared>>
        tpu.enqueue_indirect_dma source(%dma_start3A_271 : memref<128x128xf32, #tpu.memory_space<vmem>>) target(%dma_start3A_277 : memref<10112x128xf32, #tpu.memory_space<vmem_shared>>) offsets(%dma_start3A_274 : memref<128xi32, #tpu.memory_space<vmem>>) semaphore(%run_scoped3A_267 : memref<!tpu.dma_semaphore, #tpu.memory_space<semaphore_mem>>) {add = true}
        %dma_wait3A_278 = arith.constant 0 : i32
        %dma_wait3A_279 = arith.constant 0 : i32
        %dma_wait3A_280 = tpu.memref_slice %arg9[%run_scoped3A_243, %dma_wait3A_278, %dma_wait3A_279] : memref<2x128x128xf32, #tpu.memory_space<vmem>> -> memref<1x128x128xf32, #tpu.memory_space<vmem>>
        %dma_wait3A_281 = tpu.memref_squeeze %dma_wait3A_280 : memref<1x128x128xf32, #tpu.memory_space<vmem>> -> memref<128x128xf32, #tpu.memory_space<vmem>>
        %dma_wait3A_282 = arith.constant 0 : i32
        %dma_wait3A_283 = tpu.memref_slice %arg8[%select_n3A_35, %run_scoped3A_244, %dma_wait3A_282] : memref<2x8x128xi32, #tpu.memory_space<vmem>> -> memref<1x1x128xi32, #tpu.memory_space<vmem>>
        %dma_wait3A_284 = tpu.memref_squeeze %dma_wait3A_283 : memref<1x1x128xi32, #tpu.memory_space<vmem>> -> memref<128xi32, #tpu.memory_space<vmem>>
        %dma_wait3A_285 = arith.constant 0 : i32
        %dma_wait3A_286 = arith.constant 0 : i32
        %dma_wait3A_287 = tpu.memref_slice %arg10[%dma_wait3A_285, %dma_wait3A_286] : memref<10112x128xf32, #tpu.memory_space<vmem_shared>> -> memref<10112x128xf32, #tpu.memory_space<vmem_shared>>
        tpu.wait_indirect_dma semaphore(%run_scoped3A_267 : memref<!tpu.dma_semaphore, #tpu.memory_space<semaphore_mem>>) src(%dma_wait3A_281 : memref<128x128xf32, #tpu.memory_space<vmem>>) dst(%dma_wait3A_287 : memref<10112x128xf32, #tpu.memory_space<vmem_shared>>)
        tpu.yield
      }) : () -> ()
      %dma_wait3A_245 = arith.constant 7 : i32
      %dma_wait3A_246 = arith.constant 1 : i32
      %dma_wait3A_247 = arith.constant 0 : i32
      %dma_wait3A_248 = arith.constant 0 : i32
      %dma_wait3A_249 = tpu.memref_slice %arg9[%dma_wait3A_246, %dma_wait3A_247, %dma_wait3A_248] : memref<2x128x128xf32, #tpu.memory_space<vmem>> -> memref<1x128x128xf32, #tpu.memory_space<vmem>>
      %dma_wait3A_250 = tpu.memref_squeeze %dma_wait3A_249 : memref<1x128x128xf32, #tpu.memory_space<vmem>> -> memref<128x128xf32, #tpu.memory_space<vmem>>
      %dma_wait3A_251 = arith.constant 0 : i32
      %dma_wait3A_252 = tpu.memref_slice %arg7[%select_n3A_35, %dma_wait3A_245, %dma_wait3A_251] : memref<2x8x128xi32, #tpu.memory_space<vmem>> -> memref<1x1x128xi32, #tpu.memory_space<vmem>>
      %dma_wait3A_253 = tpu.memref_squeeze %dma_wait3A_252 : memref<1x1x128xi32, #tpu.memory_space<vmem>> -> memref<128xi32, #tpu.memory_space<vmem>>
      %dma_wait3A_254 = arith.constant 0 : i32
      %dma_wait3A_255 = arith.constant 0 : i32
      %dma_wait3A_256 = tpu.memref_slice %arg2[%dma_wait3A_254, %dma_wait3A_255] : memref<10000x128xf32, #tpu.memory_space<hbm>> -> memref<10000x128xf32, #tpu.memory_space<hbm>>
      tpu.wait_indirect_dma semaphore(%arg14 : memref<!tpu.dma_semaphore, #tpu.memory_space<semaphore_mem>>) src(%dma_wait3A_256 : memref<10000x128xf32, #tpu.memory_space<hbm>>) dst(%dma_wait3A_250 : memref<128x128xf32, #tpu.memory_space<vmem>>)
      %add3A_257 = arith.constant 1 : i32
      %add3A_258 = arith.addi %scan3A_25, %add3A_257 : i32
      %lt3A_259 = arith.constant 10 : i32
      %lt3A_260 = arith.cmpi slt, %add3A_258, %lt3A_259 : i32
      %convert_element_type3A_261 = arith.extui %lt3A_260 : i1 to i32
      %cond3A_262 = arith.constant 0 : i32
      %cond3A_263 = arith.cmpi ne, %convert_element_type3A_261, %cond3A_262 : i32
      scf.if %cond3A_263 {
        %dma_wait3A_267 = arith.constant 0 : i32
        %dma_wait3A_268 = arith.constant 0 : i32
        %dma_wait3A_269 = tpu.memref_slice %arg7[%select_n3A_53, %dma_wait3A_267, %dma_wait3A_268] : memref<2x8x128xi32, #tpu.memory_space<vmem>> -> memref<1x8x128xi32, #tpu.memory_space<vmem>>
        %dma_wait3A_270 = tpu.memref_squeeze %dma_wait3A_269 : memref<1x8x128xi32, #tpu.memory_space<vmem>> -> memref<8x128xi32, #tpu.memory_space<vmem>>
        %dma_wait3A_271 = arith.constant 0 : i32
        %dma_wait3A_272 = tpu.memref_slice %arg3[%add3A_58, %dma_wait3A_271] : memref<2560x128xi32, #tpu.memory_space<hbm>> -> memref<8x128xi32, #tpu.memory_space<hbm>>
        %dma_wait3A_273 = arith.constant 0 : i32
        %dma_wait3A_274 = arith.constant 0 : i32
        %dma_wait3A_275 = tpu.memref_slice %arg7[%select_n3A_53, %dma_wait3A_273, %dma_wait3A_274] : memref<2x8x128xi32, #tpu.memory_space<vmem>> -> memref<1x8x128xi32, #tpu.memory_space<vmem>>
        %dma_wait3A_276 = tpu.memref_squeeze %dma_wait3A_275 : memref<1x8x128xi32, #tpu.memory_space<vmem>> -> memref<8x128xi32, #tpu.memory_space<vmem>>
        %dma_wait3A_277 = arith.constant 0 : i32
        %dma_wait3A_278 = tpu.memref_slice %arg3[%add3A_58, %dma_wait3A_277] : memref<2560x128xi32, #tpu.memory_space<hbm>> -> memref<8x128xi32, #tpu.memory_space<hbm>>
        tpu.wait_dma2 semaphore(%arg11 : memref<!tpu.dma_semaphore, #tpu.memory_space<semaphore_mem>>) src(%dma_wait3A_278 : memref<8x128xi32, #tpu.memory_space<hbm>>) dst(%dma_wait3A_276 : memref<8x128xi32, #tpu.memory_space<vmem>>)
        %dma_wait3A_279 = arith.constant 0 : i32
        %dma_wait3A_280 = arith.constant 0 : i32
        %dma_wait3A_281 = tpu.memref_slice %arg8[%select_n3A_53, %dma_wait3A_279, %dma_wait3A_280] : memref<2x8x128xi32, #tpu.memory_space<vmem>> -> memref<1x8x128xi32, #tpu.memory_space<vmem>>
        %dma_wait3A_282 = tpu.memref_squeeze %dma_wait3A_281 : memref<1x8x128xi32, #tpu.memory_space<vmem>> -> memref<8x128xi32, #tpu.memory_space<vmem>>
        %dma_wait3A_283 = arith.constant 0 : i32
        %dma_wait3A_284 = tpu.memref_slice %arg4[%add3A_58, %dma_wait3A_283] : memref<2560x128xi32, #tpu.memory_space<hbm>> -> memref<8x128xi32, #tpu.memory_space<hbm>>
        %dma_wait3A_285 = arith.constant 0 : i32
        %dma_wait3A_286 = arith.constant 0 : i32
        %dma_wait3A_287 = tpu.memref_slice %arg8[%select_n3A_53, %dma_wait3A_285, %dma_wait3A_286] : memref<2x8x128xi32, #tpu.memory_space<vmem>> -> memref<1x8x128xi32, #tpu.memory_space<vmem>>
        %dma_wait3A_288 = tpu.memref_squeeze %dma_wait3A_287 : memref<1x8x128xi32, #tpu.memory_space<vmem>> -> memref<8x128xi32, #tpu.memory_space<vmem>>
        %dma_wait3A_289 = arith.constant 0 : i32
        %dma_wait3A_290 = tpu.memref_slice %arg4[%add3A_58, %dma_wait3A_289] : memref<2560x128xi32, #tpu.memory_space<hbm>> -> memref<8x128xi32, #tpu.memory_space<hbm>>
        tpu.wait_dma2 semaphore(%arg12 : memref<!tpu.dma_semaphore, #tpu.memory_space<semaphore_mem>>) src(%dma_wait3A_290 : memref<8x128xi32, #tpu.memory_space<hbm>>) dst(%dma_wait3A_288 : memref<8x128xi32, #tpu.memory_space<vmem>>)
        %dma_start3A_291 = arith.constant 0 : i32
        %dma_start3A_292 = arith.constant 0 : i32
        %dma_start3A_293 = arith.constant 0 : i32
        %dma_start3A_294 = arith.constant 0 : i32
        %dma_start3A_295 = tpu.memref_slice %arg9[%dma_start3A_292, %dma_start3A_293, %dma_start3A_294] : memref<2x128x128xf32, #tpu.memory_space<vmem>> -> memref<1x128x128xf32, #tpu.memory_space<vmem>>
        %dma_start3A_296 = tpu.memref_squeeze %dma_start3A_295 : memref<1x128x128xf32, #tpu.memory_space<vmem>> -> memref<128x128xf32, #tpu.memory_space<vmem>>
        %dma_start3A_297 = arith.constant 0 : i32
        %dma_start3A_298 = tpu.memref_slice %arg7[%select_n3A_53, %dma_start3A_291, %dma_start3A_297] : memref<2x8x128xi32, #tpu.memory_space<vmem>> -> memref<1x1x128xi32, #tpu.memory_space<vmem>>
        %dma_start3A_299 = tpu.memref_squeeze %dma_start3A_298 : memref<1x1x128xi32, #tpu.memory_space<vmem>> -> memref<128xi32, #tpu.memory_space<vmem>>
        %dma_start3A_300 = arith.constant 0 : i32
        %dma_start3A_301 = arith.constant 0 : i32
        %dma_start3A_302 = tpu.memref_slice %arg2[%dma_start3A_300, %dma_start3A_301] : memref<10000x128xf32, #tpu.memory_space<hbm>> -> memref<10000x128xf32, #tpu.memory_space<hbm>>
        tpu.enqueue_indirect_dma source(%dma_start3A_302 : memref<10000x128xf32, #tpu.memory_space<hbm>>) target(%dma_start3A_296 : memref<128x128xf32, #tpu.memory_space<vmem>>) offsets(%dma_start3A_299 : memref<128xi32, #tpu.memory_space<vmem>>) semaphore(%arg13 : memref<!tpu.dma_semaphore, #tpu.memory_space<semaphore_mem>>)
      } else {
      }
      %run_scoped3A_264 = arith.constant 1 : i32
      %run_scoped3A_265 = arith.constant 7 : i32
      "tpu.region"() ({
        %run_scoped3A_267 = tpu.sem_alloc : memref<!tpu.dma_semaphore, #tpu.memory_space<semaphore_mem>>
        %dma_start3A_268 = arith.constant 0 : i32
        %dma_start3A_269 = arith.constant 0 : i32
        %dma_start3A_270 = tpu.memref_slice %arg9[%run_scoped3A_264, %dma_start3A_268, %dma_start3A_269] : memref<2x128x128xf32, #tpu.memory_space<vmem>> -> memref<1x128x128xf32, #tpu.memory_space<vmem>>
        %dma_start3A_271 = tpu.memref_squeeze %dma_start3A_270 : memref<1x128x128xf32, #tpu.memory_space<vmem>> -> memref<128x128xf32, #tpu.memory_space<vmem>>
        %dma_start3A_272 = arith.constant 0 : i32
        %dma_start3A_273 = tpu.memref_slice %arg8[%select_n3A_35, %run_scoped3A_265, %dma_start3A_272] : memref<2x8x128xi32, #tpu.memory_space<vmem>> -> memref<1x1x128xi32, #tpu.memory_space<vmem>>
        %dma_start3A_274 = tpu.memref_squeeze %dma_start3A_273 : memref<1x1x128xi32, #tpu.memory_space<vmem>> -> memref<128xi32, #tpu.memory_space<vmem>>
        %dma_start3A_275 = arith.constant 0 : i32
        %dma_start3A_276 = arith.constant 0 : i32
        %dma_start3A_277 = tpu.memref_slice %arg10[%dma_start3A_275, %dma_start3A_276] : memref<10112x128xf32, #tpu.memory_space<vmem_shared>> -> memref<10112x128xf32, #tpu.memory_space<vmem_shared>>
        tpu.enqueue_indirect_dma source(%dma_start3A_271 : memref<128x128xf32, #tpu.memory_space<vmem>>) target(%dma_start3A_277 : memref<10112x128xf32, #tpu.memory_space<vmem_shared>>) offsets(%dma_start3A_274 : memref<128xi32, #tpu.memory_space<vmem>>) semaphore(%run_scoped3A_267 : memref<!tpu.dma_semaphore, #tpu.memory_space<semaphore_mem>>) {add = true}
        %dma_wait3A_278 = arith.constant 0 : i32
        %dma_wait3A_279 = arith.constant 0 : i32
        %dma_wait3A_280 = tpu.memref_slice %arg9[%run_scoped3A_264, %dma_wait3A_278, %dma_wait3A_279] : memref<2x128x128xf32, #tpu.memory_space<vmem>> -> memref<1x128x128xf32, #tpu.memory_space<vmem>>
        %dma_wait3A_281 = tpu.memref_squeeze %dma_wait3A_280 : memref<1x128x128xf32, #tpu.memory_space<vmem>> -> memref<128x128xf32, #tpu.memory_space<vmem>>
        %dma_wait3A_282 = arith.constant 0 : i32
        %dma_wait3A_283 = tpu.memref_slice %arg8[%select_n3A_35, %run_scoped3A_265, %dma_wait3A_282] : memref<2x8x128xi32, #tpu.memory_space<vmem>> -> memref<1x1x128xi32, #tpu.memory_space<vmem>>
        %dma_wait3A_284 = tpu.memref_squeeze %dma_wait3A_283 : memref<1x1x128xi32, #tpu.memory_space<vmem>> -> memref<128xi32, #tpu.memory_space<vmem>>
        %dma_wait3A_285 = arith.constant 0 : i32
        %dma_wait3A_286 = arith.constant 0 : i32
        %dma_wait3A_287 = tpu.memref_slice %arg10[%dma_wait3A_285, %dma_wait3A_286] : memref<10112x128xf32, #tpu.memory_space<vmem_shared>> -> memref<10112x128xf32, #tpu.memory_space<vmem_shared>>
        tpu.wait_indirect_dma semaphore(%run_scoped3A_267 : memref<!tpu.dma_semaphore, #tpu.memory_space<semaphore_mem>>) src(%dma_wait3A_281 : memref<128x128xf32, #tpu.memory_space<vmem>>) dst(%dma_wait3A_287 : memref<10112x128xf32, #tpu.memory_space<vmem_shared>>)
        tpu.yield
      }) : () -> ()
      %scan3A_266 = arith.constant 0 : i32
      scf.yield %scan3A_266 : i32
    }
    %scan3A_23 = arith.constant 10 : i32
    %barrier3A_24 = arith.constant 0 : index
    tpu.barrier barrier_id(%barrier3A_24)
    "tpu.region"() ({
      %run_scoped3A_25 = tpu.sem_alloc : memref<!tpu.dma_semaphore, #tpu.memory_space<semaphore_mem>>
      %dma_start3A_26 = arith.constant 0 : i32
      %dma_start3A_27 = arith.constant 0 : i32
      %dma_start3A_28 = tpu.memref_slice %arg6[%arg0, %dma_start3A_26, %dma_start3A_27] : memref<2x10112x128xf32, #tpu.memory_space<hbm>> -> memref<1x10112x128xf32, #tpu.memory_space<hbm>>
      %dma_start3A_29 = tpu.memref_squeeze %dma_start3A_28 : memref<1x10112x128xf32, #tpu.memory_space<hbm>> -> memref<10112x128xf32, #tpu.memory_space<hbm>>
      %dma_start3A_30 = arith.constant 0 : i32
      %dma_start3A_31 = tpu.memref_slice %dma_start3A_29[%mul3A_5, %dma_start3A_30] : memref<10112x128xf32, #tpu.memory_space<hbm>> -> memref<632x128xf32, #tpu.memory_space<hbm>>
      %dma_start3A_32 = arith.constant 0 : i32
      %dma_start3A_33 = tpu.memref_slice %arg10[%mul3A_5, %dma_start3A_32] : memref<10112x128xf32, #tpu.memory_space<vmem_shared>> -> memref<632x128xf32, #tpu.memory_space<vmem_shared>>
      tpu.enqueue_dma source(%dma_start3A_33 : memref<632x128xf32, #tpu.memory_space<vmem_shared>>) target(%dma_start3A_31 : memref<632x128xf32, #tpu.memory_space<hbm>>) target_semaphore(%run_scoped3A_25 : memref<!tpu.dma_semaphore, #tpu.memory_space<semaphore_mem>>)
      %dma_wait3A = arith.constant 0 : i32
      %dma_wait3A_34 = arith.constant 0 : i32
      %dma_wait3A_35 = tpu.memref_slice %arg6[%arg0, %dma_wait3A, %dma_wait3A_34] : memref<2x10112x128xf32, #tpu.memory_space<hbm>> -> memref<1x10112x128xf32, #tpu.memory_space<hbm>>
      %dma_wait3A_36 = tpu.memref_squeeze %dma_wait3A_35 : memref<1x10112x128xf32, #tpu.memory_space<hbm>> -> memref<10112x128xf32, #tpu.memory_space<hbm>>
      %dma_wait3A_37 = arith.constant 0 : i32
      %dma_wait3A_38 = tpu.memref_slice %dma_wait3A_36[%mul3A_5, %dma_wait3A_37] : memref<10112x128xf32, #tpu.memory_space<hbm>> -> memref<632x128xf32, #tpu.memory_space<hbm>>
      %dma_wait3A_39 = arith.constant 0 : i32
      %dma_wait3A_40 = tpu.memref_slice %arg10[%mul3A_5, %dma_wait3A_39] : memref<10112x128xf32, #tpu.memory_space<vmem_shared>> -> memref<632x128xf32, #tpu.memory_space<vmem_shared>>
      tpu.wait_dma2 semaphore(%run_scoped3A_25 : memref<!tpu.dma_semaphore, #tpu.memory_space<semaphore_mem>>) src(%dma_wait3A_40 : memref<632x128xf32, #tpu.memory_space<vmem_shared>>) dst(%dma_wait3A_38 : memref<632x128xf32, #tpu.memory_space<hbm>>)
      tpu.yield
    }) : () -> ()
    return
  }
}

#map = affine_map<(d0, d1) -> (0, 0)>
#map1 = affine_map<(d0, d1) -> (0, 0, 0)>
module attributes {stable_mosaic.version = 14 : i64} {
  func.func @_sc_agg(%arg0: i32, %arg1: i32, %arg2: memref<10000x128xf32, #tpu.memory_space<hbm>>, %arg3: memref<2560x128xi32, #tpu.memory_space<hbm>>, %arg4: memref<2560x128xi32, #tpu.memory_space<hbm>>, %arg5: memref<10112x128xf32, #tpu.memory_space<hbm>>, %arg6: memref<2x10112x128xf32, #tpu.memory_space<hbm>>, %arg7: memref<2x8x128xi32, #tpu.memory_space<vmem>>, %arg8: memref<2x8x128xi32, #tpu.memory_space<vmem>>, %arg9: memref<2x128x128xf32, #tpu.memory_space<vmem>>, %arg10: memref<10112x128xf32, #tpu.memory_space<vmem_shared>>, %arg11: memref<!tpu.dma_semaphore, #tpu.memory_space<semaphore_mem>>, %arg12: memref<!tpu.dma_semaphore, #tpu.memory_space<semaphore_mem>>, %arg13: memref<!tpu.dma_semaphore, #tpu.memory_space<semaphore_mem>>, %arg14: memref<!tpu.dma_semaphore, #tpu.memory_space<semaphore_mem>>) attributes {dimension_semantics = [#tpu.dimension_semantics<core_parallel>, #tpu.dimension_semantics<subcore_parallel>], iteration_bounds = array<i64: 2, 16>, scalar_prefetch = 0 : i64, scratch_operands = 8 : i64, tpu.core_type = #tpu.core_type<sc_vector_subcore>, window_params = [{transform_indices = #map}, {transform_indices = #map}, {transform_indices = #map}, {transform_indices = #map}, {transform_indices = #map1}]} {
    %mul3A = arith.constant 16 : i32
    %mul3A_0 = arith.muli %arg0, %mul3A : i32
    %add3A = arith.addi %mul3A_0, %arg1 : i32
    %mul3A_1 = arith.constant 80 : i32
    %mul3A_2 = arith.muli %add3A, %mul3A_1 : i32
    %run_scoped3A = arith.constant 0 : i32
    "tpu.region"() ({
      %run_scoped3A_25 = tpu.sem_alloc : memref<!tpu.dma_semaphore, #tpu.memory_space<semaphore_mem>>
      %dma_start3A_26 = arith.constant 0 : i32
      %dma_start3A_27 = arith.constant 0 : i32
      %dma_start3A_28 = tpu.memref_slice %arg7[%run_scoped3A, %dma_start3A_26, %dma_start3A_27] : memref<2x8x128xi32, #tpu.memory_space<vmem>> -> memref<1x8x128xi32, #tpu.memory_space<vmem>>
      %dma_start3A_29 = tpu.memref_squeeze %dma_start3A_28 : memref<1x8x128xi32, #tpu.memory_space<vmem>> -> memref<8x128xi32, #tpu.memory_space<vmem>>
      %dma_start3A_30 = arith.constant 0 : i32
      %dma_start3A_31 = tpu.memref_slice %arg3[%mul3A_2, %dma_start3A_30] : memref<2560x128xi32, #tpu.memory_space<hbm>> -> memref<8x128xi32, #tpu.memory_space<hbm>>
      %dma_start3A_32 = arith.constant 0 : i32
      %dma_start3A_33 = arith.constant 0 : i32
      %dma_start3A_34 = tpu.memref_slice %arg7[%run_scoped3A, %dma_start3A_32, %dma_start3A_33] : memref<2x8x128xi32, #tpu.memory_space<vmem>> -> memref<1x8x128xi32, #tpu.memory_space<vmem>>
      %dma_start3A_35 = tpu.memref_squeeze %dma_start3A_34 : memref<1x8x128xi32, #tpu.memory_space<vmem>> -> memref<8x128xi32, #tpu.memory_space<vmem>>
      %dma_start3A_36 = arith.constant 0 : i32
      %dma_start3A_37 = tpu.memref_slice %arg3[%mul3A_2, %dma_start3A_36] : memref<2560x128xi32, #tpu.memory_space<hbm>> -> memref<8x128xi32, #tpu.memory_space<hbm>>
      tpu.enqueue_dma source(%dma_start3A_37 : memref<8x128xi32, #tpu.memory_space<hbm>>) target(%dma_start3A_35 : memref<8x128xi32, #tpu.memory_space<vmem>>) target_semaphore(%run_scoped3A_25 : memref<!tpu.dma_semaphore, #tpu.memory_space<semaphore_mem>>)
      %dma_wait3A = arith.constant 0 : i32
      %dma_wait3A_38 = arith.constant 0 : i32
      %dma_wait3A_39 = tpu.memref_slice %arg7[%run_scoped3A, %dma_wait3A, %dma_wait3A_38] : memref<2x8x128xi32, #tpu.memory_space<vmem>> -> memref<1x8x128xi32, #tpu.memory_space<vmem>>
      %dma_wait3A_40 = tpu.memref_squeeze %dma_wait3A_39 : memref<1x8x128xi32, #tpu.memory_space<vmem>> -> memref<8x128xi32, #tpu.memory_space<vmem>>
      %dma_wait3A_41 = arith.constant 0 : i32
      %dma_wait3A_42 = tpu.memref_slice %arg3[%mul3A_2, %dma_wait3A_41] : memref<2560x128xi32, #tpu.memory_space<hbm>> -> memref<8x128xi32, #tpu.memory_space<hbm>>
      %dma_wait3A_43 = arith.constant 0 : i32
      %dma_wait3A_44 = arith.constant 0 : i32
      %dma_wait3A_45 = tpu.memref_slice %arg7[%run_scoped3A, %dma_wait3A_43, %dma_wait3A_44] : memref<2x8x128xi32, #tpu.memory_space<vmem>> -> memref<1x8x128xi32, #tpu.memory_space<vmem>>
      %dma_wait3A_46 = tpu.memref_squeeze %dma_wait3A_45 : memref<1x8x128xi32, #tpu.memory_space<vmem>> -> memref<8x128xi32, #tpu.memory_space<vmem>>
      %dma_wait3A_47 = arith.constant 0 : i32
      %dma_wait3A_48 = tpu.memref_slice %arg3[%mul3A_2, %dma_wait3A_47] : memref<2560x128xi32, #tpu.memory_space<hbm>> -> memref<8x128xi32, #tpu.memory_space<hbm>>
      tpu.wait_dma2 semaphore(%run_scoped3A_25 : memref<!tpu.dma_semaphore, #tpu.memory_space<semaphore_mem>>) src(%dma_wait3A_48 : memref<8x128xi32, #tpu.memory_space<hbm>>) dst(%dma_wait3A_46 : memref<8x128xi32, #tpu.memory_space<vmem>>)
      tpu.yield
    }) : () -> ()
    %run_scoped3A_3 = arith.constant 0 : i32
    "tpu.region"() ({
      %run_scoped3A_25 = tpu.sem_alloc : memref<!tpu.dma_semaphore, #tpu.memory_space<semaphore_mem>>
      %dma_start3A_26 = arith.constant 0 : i32
      %dma_start3A_27 = arith.constant 0 : i32
      %dma_start3A_28 = tpu.memref_slice %arg8[%run_scoped3A_3, %dma_start3A_26, %dma_start3A_27] : memref<2x8x128xi32, #tpu.memory_space<vmem>> -> memref<1x8x128xi32, #tpu.memory_space<vmem>>
      %dma_start3A_29 = tpu.memref_squeeze %dma_start3A_28 : memref<1x8x128xi32, #tpu.memory_space<vmem>> -> memref<8x128xi32, #tpu.memory_space<vmem>>
      %dma_start3A_30 = arith.constant 0 : i32
      %dma_start3A_31 = tpu.memref_slice %arg4[%mul3A_2, %dma_start3A_30] : memref<2560x128xi32, #tpu.memory_space<hbm>> -> memref<8x128xi32, #tpu.memory_space<hbm>>
      %dma_start3A_32 = arith.constant 0 : i32
      %dma_start3A_33 = arith.constant 0 : i32
      %dma_start3A_34 = tpu.memref_slice %arg8[%run_scoped3A_3, %dma_start3A_32, %dma_start3A_33] : memref<2x8x128xi32, #tpu.memory_space<vmem>> -> memref<1x8x128xi32, #tpu.memory_space<vmem>>
      %dma_start3A_35 = tpu.memref_squeeze %dma_start3A_34 : memref<1x8x128xi32, #tpu.memory_space<vmem>> -> memref<8x128xi32, #tpu.memory_space<vmem>>
      %dma_start3A_36 = arith.constant 0 : i32
      %dma_start3A_37 = tpu.memref_slice %arg4[%mul3A_2, %dma_start3A_36] : memref<2560x128xi32, #tpu.memory_space<hbm>> -> memref<8x128xi32, #tpu.memory_space<hbm>>
      tpu.enqueue_dma source(%dma_start3A_37 : memref<8x128xi32, #tpu.memory_space<hbm>>) target(%dma_start3A_35 : memref<8x128xi32, #tpu.memory_space<vmem>>) target_semaphore(%run_scoped3A_25 : memref<!tpu.dma_semaphore, #tpu.memory_space<semaphore_mem>>)
      %dma_wait3A = arith.constant 0 : i32
      %dma_wait3A_38 = arith.constant 0 : i32
      %dma_wait3A_39 = tpu.memref_slice %arg8[%run_scoped3A_3, %dma_wait3A, %dma_wait3A_38] : memref<2x8x128xi32, #tpu.memory_space<vmem>> -> memref<1x8x128xi32, #tpu.memory_space<vmem>>
      %dma_wait3A_40 = tpu.memref_squeeze %dma_wait3A_39 : memref<1x8x128xi32, #tpu.memory_space<vmem>> -> memref<8x128xi32, #tpu.memory_space<vmem>>
      %dma_wait3A_41 = arith.constant 0 : i32
      %dma_wait3A_42 = tpu.memref_slice %arg4[%mul3A_2, %dma_wait3A_41] : memref<2560x128xi32, #tpu.memory_space<hbm>> -> memref<8x128xi32, #tpu.memory_space<hbm>>
      %dma_wait3A_43 = arith.constant 0 : i32
      %dma_wait3A_44 = arith.constant 0 : i32
      %dma_wait3A_45 = tpu.memref_slice %arg8[%run_scoped3A_3, %dma_wait3A_43, %dma_wait3A_44] : memref<2x8x128xi32, #tpu.memory_space<vmem>> -> memref<1x8x128xi32, #tpu.memory_space<vmem>>
      %dma_wait3A_46 = tpu.memref_squeeze %dma_wait3A_45 : memref<1x8x128xi32, #tpu.memory_space<vmem>> -> memref<8x128xi32, #tpu.memory_space<vmem>>
      %dma_wait3A_47 = arith.constant 0 : i32
      %dma_wait3A_48 = tpu.memref_slice %arg4[%mul3A_2, %dma_wait3A_47] : memref<2560x128xi32, #tpu.memory_space<hbm>> -> memref<8x128xi32, #tpu.memory_space<hbm>>
      tpu.wait_dma2 semaphore(%run_scoped3A_25 : memref<!tpu.dma_semaphore, #tpu.memory_space<semaphore_mem>>) src(%dma_wait3A_48 : memref<8x128xi32, #tpu.memory_space<hbm>>) dst(%dma_wait3A_46 : memref<8x128xi32, #tpu.memory_space<vmem>>)
      tpu.yield
    }) : () -> ()
    %mul3A_4 = arith.constant 632 : i32
    %mul3A_5 = arith.muli %arg1, %mul3A_4 : i32
    "tpu.region"() ({
      %run_scoped3A_25 = tpu.sem_alloc : memref<!tpu.dma_semaphore, #tpu.memory_space<semaphore_mem>>
      %dma_start3A_26 = arith.constant 0 : i32
      %dma_start3A_27 = tpu.memref_slice %arg10[%mul3A_5, %dma_start3A_26] : memref<10112x128xf32, #tpu.memory_space<vmem_shared>> -> memref<632x128xf32, #tpu.memory_space<vmem_shared>>
      %dma_start3A_28 = arith.constant 0 : i32
      %dma_start3A_29 = tpu.memref_slice %arg5[%mul3A_5, %dma_start3A_28] : memref<10112x128xf32, #tpu.memory_space<hbm>> -> memref<632x128xf32, #tpu.memory_space<hbm>>
      tpu.enqueue_dma source(%dma_start3A_29 : memref<632x128xf32, #tpu.memory_space<hbm>>) target(%dma_start3A_27 : memref<632x128xf32, #tpu.memory_space<vmem_shared>>) target_semaphore(%run_scoped3A_25 : memref<!tpu.dma_semaphore, #tpu.memory_space<semaphore_mem>>)
      %dma_wait3A = arith.constant 0 : i32
      %dma_wait3A_30 = tpu.memref_slice %arg10[%mul3A_5, %dma_wait3A] : memref<10112x128xf32, #tpu.memory_space<vmem_shared>> -> memref<632x128xf32, #tpu.memory_space<vmem_shared>>
      %dma_wait3A_31 = arith.constant 0 : i32
      %dma_wait3A_32 = tpu.memref_slice %arg5[%mul3A_5, %dma_wait3A_31] : memref<10112x128xf32, #tpu.memory_space<hbm>> -> memref<632x128xf32, #tpu.memory_space<hbm>>
      tpu.wait_dma2 semaphore(%run_scoped3A_25 : memref<!tpu.dma_semaphore, #tpu.memory_space<semaphore_mem>>) src(%dma_wait3A_32 : memref<632x128xf32, #tpu.memory_space<hbm>>) dst(%dma_wait3A_30 : memref<632x128xf32, #tpu.memory_space<vmem_shared>>)
      tpu.yield
    }) : () -> ()
    %barrier3A = arith.constant 0 : index
    tpu.barrier barrier_id(%barrier3A)
    %dma_start3A = arith.constant 0 : i32
    %dma_start3A_6 = arith.constant 0 : i32
    %dma_start3A_7 = arith.constant 0 : i32
    %dma_start3A_8 = arith.constant 0 : i32
    %dma_start3A_9 = arith.constant 0 : i32
    %dma_start3A_10 = tpu.memref_slice %arg9[%dma_start3A_7, %dma_start3A_8, %dma_start3A_9] : memref<2x128x128xf32, #tpu.memory_space<vmem>> -> memref<1x128x128xf32, #tpu.memory_space<vmem>>
    %dma_start3A_11 = tpu.memref_squeeze %dma_start3A_10 : memref<1x128x128xf32, #tpu.memory_space<vmem>> -> memref<128x128xf32, #tpu.memory_space<vmem>>
    %dma_start3A_12 = arith.constant 0 : i32
    %dma_start3A_13 = tpu.memref_slice %arg7[%dma_start3A, %dma_start3A_6, %dma_start3A_12] : memref<2x8x128xi32, #tpu.memory_space<vmem>> -> memref<1x1x128xi32, #tpu.memory_space<vmem>>
    %dma_start3A_14 = tpu.memref_squeeze %dma_start3A_13 : memref<1x1x128xi32, #tpu.memory_space<vmem>> -> memref<128xi32, #tpu.memory_space<vmem>>
    %dma_start3A_15 = arith.constant 0 : i32
    %dma_start3A_16 = arith.constant 0 : i32
    %dma_start3A_17 = tpu.memref_slice %arg2[%dma_start3A_15, %dma_start3A_16] : memref<10000x128xf32, #tpu.memory_space<hbm>> -> memref<10000x128xf32, #tpu.memory_space<hbm>>
    tpu.enqueue_indirect_dma source(%dma_start3A_17 : memref<10000x128xf32, #tpu.memory_space<hbm>>) target(%dma_start3A_11 : memref<128x128xf32, #tpu.memory_space<vmem>>) offsets(%dma_start3A_14 : memref<128xi32, #tpu.memory_space<vmem>>) semaphore(%arg13 : memref<!tpu.dma_semaphore, #tpu.memory_space<semaphore_mem>>)
    %scan3A = arith.constant 0 : i32
    %scan3A_18 = arith.constant 0 : i32
    %scan3A_19 = arith.constant 10 : i32
    %scan3A_20 = arith.addi %scan3A_18, %scan3A_19 : i32
    %scan3A_21 = arith.constant 1 : i32
    %scan3A_22 = scf.for %scan3A_25 = %scan3A_18 to %scan3A_20 step %scan3A_21 iter_args(%scan3A_26 = %scan3A) -> (i32)  : i32 {
      %jit3A = arith.constant 2 : i32
      %eq3A = arith.constant 0 : i32
      %eq3A_27 = arith.cmpi eq, %jit3A, %eq3A : i32
      %jit3A_28 = arith.constant 1 : i32
      %select_n3A = arith.select %eq3A_27, %jit3A_28, %jit3A : i32
      %rem3A = arith.remsi %scan3A_25, %select_n3A : i32
      %ne3A = arith.constant 0 : i32
      %ne3A_29 = arith.cmpi ne, %rem3A, %ne3A : i32
      %lt3A = arith.constant 0 : i32
      %lt3A_30 = arith.cmpi slt, %rem3A, %lt3A : i32
      %lt3A_31 = arith.constant 0 : i32
      %lt3A_32 = arith.cmpi slt, %select_n3A, %lt3A_31 : i32
      %ne3A_33 = arith.xori %lt3A_30, %lt3A_32 : i1
      %and3A = arith.andi %ne3A_33, %ne3A_29 : i1
      %add3A_34 = arith.addi %rem3A, %select_n3A : i32
      %select_n3A_35 = arith.select %and3A, %add3A_34, %rem3A : i32
      %add3A_36 = arith.constant 1 : i32
      %add3A_37 = arith.addi %scan3A_25, %add3A_36 : i32
      %jit3A_38 = arith.constant 2 : i32
      %eq3A_39 = arith.constant 0 : i32
      %eq3A_40 = arith.cmpi eq, %jit3A_38, %eq3A_39 : i32
      %jit3A_41 = arith.constant 1 : i32
      %select_n3A_42 = arith.select %eq3A_40, %jit3A_41, %jit3A_38 : i32
      %rem3A_43 = arith.remsi %add3A_37, %select_n3A_42 : i32
      %ne3A_44 = arith.constant 0 : i32
      %ne3A_45 = arith.cmpi ne, %rem3A_43, %ne3A_44 : i32
      %lt3A_46 = arith.constant 0 : i32
      %lt3A_47 = arith.cmpi slt, %rem3A_43, %lt3A_46 : i32
      %lt3A_48 = arith.constant 0 : i32
      %lt3A_49 = arith.cmpi slt, %select_n3A_42, %lt3A_48 : i32
      %ne3A_50 = arith.xori %lt3A_47, %lt3A_49 : i1
      %and3A_51 = arith.andi %ne3A_50, %ne3A_45 : i1
      %add3A_52 = arith.addi %rem3A_43, %select_n3A_42 : i32
      %select_n3A_53 = arith.select %and3A_51, %add3A_52, %rem3A_43 : i32
      %add3A_54 = arith.constant 1 : i32
      %add3A_55 = arith.addi %scan3A_25, %add3A_54 : i32
      %mul3A_56 = arith.constant 8 : i32
      %mul3A_57 = arith.muli %add3A_55, %mul3A_56 : i32
      %add3A_58 = arith.addi %mul3A_2, %mul3A_57 : i32
      %add3A_59 = arith.constant 1 : i32
      %add3A_60 = arith.addi %scan3A_25, %add3A_59 : i32
      %lt3A_61 = arith.constant 10 : i32
      %lt3A_62 = arith.cmpi slt, %add3A_60, %lt3A_61 : i32
      %convert_element_type3A = arith.extui %lt3A_62 : i1 to i32
      %cond3A = arith.constant 0 : i32
      %cond3A_63 = arith.cmpi ne, %convert_element_type3A, %cond3A : i32
      scf.if %cond3A_63 {
        %dma_start3A_267 = arith.constant 0 : i32
        %dma_start3A_268 = arith.constant 0 : i32
        %dma_start3A_269 = tpu.memref_slice %arg7[%select_n3A_53, %dma_start3A_267, %dma_start3A_268] : memref<2x8x128xi32, #tpu.memory_space<vmem>> -> memref<1x8x128xi32, #tpu.memory_space<vmem>>
        %dma_start3A_270 = tpu.memref_squeeze %dma_start3A_269 : memref<1x8x128xi32, #tpu.memory_space<vmem>> -> memref<8x128xi32, #tpu.memory_space<vmem>>
        %dma_start3A_271 = arith.constant 0 : i32
        %dma_start3A_272 = tpu.memref_slice %arg3[%add3A_58, %dma_start3A_271] : memref<2560x128xi32, #tpu.memory_space<hbm>> -> memref<8x128xi32, #tpu.memory_space<hbm>>
        %dma_start3A_273 = arith.constant 0 : i32
        %dma_start3A_274 = arith.constant 0 : i32
        %dma_start3A_275 = tpu.memref_slice %arg7[%select_n3A_53, %dma_start3A_273, %dma_start3A_274] : memref<2x8x128xi32, #tpu.memory_space<vmem>> -> memref<1x8x128xi32, #tpu.memory_space<vmem>>
        %dma_start3A_276 = tpu.memref_squeeze %dma_start3A_275 : memref<1x8x128xi32, #tpu.memory_space<vmem>> -> memref<8x128xi32, #tpu.memory_space<vmem>>
        %dma_start3A_277 = arith.constant 0 : i32
        %dma_start3A_278 = tpu.memref_slice %arg3[%add3A_58, %dma_start3A_277] : memref<2560x128xi32, #tpu.memory_space<hbm>> -> memref<8x128xi32, #tpu.memory_space<hbm>>
        tpu.enqueue_dma source(%dma_start3A_278 : memref<8x128xi32, #tpu.memory_space<hbm>>) target(%dma_start3A_276 : memref<8x128xi32, #tpu.memory_space<vmem>>) target_semaphore(%arg11 : memref<!tpu.dma_semaphore, #tpu.memory_space<semaphore_mem>>)
        %dma_start3A_279 = arith.constant 0 : i32
        %dma_start3A_280 = arith.constant 0 : i32
        %dma_start3A_281 = tpu.memref_slice %arg8[%select_n3A_53, %dma_start3A_279, %dma_start3A_280] : memref<2x8x128xi32, #tpu.memory_space<vmem>> -> memref<1x8x128xi32, #tpu.memory_space<vmem>>
        %dma_start3A_282 = tpu.memref_squeeze %dma_start3A_281 : memref<1x8x128xi32, #tpu.memory_space<vmem>> -> memref<8x128xi32, #tpu.memory_space<vmem>>
        %dma_start3A_283 = arith.constant 0 : i32
        %dma_start3A_284 = tpu.memref_slice %arg4[%add3A_58, %dma_start3A_283] : memref<2560x128xi32, #tpu.memory_space<hbm>> -> memref<8x128xi32, #tpu.memory_space<hbm>>
        %dma_start3A_285 = arith.constant 0 : i32
        %dma_start3A_286 = arith.constant 0 : i32
        %dma_start3A_287 = tpu.memref_slice %arg8[%select_n3A_53, %dma_start3A_285, %dma_start3A_286] : memref<2x8x128xi32, #tpu.memory_space<vmem>> -> memref<1x8x128xi32, #tpu.memory_space<vmem>>
        %dma_start3A_288 = tpu.memref_squeeze %dma_start3A_287 : memref<1x8x128xi32, #tpu.memory_space<vmem>> -> memref<8x128xi32, #tpu.memory_space<vmem>>
        %dma_start3A_289 = arith.constant 0 : i32
        %dma_start3A_290 = tpu.memref_slice %arg4[%add3A_58, %dma_start3A_289] : memref<2560x128xi32, #tpu.memory_space<hbm>> -> memref<8x128xi32, #tpu.memory_space<hbm>>
        tpu.enqueue_dma source(%dma_start3A_290 : memref<8x128xi32, #tpu.memory_space<hbm>>) target(%dma_start3A_288 : memref<8x128xi32, #tpu.memory_space<vmem>>) target_semaphore(%arg12 : memref<!tpu.dma_semaphore, #tpu.memory_space<semaphore_mem>>)
      } else {
      }
      %dma_wait3A = arith.constant 0 : i32
      %dma_wait3A_64 = arith.constant 0 : i32
      %dma_wait3A_65 = arith.constant 0 : i32
      %dma_wait3A_66 = arith.constant 0 : i32
      %dma_wait3A_67 = tpu.memref_slice %arg9[%dma_wait3A_64, %dma_wait3A_65, %dma_wait3A_66] : memref<2x128x128xf32, #tpu.memory_space<vmem>> -> memref<1x128x128xf32, #tpu.memory_space<vmem>>
      %dma_wait3A_68 = tpu.memref_squeeze %dma_wait3A_67 : memref<1x128x128xf32, #tpu.memory_space<vmem>> -> memref<128x128xf32, #tpu.memory_space<vmem>>
      %dma_wait3A_69 = arith.constant 0 : i32
      %dma_wait3A_70 = tpu.memref_slice %arg7[%select_n3A_35, %dma_wait3A, %dma_wait3A_69] : memref<2x8x128xi32, #tpu.memory_space<vmem>> -> memref<1x1x128xi32, #tpu.memory_space<vmem>>
      %dma_wait3A_71 = tpu.memref_squeeze %dma_wait3A_70 : memref<1x1x128xi32, #tpu.memory_space<vmem>> -> memref<128xi32, #tpu.memory_space<vmem>>
      %dma_wait3A_72 = arith.constant 0 : i32
      %dma_wait3A_73 = arith.constant 0 : i32
      %dma_wait3A_74 = tpu.memref_slice %arg2[%dma_wait3A_72, %dma_wait3A_73] : memref<10000x128xf32, #tpu.memory_space<hbm>> -> memref<10000x128xf32, #tpu.memory_space<hbm>>
      tpu.wait_indirect_dma semaphore(%arg13 : memref<!tpu.dma_semaphore, #tpu.memory_space<semaphore_mem>>) src(%dma_wait3A_74 : memref<10000x128xf32, #tpu.memory_space<hbm>>) dst(%dma_wait3A_68 : memref<128x128xf32, #tpu.memory_space<vmem>>)
      %dma_start3A_75 = arith.constant 1 : i32
      %dma_start3A_76 = arith.constant 1 : i32
      %dma_start3A_77 = arith.constant 0 : i32
      %dma_start3A_78 = arith.constant 0 : i32
      %dma_start3A_79 = tpu.memref_slice %arg9[%dma_start3A_76, %dma_start3A_77, %dma_start3A_78] : memref<2x128x128xf32, #tpu.memory_space<vmem>> -> memref<1x128x128xf32, #tpu.memory_space<vmem>>
      %dma_start3A_80 = tpu.memref_squeeze %dma_start3A_79 : memref<1x128x128xf32, #tpu.memory_space<vmem>> -> memref<128x128xf32, #tpu.memory_space<vmem>>
      %dma_start3A_81 = arith.constant 0 : i32
      %dma_start3A_82 = tpu.memref_slice %arg7[%select_n3A_35, %dma_start3A_75, %dma_start3A_81] : memref<2x8x128xi32, #tpu.memory_space<vmem>> -> memref<1x1x128xi32, #tpu.memory_space<vmem>>
      %dma_start3A_83 = tpu.memref_squeeze %dma_start3A_82 : memref<1x1x128xi32, #tpu.memory_space<vmem>> -> memref<128xi32, #tpu.memory_space<vmem>>
      %dma_start3A_84 = arith.constant 0 : i32
      %dma_start3A_85 = arith.constant 0 : i32
      %dma_start3A_86 = tpu.memref_slice %arg2[%dma_start3A_84, %dma_start3A_85] : memref<10000x128xf32, #tpu.memory_space<hbm>> -> memref<10000x128xf32, #tpu.memory_space<hbm>>
      tpu.enqueue_indirect_dma source(%dma_start3A_86 : memref<10000x128xf32, #tpu.memory_space<hbm>>) target(%dma_start3A_80 : memref<128x128xf32, #tpu.memory_space<vmem>>) offsets(%dma_start3A_83 : memref<128xi32, #tpu.memory_space<vmem>>) semaphore(%arg14 : memref<!tpu.dma_semaphore, #tpu.memory_space<semaphore_mem>>)
      %run_scoped3A_87 = arith.constant 0 : i32
      %run_scoped3A_88 = arith.constant 0 : i32
      "tpu.region"() ({
        %run_scoped3A_267 = tpu.sem_alloc : memref<!tpu.dma_semaphore, #tpu.memory_space<semaphore_mem>>
        %dma_start3A_268 = arith.constant 0 : i32
        %dma_start3A_269 = arith.constant 0 : i32
        %dma_start3A_270 = tpu.memref_slice %arg9[%run_scoped3A_87, %dma_start3A_268, %dma_start3A_269] : memref<2x128x128xf32, #tpu.memory_space<vmem>> -> memref<1x128x128xf32, #tpu.memory_space<vmem>>
        %dma_start3A_271 = tpu.memref_squeeze %dma_start3A_270 : memref<1x128x128xf32, #tpu.memory_space<vmem>> -> memref<128x128xf32, #tpu.memory_space<vmem>>
        %dma_start3A_272 = arith.constant 0 : i32
        %dma_start3A_273 = tpu.memref_slice %arg8[%select_n3A_35, %run_scoped3A_88, %dma_start3A_272] : memref<2x8x128xi32, #tpu.memory_space<vmem>> -> memref<1x1x128xi32, #tpu.memory_space<vmem>>
        %dma_start3A_274 = tpu.memref_squeeze %dma_start3A_273 : memref<1x1x128xi32, #tpu.memory_space<vmem>> -> memref<128xi32, #tpu.memory_space<vmem>>
        %dma_start3A_275 = arith.constant 0 : i32
        %dma_start3A_276 = arith.constant 0 : i32
        %dma_start3A_277 = tpu.memref_slice %arg10[%dma_start3A_275, %dma_start3A_276] : memref<10112x128xf32, #tpu.memory_space<vmem_shared>> -> memref<10112x128xf32, #tpu.memory_space<vmem_shared>>
        tpu.enqueue_indirect_dma source(%dma_start3A_271 : memref<128x128xf32, #tpu.memory_space<vmem>>) target(%dma_start3A_277 : memref<10112x128xf32, #tpu.memory_space<vmem_shared>>) offsets(%dma_start3A_274 : memref<128xi32, #tpu.memory_space<vmem>>) semaphore(%run_scoped3A_267 : memref<!tpu.dma_semaphore, #tpu.memory_space<semaphore_mem>>) {add = true}
        %dma_wait3A_278 = arith.constant 0 : i32
        %dma_wait3A_279 = arith.constant 0 : i32
        %dma_wait3A_280 = tpu.memref_slice %arg9[%run_scoped3A_87, %dma_wait3A_278, %dma_wait3A_279] : memref<2x128x128xf32, #tpu.memory_space<vmem>> -> memref<1x128x128xf32, #tpu.memory_space<vmem>>
        %dma_wait3A_281 = tpu.memref_squeeze %dma_wait3A_280 : memref<1x128x128xf32, #tpu.memory_space<vmem>> -> memref<128x128xf32, #tpu.memory_space<vmem>>
        %dma_wait3A_282 = arith.constant 0 : i32
        %dma_wait3A_283 = tpu.memref_slice %arg8[%select_n3A_35, %run_scoped3A_88, %dma_wait3A_282] : memref<2x8x128xi32, #tpu.memory_space<vmem>> -> memref<1x1x128xi32, #tpu.memory_space<vmem>>
        %dma_wait3A_284 = tpu.memref_squeeze %dma_wait3A_283 : memref<1x1x128xi32, #tpu.memory_space<vmem>> -> memref<128xi32, #tpu.memory_space<vmem>>
        %dma_wait3A_285 = arith.constant 0 : i32
        %dma_wait3A_286 = arith.constant 0 : i32
        %dma_wait3A_287 = tpu.memref_slice %arg10[%dma_wait3A_285, %dma_wait3A_286] : memref<10112x128xf32, #tpu.memory_space<vmem_shared>> -> memref<10112x128xf32, #tpu.memory_space<vmem_shared>>
        tpu.wait_indirect_dma semaphore(%run_scoped3A_267 : memref<!tpu.dma_semaphore, #tpu.memory_space<semaphore_mem>>) src(%dma_wait3A_281 : memref<128x128xf32, #tpu.memory_space<vmem>>) dst(%dma_wait3A_287 : memref<10112x128xf32, #tpu.memory_space<vmem_shared>>)
        tpu.yield
      }) : () -> ()
      %dma_wait3A_89 = arith.constant 1 : i32
      %dma_wait3A_90 = arith.constant 1 : i32
      %dma_wait3A_91 = arith.constant 0 : i32
      %dma_wait3A_92 = arith.constant 0 : i32
      %dma_wait3A_93 = tpu.memref_slice %arg9[%dma_wait3A_90, %dma_wait3A_91, %dma_wait3A_92] : memref<2x128x128xf32, #tpu.memory_space<vmem>> -> memref<1x128x128xf32, #tpu.memory_space<vmem>>
      %dma_wait3A_94 = tpu.memref_squeeze %dma_wait3A_93 : memref<1x128x128xf32, #tpu.memory_space<vmem>> -> memref<128x128xf32, #tpu.memory_space<vmem>>
      %dma_wait3A_95 = arith.constant 0 : i32
      %dma_wait3A_96 = tpu.memref_slice %arg7[%select_n3A_35, %dma_wait3A_89, %dma_wait3A_95] : memref<2x8x128xi32, #tpu.memory_space<vmem>> -> memref<1x1x128xi32, #tpu.memory_space<vmem>>
      %dma_wait3A_97 = tpu.memref_squeeze %dma_wait3A_96 : memref<1x1x128xi32, #tpu.memory_space<vmem>> -> memref<128xi32, #tpu.memory_space<vmem>>
      %dma_wait3A_98 = arith.constant 0 : i32
      %dma_wait3A_99 = arith.constant 0 : i32
      %dma_wait3A_100 = tpu.memref_slice %arg2[%dma_wait3A_98, %dma_wait3A_99] : memref<10000x128xf32, #tpu.memory_space<hbm>> -> memref<10000x128xf32, #tpu.memory_space<hbm>>
      tpu.wait_indirect_dma semaphore(%arg14 : memref<!tpu.dma_semaphore, #tpu.memory_space<semaphore_mem>>) src(%dma_wait3A_100 : memref<10000x128xf32, #tpu.memory_space<hbm>>) dst(%dma_wait3A_94 : memref<128x128xf32, #tpu.memory_space<vmem>>)
      %dma_start3A_101 = arith.constant 2 : i32
      %dma_start3A_102 = arith.constant 0 : i32
      %dma_start3A_103 = arith.constant 0 : i32
      %dma_start3A_104 = arith.constant 0 : i32
      %dma_start3A_105 = tpu.memref_slice %arg9[%dma_start3A_102, %dma_start3A_103, %dma_start3A_104] : memref<2x128x128xf32, #tpu.memory_space<vmem>> -> memref<1x128x128xf32, #tpu.memory_space<vmem>>
      %dma_start3A_106 = tpu.memref_squeeze %dma_start3A_105 : memref<1x128x128xf32, #tpu.memory_space<vmem>> -> memref<128x128xf32, #tpu.memory_space<vmem>>
      %dma_start3A_107 = arith.constant 0 : i32
      %dma_start3A_108 = tpu.memref_slice %arg7[%select_n3A_35, %dma_start3A_101, %dma_start3A_107] : memref<2x8x128xi32, #tpu.memory_space<vmem>> -> memref<1x1x128xi32, #tpu.memory_space<vmem>>
      %dma_start3A_109 = tpu.memref_squeeze %dma_start3A_108 : memref<1x1x128xi32, #tpu.memory_space<vmem>> -> memref<128xi32, #tpu.memory_space<vmem>>
      %dma_start3A_110 = arith.constant 0 : i32
      %dma_start3A_111 = arith.constant 0 : i32
      %dma_start3A_112 = tpu.memref_slice %arg2[%dma_start3A_110, %dma_start3A_111] : memref<10000x128xf32, #tpu.memory_space<hbm>> -> memref<10000x128xf32, #tpu.memory_space<hbm>>
      tpu.enqueue_indirect_dma source(%dma_start3A_112 : memref<10000x128xf32, #tpu.memory_space<hbm>>) target(%dma_start3A_106 : memref<128x128xf32, #tpu.memory_space<vmem>>) offsets(%dma_start3A_109 : memref<128xi32, #tpu.memory_space<vmem>>) semaphore(%arg13 : memref<!tpu.dma_semaphore, #tpu.memory_space<semaphore_mem>>)
      %run_scoped3A_113 = arith.constant 1 : i32
      %run_scoped3A_114 = arith.constant 1 : i32
      "tpu.region"() ({
        %run_scoped3A_267 = tpu.sem_alloc : memref<!tpu.dma_semaphore, #tpu.memory_space<semaphore_mem>>
        %dma_start3A_268 = arith.constant 0 : i32
        %dma_start3A_269 = arith.constant 0 : i32
        %dma_start3A_270 = tpu.memref_slice %arg9[%run_scoped3A_113, %dma_start3A_268, %dma_start3A_269] : memref<2x128x128xf32, #tpu.memory_space<vmem>> -> memref<1x128x128xf32, #tpu.memory_space<vmem>>
        %dma_start3A_271 = tpu.memref_squeeze %dma_start3A_270 : memref<1x128x128xf32, #tpu.memory_space<vmem>> -> memref<128x128xf32, #tpu.memory_space<vmem>>
        %dma_start3A_272 = arith.constant 0 : i32
        %dma_start3A_273 = tpu.memref_slice %arg8[%select_n3A_35, %run_scoped3A_114, %dma_start3A_272] : memref<2x8x128xi32, #tpu.memory_space<vmem>> -> memref<1x1x128xi32, #tpu.memory_space<vmem>>
        %dma_start3A_274 = tpu.memref_squeeze %dma_start3A_273 : memref<1x1x128xi32, #tpu.memory_space<vmem>> -> memref<128xi32, #tpu.memory_space<vmem>>
        %dma_start3A_275 = arith.constant 0 : i32
        %dma_start3A_276 = arith.constant 0 : i32
        %dma_start3A_277 = tpu.memref_slice %arg10[%dma_start3A_275, %dma_start3A_276] : memref<10112x128xf32, #tpu.memory_space<vmem_shared>> -> memref<10112x128xf32, #tpu.memory_space<vmem_shared>>
        tpu.enqueue_indirect_dma source(%dma_start3A_271 : memref<128x128xf32, #tpu.memory_space<vmem>>) target(%dma_start3A_277 : memref<10112x128xf32, #tpu.memory_space<vmem_shared>>) offsets(%dma_start3A_274 : memref<128xi32, #tpu.memory_space<vmem>>) semaphore(%run_scoped3A_267 : memref<!tpu.dma_semaphore, #tpu.memory_space<semaphore_mem>>) {add = true}
        %dma_wait3A_278 = arith.constant 0 : i32
        %dma_wait3A_279 = arith.constant 0 : i32
        %dma_wait3A_280 = tpu.memref_slice %arg9[%run_scoped3A_113, %dma_wait3A_278, %dma_wait3A_279] : memref<2x128x128xf32, #tpu.memory_space<vmem>> -> memref<1x128x128xf32, #tpu.memory_space<vmem>>
        %dma_wait3A_281 = tpu.memref_squeeze %dma_wait3A_280 : memref<1x128x128xf32, #tpu.memory_space<vmem>> -> memref<128x128xf32, #tpu.memory_space<vmem>>
        %dma_wait3A_282 = arith.constant 0 : i32
        %dma_wait3A_283 = tpu.memref_slice %arg8[%select_n3A_35, %run_scoped3A_114, %dma_wait3A_282] : memref<2x8x128xi32, #tpu.memory_space<vmem>> -> memref<1x1x128xi32, #tpu.memory_space<vmem>>
        %dma_wait3A_284 = tpu.memref_squeeze %dma_wait3A_283 : memref<1x1x128xi32, #tpu.memory_space<vmem>> -> memref<128xi32, #tpu.memory_space<vmem>>
        %dma_wait3A_285 = arith.constant 0 : i32
        %dma_wait3A_286 = arith.constant 0 : i32
        %dma_wait3A_287 = tpu.memref_slice %arg10[%dma_wait3A_285, %dma_wait3A_286] : memref<10112x128xf32, #tpu.memory_space<vmem_shared>> -> memref<10112x128xf32, #tpu.memory_space<vmem_shared>>
        tpu.wait_indirect_dma semaphore(%run_scoped3A_267 : memref<!tpu.dma_semaphore, #tpu.memory_space<semaphore_mem>>) src(%dma_wait3A_281 : memref<128x128xf32, #tpu.memory_space<vmem>>) dst(%dma_wait3A_287 : memref<10112x128xf32, #tpu.memory_space<vmem_shared>>)
        tpu.yield
      }) : () -> ()
      %dma_wait3A_115 = arith.constant 2 : i32
      %dma_wait3A_116 = arith.constant 0 : i32
      %dma_wait3A_117 = arith.constant 0 : i32
      %dma_wait3A_118 = arith.constant 0 : i32
      %dma_wait3A_119 = tpu.memref_slice %arg9[%dma_wait3A_116, %dma_wait3A_117, %dma_wait3A_118] : memref<2x128x128xf32, #tpu.memory_space<vmem>> -> memref<1x128x128xf32, #tpu.memory_space<vmem>>
      %dma_wait3A_120 = tpu.memref_squeeze %dma_wait3A_119 : memref<1x128x128xf32, #tpu.memory_space<vmem>> -> memref<128x128xf32, #tpu.memory_space<vmem>>
      %dma_wait3A_121 = arith.constant 0 : i32
      %dma_wait3A_122 = tpu.memref_slice %arg7[%select_n3A_35, %dma_wait3A_115, %dma_wait3A_121] : memref<2x8x128xi32, #tpu.memory_space<vmem>> -> memref<1x1x128xi32, #tpu.memory_space<vmem>>
      %dma_wait3A_123 = tpu.memref_squeeze %dma_wait3A_122 : memref<1x1x128xi32, #tpu.memory_space<vmem>> -> memref<128xi32, #tpu.memory_space<vmem>>
      %dma_wait3A_124 = arith.constant 0 : i32
      %dma_wait3A_125 = arith.constant 0 : i32
      %dma_wait3A_126 = tpu.memref_slice %arg2[%dma_wait3A_124, %dma_wait3A_125] : memref<10000x128xf32, #tpu.memory_space<hbm>> -> memref<10000x128xf32, #tpu.memory_space<hbm>>
      tpu.wait_indirect_dma semaphore(%arg13 : memref<!tpu.dma_semaphore, #tpu.memory_space<semaphore_mem>>) src(%dma_wait3A_126 : memref<10000x128xf32, #tpu.memory_space<hbm>>) dst(%dma_wait3A_120 : memref<128x128xf32, #tpu.memory_space<vmem>>)
      %dma_start3A_127 = arith.constant 3 : i32
      %dma_start3A_128 = arith.constant 1 : i32
      %dma_start3A_129 = arith.constant 0 : i32
      %dma_start3A_130 = arith.constant 0 : i32
      %dma_start3A_131 = tpu.memref_slice %arg9[%dma_start3A_128, %dma_start3A_129, %dma_start3A_130] : memref<2x128x128xf32, #tpu.memory_space<vmem>> -> memref<1x128x128xf32, #tpu.memory_space<vmem>>
      %dma_start3A_132 = tpu.memref_squeeze %dma_start3A_131 : memref<1x128x128xf32, #tpu.memory_space<vmem>> -> memref<128x128xf32, #tpu.memory_space<vmem>>
      %dma_start3A_133 = arith.constant 0 : i32
      %dma_start3A_134 = tpu.memref_slice %arg7[%select_n3A_35, %dma_start3A_127, %dma_start3A_133] : memref<2x8x128xi32, #tpu.memory_space<vmem>> -> memref<1x1x128xi32, #tpu.memory_space<vmem>>
      %dma_start3A_135 = tpu.memref_squeeze %dma_start3A_134 : memref<1x1x128xi32, #tpu.memory_space<vmem>> -> memref<128xi32, #tpu.memory_space<vmem>>
      %dma_start3A_136 = arith.constant 0 : i32
      %dma_start3A_137 = arith.constant 0 : i32
      %dma_start3A_138 = tpu.memref_slice %arg2[%dma_start3A_136, %dma_start3A_137] : memref<10000x128xf32, #tpu.memory_space<hbm>> -> memref<10000x128xf32, #tpu.memory_space<hbm>>
      tpu.enqueue_indirect_dma source(%dma_start3A_138 : memref<10000x128xf32, #tpu.memory_space<hbm>>) target(%dma_start3A_132 : memref<128x128xf32, #tpu.memory_space<vmem>>) offsets(%dma_start3A_135 : memref<128xi32, #tpu.memory_space<vmem>>) semaphore(%arg14 : memref<!tpu.dma_semaphore, #tpu.memory_space<semaphore_mem>>)
      %run_scoped3A_139 = arith.constant 0 : i32
      %run_scoped3A_140 = arith.constant 2 : i32
      "tpu.region"() ({
        %run_scoped3A_267 = tpu.sem_alloc : memref<!tpu.dma_semaphore, #tpu.memory_space<semaphore_mem>>
        %dma_start3A_268 = arith.constant 0 : i32
        %dma_start3A_269 = arith.constant 0 : i32
        %dma_start3A_270 = tpu.memref_slice %arg9[%run_scoped3A_139, %dma_start3A_268, %dma_start3A_269] : memref<2x128x128xf32, #tpu.memory_space<vmem>> -> memref<1x128x128xf32, #tpu.memory_space<vmem>>
        %dma_start3A_271 = tpu.memref_squeeze %dma_start3A_270 : memref<1x128x128xf32, #tpu.memory_space<vmem>> -> memref<128x128xf32, #tpu.memory_space<vmem>>
        %dma_start3A_272 = arith.constant 0 : i32
        %dma_start3A_273 = tpu.memref_slice %arg8[%select_n3A_35, %run_scoped3A_140, %dma_start3A_272] : memref<2x8x128xi32, #tpu.memory_space<vmem>> -> memref<1x1x128xi32, #tpu.memory_space<vmem>>
        %dma_start3A_274 = tpu.memref_squeeze %dma_start3A_273 : memref<1x1x128xi32, #tpu.memory_space<vmem>> -> memref<128xi32, #tpu.memory_space<vmem>>
        %dma_start3A_275 = arith.constant 0 : i32
        %dma_start3A_276 = arith.constant 0 : i32
        %dma_start3A_277 = tpu.memref_slice %arg10[%dma_start3A_275, %dma_start3A_276] : memref<10112x128xf32, #tpu.memory_space<vmem_shared>> -> memref<10112x128xf32, #tpu.memory_space<vmem_shared>>
        tpu.enqueue_indirect_dma source(%dma_start3A_271 : memref<128x128xf32, #tpu.memory_space<vmem>>) target(%dma_start3A_277 : memref<10112x128xf32, #tpu.memory_space<vmem_shared>>) offsets(%dma_start3A_274 : memref<128xi32, #tpu.memory_space<vmem>>) semaphore(%run_scoped3A_267 : memref<!tpu.dma_semaphore, #tpu.memory_space<semaphore_mem>>) {add = true}
        %dma_wait3A_278 = arith.constant 0 : i32
        %dma_wait3A_279 = arith.constant 0 : i32
        %dma_wait3A_280 = tpu.memref_slice %arg9[%run_scoped3A_139, %dma_wait3A_278, %dma_wait3A_279] : memref<2x128x128xf32, #tpu.memory_space<vmem>> -> memref<1x128x128xf32, #tpu.memory_space<vmem>>
        %dma_wait3A_281 = tpu.memref_squeeze %dma_wait3A_280 : memref<1x128x128xf32, #tpu.memory_space<vmem>> -> memref<128x128xf32, #tpu.memory_space<vmem>>
        %dma_wait3A_282 = arith.constant 0 : i32
        %dma_wait3A_283 = tpu.memref_slice %arg8[%select_n3A_35, %run_scoped3A_140, %dma_wait3A_282] : memref<2x8x128xi32, #tpu.memory_space<vmem>> -> memref<1x1x128xi32, #tpu.memory_space<vmem>>
        %dma_wait3A_284 = tpu.memref_squeeze %dma_wait3A_283 : memref<1x1x128xi32, #tpu.memory_space<vmem>> -> memref<128xi32, #tpu.memory_space<vmem>>
        %dma_wait3A_285 = arith.constant 0 : i32
        %dma_wait3A_286 = arith.constant 0 : i32
        %dma_wait3A_287 = tpu.memref_slice %arg10[%dma_wait3A_285, %dma_wait3A_286] : memref<10112x128xf32, #tpu.memory_space<vmem_shared>> -> memref<10112x128xf32, #tpu.memory_space<vmem_shared>>
        tpu.wait_indirect_dma semaphore(%run_scoped3A_267 : memref<!tpu.dma_semaphore, #tpu.memory_space<semaphore_mem>>) src(%dma_wait3A_281 : memref<128x128xf32, #tpu.memory_space<vmem>>) dst(%dma_wait3A_287 : memref<10112x128xf32, #tpu.memory_space<vmem_shared>>)
        tpu.yield
      }) : () -> ()
      %dma_wait3A_141 = arith.constant 3 : i32
      %dma_wait3A_142 = arith.constant 1 : i32
      %dma_wait3A_143 = arith.constant 0 : i32
      %dma_wait3A_144 = arith.constant 0 : i32
      %dma_wait3A_145 = tpu.memref_slice %arg9[%dma_wait3A_142, %dma_wait3A_143, %dma_wait3A_144] : memref<2x128x128xf32, #tpu.memory_space<vmem>> -> memref<1x128x128xf32, #tpu.memory_space<vmem>>
      %dma_wait3A_146 = tpu.memref_squeeze %dma_wait3A_145 : memref<1x128x128xf32, #tpu.memory_space<vmem>> -> memref<128x128xf32, #tpu.memory_space<vmem>>
      %dma_wait3A_147 = arith.constant 0 : i32
      %dma_wait3A_148 = tpu.memref_slice %arg7[%select_n3A_35, %dma_wait3A_141, %dma_wait3A_147] : memref<2x8x128xi32, #tpu.memory_space<vmem>> -> memref<1x1x128xi32, #tpu.memory_space<vmem>>
      %dma_wait3A_149 = tpu.memref_squeeze %dma_wait3A_148 : memref<1x1x128xi32, #tpu.memory_space<vmem>> -> memref<128xi32, #tpu.memory_space<vmem>>
      %dma_wait3A_150 = arith.constant 0 : i32
      %dma_wait3A_151 = arith.constant 0 : i32
      %dma_wait3A_152 = tpu.memref_slice %arg2[%dma_wait3A_150, %dma_wait3A_151] : memref<10000x128xf32, #tpu.memory_space<hbm>> -> memref<10000x128xf32, #tpu.memory_space<hbm>>
      tpu.wait_indirect_dma semaphore(%arg14 : memref<!tpu.dma_semaphore, #tpu.memory_space<semaphore_mem>>) src(%dma_wait3A_152 : memref<10000x128xf32, #tpu.memory_space<hbm>>) dst(%dma_wait3A_146 : memref<128x128xf32, #tpu.memory_space<vmem>>)
      %dma_start3A_153 = arith.constant 4 : i32
      %dma_start3A_154 = arith.constant 0 : i32
      %dma_start3A_155 = arith.constant 0 : i32
      %dma_start3A_156 = arith.constant 0 : i32
      %dma_start3A_157 = tpu.memref_slice %arg9[%dma_start3A_154, %dma_start3A_155, %dma_start3A_156] : memref<2x128x128xf32, #tpu.memory_space<vmem>> -> memref<1x128x128xf32, #tpu.memory_space<vmem>>
      %dma_start3A_158 = tpu.memref_squeeze %dma_start3A_157 : memref<1x128x128xf32, #tpu.memory_space<vmem>> -> memref<128x128xf32, #tpu.memory_space<vmem>>
      %dma_start3A_159 = arith.constant 0 : i32
      %dma_start3A_160 = tpu.memref_slice %arg7[%select_n3A_35, %dma_start3A_153, %dma_start3A_159] : memref<2x8x128xi32, #tpu.memory_space<vmem>> -> memref<1x1x128xi32, #tpu.memory_space<vmem>>
      %dma_start3A_161 = tpu.memref_squeeze %dma_start3A_160 : memref<1x1x128xi32, #tpu.memory_space<vmem>> -> memref<128xi32, #tpu.memory_space<vmem>>
      %dma_start3A_162 = arith.constant 0 : i32
      %dma_start3A_163 = arith.constant 0 : i32
      %dma_start3A_164 = tpu.memref_slice %arg2[%dma_start3A_162, %dma_start3A_163] : memref<10000x128xf32, #tpu.memory_space<hbm>> -> memref<10000x128xf32, #tpu.memory_space<hbm>>
      tpu.enqueue_indirect_dma source(%dma_start3A_164 : memref<10000x128xf32, #tpu.memory_space<hbm>>) target(%dma_start3A_158 : memref<128x128xf32, #tpu.memory_space<vmem>>) offsets(%dma_start3A_161 : memref<128xi32, #tpu.memory_space<vmem>>) semaphore(%arg13 : memref<!tpu.dma_semaphore, #tpu.memory_space<semaphore_mem>>)
      %run_scoped3A_165 = arith.constant 1 : i32
      %run_scoped3A_166 = arith.constant 3 : i32
      "tpu.region"() ({
        %run_scoped3A_267 = tpu.sem_alloc : memref<!tpu.dma_semaphore, #tpu.memory_space<semaphore_mem>>
        %dma_start3A_268 = arith.constant 0 : i32
        %dma_start3A_269 = arith.constant 0 : i32
        %dma_start3A_270 = tpu.memref_slice %arg9[%run_scoped3A_165, %dma_start3A_268, %dma_start3A_269] : memref<2x128x128xf32, #tpu.memory_space<vmem>> -> memref<1x128x128xf32, #tpu.memory_space<vmem>>
        %dma_start3A_271 = tpu.memref_squeeze %dma_start3A_270 : memref<1x128x128xf32, #tpu.memory_space<vmem>> -> memref<128x128xf32, #tpu.memory_space<vmem>>
        %dma_start3A_272 = arith.constant 0 : i32
        %dma_start3A_273 = tpu.memref_slice %arg8[%select_n3A_35, %run_scoped3A_166, %dma_start3A_272] : memref<2x8x128xi32, #tpu.memory_space<vmem>> -> memref<1x1x128xi32, #tpu.memory_space<vmem>>
        %dma_start3A_274 = tpu.memref_squeeze %dma_start3A_273 : memref<1x1x128xi32, #tpu.memory_space<vmem>> -> memref<128xi32, #tpu.memory_space<vmem>>
        %dma_start3A_275 = arith.constant 0 : i32
        %dma_start3A_276 = arith.constant 0 : i32
        %dma_start3A_277 = tpu.memref_slice %arg10[%dma_start3A_275, %dma_start3A_276] : memref<10112x128xf32, #tpu.memory_space<vmem_shared>> -> memref<10112x128xf32, #tpu.memory_space<vmem_shared>>
        tpu.enqueue_indirect_dma source(%dma_start3A_271 : memref<128x128xf32, #tpu.memory_space<vmem>>) target(%dma_start3A_277 : memref<10112x128xf32, #tpu.memory_space<vmem_shared>>) offsets(%dma_start3A_274 : memref<128xi32, #tpu.memory_space<vmem>>) semaphore(%run_scoped3A_267 : memref<!tpu.dma_semaphore, #tpu.memory_space<semaphore_mem>>) {add = true}
        %dma_wait3A_278 = arith.constant 0 : i32
        %dma_wait3A_279 = arith.constant 0 : i32
        %dma_wait3A_280 = tpu.memref_slice %arg9[%run_scoped3A_165, %dma_wait3A_278, %dma_wait3A_279] : memref<2x128x128xf32, #tpu.memory_space<vmem>> -> memref<1x128x128xf32, #tpu.memory_space<vmem>>
        %dma_wait3A_281 = tpu.memref_squeeze %dma_wait3A_280 : memref<1x128x128xf32, #tpu.memory_space<vmem>> -> memref<128x128xf32, #tpu.memory_space<vmem>>
        %dma_wait3A_282 = arith.constant 0 : i32
        %dma_wait3A_283 = tpu.memref_slice %arg8[%select_n3A_35, %run_scoped3A_166, %dma_wait3A_282] : memref<2x8x128xi32, #tpu.memory_space<vmem>> -> memref<1x1x128xi32, #tpu.memory_space<vmem>>
        %dma_wait3A_284 = tpu.memref_squeeze %dma_wait3A_283 : memref<1x1x128xi32, #tpu.memory_space<vmem>> -> memref<128xi32, #tpu.memory_space<vmem>>
        %dma_wait3A_285 = arith.constant 0 : i32
        %dma_wait3A_286 = arith.constant 0 : i32
        %dma_wait3A_287 = tpu.memref_slice %arg10[%dma_wait3A_285, %dma_wait3A_286] : memref<10112x128xf32, #tpu.memory_space<vmem_shared>> -> memref<10112x128xf32, #tpu.memory_space<vmem_shared>>
        tpu.wait_indirect_dma semaphore(%run_scoped3A_267 : memref<!tpu.dma_semaphore, #tpu.memory_space<semaphore_mem>>) src(%dma_wait3A_281 : memref<128x128xf32, #tpu.memory_space<vmem>>) dst(%dma_wait3A_287 : memref<10112x128xf32, #tpu.memory_space<vmem_shared>>)
        tpu.yield
      }) : () -> ()
      %dma_wait3A_167 = arith.constant 4 : i32
      %dma_wait3A_168 = arith.constant 0 : i32
      %dma_wait3A_169 = arith.constant 0 : i32
      %dma_wait3A_170 = arith.constant 0 : i32
      %dma_wait3A_171 = tpu.memref_slice %arg9[%dma_wait3A_168, %dma_wait3A_169, %dma_wait3A_170] : memref<2x128x128xf32, #tpu.memory_space<vmem>> -> memref<1x128x128xf32, #tpu.memory_space<vmem>>
      %dma_wait3A_172 = tpu.memref_squeeze %dma_wait3A_171 : memref<1x128x128xf32, #tpu.memory_space<vmem>> -> memref<128x128xf32, #tpu.memory_space<vmem>>
      %dma_wait3A_173 = arith.constant 0 : i32
      %dma_wait3A_174 = tpu.memref_slice %arg7[%select_n3A_35, %dma_wait3A_167, %dma_wait3A_173] : memref<2x8x128xi32, #tpu.memory_space<vmem>> -> memref<1x1x128xi32, #tpu.memory_space<vmem>>
      %dma_wait3A_175 = tpu.memref_squeeze %dma_wait3A_174 : memref<1x1x128xi32, #tpu.memory_space<vmem>> -> memref<128xi32, #tpu.memory_space<vmem>>
      %dma_wait3A_176 = arith.constant 0 : i32
      %dma_wait3A_177 = arith.constant 0 : i32
      %dma_wait3A_178 = tpu.memref_slice %arg2[%dma_wait3A_176, %dma_wait3A_177] : memref<10000x128xf32, #tpu.memory_space<hbm>> -> memref<10000x128xf32, #tpu.memory_space<hbm>>
      tpu.wait_indirect_dma semaphore(%arg13 : memref<!tpu.dma_semaphore, #tpu.memory_space<semaphore_mem>>) src(%dma_wait3A_178 : memref<10000x128xf32, #tpu.memory_space<hbm>>) dst(%dma_wait3A_172 : memref<128x128xf32, #tpu.memory_space<vmem>>)
      %dma_start3A_179 = arith.constant 5 : i32
      %dma_start3A_180 = arith.constant 1 : i32
      %dma_start3A_181 = arith.constant 0 : i32
      %dma_start3A_182 = arith.constant 0 : i32
      %dma_start3A_183 = tpu.memref_slice %arg9[%dma_start3A_180, %dma_start3A_181, %dma_start3A_182] : memref<2x128x128xf32, #tpu.memory_space<vmem>> -> memref<1x128x128xf32, #tpu.memory_space<vmem>>
      %dma_start3A_184 = tpu.memref_squeeze %dma_start3A_183 : memref<1x128x128xf32, #tpu.memory_space<vmem>> -> memref<128x128xf32, #tpu.memory_space<vmem>>
      %dma_start3A_185 = arith.constant 0 : i32
      %dma_start3A_186 = tpu.memref_slice %arg7[%select_n3A_35, %dma_start3A_179, %dma_start3A_185] : memref<2x8x128xi32, #tpu.memory_space<vmem>> -> memref<1x1x128xi32, #tpu.memory_space<vmem>>
      %dma_start3A_187 = tpu.memref_squeeze %dma_start3A_186 : memref<1x1x128xi32, #tpu.memory_space<vmem>> -> memref<128xi32, #tpu.memory_space<vmem>>
      %dma_start3A_188 = arith.constant 0 : i32
      %dma_start3A_189 = arith.constant 0 : i32
      %dma_start3A_190 = tpu.memref_slice %arg2[%dma_start3A_188, %dma_start3A_189] : memref<10000x128xf32, #tpu.memory_space<hbm>> -> memref<10000x128xf32, #tpu.memory_space<hbm>>
      tpu.enqueue_indirect_dma source(%dma_start3A_190 : memref<10000x128xf32, #tpu.memory_space<hbm>>) target(%dma_start3A_184 : memref<128x128xf32, #tpu.memory_space<vmem>>) offsets(%dma_start3A_187 : memref<128xi32, #tpu.memory_space<vmem>>) semaphore(%arg14 : memref<!tpu.dma_semaphore, #tpu.memory_space<semaphore_mem>>)
      %run_scoped3A_191 = arith.constant 0 : i32
      %run_scoped3A_192 = arith.constant 4 : i32
      "tpu.region"() ({
        %run_scoped3A_267 = tpu.sem_alloc : memref<!tpu.dma_semaphore, #tpu.memory_space<semaphore_mem>>
        %dma_start3A_268 = arith.constant 0 : i32
        %dma_start3A_269 = arith.constant 0 : i32
        %dma_start3A_270 = tpu.memref_slice %arg9[%run_scoped3A_191, %dma_start3A_268, %dma_start3A_269] : memref<2x128x128xf32, #tpu.memory_space<vmem>> -> memref<1x128x128xf32, #tpu.memory_space<vmem>>
        %dma_start3A_271 = tpu.memref_squeeze %dma_start3A_270 : memref<1x128x128xf32, #tpu.memory_space<vmem>> -> memref<128x128xf32, #tpu.memory_space<vmem>>
        %dma_start3A_272 = arith.constant 0 : i32
        %dma_start3A_273 = tpu.memref_slice %arg8[%select_n3A_35, %run_scoped3A_192, %dma_start3A_272] : memref<2x8x128xi32, #tpu.memory_space<vmem>> -> memref<1x1x128xi32, #tpu.memory_space<vmem>>
        %dma_start3A_274 = tpu.memref_squeeze %dma_start3A_273 : memref<1x1x128xi32, #tpu.memory_space<vmem>> -> memref<128xi32, #tpu.memory_space<vmem>>
        %dma_start3A_275 = arith.constant 0 : i32
        %dma_start3A_276 = arith.constant 0 : i32
        %dma_start3A_277 = tpu.memref_slice %arg10[%dma_start3A_275, %dma_start3A_276] : memref<10112x128xf32, #tpu.memory_space<vmem_shared>> -> memref<10112x128xf32, #tpu.memory_space<vmem_shared>>
        tpu.enqueue_indirect_dma source(%dma_start3A_271 : memref<128x128xf32, #tpu.memory_space<vmem>>) target(%dma_start3A_277 : memref<10112x128xf32, #tpu.memory_space<vmem_shared>>) offsets(%dma_start3A_274 : memref<128xi32, #tpu.memory_space<vmem>>) semaphore(%run_scoped3A_267 : memref<!tpu.dma_semaphore, #tpu.memory_space<semaphore_mem>>) {add = true}
        %dma_wait3A_278 = arith.constant 0 : i32
        %dma_wait3A_279 = arith.constant 0 : i32
        %dma_wait3A_280 = tpu.memref_slice %arg9[%run_scoped3A_191, %dma_wait3A_278, %dma_wait3A_279] : memref<2x128x128xf32, #tpu.memory_space<vmem>> -> memref<1x128x128xf32, #tpu.memory_space<vmem>>
        %dma_wait3A_281 = tpu.memref_squeeze %dma_wait3A_280 : memref<1x128x128xf32, #tpu.memory_space<vmem>> -> memref<128x128xf32, #tpu.memory_space<vmem>>
        %dma_wait3A_282 = arith.constant 0 : i32
        %dma_wait3A_283 = tpu.memref_slice %arg8[%select_n3A_35, %run_scoped3A_192, %dma_wait3A_282] : memref<2x8x128xi32, #tpu.memory_space<vmem>> -> memref<1x1x128xi32, #tpu.memory_space<vmem>>
        %dma_wait3A_284 = tpu.memref_squeeze %dma_wait3A_283 : memref<1x1x128xi32, #tpu.memory_space<vmem>> -> memref<128xi32, #tpu.memory_space<vmem>>
        %dma_wait3A_285 = arith.constant 0 : i32
        %dma_wait3A_286 = arith.constant 0 : i32
        %dma_wait3A_287 = tpu.memref_slice %arg10[%dma_wait3A_285, %dma_wait3A_286] : memref<10112x128xf32, #tpu.memory_space<vmem_shared>> -> memref<10112x128xf32, #tpu.memory_space<vmem_shared>>
        tpu.wait_indirect_dma semaphore(%run_scoped3A_267 : memref<!tpu.dma_semaphore, #tpu.memory_space<semaphore_mem>>) src(%dma_wait3A_281 : memref<128x128xf32, #tpu.memory_space<vmem>>) dst(%dma_wait3A_287 : memref<10112x128xf32, #tpu.memory_space<vmem_shared>>)
        tpu.yield
      }) : () -> ()
      %dma_wait3A_193 = arith.constant 5 : i32
      %dma_wait3A_194 = arith.constant 1 : i32
      %dma_wait3A_195 = arith.constant 0 : i32
      %dma_wait3A_196 = arith.constant 0 : i32
      %dma_wait3A_197 = tpu.memref_slice %arg9[%dma_wait3A_194, %dma_wait3A_195, %dma_wait3A_196] : memref<2x128x128xf32, #tpu.memory_space<vmem>> -> memref<1x128x128xf32, #tpu.memory_space<vmem>>
      %dma_wait3A_198 = tpu.memref_squeeze %dma_wait3A_197 : memref<1x128x128xf32, #tpu.memory_space<vmem>> -> memref<128x128xf32, #tpu.memory_space<vmem>>
      %dma_wait3A_199 = arith.constant 0 : i32
      %dma_wait3A_200 = tpu.memref_slice %arg7[%select_n3A_35, %dma_wait3A_193, %dma_wait3A_199] : memref<2x8x128xi32, #tpu.memory_space<vmem>> -> memref<1x1x128xi32, #tpu.memory_space<vmem>>
      %dma_wait3A_201 = tpu.memref_squeeze %dma_wait3A_200 : memref<1x1x128xi32, #tpu.memory_space<vmem>> -> memref<128xi32, #tpu.memory_space<vmem>>
      %dma_wait3A_202 = arith.constant 0 : i32
      %dma_wait3A_203 = arith.constant 0 : i32
      %dma_wait3A_204 = tpu.memref_slice %arg2[%dma_wait3A_202, %dma_wait3A_203] : memref<10000x128xf32, #tpu.memory_space<hbm>> -> memref<10000x128xf32, #tpu.memory_space<hbm>>
      tpu.wait_indirect_dma semaphore(%arg14 : memref<!tpu.dma_semaphore, #tpu.memory_space<semaphore_mem>>) src(%dma_wait3A_204 : memref<10000x128xf32, #tpu.memory_space<hbm>>) dst(%dma_wait3A_198 : memref<128x128xf32, #tpu.memory_space<vmem>>)
      %dma_start3A_205 = arith.constant 6 : i32
      %dma_start3A_206 = arith.constant 0 : i32
      %dma_start3A_207 = arith.constant 0 : i32
      %dma_start3A_208 = arith.constant 0 : i32
      %dma_start3A_209 = tpu.memref_slice %arg9[%dma_start3A_206, %dma_start3A_207, %dma_start3A_208] : memref<2x128x128xf32, #tpu.memory_space<vmem>> -> memref<1x128x128xf32, #tpu.memory_space<vmem>>
      %dma_start3A_210 = tpu.memref_squeeze %dma_start3A_209 : memref<1x128x128xf32, #tpu.memory_space<vmem>> -> memref<128x128xf32, #tpu.memory_space<vmem>>
      %dma_start3A_211 = arith.constant 0 : i32
      %dma_start3A_212 = tpu.memref_slice %arg7[%select_n3A_35, %dma_start3A_205, %dma_start3A_211] : memref<2x8x128xi32, #tpu.memory_space<vmem>> -> memref<1x1x128xi32, #tpu.memory_space<vmem>>
      %dma_start3A_213 = tpu.memref_squeeze %dma_start3A_212 : memref<1x1x128xi32, #tpu.memory_space<vmem>> -> memref<128xi32, #tpu.memory_space<vmem>>
      %dma_start3A_214 = arith.constant 0 : i32
      %dma_start3A_215 = arith.constant 0 : i32
      %dma_start3A_216 = tpu.memref_slice %arg2[%dma_start3A_214, %dma_start3A_215] : memref<10000x128xf32, #tpu.memory_space<hbm>> -> memref<10000x128xf32, #tpu.memory_space<hbm>>
      tpu.enqueue_indirect_dma source(%dma_start3A_216 : memref<10000x128xf32, #tpu.memory_space<hbm>>) target(%dma_start3A_210 : memref<128x128xf32, #tpu.memory_space<vmem>>) offsets(%dma_start3A_213 : memref<128xi32, #tpu.memory_space<vmem>>) semaphore(%arg13 : memref<!tpu.dma_semaphore, #tpu.memory_space<semaphore_mem>>)
      %run_scoped3A_217 = arith.constant 1 : i32
      %run_scoped3A_218 = arith.constant 5 : i32
      "tpu.region"() ({
        %run_scoped3A_267 = tpu.sem_alloc : memref<!tpu.dma_semaphore, #tpu.memory_space<semaphore_mem>>
        %dma_start3A_268 = arith.constant 0 : i32
        %dma_start3A_269 = arith.constant 0 : i32
        %dma_start3A_270 = tpu.memref_slice %arg9[%run_scoped3A_217, %dma_start3A_268, %dma_start3A_269] : memref<2x128x128xf32, #tpu.memory_space<vmem>> -> memref<1x128x128xf32, #tpu.memory_space<vmem>>
        %dma_start3A_271 = tpu.memref_squeeze %dma_start3A_270 : memref<1x128x128xf32, #tpu.memory_space<vmem>> -> memref<128x128xf32, #tpu.memory_space<vmem>>
        %dma_start3A_272 = arith.constant 0 : i32
        %dma_start3A_273 = tpu.memref_slice %arg8[%select_n3A_35, %run_scoped3A_218, %dma_start3A_272] : memref<2x8x128xi32, #tpu.memory_space<vmem>> -> memref<1x1x128xi32, #tpu.memory_space<vmem>>
        %dma_start3A_274 = tpu.memref_squeeze %dma_start3A_273 : memref<1x1x128xi32, #tpu.memory_space<vmem>> -> memref<128xi32, #tpu.memory_space<vmem>>
        %dma_start3A_275 = arith.constant 0 : i32
        %dma_start3A_276 = arith.constant 0 : i32
        %dma_start3A_277 = tpu.memref_slice %arg10[%dma_start3A_275, %dma_start3A_276] : memref<10112x128xf32, #tpu.memory_space<vmem_shared>> -> memref<10112x128xf32, #tpu.memory_space<vmem_shared>>
        tpu.enqueue_indirect_dma source(%dma_start3A_271 : memref<128x128xf32, #tpu.memory_space<vmem>>) target(%dma_start3A_277 : memref<10112x128xf32, #tpu.memory_space<vmem_shared>>) offsets(%dma_start3A_274 : memref<128xi32, #tpu.memory_space<vmem>>) semaphore(%run_scoped3A_267 : memref<!tpu.dma_semaphore, #tpu.memory_space<semaphore_mem>>) {add = true}
        %dma_wait3A_278 = arith.constant 0 : i32
        %dma_wait3A_279 = arith.constant 0 : i32
        %dma_wait3A_280 = tpu.memref_slice %arg9[%run_scoped3A_217, %dma_wait3A_278, %dma_wait3A_279] : memref<2x128x128xf32, #tpu.memory_space<vmem>> -> memref<1x128x128xf32, #tpu.memory_space<vmem>>
        %dma_wait3A_281 = tpu.memref_squeeze %dma_wait3A_280 : memref<1x128x128xf32, #tpu.memory_space<vmem>> -> memref<128x128xf32, #tpu.memory_space<vmem>>
        %dma_wait3A_282 = arith.constant 0 : i32
        %dma_wait3A_283 = tpu.memref_slice %arg8[%select_n3A_35, %run_scoped3A_218, %dma_wait3A_282] : memref<2x8x128xi32, #tpu.memory_space<vmem>> -> memref<1x1x128xi32, #tpu.memory_space<vmem>>
        %dma_wait3A_284 = tpu.memref_squeeze %dma_wait3A_283 : memref<1x1x128xi32, #tpu.memory_space<vmem>> -> memref<128xi32, #tpu.memory_space<vmem>>
        %dma_wait3A_285 = arith.constant 0 : i32
        %dma_wait3A_286 = arith.constant 0 : i32
        %dma_wait3A_287 = tpu.memref_slice %arg10[%dma_wait3A_285, %dma_wait3A_286] : memref<10112x128xf32, #tpu.memory_space<vmem_shared>> -> memref<10112x128xf32, #tpu.memory_space<vmem_shared>>
        tpu.wait_indirect_dma semaphore(%run_scoped3A_267 : memref<!tpu.dma_semaphore, #tpu.memory_space<semaphore_mem>>) src(%dma_wait3A_281 : memref<128x128xf32, #tpu.memory_space<vmem>>) dst(%dma_wait3A_287 : memref<10112x128xf32, #tpu.memory_space<vmem_shared>>)
        tpu.yield
      }) : () -> ()
      %dma_wait3A_219 = arith.constant 6 : i32
      %dma_wait3A_220 = arith.constant 0 : i32
      %dma_wait3A_221 = arith.constant 0 : i32
      %dma_wait3A_222 = arith.constant 0 : i32
      %dma_wait3A_223 = tpu.memref_slice %arg9[%dma_wait3A_220, %dma_wait3A_221, %dma_wait3A_222] : memref<2x128x128xf32, #tpu.memory_space<vmem>> -> memref<1x128x128xf32, #tpu.memory_space<vmem>>
      %dma_wait3A_224 = tpu.memref_squeeze %dma_wait3A_223 : memref<1x128x128xf32, #tpu.memory_space<vmem>> -> memref<128x128xf32, #tpu.memory_space<vmem>>
      %dma_wait3A_225 = arith.constant 0 : i32
      %dma_wait3A_226 = tpu.memref_slice %arg7[%select_n3A_35, %dma_wait3A_219, %dma_wait3A_225] : memref<2x8x128xi32, #tpu.memory_space<vmem>> -> memref<1x1x128xi32, #tpu.memory_space<vmem>>
      %dma_wait3A_227 = tpu.memref_squeeze %dma_wait3A_226 : memref<1x1x128xi32, #tpu.memory_space<vmem>> -> memref<128xi32, #tpu.memory_space<vmem>>
      %dma_wait3A_228 = arith.constant 0 : i32
      %dma_wait3A_229 = arith.constant 0 : i32
      %dma_wait3A_230 = tpu.memref_slice %arg2[%dma_wait3A_228, %dma_wait3A_229] : memref<10000x128xf32, #tpu.memory_space<hbm>> -> memref<10000x128xf32, #tpu.memory_space<hbm>>
      tpu.wait_indirect_dma semaphore(%arg13 : memref<!tpu.dma_semaphore, #tpu.memory_space<semaphore_mem>>) src(%dma_wait3A_230 : memref<10000x128xf32, #tpu.memory_space<hbm>>) dst(%dma_wait3A_224 : memref<128x128xf32, #tpu.memory_space<vmem>>)
      %dma_start3A_231 = arith.constant 7 : i32
      %dma_start3A_232 = arith.constant 1 : i32
      %dma_start3A_233 = arith.constant 0 : i32
      %dma_start3A_234 = arith.constant 0 : i32
      %dma_start3A_235 = tpu.memref_slice %arg9[%dma_start3A_232, %dma_start3A_233, %dma_start3A_234] : memref<2x128x128xf32, #tpu.memory_space<vmem>> -> memref<1x128x128xf32, #tpu.memory_space<vmem>>
      %dma_start3A_236 = tpu.memref_squeeze %dma_start3A_235 : memref<1x128x128xf32, #tpu.memory_space<vmem>> -> memref<128x128xf32, #tpu.memory_space<vmem>>
      %dma_start3A_237 = arith.constant 0 : i32
      %dma_start3A_238 = tpu.memref_slice %arg7[%select_n3A_35, %dma_start3A_231, %dma_start3A_237] : memref<2x8x128xi32, #tpu.memory_space<vmem>> -> memref<1x1x128xi32, #tpu.memory_space<vmem>>
      %dma_start3A_239 = tpu.memref_squeeze %dma_start3A_238 : memref<1x1x128xi32, #tpu.memory_space<vmem>> -> memref<128xi32, #tpu.memory_space<vmem>>
      %dma_start3A_240 = arith.constant 0 : i32
      %dma_start3A_241 = arith.constant 0 : i32
      %dma_start3A_242 = tpu.memref_slice %arg2[%dma_start3A_240, %dma_start3A_241] : memref<10000x128xf32, #tpu.memory_space<hbm>> -> memref<10000x128xf32, #tpu.memory_space<hbm>>
      tpu.enqueue_indirect_dma source(%dma_start3A_242 : memref<10000x128xf32, #tpu.memory_space<hbm>>) target(%dma_start3A_236 : memref<128x128xf32, #tpu.memory_space<vmem>>) offsets(%dma_start3A_239 : memref<128xi32, #tpu.memory_space<vmem>>) semaphore(%arg14 : memref<!tpu.dma_semaphore, #tpu.memory_space<semaphore_mem>>)
      %run_scoped3A_243 = arith.constant 0 : i32
      %run_scoped3A_244 = arith.constant 6 : i32
      "tpu.region"() ({
        %run_scoped3A_267 = tpu.sem_alloc : memref<!tpu.dma_semaphore, #tpu.memory_space<semaphore_mem>>
        %dma_start3A_268 = arith.constant 0 : i32
        %dma_start3A_269 = arith.constant 0 : i32
        %dma_start3A_270 = tpu.memref_slice %arg9[%run_scoped3A_243, %dma_start3A_268, %dma_start3A_269] : memref<2x128x128xf32, #tpu.memory_space<vmem>> -> memref<1x128x128xf32, #tpu.memory_space<vmem>>
        %dma_start3A_271 = tpu.memref_squeeze %dma_start3A_270 : memref<1x128x128xf32, #tpu.memory_space<vmem>> -> memref<128x128xf32, #tpu.memory_space<vmem>>
        %dma_start3A_272 = arith.constant 0 : i32
        %dma_start3A_273 = tpu.memref_slice %arg8[%select_n3A_35, %run_scoped3A_244, %dma_start3A_272] : memref<2x8x128xi32, #tpu.memory_space<vmem>> -> memref<1x1x128xi32, #tpu.memory_space<vmem>>
        %dma_start3A_274 = tpu.memref_squeeze %dma_start3A_273 : memref<1x1x128xi32, #tpu.memory_space<vmem>> -> memref<128xi32, #tpu.memory_space<vmem>>
        %dma_start3A_275 = arith.constant 0 : i32
        %dma_start3A_276 = arith.constant 0 : i32
        %dma_start3A_277 = tpu.memref_slice %arg10[%dma_start3A_275, %dma_start3A_276] : memref<10112x128xf32, #tpu.memory_space<vmem_shared>> -> memref<10112x128xf32, #tpu.memory_space<vmem_shared>>
        tpu.enqueue_indirect_dma source(%dma_start3A_271 : memref<128x128xf32, #tpu.memory_space<vmem>>) target(%dma_start3A_277 : memref<10112x128xf32, #tpu.memory_space<vmem_shared>>) offsets(%dma_start3A_274 : memref<128xi32, #tpu.memory_space<vmem>>) semaphore(%run_scoped3A_267 : memref<!tpu.dma_semaphore, #tpu.memory_space<semaphore_mem>>) {add = true}
        %dma_wait3A_278 = arith.constant 0 : i32
        %dma_wait3A_279 = arith.constant 0 : i32
        %dma_wait3A_280 = tpu.memref_slice %arg9[%run_scoped3A_243, %dma_wait3A_278, %dma_wait3A_279] : memref<2x128x128xf32, #tpu.memory_space<vmem>> -> memref<1x128x128xf32, #tpu.memory_space<vmem>>
        %dma_wait3A_281 = tpu.memref_squeeze %dma_wait3A_280 : memref<1x128x128xf32, #tpu.memory_space<vmem>> -> memref<128x128xf32, #tpu.memory_space<vmem>>
        %dma_wait3A_282 = arith.constant 0 : i32
        %dma_wait3A_283 = tpu.memref_slice %arg8[%select_n3A_35, %run_scoped3A_244, %dma_wait3A_282] : memref<2x8x128xi32, #tpu.memory_space<vmem>> -> memref<1x1x128xi32, #tpu.memory_space<vmem>>
        %dma_wait3A_284 = tpu.memref_squeeze %dma_wait3A_283 : memref<1x1x128xi32, #tpu.memory_space<vmem>> -> memref<128xi32, #tpu.memory_space<vmem>>
        %dma_wait3A_285 = arith.constant 0 : i32
        %dma_wait3A_286 = arith.constant 0 : i32
        %dma_wait3A_287 = tpu.memref_slice %arg10[%dma_wait3A_285, %dma_wait3A_286] : memref<10112x128xf32, #tpu.memory_space<vmem_shared>> -> memref<10112x128xf32, #tpu.memory_space<vmem_shared>>
        tpu.wait_indirect_dma semaphore(%run_scoped3A_267 : memref<!tpu.dma_semaphore, #tpu.memory_space<semaphore_mem>>) src(%dma_wait3A_281 : memref<128x128xf32, #tpu.memory_space<vmem>>) dst(%dma_wait3A_287 : memref<10112x128xf32, #tpu.memory_space<vmem_shared>>)
        tpu.yield
      }) : () -> ()
      %dma_wait3A_245 = arith.constant 7 : i32
      %dma_wait3A_246 = arith.constant 1 : i32
      %dma_wait3A_247 = arith.constant 0 : i32
      %dma_wait3A_248 = arith.constant 0 : i32
      %dma_wait3A_249 = tpu.memref_slice %arg9[%dma_wait3A_246, %dma_wait3A_247, %dma_wait3A_248] : memref<2x128x128xf32, #tpu.memory_space<vmem>> -> memref<1x128x128xf32, #tpu.memory_space<vmem>>
      %dma_wait3A_250 = tpu.memref_squeeze %dma_wait3A_249 : memref<1x128x128xf32, #tpu.memory_space<vmem>> -> memref<128x128xf32, #tpu.memory_space<vmem>>
      %dma_wait3A_251 = arith.constant 0 : i32
      %dma_wait3A_252 = tpu.memref_slice %arg7[%select_n3A_35, %dma_wait3A_245, %dma_wait3A_251] : memref<2x8x128xi32, #tpu.memory_space<vmem>> -> memref<1x1x128xi32, #tpu.memory_space<vmem>>
      %dma_wait3A_253 = tpu.memref_squeeze %dma_wait3A_252 : memref<1x1x128xi32, #tpu.memory_space<vmem>> -> memref<128xi32, #tpu.memory_space<vmem>>
      %dma_wait3A_254 = arith.constant 0 : i32
      %dma_wait3A_255 = arith.constant 0 : i32
      %dma_wait3A_256 = tpu.memref_slice %arg2[%dma_wait3A_254, %dma_wait3A_255] : memref<10000x128xf32, #tpu.memory_space<hbm>> -> memref<10000x128xf32, #tpu.memory_space<hbm>>
      tpu.wait_indirect_dma semaphore(%arg14 : memref<!tpu.dma_semaphore, #tpu.memory_space<semaphore_mem>>) src(%dma_wait3A_256 : memref<10000x128xf32, #tpu.memory_space<hbm>>) dst(%dma_wait3A_250 : memref<128x128xf32, #tpu.memory_space<vmem>>)
      %add3A_257 = arith.constant 1 : i32
      %add3A_258 = arith.addi %scan3A_25, %add3A_257 : i32
      %lt3A_259 = arith.constant 10 : i32
      %lt3A_260 = arith.cmpi slt, %add3A_258, %lt3A_259 : i32
      %convert_element_type3A_261 = arith.extui %lt3A_260 : i1 to i32
      %cond3A_262 = arith.constant 0 : i32
      %cond3A_263 = arith.cmpi ne, %convert_element_type3A_261, %cond3A_262 : i32
      scf.if %cond3A_263 {
        %dma_wait3A_267 = arith.constant 0 : i32
        %dma_wait3A_268 = arith.constant 0 : i32
        %dma_wait3A_269 = tpu.memref_slice %arg7[%select_n3A_53, %dma_wait3A_267, %dma_wait3A_268] : memref<2x8x128xi32, #tpu.memory_space<vmem>> -> memref<1x8x128xi32, #tpu.memory_space<vmem>>
        %dma_wait3A_270 = tpu.memref_squeeze %dma_wait3A_269 : memref<1x8x128xi32, #tpu.memory_space<vmem>> -> memref<8x128xi32, #tpu.memory_space<vmem>>
        %dma_wait3A_271 = arith.constant 0 : i32
        %dma_wait3A_272 = tpu.memref_slice %arg3[%add3A_58, %dma_wait3A_271] : memref<2560x128xi32, #tpu.memory_space<hbm>> -> memref<8x128xi32, #tpu.memory_space<hbm>>
        %dma_wait3A_273 = arith.constant 0 : i32
        %dma_wait3A_274 = arith.constant 0 : i32
        %dma_wait3A_275 = tpu.memref_slice %arg7[%select_n3A_53, %dma_wait3A_273, %dma_wait3A_274] : memref<2x8x128xi32, #tpu.memory_space<vmem>> -> memref<1x8x128xi32, #tpu.memory_space<vmem>>
        %dma_wait3A_276 = tpu.memref_squeeze %dma_wait3A_275 : memref<1x8x128xi32, #tpu.memory_space<vmem>> -> memref<8x128xi32, #tpu.memory_space<vmem>>
        %dma_wait3A_277 = arith.constant 0 : i32
        %dma_wait3A_278 = tpu.memref_slice %arg3[%add3A_58, %dma_wait3A_277] : memref<2560x128xi32, #tpu.memory_space<hbm>> -> memref<8x128xi32, #tpu.memory_space<hbm>>
        tpu.wait_dma2 semaphore(%arg11 : memref<!tpu.dma_semaphore, #tpu.memory_space<semaphore_mem>>) src(%dma_wait3A_278 : memref<8x128xi32, #tpu.memory_space<hbm>>) dst(%dma_wait3A_276 : memref<8x128xi32, #tpu.memory_space<vmem>>)
        %dma_wait3A_279 = arith.constant 0 : i32
        %dma_wait3A_280 = arith.constant 0 : i32
        %dma_wait3A_281 = tpu.memref_slice %arg8[%select_n3A_53, %dma_wait3A_279, %dma_wait3A_280] : memref<2x8x128xi32, #tpu.memory_space<vmem>> -> memref<1x8x128xi32, #tpu.memory_space<vmem>>
        %dma_wait3A_282 = tpu.memref_squeeze %dma_wait3A_281 : memref<1x8x128xi32, #tpu.memory_space<vmem>> -> memref<8x128xi32, #tpu.memory_space<vmem>>
        %dma_wait3A_283 = arith.constant 0 : i32
        %dma_wait3A_284 = tpu.memref_slice %arg4[%add3A_58, %dma_wait3A_283] : memref<2560x128xi32, #tpu.memory_space<hbm>> -> memref<8x128xi32, #tpu.memory_space<hbm>>
        %dma_wait3A_285 = arith.constant 0 : i32
        %dma_wait3A_286 = arith.constant 0 : i32
        %dma_wait3A_287 = tpu.memref_slice %arg8[%select_n3A_53, %dma_wait3A_285, %dma_wait3A_286] : memref<2x8x128xi32, #tpu.memory_space<vmem>> -> memref<1x8x128xi32, #tpu.memory_space<vmem>>
        %dma_wait3A_288 = tpu.memref_squeeze %dma_wait3A_287 : memref<1x8x128xi32, #tpu.memory_space<vmem>> -> memref<8x128xi32, #tpu.memory_space<vmem>>
        %dma_wait3A_289 = arith.constant 0 : i32
        %dma_wait3A_290 = tpu.memref_slice %arg4[%add3A_58, %dma_wait3A_289] : memref<2560x128xi32, #tpu.memory_space<hbm>> -> memref<8x128xi32, #tpu.memory_space<hbm>>
        tpu.wait_dma2 semaphore(%arg12 : memref<!tpu.dma_semaphore, #tpu.memory_space<semaphore_mem>>) src(%dma_wait3A_290 : memref<8x128xi32, #tpu.memory_space<hbm>>) dst(%dma_wait3A_288 : memref<8x128xi32, #tpu.memory_space<vmem>>)
        %dma_start3A_291 = arith.constant 0 : i32
        %dma_start3A_292 = arith.constant 0 : i32
        %dma_start3A_293 = arith.constant 0 : i32
        %dma_start3A_294 = arith.constant 0 : i32
        %dma_start3A_295 = tpu.memref_slice %arg9[%dma_start3A_292, %dma_start3A_293, %dma_start3A_294] : memref<2x128x128xf32, #tpu.memory_space<vmem>> -> memref<1x128x128xf32, #tpu.memory_space<vmem>>
        %dma_start3A_296 = tpu.memref_squeeze %dma_start3A_295 : memref<1x128x128xf32, #tpu.memory_space<vmem>> -> memref<128x128xf32, #tpu.memory_space<vmem>>
        %dma_start3A_297 = arith.constant 0 : i32
        %dma_start3A_298 = tpu.memref_slice %arg7[%select_n3A_53, %dma_start3A_291, %dma_start3A_297] : memref<2x8x128xi32, #tpu.memory_space<vmem>> -> memref<1x1x128xi32, #tpu.memory_space<vmem>>
        %dma_start3A_299 = tpu.memref_squeeze %dma_start3A_298 : memref<1x1x128xi32, #tpu.memory_space<vmem>> -> memref<128xi32, #tpu.memory_space<vmem>>
        %dma_start3A_300 = arith.constant 0 : i32
        %dma_start3A_301 = arith.constant 0 : i32
        %dma_start3A_302 = tpu.memref_slice %arg2[%dma_start3A_300, %dma_start3A_301] : memref<10000x128xf32, #tpu.memory_space<hbm>> -> memref<10000x128xf32, #tpu.memory_space<hbm>>
        tpu.enqueue_indirect_dma source(%dma_start3A_302 : memref<10000x128xf32, #tpu.memory_space<hbm>>) target(%dma_start3A_296 : memref<128x128xf32, #tpu.memory_space<vmem>>) offsets(%dma_start3A_299 : memref<128xi32, #tpu.memory_space<vmem>>) semaphore(%arg13 : memref<!tpu.dma_semaphore, #tpu.memory_space<semaphore_mem>>)
      } else {
      }
      %run_scoped3A_264 = arith.constant 1 : i32
      %run_scoped3A_265 = arith.constant 7 : i32
      "tpu.region"() ({
        %run_scoped3A_267 = tpu.sem_alloc : memref<!tpu.dma_semaphore, #tpu.memory_space<semaphore_mem>>
        %dma_start3A_268 = arith.constant 0 : i32
        %dma_start3A_269 = arith.constant 0 : i32
        %dma_start3A_270 = tpu.memref_slice %arg9[%run_scoped3A_264, %dma_start3A_268, %dma_start3A_269] : memref<2x128x128xf32, #tpu.memory_space<vmem>> -> memref<1x128x128xf32, #tpu.memory_space<vmem>>
        %dma_start3A_271 = tpu.memref_squeeze %dma_start3A_270 : memref<1x128x128xf32, #tpu.memory_space<vmem>> -> memref<128x128xf32, #tpu.memory_space<vmem>>
        %dma_start3A_272 = arith.constant 0 : i32
        %dma_start3A_273 = tpu.memref_slice %arg8[%select_n3A_35, %run_scoped3A_265, %dma_start3A_272] : memref<2x8x128xi32, #tpu.memory_space<vmem>> -> memref<1x1x128xi32, #tpu.memory_space<vmem>>
        %dma_start3A_274 = tpu.memref_squeeze %dma_start3A_273 : memref<1x1x128xi32, #tpu.memory_space<vmem>> -> memref<128xi32, #tpu.memory_space<vmem>>
        %dma_start3A_275 = arith.constant 0 : i32
        %dma_start3A_276 = arith.constant 0 : i32
        %dma_start3A_277 = tpu.memref_slice %arg10[%dma_start3A_275, %dma_start3A_276] : memref<10112x128xf32, #tpu.memory_space<vmem_shared>> -> memref<10112x128xf32, #tpu.memory_space<vmem_shared>>
        tpu.enqueue_indirect_dma source(%dma_start3A_271 : memref<128x128xf32, #tpu.memory_space<vmem>>) target(%dma_start3A_277 : memref<10112x128xf32, #tpu.memory_space<vmem_shared>>) offsets(%dma_start3A_274 : memref<128xi32, #tpu.memory_space<vmem>>) semaphore(%run_scoped3A_267 : memref<!tpu.dma_semaphore, #tpu.memory_space<semaphore_mem>>) {add = true}
        %dma_wait3A_278 = arith.constant 0 : i32
        %dma_wait3A_279 = arith.constant 0 : i32
        %dma_wait3A_280 = tpu.memref_slice %arg9[%run_scoped3A_264, %dma_wait3A_278, %dma_wait3A_279] : memref<2x128x128xf32, #tpu.memory_space<vmem>> -> memref<1x128x128xf32, #tpu.memory_space<vmem>>
        %dma_wait3A_281 = tpu.memref_squeeze %dma_wait3A_280 : memref<1x128x128xf32, #tpu.memory_space<vmem>> -> memref<128x128xf32, #tpu.memory_space<vmem>>
        %dma_wait3A_282 = arith.constant 0 : i32
        %dma_wait3A_283 = tpu.memref_slice %arg8[%select_n3A_35, %run_scoped3A_265, %dma_wait3A_282] : memref<2x8x128xi32, #tpu.memory_space<vmem>> -> memref<1x1x128xi32, #tpu.memory_space<vmem>>
        %dma_wait3A_284 = tpu.memref_squeeze %dma_wait3A_283 : memref<1x1x128xi32, #tpu.memory_space<vmem>> -> memref<128xi32, #tpu.memory_space<vmem>>
        %dma_wait3A_285 = arith.constant 0 : i32
        %dma_wait3A_286 = arith.constant 0 : i32
        %dma_wait3A_287 = tpu.memref_slice %arg10[%dma_wait3A_285, %dma_wait3A_286] : memref<10112x128xf32, #tpu.memory_space<vmem_shared>> -> memref<10112x128xf32, #tpu.memory_space<vmem_shared>>
        tpu.wait_indirect_dma semaphore(%run_scoped3A_267 : memref<!tpu.dma_semaphore, #tpu.memory_space<semaphore_mem>>) src(%dma_wait3A_281 : memref<128x128xf32, #tpu.memory_space<vmem>>) dst(%dma_wait3A_287 : memref<10112x128xf32, #tpu.memory_space<vmem_shared>>)
        tpu.yield
      }) : () -> ()
      %scan3A_266 = arith.constant 0 : i32
      scf.yield %scan3A_266 : i32
    }
    %scan3A_23 = arith.constant 10 : i32
    %barrier3A_24 = arith.constant 0 : index
    tpu.barrier barrier_id(%barrier3A_24)
    "tpu.region"() ({
      %run_scoped3A_25 = tpu.sem_alloc : memref<!tpu.dma_semaphore, #tpu.memory_space<semaphore_mem>>
      %dma_start3A_26 = arith.constant 0 : i32
      %dma_start3A_27 = arith.constant 0 : i32
      %dma_start3A_28 = tpu.memref_slice %arg6[%arg0, %dma_start3A_26, %dma_start3A_27] : memref<2x10112x128xf32, #tpu.memory_space<hbm>> -> memref<1x10112x128xf32, #tpu.memory_space<hbm>>
      %dma_start3A_29 = tpu.memref_squeeze %dma_start3A_28 : memref<1x10112x128xf32, #tpu.memory_space<hbm>> -> memref<10112x128xf32, #tpu.memory_space<hbm>>
      %dma_start3A_30 = arith.constant 0 : i32
      %dma_start3A_31 = tpu.memref_slice %dma_start3A_29[%mul3A_5, %dma_start3A_30] : memref<10112x128xf32, #tpu.memory_space<hbm>> -> memref<632x128xf32, #tpu.memory_space<hbm>>
      %dma_start3A_32 = arith.constant 0 : i32
      %dma_start3A_33 = tpu.memref_slice %arg10[%mul3A_5, %dma_start3A_32] : memref<10112x128xf32, #tpu.memory_space<vmem_shared>> -> memref<632x128xf32, #tpu.memory_space<vmem_shared>>
      tpu.enqueue_dma source(%dma_start3A_33 : memref<632x128xf32, #tpu.memory_space<vmem_shared>>) target(%dma_start3A_31 : memref<632x128xf32, #tpu.memory_space<hbm>>) target_semaphore(%run_scoped3A_25 : memref<!tpu.dma_semaphore, #tpu.memory_space<semaphore_mem>>)
      %dma_wait3A = arith.constant 0 : i32
      %dma_wait3A_34 = arith.constant 0 : i32
      %dma_wait3A_35 = tpu.memref_slice %arg6[%arg0, %dma_wait3A, %dma_wait3A_34] : memref<2x10112x128xf32, #tpu.memory_space<hbm>> -> memref<1x10112x128xf32, #tpu.memory_space<hbm>>
      %dma_wait3A_36 = tpu.memref_squeeze %dma_wait3A_35 : memref<1x10112x128xf32, #tpu.memory_space<hbm>> -> memref<10112x128xf32, #tpu.memory_space<hbm>>
      %dma_wait3A_37 = arith.constant 0 : i32
      %dma_wait3A_38 = tpu.memref_slice %dma_wait3A_36[%mul3A_5, %dma_wait3A_37] : memref<10112x128xf32, #tpu.memory_space<hbm>> -> memref<632x128xf32, #tpu.memory_space<hbm>>
      %dma_wait3A_39 = arith.constant 0 : i32
      %dma_wait3A_40 = tpu.memref_slice %arg10[%mul3A_5, %dma_wait3A_39] : memref<10112x128xf32, #tpu.memory_space<vmem_shared>> -> memref<632x128xf32, #tpu.memory_space<vmem_shared>>
      tpu.wait_dma2 semaphore(%run_scoped3A_25 : memref<!tpu.dma_semaphore, #tpu.memory_space<semaphore_mem>>) src(%dma_wait3A_40 : memref<632x128xf32, #tpu.memory_space<vmem_shared>>) dst(%dma_wait3A_38 : memref<632x128xf32, #tpu.memory_space<hbm>>)
      tpu.yield
    }) : () -> ()
    return
  }
}

module attributes {stable_mosaic.version = 14 : i64} {
  func.func @_in_body(%arg0: memref<10000x128xf32, #tpu.memory_space<vmem>>, %arg1: memref<128x128xf32, #tpu.memory_space<vmem>>, %arg2: memref<1x128xf32, #tpu.memory_space<vmem>>, %arg3: memref<1x128xf32, #tpu.memory_space<vmem>>, %arg4: memref<1x128xf32, #tpu.memory_space<vmem>>, %arg5: memref<1x128xf32, #tpu.memory_space<vmem>>, %arg6: memref<10000x128xf32, #tpu.memory_space<vmem>>, %arg7: memref<10000x128xf32, #tpu.memory_space<vmem>>) attributes {dimension_semantics = [], scalar_prefetch = 0 : i64, scratch_operands = 0 : i64, tpu.core_type = #tpu.core_type<tc>} {
    %get3A = arith.constant 0 : index
    %get3A_0 = arith.constant 0 : index
    %get3A_1 = vector.load %arg0[%get3A, %get3A_0] : memref<10000x128xf32, #tpu.memory_space<vmem>>, vector<10000x128xf32>
    %get3A_2 = arith.constant 0 : index
    %get3A_3 = arith.constant 0 : index
    %get3A_4 = vector.load %arg1[%get3A_2, %get3A_3] : memref<128x128xf32, #tpu.memory_space<vmem>>, vector<128x128xf32>
    %dot_general3A = arith.constant dense<0.000000e+00> : vector<10000x128xf32>
    %dot_general3A_5 = tpu.matmul %get3A_1, %get3A_4, %dot_general3A {dimension_numbers = #tpu.dot_dimension_numbers<[1], [1], [0], [0], [0, 0, 1, 0], [], []>, transpose_lhs_hint = false} : vector<10000x128xf32>, vector<128x128xf32>, vector<10000x128xf32> -> vector<10000x128xf32>
    %get3A_6 = arith.constant 0 : index
    %get3A_7 = arith.constant 0 : index
    %get3A_8 = vector.load %arg2[%get3A_6, %get3A_7] : memref<1x128xf32, #tpu.memory_space<vmem>>, vector<1x128xf32>
    %add3A = vector.broadcast %get3A_8 : vector<1x128xf32> to vector<10000x128xf32>
    %add3A_9 = arith.addf %dot_general3A_5, %add3A : vector<10000x128xf32>
    %get3A_10 = arith.constant 0 : index
    %get3A_11 = arith.constant 0 : index
    %get3A_12 = vector.load %arg3[%get3A_10, %get3A_11] : memref<1x128xf32, #tpu.memory_space<vmem>>, vector<1x128xf32>
    %get3A_13 = arith.constant 0 : index
    %get3A_14 = arith.constant 0 : index
    %get3A_15 = vector.load %arg4[%get3A_13, %get3A_14] : memref<1x128xf32, #tpu.memory_space<vmem>>, vector<1x128xf32>
    %broadcast_in_dim3A = arith.constant 1.000000e+00 : f32
    %broadcast_in_dim3A_16 = vector.broadcast %broadcast_in_dim3A : f32 to vector<8x10000xf32>
    %dot_general3A_17 = arith.constant dense<0.000000e+00> : vector<8x128xf32>
    %dot_general3A_18 = tpu.matmul %broadcast_in_dim3A_16, %add3A_9, %dot_general3A_17 {dimension_numbers = #tpu.dot_dimension_numbers<[1], [0], [0], [1], [0, 0, 1, 1], [], []>, precision = #tpu.contract_precision<fp32>, transpose_lhs_hint = false} : vector<8x10000xf32>, vector<10000x128xf32>, vector<8x128xf32> -> vector<8x128xf32>
    %slice3A = vector.extract_strided_slice %dot_general3A_18 {offsets = [0, 0], sizes = [1, 128], strides = [1, 1]} : vector<8x128xf32> to vector<1x128xf32>
    %div3A = arith.constant 1.000000e+04 : f32
    %div3A_19 = vector.broadcast %div3A : f32 to vector<1x128xf32>
    %div3A_20 = arith.divf %slice3A, %div3A_19 : vector<1x128xf32>
    %sub3A = vector.broadcast %div3A_20 : vector<1x128xf32> to vector<10000x128xf32>
    %sub3A_21 = arith.subf %add3A_9, %sub3A : vector<10000x128xf32>
    %mul3A = arith.mulf %sub3A_21, %sub3A_21 : vector<10000x128xf32>
    %broadcast_in_dim3A_22 = arith.constant 1.000000e+00 : f32
    %broadcast_in_dim3A_23 = vector.broadcast %broadcast_in_dim3A_22 : f32 to vector<8x10000xf32>
    %dot_general3A_24 = arith.constant dense<0.000000e+00> : vector<8x128xf32>
    %dot_general3A_25 = tpu.matmul %broadcast_in_dim3A_23, %mul3A, %dot_general3A_24 {dimension_numbers = #tpu.dot_dimension_numbers<[1], [0], [0], [1], [0, 0, 1, 1], [], []>, precision = #tpu.contract_precision<fp32>, transpose_lhs_hint = false} : vector<8x10000xf32>, vector<10000x128xf32>, vector<8x128xf32> -> vector<8x128xf32>
    %slice3A_26 = vector.extract_strided_slice %dot_general3A_25 {offsets = [0, 0], sizes = [1, 128], strides = [1, 1]} : vector<8x128xf32> to vector<1x128xf32>
    %div3A_27 = arith.constant 1.000000e+04 : f32
    %div3A_28 = vector.broadcast %div3A_27 : f32 to vector<1x128xf32>
    %div3A_29 = arith.divf %slice3A_26, %div3A_28 : vector<1x128xf32>
    %add3A_30 = arith.constant 9.99999974E-6 : f32
    %add3A_31 = vector.broadcast %add3A_30 : f32 to vector<1x128xf32>
    %add3A_32 = arith.addf %div3A_29, %add3A_31 : vector<1x128xf32>
    %sqrt3A = math.sqrt %add3A_32 : vector<1x128xf32>
    %div3A_33 = vector.broadcast %sqrt3A : vector<1x128xf32> to vector<10000x128xf32>
    %div3A_34 = arith.divf %sub3A_21, %div3A_33 : vector<10000x128xf32>
    %mul3A_35 = vector.broadcast %get3A_12 : vector<1x128xf32> to vector<10000x128xf32>
    %mul3A_36 = arith.mulf %div3A_34, %mul3A_35 : vector<10000x128xf32>
    %add3A_37 = vector.broadcast %get3A_15 : vector<1x128xf32> to vector<10000x128xf32>
    %add3A_38 = arith.addf %mul3A_36, %add3A_37 : vector<10000x128xf32>
    %max3A = arith.constant 0.000000e+00 : f32
    %max3A_39 = vector.broadcast %max3A : f32 to vector<10000x128xf32>
    %max3A_40 = arith.maximumf %add3A_38, %max3A_39 : vector<10000x128xf32>
    %swap3A = arith.constant 0 : index
    %swap3A_41 = arith.constant 0 : index
    %swap3A_42 = vector.load %arg6[%swap3A, %swap3A_41] : memref<10000x128xf32, #tpu.memory_space<vmem>>, vector<10000x128xf32>
    tpu.vector_store %arg6[%swap3A, %swap3A_41], %max3A_40 {strides = array<i32>} : memref<10000x128xf32, #tpu.memory_space<vmem>>, vector<10000x128xf32>,
    %get3A_43 = arith.constant 0 : index
    %get3A_44 = arith.constant 0 : index
    %get3A_45 = vector.load %arg5[%get3A_43, %get3A_44] : memref<1x128xf32, #tpu.memory_space<vmem>>, vector<1x128xf32>
    %max3A_46 = arith.constant 0.000000e+00 : f32
    %max3A_47 = vector.broadcast %max3A_46 : f32 to vector<1x128xf32>
    %max3A_48 = arith.maximumf %get3A_45, %max3A_47 : vector<1x128xf32>
    %add3A_49 = vector.broadcast %max3A_48 : vector<1x128xf32> to vector<10000x128xf32>
    %add3A_50 = arith.addf %max3A_40, %add3A_49 : vector<10000x128xf32>
    %max3A_51 = arith.constant 0.000000e+00 : f32
    %max3A_52 = vector.broadcast %max3A_51 : f32 to vector<10000x128xf32>
    %max3A_53 = arith.maximumf %add3A_50, %max3A_52 : vector<10000x128xf32>
    %swap3A_54 = arith.constant 0 : index
    %swap3A_55 = arith.constant 0 : index
    %swap3A_56 = vector.load %arg7[%swap3A_54, %swap3A_55] : memref<10000x128xf32, #tpu.memory_space<vmem>>, vector<10000x128xf32>
    tpu.vector_store %arg7[%swap3A_54, %swap3A_55], %max3A_53 {strides = array<i32>} : memref<10000x128xf32, #tpu.memory_space<vmem>>, vector<10000x128xf32>,
    return
  }
}

module attributes {stable_mosaic.version = 14 : i64} {
  func.func @_layer_body(%arg0: memref<10000x128xf32, #tpu.memory_space<vmem>>, %arg1: memref<2x10112x128xf32, #tpu.memory_space<vmem>>, %arg2: memref<128x128xf32, #tpu.memory_space<vmem>>, %arg3: memref<1x128xf32, #tpu.memory_space<vmem>>, %arg4: memref<1x128xf32, #tpu.memory_space<vmem>>, %arg5: memref<1x128xf32, #tpu.memory_space<vmem>>, %arg6: memref<10000x128xf32, #tpu.memory_space<vmem>>, %arg7: memref<10000x128xf32, #tpu.memory_space<vmem>>) attributes {dimension_semantics = [], scalar_prefetch = 0 : i64, scratch_operands = 0 : i64, tpu.core_type = #tpu.core_type<tc>} {
    %get3A = arith.constant 0 : index
    %get3A_0 = arith.constant 0 : index
    %get3A_1 = vector.load %arg0[%get3A, %get3A_0] : memref<10000x128xf32, #tpu.memory_space<vmem>>, vector<10000x128xf32>
    %get3A_2 = arith.constant 0 : index
    %get3A_3 = arith.constant 0 : index
    %get3A_4 = arith.constant 0 : index
    %get3A_5 = vector.load %arg1[%get3A_2, %get3A_3, %get3A_4] : memref<2x10112x128xf32, #tpu.memory_space<vmem>>, vector<1x10000x128xf32>
    %get3A_6 = vector.shape_cast %get3A_5 : vector<1x10000x128xf32> to vector<10000x128xf32>
    %add3A = arith.addf %get3A_1, %get3A_6 : vector<10000x128xf32>
    %get3A_7 = arith.constant 1 : index
    %get3A_8 = arith.constant 0 : index
    %get3A_9 = arith.constant 0 : index
    %get3A_10 = vector.load %arg1[%get3A_7, %get3A_8, %get3A_9] : memref<2x10112x128xf32, #tpu.memory_space<vmem>>, vector<1x10000x128xf32>
    %get3A_11 = vector.shape_cast %get3A_10 : vector<1x10000x128xf32> to vector<10000x128xf32>
    %add3A_12 = arith.addf %add3A, %get3A_11 : vector<10000x128xf32>
    %get3A_13 = arith.constant 0 : index
    %get3A_14 = arith.constant 0 : index
    %get3A_15 = vector.load %arg2[%get3A_13, %get3A_14] : memref<128x128xf32, #tpu.memory_space<vmem>>, vector<128x128xf32>
    %dot_general3A = arith.constant dense<0.000000e+00> : vector<10000x128xf32>
    %dot_general3A_16 = tpu.matmul %add3A_12, %get3A_15, %dot_general3A {dimension_numbers = #tpu.dot_dimension_numbers<[1], [1], [0], [0], [0, 0, 1, 0], [], []>, transpose_lhs_hint = false} : vector<10000x128xf32>, vector<128x128xf32>, vector<10000x128xf32> -> vector<10000x128xf32>
    %get3A_17 = arith.constant 0 : index
    %get3A_18 = arith.constant 0 : index
    %get3A_19 = vector.load %arg3[%get3A_17, %get3A_18] : memref<1x128xf32, #tpu.memory_space<vmem>>, vector<1x128xf32>
    %get3A_20 = arith.constant 0 : index
    %get3A_21 = arith.constant 0 : index
    %get3A_22 = vector.load %arg4[%get3A_20, %get3A_21] : memref<1x128xf32, #tpu.memory_space<vmem>>, vector<1x128xf32>
    %broadcast_in_dim3A = arith.constant 1.000000e+00 : f32
    %broadcast_in_dim3A_23 = vector.broadcast %broadcast_in_dim3A : f32 to vector<8x10000xf32>
    %dot_general3A_24 = arith.constant dense<0.000000e+00> : vector<8x128xf32>
    %dot_general3A_25 = tpu.matmul %broadcast_in_dim3A_23, %dot_general3A_16, %dot_general3A_24 {dimension_numbers = #tpu.dot_dimension_numbers<[1], [0], [0], [1], [0, 0, 1, 1], [], []>, precision = #tpu.contract_precision<fp32>, transpose_lhs_hint = false} : vector<8x10000xf32>, vector<10000x128xf32>, vector<8x128xf32> -> vector<8x128xf32>
    %slice3A = vector.extract_strided_slice %dot_general3A_25 {offsets = [0, 0], sizes = [1, 128], strides = [1, 1]} : vector<8x128xf32> to vector<1x128xf32>
    %div3A = arith.constant 1.000000e+04 : f32
    %div3A_26 = vector.broadcast %div3A : f32 to vector<1x128xf32>
    %div3A_27 = arith.divf %slice3A, %div3A_26 : vector<1x128xf32>
    %sub3A = vector.broadcast %div3A_27 : vector<1x128xf32> to vector<10000x128xf32>
    %sub3A_28 = arith.subf %dot_general3A_16, %sub3A : vector<10000x128xf32>
    %mul3A = arith.mulf %sub3A_28, %sub3A_28 : vector<10000x128xf32>
    %broadcast_in_dim3A_29 = arith.constant 1.000000e+00 : f32
    %broadcast_in_dim3A_30 = vector.broadcast %broadcast_in_dim3A_29 : f32 to vector<8x10000xf32>
    %dot_general3A_31 = arith.constant dense<0.000000e+00> : vector<8x128xf32>
    %dot_general3A_32 = tpu.matmul %broadcast_in_dim3A_30, %mul3A, %dot_general3A_31 {dimension_numbers = #tpu.dot_dimension_numbers<[1], [0], [0], [1], [0, 0, 1, 1], [], []>, precision = #tpu.contract_precision<fp32>, transpose_lhs_hint = false} : vector<8x10000xf32>, vector<10000x128xf32>, vector<8x128xf32> -> vector<8x128xf32>
    %slice3A_33 = vector.extract_strided_slice %dot_general3A_32 {offsets = [0, 0], sizes = [1, 128], strides = [1, 1]} : vector<8x128xf32> to vector<1x128xf32>
    %div3A_34 = arith.constant 1.000000e+04 : f32
    %div3A_35 = vector.broadcast %div3A_34 : f32 to vector<1x128xf32>
    %div3A_36 = arith.divf %slice3A_33, %div3A_35 : vector<1x128xf32>
    %add3A_37 = arith.constant 9.99999974E-6 : f32
    %add3A_38 = vector.broadcast %add3A_37 : f32 to vector<1x128xf32>
    %add3A_39 = arith.addf %div3A_36, %add3A_38 : vector<1x128xf32>
    %sqrt3A = math.sqrt %add3A_39 : vector<1x128xf32>
    %div3A_40 = vector.broadcast %sqrt3A : vector<1x128xf32> to vector<10000x128xf32>
    %div3A_41 = arith.divf %sub3A_28, %div3A_40 : vector<10000x128xf32>
    %mul3A_42 = vector.broadcast %get3A_19 : vector<1x128xf32> to vector<10000x128xf32>
    %mul3A_43 = arith.mulf %div3A_41, %mul3A_42 : vector<10000x128xf32>
    %add3A_44 = vector.broadcast %get3A_22 : vector<1x128xf32> to vector<10000x128xf32>
    %add3A_45 = arith.addf %mul3A_43, %add3A_44 : vector<10000x128xf32>
    %max3A = arith.constant 0.000000e+00 : f32
    %max3A_46 = vector.broadcast %max3A : f32 to vector<10000x128xf32>
    %max3A_47 = arith.maximumf %add3A_45, %max3A_46 : vector<10000x128xf32>
    %get3A_48 = arith.constant 0 : index
    %get3A_49 = arith.constant 0 : index
    %get3A_50 = vector.load %arg0[%get3A_48, %get3A_49] : memref<10000x128xf32, #tpu.memory_space<vmem>>, vector<10000x128xf32>
    %add3A_51 = arith.addf %max3A_47, %get3A_50 : vector<10000x128xf32>
    %swap3A = arith.constant 0 : index
    %swap3A_52 = arith.constant 0 : index
    %swap3A_53 = vector.load %arg6[%swap3A, %swap3A_52] : memref<10000x128xf32, #tpu.memory_space<vmem>>, vector<10000x128xf32>
    tpu.vector_store %arg6[%swap3A, %swap3A_52], %add3A_51 {strides = array<i32>} : memref<10000x128xf32, #tpu.memory_space<vmem>>, vector<10000x128xf32>,
    %get3A_54 = arith.constant 0 : index
    %get3A_55 = arith.constant 0 : index
    %get3A_56 = vector.load %arg5[%get3A_54, %get3A_55] : memref<1x128xf32, #tpu.memory_space<vmem>>, vector<1x128xf32>
    %max3A_57 = arith.constant 0.000000e+00 : f32
    %max3A_58 = vector.broadcast %max3A_57 : f32 to vector<1x128xf32>
    %max3A_59 = arith.maximumf %get3A_56, %max3A_58 : vector<1x128xf32>
    %add3A_60 = vector.broadcast %max3A_59 : vector<1x128xf32> to vector<10000x128xf32>
    %add3A_61 = arith.addf %add3A_51, %add3A_60 : vector<10000x128xf32>
    %max3A_62 = arith.constant 0.000000e+00 : f32
    %max3A_63 = vector.broadcast %max3A_62 : f32 to vector<10000x128xf32>
    %max3A_64 = arith.maximumf %add3A_61, %max3A_63 : vector<10000x128xf32>
    %swap3A_65 = arith.constant 0 : index
    %swap3A_66 = arith.constant 0 : index
    %swap3A_67 = vector.load %arg7[%swap3A_65, %swap3A_66] : memref<10000x128xf32, #tpu.memory_space<vmem>>, vector<10000x128xf32>
    tpu.vector_store %arg7[%swap3A_65, %swap3A_66], %max3A_64 {strides = array<i32>} : memref<10000x128xf32, #tpu.memory_space<vmem>>, vector<10000x128xf32>,
    return
  }
}

module attributes {stable_mosaic.version = 14 : i64} {
  func.func @_out_body(%arg0: memref<10000x128xf32, #tpu.memory_space<vmem>>, %arg1: memref<2x10112x128xf32, #tpu.memory_space<vmem>>, %arg2: memref<128x128xf32, #tpu.memory_space<vmem>>, %arg3: memref<1x128xf32, #tpu.memory_space<vmem>>, %arg4: memref<1x128xf32, #tpu.memory_space<vmem>>, %arg5: memref<10000x1xi32, #tpu.memory_space<vmem>>, %arg6: memref<128x128xf32, #tpu.memory_space<vmem>>, %arg7: memref<1x128xf32, #tpu.memory_space<vmem>>, %arg8: memref<1x128xf32, #tpu.memory_space<vmem>>, %arg9: memref<1x128xf32, #tpu.memory_space<vmem>>, %arg10: memref<128x128xf32, #tpu.memory_space<vmem>>, %arg11: memref<1x128xf32, #tpu.memory_space<vmem>>, %arg12: memref<64x128xf32, #tpu.memory_space<vmem>>) attributes {dimension_semantics = [], scalar_prefetch = 0 : i64, scratch_operands = 0 : i64, tpu.core_type = #tpu.core_type<tc>} {
    %get3A = arith.constant 0 : index
    %get3A_0 = arith.constant 0 : index
    %get3A_1 = vector.load %arg0[%get3A, %get3A_0] : memref<10000x128xf32, #tpu.memory_space<vmem>>, vector<10000x128xf32>
    %get3A_2 = arith.constant 0 : index
    %get3A_3 = arith.constant 0 : index
    %get3A_4 = arith.constant 0 : index
    %get3A_5 = vector.load %arg1[%get3A_2, %get3A_3, %get3A_4] : memref<2x10112x128xf32, #tpu.memory_space<vmem>>, vector<1x10000x128xf32>
    %get3A_6 = vector.shape_cast %get3A_5 : vector<1x10000x128xf32> to vector<10000x128xf32>
    %add3A = arith.addf %get3A_1, %get3A_6 : vector<10000x128xf32>
    %get3A_7 = arith.constant 1 : index
    %get3A_8 = arith.constant 0 : index
    %get3A_9 = arith.constant 0 : index
    %get3A_10 = vector.load %arg1[%get3A_7, %get3A_8, %get3A_9] : memref<2x10112x128xf32, #tpu.memory_space<vmem>>, vector<1x10000x128xf32>
    %get3A_11 = vector.shape_cast %get3A_10 : vector<1x10000x128xf32> to vector<10000x128xf32>
    %add3A_12 = arith.addf %add3A, %get3A_11 : vector<10000x128xf32>
    %get3A_13 = arith.constant 0 : index
    %get3A_14 = arith.constant 0 : index
    %get3A_15 = vector.load %arg2[%get3A_13, %get3A_14] : memref<128x128xf32, #tpu.memory_space<vmem>>, vector<128x128xf32>
    %dot_general3A = arith.constant dense<0.000000e+00> : vector<10000x128xf32>
    %dot_general3A_16 = tpu.matmul %add3A_12, %get3A_15, %dot_general3A {dimension_numbers = #tpu.dot_dimension_numbers<[1], [1], [0], [0], [0, 0, 1, 0], [], []>, transpose_lhs_hint = false} : vector<10000x128xf32>, vector<128x128xf32>, vector<10000x128xf32> -> vector<10000x128xf32>
    %get3A_17 = arith.constant 0 : index
    %get3A_18 = arith.constant 0 : index
    %get3A_19 = vector.load %arg3[%get3A_17, %get3A_18] : memref<1x128xf32, #tpu.memory_space<vmem>>, vector<1x128xf32>
    %get3A_20 = arith.constant 0 : index
    %get3A_21 = arith.constant 0 : index
    %get3A_22 = vector.load %arg4[%get3A_20, %get3A_21] : memref<1x128xf32, #tpu.memory_space<vmem>>, vector<1x128xf32>
    %broadcast_in_dim3A = arith.constant 1.000000e+00 : f32
    %broadcast_in_dim3A_23 = vector.broadcast %broadcast_in_dim3A : f32 to vector<8x10000xf32>
    %dot_general3A_24 = arith.constant dense<0.000000e+00> : vector<8x128xf32>
    %dot_general3A_25 = tpu.matmul %broadcast_in_dim3A_23, %dot_general3A_16, %dot_general3A_24 {dimension_numbers = #tpu.dot_dimension_numbers<[1], [0], [0], [1], [0, 0, 1, 1], [], []>, precision = #tpu.contract_precision<fp32>, transpose_lhs_hint = false} : vector<8x10000xf32>, vector<10000x128xf32>, vector<8x128xf32> -> vector<8x128xf32>
    %slice3A = vector.extract_strided_slice %dot_general3A_25 {offsets = [0, 0], sizes = [1, 128], strides = [1, 1]} : vector<8x128xf32> to vector<1x128xf32>
    %div3A = arith.constant 1.000000e+04 : f32
    %div3A_26 = vector.broadcast %div3A : f32 to vector<1x128xf32>
    %div3A_27 = arith.divf %slice3A, %div3A_26 : vector<1x128xf32>
    %sub3A = vector.broadcast %div3A_27 : vector<1x128xf32> to vector<10000x128xf32>
    %sub3A_28 = arith.subf %dot_general3A_16, %sub3A : vector<10000x128xf32>
    %mul3A = arith.mulf %sub3A_28, %sub3A_28 : vector<10000x128xf32>
    %broadcast_in_dim3A_29 = arith.constant 1.000000e+00 : f32
    %broadcast_in_dim3A_30 = vector.broadcast %broadcast_in_dim3A_29 : f32 to vector<8x10000xf32>
    %dot_general3A_31 = arith.constant dense<0.000000e+00> : vector<8x128xf32>
    %dot_general3A_32 = tpu.matmul %broadcast_in_dim3A_30, %mul3A, %dot_general3A_31 {dimension_numbers = #tpu.dot_dimension_numbers<[1], [0], [0], [1], [0, 0, 1, 1], [], []>, precision = #tpu.contract_precision<fp32>, transpose_lhs_hint = false} : vector<8x10000xf32>, vector<10000x128xf32>, vector<8x128xf32> -> vector<8x128xf32>
    %slice3A_33 = vector.extract_strided_slice %dot_general3A_32 {offsets = [0, 0], sizes = [1, 128], strides = [1, 1]} : vector<8x128xf32> to vector<1x128xf32>
    %div3A_34 = arith.constant 1.000000e+04 : f32
    %div3A_35 = vector.broadcast %div3A_34 : f32 to vector<1x128xf32>
    %div3A_36 = arith.divf %slice3A_33, %div3A_35 : vector<1x128xf32>
    %add3A_37 = arith.constant 9.99999974E-6 : f32
    %add3A_38 = vector.broadcast %add3A_37 : f32 to vector<1x128xf32>
    %add3A_39 = arith.addf %div3A_36, %add3A_38 : vector<1x128xf32>
    %sqrt3A = math.sqrt %add3A_39 : vector<1x128xf32>
    %div3A_40 = vector.broadcast %sqrt3A : vector<1x128xf32> to vector<10000x128xf32>
    %div3A_41 = arith.divf %sub3A_28, %div3A_40 : vector<10000x128xf32>
    %mul3A_42 = vector.broadcast %get3A_19 : vector<1x128xf32> to vector<10000x128xf32>
    %mul3A_43 = arith.mulf %div3A_41, %mul3A_42 : vector<10000x128xf32>
    %add3A_44 = vector.broadcast %get3A_22 : vector<1x128xf32> to vector<10000x128xf32>
    %add3A_45 = arith.addf %mul3A_43, %add3A_44 : vector<10000x128xf32>
    %max3A = arith.constant 0.000000e+00 : f32
    %max3A_46 = vector.broadcast %max3A : f32 to vector<10000x128xf32>
    %max3A_47 = arith.maximumf %add3A_45, %max3A_46 : vector<10000x128xf32>
    %get3A_48 = arith.constant 0 : index
    %get3A_49 = arith.constant 0 : index
    %get3A_50 = vector.load %arg0[%get3A_48, %get3A_49] : memref<10000x128xf32, #tpu.memory_space<vmem>>, vector<10000x128xf32>
    %add3A_51 = arith.addf %max3A_47, %get3A_50 : vector<10000x128xf32>
    %get3A_52 = arith.constant 0 : index
    %get3A_53 = arith.constant 0 : index
    %get3A_54 = vector.load %arg5[%get3A_52, %get3A_53] : memref<10000x1xi32, #tpu.memory_space<vmem>>, vector<10000x1xi32>
    %iota3A = tpu.iota {dimensions = array<i32: 1>} : vector<10000x64xi32>
    %eq3A = vector.broadcast %get3A_54 : vector<10000x1xi32> to vector<10000x64xi32>
    %eq3A_55 = arith.cmpi eq, %eq3A, %iota3A : vector<10000x64xi32>
    %convert_element_type3A = arith.extui %eq3A_55 : vector<10000x64xi1> to vector<10000x64xi32>
    %convert_element_type3A_56 = arith.sitofp %convert_element_type3A : vector<10000x64xi32> to vector<10000x64xf32>
    %dot_general3A_57 = arith.constant dense<0.000000e+00> : vector<64x128xf32>
    %dot_general3A_58 = tpu.matmul %convert_element_type3A_56, %add3A_51, %dot_general3A_57 {dimension_numbers = #tpu.dot_dimension_numbers<[0], [0], [1], [1], [0, 1, 1, 1], [], []>, precision = #tpu.contract_precision<fp32>, transpose_lhs_hint = false} : vector<10000x64xf32>, vector<10000x128xf32>, vector<64x128xf32> -> vector<64x128xf32>
    %get3A_59 = arith.constant 0 : index
    %get3A_60 = arith.constant 0 : index
    %get3A_61 = vector.load %arg6[%get3A_59, %get3A_60] : memref<128x128xf32, #tpu.memory_space<vmem>>, vector<128x128xf32>
    %dot_general3A_62 = arith.constant dense<0.000000e+00> : vector<64x128xf32>
    %dot_general3A_63 = tpu.matmul %dot_general3A_58, %get3A_61, %dot_general3A_62 {dimension_numbers = #tpu.dot_dimension_numbers<[1], [1], [0], [0], [0, 0, 1, 0], [], []>, transpose_lhs_hint = false} : vector<64x128xf32>, vector<128x128xf32>, vector<64x128xf32> -> vector<64x128xf32>
    %get3A_64 = arith.constant 0 : index
    %get3A_65 = arith.constant 0 : index
    %get3A_66 = vector.load %arg7[%get3A_64, %get3A_65] : memref<1x128xf32, #tpu.memory_space<vmem>>, vector<1x128xf32>
    %add3A_67 = vector.broadcast %get3A_66 : vector<1x128xf32> to vector<64x128xf32>
    %add3A_68 = arith.addf %dot_general3A_63, %add3A_67 : vector<64x128xf32>
    %get3A_69 = arith.constant 0 : index
    %get3A_70 = arith.constant 0 : index
    %get3A_71 = vector.load %arg8[%get3A_69, %get3A_70] : memref<1x128xf32, #tpu.memory_space<vmem>>, vector<1x128xf32>
    %get3A_72 = arith.constant 0 : index
    %get3A_73 = arith.constant 0 : index
    %get3A_74 = vector.load %arg9[%get3A_72, %get3A_73] : memref<1x128xf32, #tpu.memory_space<vmem>>, vector<1x128xf32>
    %broadcast_in_dim3A_75 = arith.constant 1.000000e+00 : f32
    %broadcast_in_dim3A_76 = vector.broadcast %broadcast_in_dim3A_75 : f32 to vector<8x64xf32>
    %dot_general3A_77 = arith.constant dense<0.000000e+00> : vector<8x128xf32>
    %dot_general3A_78 = tpu.matmul %broadcast_in_dim3A_76, %add3A_68, %dot_general3A_77 {dimension_numbers = #tpu.dot_dimension_numbers<[1], [0], [0], [1], [0, 0, 1, 1], [], []>, precision = #tpu.contract_precision<fp32>, transpose_lhs_hint = false} : vector<8x64xf32>, vector<64x128xf32>, vector<8x128xf32> -> vector<8x128xf32>
    %slice3A_79 = vector.extract_strided_slice %dot_general3A_78 {offsets = [0, 0], sizes = [1, 128], strides = [1, 1]} : vector<8x128xf32> to vector<1x128xf32>
    %div3A_80 = arith.constant 6.400000e+01 : f32
    %div3A_81 = vector.broadcast %div3A_80 : f32 to vector<1x128xf32>
    %div3A_82 = arith.divf %slice3A_79, %div3A_81 : vector<1x128xf32>
    %sub3A_83 = vector.broadcast %div3A_82 : vector<1x128xf32> to vector<64x128xf32>
    %sub3A_84 = arith.subf %add3A_68, %sub3A_83 : vector<64x128xf32>
    %mul3A_85 = arith.mulf %sub3A_84, %sub3A_84 : vector<64x128xf32>
    %broadcast_in_dim3A_86 = arith.constant 1.000000e+00 : f32
    %broadcast_in_dim3A_87 = vector.broadcast %broadcast_in_dim3A_86 : f32 to vector<8x64xf32>
    %dot_general3A_88 = arith.constant dense<0.000000e+00> : vector<8x128xf32>
    %dot_general3A_89 = tpu.matmul %broadcast_in_dim3A_87, %mul3A_85, %dot_general3A_88 {dimension_numbers = #tpu.dot_dimension_numbers<[1], [0], [0], [1], [0, 0, 1, 1], [], []>, precision = #tpu.contract_precision<fp32>, transpose_lhs_hint = false} : vector<8x64xf32>, vector<64x128xf32>, vector<8x128xf32> -> vector<8x128xf32>
    %slice3A_90 = vector.extract_strided_slice %dot_general3A_89 {offsets = [0, 0], sizes = [1, 128], strides = [1, 1]} : vector<8x128xf32> to vector<1x128xf32>
    %div3A_91 = arith.constant 6.400000e+01 : f32
    %div3A_92 = vector.broadcast %div3A_91 : f32 to vector<1x128xf32>
    %div3A_93 = arith.divf %slice3A_90, %div3A_92 : vector<1x128xf32>
    %add3A_94 = arith.constant 9.99999974E-6 : f32
    %add3A_95 = vector.broadcast %add3A_94 : f32 to vector<1x128xf32>
    %add3A_96 = arith.addf %div3A_93, %add3A_95 : vector<1x128xf32>
    %sqrt3A_97 = math.sqrt %add3A_96 : vector<1x128xf32>
    %div3A_98 = vector.broadcast %sqrt3A_97 : vector<1x128xf32> to vector<64x128xf32>
    %div3A_99 = arith.divf %sub3A_84, %div3A_98 : vector<64x128xf32>
    %mul3A_100 = vector.broadcast %get3A_71 : vector<1x128xf32> to vector<64x128xf32>
    %mul3A_101 = arith.mulf %div3A_99, %mul3A_100 : vector<64x128xf32>
    %add3A_102 = vector.broadcast %get3A_74 : vector<1x128xf32> to vector<64x128xf32>
    %add3A_103 = arith.addf %mul3A_101, %add3A_102 : vector<64x128xf32>
    %max3A_104 = arith.constant 0.000000e+00 : f32
    %max3A_105 = vector.broadcast %max3A_104 : f32 to vector<64x128xf32>
    %max3A_106 = arith.maximumf %add3A_103, %max3A_105 : vector<64x128xf32>
    %get3A_107 = arith.constant 0 : index
    %get3A_108 = arith.constant 0 : index
    %get3A_109 = vector.load %arg10[%get3A_107, %get3A_108] : memref<128x128xf32, #tpu.memory_space<vmem>>, vector<128x128xf32>
    %dot_general3A_110 = arith.constant dense<0.000000e+00> : vector<64x128xf32>
    %dot_general3A_111 = tpu.matmul %max3A_106, %get3A_109, %dot_general3A_110 {dimension_numbers = #tpu.dot_dimension_numbers<[1], [1], [0], [0], [0, 0, 1, 0], [], []>, transpose_lhs_hint = false} : vector<64x128xf32>, vector<128x128xf32>, vector<64x128xf32> -> vector<64x128xf32>
    %get3A_112 = arith.constant 0 : index
    %get3A_113 = arith.constant 0 : index
    %get3A_114 = vector.load %arg11[%get3A_112, %get3A_113] : memref<1x128xf32, #tpu.memory_space<vmem>>, vector<1x128xf32>
    %add3A_115 = vector.broadcast %get3A_114 : vector<1x128xf32> to vector<64x128xf32>
    %add3A_116 = arith.addf %dot_general3A_111, %add3A_115 : vector<64x128xf32>
    %swap3A = arith.constant 0 : index
    %swap3A_117 = arith.constant 0 : index
    %swap3A_118 = vector.load %arg12[%swap3A, %swap3A_117] : memref<64x128xf32, #tpu.memory_space<vmem>>, vector<64x128xf32>
    tpu.vector_store %arg12[%swap3A, %swap3A_117], %add3A_116 {strides = array<i32>} : memref<64x128xf32, #tpu.memory_space<vmem>>, vector<64x128xf32>,
    return
  }
}

</mosaic_0001>

<sc_bundles>
// kernel: kernel.12.cloned.1.call-start
scs
__scs_entry_jumppad:
0x0: {  	(pc) =	sbr.rel $0x88, $3  }
0x1: {  	(tag) =	ssettag $0x0;
	lr =	simm.s32 $0x1  }
0x2: {  	[smem:$0x3F90] =	sst lr;
	_ =	strace $0xD0000000  }
0x3: {  	_ = 	snop  }
0x4: {  	_ = 	snop  }
0x5: {  	_ = 	snop  }
0x6: {  	_ = 	snop  }
0x7: {  	_ = 	snop  }
__scs_overlays_trampoline_lowered:
0x8: {  	[smem:$0x3F9F] =	sst s0  }
0x9: {  	[smem:$0x3FA0] =	sst s1  }
0xa: {  	[smem:$0x3FA1] =	sst s2  }
0xb: {  	[smem:$0x3FA2] =	sst s3  }
0xc: {  	[smem:$0x3FA3] =	sst s4  }
0xd: {  	[smem:$0x3FA4] =	sst s5  }
0xe: {  	[smem:$0x3FA5] =	sst s6  }
0xf: {  	[smem:$0x3FA6] =	sst s7  }
0x10: {  	[smem:$0x3FA7] =	sst s8  }
0x11: {  	[smem:$0x3FA8] =	sst s9;
	s0 =	simm.s32 @!p0 $0x0  }
0x12: {  	s1 =	sld [smem:$0x3F8E];
	s0 =	simm.s32 @p0 $0x1  }
0x13: {  	[smem:$0x3FA9] =	sst s0;
	s0 =	simm.s32 @!p1 $0x0  }
0x14: {  	s2 =	sld [smem:$0x3F8D];
	s0 =	simm.s32 @p1 $0x1  }
0x15: {  	[smem:$0x3FAA] =	sst s0;
	s0 =	simm.s32 @!p2 $0x0  }
0x16: {  	s3 =	sld [smem:$0x3FDB];
	s0 =	simm.s32 @p2 $0x1  }
0x17: {  	s4 =	simm.s32 $0x1BF5;
	[smem:$0x3FAC] =	sst s0  }
0x18: {  	s0 =	sld [smem:$0x3F8F];
	_ =	swait.ge [sflag:s4], $0x0  }
0x19: {  	s7 =	sld [smem:$0x3F90]  }
0x1a: {  	s8 =	sadd.s32 $0xFFFFE003, lr  }
0x1b: {  	s9 =	sadd.s32 $0xFFFFFEF7, lr;
	s5 =	simm.s32 $0xFFFFFFFF;
	p2 =	slt.u32 s8, $0xFFFFF086  }
0x1c: {  	p1 =	slt.u32 s9, $0xF7A;
	s5 =	simm.s32 @!p2 $0x0  }
0x1d: {  	s5 =	simm.s32 @p1 $0x1;
	p0 =	seq.s32 s7, s2  }
0x1e: {  	s7 =	smul.u32 @!p0 $0xF7A, s2;
	p2 =	seq.s32 @!p0 s5, $0x0  }
0x1f: {  	s9 =	smul.u32 $0xF7A, s1;
	s8 =	simm.s32 @!p0 $0x1BF5;
	p2 =	por !p2, p0  }
0x20: {  	[sflag:s8] =	ssyncset.s32 @!p0 $0xFFFFF086;
	s6 =	sadd.s32 @!p0 s3, s7;
	s7 =	simm.s32 @!p0 $0x108  }
0x21: {  	s3 =	sadd.s32 s3, s9;
	s6 =	sadd.s32 @!p0 $0x88, s6;
	s7 =	simm.s32 @p2 $0x1082  }
0x22: {  	[simem:s7], [sflag:s8] =	dma.local @!p0 [hbm:s6], $0xF7A  }
0x23: {  	s9 =	sor.u32 $0xD0000000, s2;
	s6 =	simm.s32 $0x108;
	_ =	swait.ge @!p0 [sflag:s8], $0x0  }
0x24: {  	s3 =	sadd.s32 $0x88, s3;
	s6 =	simm.s32 @!p1 $0x1082;
	[sflag:s4] =	ssyncset.s32 $0xFFFFF086  }
0x25: {  	[simem:s6], [sflag:s4] =	dma.local [hbm:s3], $0xF7A  }
0x26: {  	[smem:$0x3F90] =	sst s1;
	(tag) =	ssettag s2;
	_ =	strace s9  }
0x27: {  	s1 =	sld [smem:$0x3FA0]  }
0x28: {  	s2 =	sld [smem:$0x3FA1]  }
0x29: {  	s4 =	sld [smem:$0x3FA3]  }
0x2a: {  	p0 =	seq.s32 s5, $0x0;
	s5 =	sld [smem:$0x3FA4]  }
0x2b: {  	s6 =	sld [smem:$0x3FA5]  }
0x2c: {  	s7 =	sld [smem:$0x3FA6]  }
0x2d: {  	s3 =	simm.s32 $0x108;
	s8 =	sld [smem:$0x3FA7]  }
0x2e: {  	s3 =	simm.s32 @!p0 $0x1082;
	s9 =	sld [smem:$0x3FA8]  }
0x2f: {  	lr =	sadd.s32 s0, s3;
	s0 =	sld [smem:$0x3F9F]  }
0x30: {  	s3 =	sld [smem:$0x3FA2]  }
0x31: {  	[smem:$0x3FAB] =	sst s10  }
0x32: {  	s10 =	sld [smem:$0x3FA9];
	_ =	sdelay $0x3  }
0x33: {  	p0 =	seq.s32 s10, $0x1;
	s10 =	sld [smem:$0x3FAB];
	_ =	sdelay $0x3  }
0x34: {  	[smem:$0x3FAB] =	sst s10  }
0x35: {  	s10 =	sld [smem:$0x3FAA];
	_ =	sdelay $0x3  }
0x36: {  	p1 =	seq.s32 s10, $0x1;
	s10 =	sld [smem:$0x3FAB];
	_ =	sdelay $0x3  }
0x37: {  	[smem:$0x3FAB] =	sst s10  }
0x38: {  	s10 =	sld [smem:$0x3FAC]  }
0x39: {  	_ = 	snop;
	(pc) =	sbr.ind lr, $3  }
0x3a: {  	_ = 	snop  }
0x3b: {  	_ = 	snop  }
0x3c: {  	p2 =	seq.s32 s10, $0x1;
	s10 =	sld [smem:$0x3FAB]  }
0x3d: {  	_ =	shalt  }
0x3e: {  	_ =	shalt  }
0x3f: {  	_ =	shalt  }
0x40: {  	_ =	shalt  }
0x41: {  	_ =	shalt  }
0x42: {  	_ =	shalt  }
0x43: {  	_ =	shalt  }
0x44: {  	_ =	shalt  }
0x45: {  	_ =	shalt  }
0x46: {  	_ =	shalt  }
0x47: {  	_ =	shalt  }
0x48: {  	_ =	shalt  }
0x49: {  	_ =	shalt  }
0x4a: {  	_ =	shalt  }
0x4b: {  	_ =	shalt  }
0x4c: {  	_ =	shalt  }
0x4d: {  	_ =	shalt  }
0x4e: {  	_ =	shalt  }
0x4f: {  	_ =	shalt  }
0x50: {  	_ =	shalt  }
0x51: {  	_ =	shalt  }
0x52: {  	_ =	shalt  }
0x53: {  	_ =	shalt  }
0x54: {  	_ =	shalt  }
0x55: {  	_ =	shalt  }
0x56: {  	_ =	shalt  }
0x57: {  	_ =	shalt  }
0x58: {  	_ =	shalt  }
0x59: {  	_ =	shalt  }
0x5a: {  	_ =	shalt  }
0x5b: {  	_ =	shalt  }
0x5c: {  	_ =	shalt  }
0x5d: {  	_ =	shalt  }
0x5e: {  	_ =	shalt  }
0x5f: {  	_ =	shalt  }
0x60: {  	_ =	shalt  }
0x61: {  	_ =	shalt  }
0x62: {  	_ =	shalt  }
0x63: {  	_ =	shalt  }
0x64: {  	_ =	shalt  }
0x65: {  	_ =	shalt  }
0x66: {  	_ =	shalt  }
0x67: {  	_ =	shalt  }
0x68: {  	_ =	shalt  }
0x69: {  	_ =	shalt  }
0x6a: {  	_ =	shalt  }
0x6b: {  	_ =	shalt  }
0x6c: {  	_ =	shalt  }
0x6d: {  	_ =	shalt  }
0x6e: {  	_ =	shalt  }
0x6f: {  	_ =	shalt  }
0x70: {  	_ =	shalt  }
0x71: {  	_ =	shalt  }
0x72: {  	_ =	shalt  }
0x73: {  	_ =	shalt  }
0x74: {  	_ =	shalt  }
0x75: {  	_ =	shalt  }
0x76: {  	_ =	shalt  }
0x77: {  	_ =	shalt  }
0x78: {  	_ =	shalt  }
0x79: {  	_ =	shalt  }
0x7a: {  	_ =	shalt  }
0x7b: {  	_ =	shalt  }
0x7c: {  	_ =	shalt  }
0x7d: {  	_ =	shalt  }
0x7e: {  	_ =	shalt  }
0x7f: {  	_ =	shalt  }
0x80: {  	_ =	shalt  }
0x81: {  	_ =	shalt  }
0x82: {  	_ =	shalt  }
0x83: {  	_ =	shalt  }
0x84: {  	_ =	shalt  }
0x85: {  	_ =	shalt  }
0x86: {  	_ =	shalt  }
0x87: {  	_ =	shalt  }
.Lfunc_end0:
.L_simem_size_0:
called_computation.1_lowered:
.L_overlay_start_0:
0x88: {  	s2 =	sld [smem:$0x3FD9]  }
0x89: {  	s3 =	sld [smem:$0x3FFE];
	_ =	sdelay $0x1  }
0x8a: {  	s1 =	srdreg.scid  }
0x8b: {  	s0 =	sand.u32 $0x1, s1  }
0x8c: {  	s16 =	sshll.u32 s0, $0xA;
	s2 =	sadd.s32 s3, s2  }
0x8d: {  	s2 =	sadd.s32 s2, s16  }
0x8e: {  	[smem:$0x3FB7] =	sst s2  }
0x8f: {  	_ = 	snop  }
0x90: {  	(tm) =	ssettm $0x1  }
0x91: {  	s17 =	sld [smem:$0x3FFB];
	_ =	sdelay $0x3  }
0x92: {  	_ =	strace s17  }
0x93: {  	s2 =	sld [smem:$0x3FFC];
	_ =	sdelay $0x3  }
0x94: {  	_ =	strace s2  }
0x95: {  	s2 =	sld [smem:$0x3FFD];
	_ =	sdelay $0x3  }
0x96: {  	_ =	strace s2  }
0x97: {  	_ =	strace $0x8FFFFFFF  }
0x98: {  	s18 =	sld [smem:$0x3FDB];
	_ =	sdelay $0x1  }
0x99: {  	s19 =	simm.s32 $_scs_section_size  }
0x9a: {  	s4 =	simm.s32 $_size__tile_overlayer_lowered;
	s5 =	simm.s32 $_tile_overlayer_lowered  }
0x9b: {  	s22 =	simm.s32 $0x1BFF;
	s21 =	sshll.u32 s5, $0x1;
	s2 =	sadd.s32 s19, s18  }
0x9c: {  	s6 =	simm.s32 $0x0;
	s20 =	sshll.u32 s4, $0x1;
	s4 =	sadd.s32 s21, s2  }
0x9d: {  	[timem:s6], [sflag:s22] =	dma.local [hbm:s4], s20  }
0x9e: {  	_ =	swait.ge [sflag:s22], s20  }
0x9f: {  	s3 =	ssub.s32 $0x0, s20;
	[sflag:s22] =	ssyncset.done $0x0  }
0xa0: {  	[sflag:s22] =	ssyncadd.s32 s3;
	_ =	sdelay $0x1  }
0xa1: {  	s23 =	simm.s32 $0x1B8B  }
0xa2: {  	_ =	swait.ge [sflag:s23], $0x1  }
0xa3: {  	[sflag:s23] =	ssyncset.done $0x0  }
0xa4: {  	s25 =	simm.s32 $0x1B8E;
	s24 =	sld [smem:$0x3FFE];
	[sflag:s23] =	ssyncadd.s32 $0xFFFFFFFF  }
0xa5: {  	s26 =	simm.s32 $execute0_lowered;
	[smem:$0x3FD2] =	sst s25  }
0xa6: {  	s4 =	sshll.u32 s26, $0x1;
	_ =	strace $0x80000049;
	[dreg:$0x1] =	wrdreg $0xFFFFFFFF  }
0xa7: {  	s28 =	simm.s32 $_size_execute0_lowered;
	s2 =	sadd.s32 s2, s4;
	[dreg:$0x0] =	wrdreg $0x0  }
0xa8: {  	s4 =	sshll.u32 s28, $0x1;
	[dreg:$0x2] =	wrdreg s2  }
0xa9: {  	[dreg:$0x3] =	wrdreg s4  }
0xaa: {  	[dreg:$0x4] =	wrdreg $0xC0  }
0xab: {  	_ =	task [dreg:s6], $0x5FFFF  }
0xac: {  	[dreg:$0x1] =	wrdreg $0xFFFFFFFF  }
0xad: {  	[dreg:$0x0] =	wrdreg $0x60  }
0xae: {  	[dreg:$0x2] =	wrdreg s24  }
0xaf: {  	[dreg:$0x3] =	wrdreg $0x90000  }
0xb0: {  	[dreg:$0x4] =	wrdreg $0x9  }
0xb1: {  	_ =	task.clear_ibuf [dreg:s6], $0x5FFFF;
	_ =	strace $0x90000049  }
0xb2: {  	s29 =	simm.s32 $0x9;
	_ =	strace $0x8000004B  }
0xb3: {  	_ =	swait.ge [sflag:s29], $0x1  }
0xb4: {  	[sflag:s29] =	ssyncadd.s32 $0xFFFFFFFF  }
0xb5: {  	_ =	strace $0x9000004B  }
0xb6: {  	_ =	sfence  }
0xb7: {  	s30 =	sld [smem:$0x0];
	_ =	sdelay $0x2  }
0xb8: {  	s31 =	sshll.u32 s1, $0xD;
	s1 =	sshrl.u32 s1, $0x2  }
0xb9: {  	s3 =	sand.u32 $0x4000, s31;
	s1 =	sadd.s32 s1, s30  }
0xba: {  	s0 =	sor.u32 s3, s0;
	s1 =	sshll.u32 s1, $0x11  }
0xbb: {  	s0 =	sor.u32 s1, s0  }
0xbc: {  	s0 =	sadd.s32 $0x8F2B, s0  }
0xbd: {  	[sflag:s0] =	ssyncadd.remote.s32 $0x1  }
0xbe: {  	_ =	sfence.sel $0xFFFF  }
0xbf: {  	[dreg:$0x0] =	wrdreg $0xFFFFFFFF;
	(pc) =	sbr.abs _section_cstart, $3  }
0xc0: {  	[dreg:$0x1] =	wrdreg $0xFFFFFFFF  }
0xc1: {  	_ =	task.clear_ibuf [dreg:s6], $0x2FFFF;
	_ =	strace $0x9FFFFFFF  }
0xc2: {  	(tm) =	ssettm $0x7FFFFFFF  }
0xc3: {  	_ =	shalt  }
tec
execute0_lowered:
.L_overlay_start_1:
0x0: {  	(tag) =	ssettag $0x1  }
0x1: {  	s5 =	rddreg [dreg:$0x0]  }
0x2: {  	s2 =	rddreg [dreg:$0x1]  }
0x3: {  	s0 =	rddreg [dreg:$0x2];
	s3 =	simm.s32 $0x0  }
0x4: {  	s1 =	stileid.u32;
	s4 =	srdreg.scid;
	s15 =	simm.s32 $0x3  }
0x5: {  	s16 =	simm.s32 $0x5000;
	s17 =	simm.s32 $0x4;
	s18 =	smul.u32 $0x2780, s1  }
0x6: {  	[smem:$0x7FF] =	sst s3;
	s6 =	sand.u32 $0x1, s4;
	s13 =	smul.u32 $0xA, s1  }
0x7: {  	s4 =	sadd.s32 $0x17A00, s5;
	s7 =	sadd.s32 $0x3A00, s5;
	s14 =	smul.u32 $0x4F000, s1  }
0x8: {  	s9 =	sadd.s32 $0xDA00, s5;
	s31 =	sshll.u32 s1, $0x6;
	s8 =	smul.u32 $0x27800, s6  }
0x9: {  	_ =	strace $0x8000004A;
	s10 =	sshll.u32 s6, $0x4;
	s11 =	smul.u32 $0xA0, s6  }
0xa: {  	s25 =	ssub.s32 $0x2, s6;
	s12 =	sadd.s32 s18, s5;
	s10 =	sor.u32 s1, s10  }
0xb: {  	s28 =	sshrl.u32 s25, $0x1;
	s29 =	sshrl.u32 s14, $0x2;
	s14 =	simm.s32 $0x1000  }
0xc: {  	s8 =	sadd.s32 s8, s5;
	s26 =	smul.u32 $0x500, s10;
	s11 =	sadd.s32 s13, s11  }
0xd: {  	s10 =	ssub.s32 s25, s28;
	s13 =	sadd.s32 s29, s2;
	s11 =	sshll.u32 s11, $0x7  }
0xe: {  	s19 =	sadd.s32 $0x66400, s8;
	s8 =	smax.u32 s10, $0x1;
	s10 =	simm.s32 $0x800  }
0xf: {  	s5 =	sadd.s32 s7, s26;
	s6 =	sadd.s32 s9, s26;
	s7 =	sadd.s32 s11, s7  }
0x10: {  	s9 =	sadd.s32 s11, s9;
	s11 =	sor.u32 $0x1C05, s31;
	s18 =	sadd.s32 s18, s19  }
0x11: {  	s19 =	simm.s32 $0x0;
	s30 =	sadd.s32 $0x80, s7;
	s7 =	sadd.s32 $0x3EC00, s12  }
0x12: {  	s9 =	sadd.s32 $0x80, s9;
	s12 =	sshrl.u32 s13, $0x3;
	[dreg:$0x3] =	wrdreg s30  }
0x13: {  	s13 =	simm.s32 $0x80;
	[dreg:$0x4] =	wrdreg s9;
	s9 =	simm.s32 $0x5  }
.LBB2_1:
0x14: {  	[tilespmem:s3], [sflag:$0x5] =	stream.linear.gather [hbm4b:s5+s3], $0x400, $0x38;
	[tilespmem:$0x1CC00] =	vst v63  }
0x15: {  	_ =	swait.ge [sflag:s9], $0x400  }
0x16: {  	[sflag:s9] =	ssyncset.done $0x0  }
0x17: {  	[sflag:s9] =	ssyncadd.s32 $0xFFFFFC00  }
0x18: {  	[tilespmem:s10], [sflag:$0x5] =	stream.linear.gather [hbm4b:s6+s3], $0x400, $0x38;
	[tilespmem:$0x1CC00] =	vst v63  }
0x19: {  	_ =	swait.ge [sflag:s9], $0x400  }
0x1a: {  	[sflag:s9] =	ssyncset.done $0x0  }
0x1b: {  	[sflag:s9] =	ssyncadd.s32 $0xFFFFFC00  }
0x1c: {  	[spmem:s12], [sflag:s11] =	dma.local [hbm:s7], $0x2780  }
0x1d: {  	_ =	swait.ge [sflag:s9], $0x2780  }
0x1e: {  	[sflag:s9] =	ssyncset.done $0x0  }
0x1f: {  	[sflag:s9] =	ssyncadd.s32 $0xFFFFD880  }
0x20: {  	s20 =	simm.s32 $0x1;
	p0 =	por $0x0, $0x0;
	[bflag:$0x0] =	sbarrier.arrive $0xFFFF  }
0x21: {  	[tilespmem:s14], [sflag:$0x3] =	stream.indirect.gather [hbm4b:s4+s13], $0x80, s3, s13, $0xb8;
	[tilespmem:$0x1CC00] =	vst v63  }
0x22: {  	s20 =	sand.u32 $0x1, s20;
	s23 =	simm.s32 @!p0 $0x0;
	s21 =	rddreg [dreg:$0x3]  }
0x23: {  	s20 =	sshll.u32 @!p0 s20, $0xA;
	s22 =	rddreg [dreg:$0x4];
	s21 =	sadd.s32 @!p0 $0x0, s21  }
0x24: {  	[tilespmem:s20], [sflag:$0x1] =	stream.linear.gather @!p0 [hbm4b:s21+s23], $0x400, $0x38;
	[tilespmem:$0x1CC00] =	vst v63  }
0x25: {  	s22 =	sadd.s32 @!p0 $0x0, s22;
	s21 =	sor.u32 @!p0 $0x800, s20  }
0x26: {  	[tilespmem:s21], [sflag:$0x2] =	stream.linear.gather @!p0 [hbm4b:s22+s23], $0x400, $0x38;
	[tilespmem:$0x1CC00] =	vst v63  }
0x27: {  	_ =	swait.ge [sflag:s15], $0x4000  }
0x28: {  	s21 =	sand.u32 $0x400, s3;
	[sflag:s15] =	ssyncset.done $0x0  }
0x29: {  	s25 =	sor.u32 $0x80, s21;
	[sflag:s15] =	ssyncadd.s32 $0xFFFFC000  }
0x2a: {  	[tilespmem:s16], [sflag:$0x4] =	stream.indirect.gather [hbm4b:s4+s13], $0x80, s25, s13, $0xb8;
	[tilespmem:$0x1CC00] =	vst v63  }
0x2b: {  	s26 =	sor.u32 $0x800, s21  }
0x2c: {  	[spmem:s2] =	stream.indirect.scatter.add.f32 [tilespmem:s14], [sflag:$0x5], $0x80, s26, s13, $0xb8;
	[tilespmem:$0x1CC00] =	vst v63  }
0x2d: {  	_ =	swait.ge [sflag:s9], $0x4000  }
0x2e: {  	[sflag:s9] =	ssyncset.done $0x0  }
0x2f: {  	[sflag:s9] =	ssyncadd.s32 $0xFFFFC000  }
0x30: {  	_ =	swait.ge [sflag:s17], $0x4000  }
0x31: {  	[sflag:s17] =	ssyncset.done $0x0  }
0x32: {  	s28 =	sor.u32 $0x100, s21;
	[sflag:s17] =	ssyncadd.s32 $0xFFFFC000  }
0x33: {  	[tilespmem:s14], [sflag:$0x3] =	stream.indirect.gather [hbm4b:s4+s13], $0x80, s28, s13, $0xb8;
	[tilespmem:$0x1CC00] =	vst v63  }
0x34: {  	s29 =	sor.u32 $0x880, s21  }
0x35: {  	[spmem:s2] =	stream.indirect.scatter.add.f32 [tilespmem:s16], [sflag:$0x5], $0x80, s29, s13, $0xb8;
	[tilespmem:$0x1CC00] =	vst v63  }
0x36: {  	_ =	swait.ge [sflag:s9], $0x4000  }
0x37: {  	[sflag:s9] =	ssyncset.done $0x0  }
0x38: {  	[sflag:s9] =	ssyncadd.s32 $0xFFFFC000  }
0x39: {  	_ =	swait.ge [sflag:s15], $0x4000  }
0x3a: {  	[sflag:s15] =	ssyncset.done $0x0  }
0x3b: {  	s30 =	sor.u32 $0x180, s21;
	[sflag:s15] =	ssyncadd.s32 $0xFFFFC000  }
0x3c: {  	[tilespmem:s16], [sflag:$0x4] =	stream.indirect.gather [hbm4b:s4+s13], $0x80, s30, s13, $0xb8;
	[tilespmem:$0x1CC00] =	vst v63  }
0x3d: {  	s31 =	sor.u32 $0x900, s21  }
0x3e: {  	[spmem:s2] =	stream.indirect.scatter.add.f32 [tilespmem:s14], [sflag:$0x5], $0x80, s31, s13, $0xb8;
	[tilespmem:$0x1CC00] =	vst v63  }
0x3f: {  	_ =	swait.ge [sflag:s9], $0x4000  }
0x40: {  	[sflag:s9] =	ssyncset.done $0x0  }
0x41: {  	[sflag:s9] =	ssyncadd.s32 $0xFFFFC000  }
0x42: {  	_ =	swait.ge [sflag:s17], $0x4000  }
0x43: {  	[sflag:s17] =	ssyncset.done $0x0  }
0x44: {  	s23 =	sor.u32 $0x200, s21;
	[sflag:s17] =	ssyncadd.s32 $0xFFFFC000  }
0x45: {  	[tilespmem:s14], [sflag:$0x3] =	stream.indirect.gather [hbm4b:s4+s13], $0x80, s23, s13, $0xb8;
	[tilespmem:$0x1CC00] =	vst v63  }
0x46: {  	s24 =	sor.u32 $0x980, s21  }
0x47: {  	[spmem:s2] =	stream.indirect.scatter.add.f32 [tilespmem:s16], [sflag:$0x5], $0x80, s24, s13, $0xb8;
	[tilespmem:$0x1CC00] =	vst v63  }
0x48: {  	_ =	swait.ge [sflag:s9], $0x4000  }
0x49: {  	[sflag:s9] =	ssyncset.done $0x0  }
0x4a: {  	[sflag:s9] =	ssyncadd.s32 $0xFFFFC000  }
0x4b: {  	_ =	swait.ge [sflag:s15], $0x4000  }
0x4c: {  	[sflag:s15] =	ssyncset.done $0x0  }
0x4d: {  	s25 =	sor.u32 $0x280, s21;
	[sflag:s15] =	ssyncadd.s32 $0xFFFFC000  }
0x4e: {  	[tilespmem:s16], [sflag:$0x4] =	stream.indirect.gather [hbm4b:s4+s13], $0x80, s25, s13, $0xb8;
	[tilespmem:$0x1CC00] =	vst v63  }
0x4f: {  	s26 =	sor.u32 $0xA00, s21  }
0x50: {  	[spmem:s2] =	stream.indirect.scatter.add.f32 [tilespmem:s14], [sflag:$0x5], $0x80, s26, s13, $0xb8;
	[tilespmem:$0x1CC00] =	vst v63  }
0x51: {  	_ =	swait.ge [sflag:s9], $0x4000  }
0x52: {  	[sflag:s9] =	ssyncset.done $0x0  }
0x53: {  	[sflag:s9] =	ssyncadd.s32 $0xFFFFC000  }
0x54: {  	_ =	swait.ge [sflag:s17], $0x4000  }
0x55: {  	[sflag:s17] =	ssyncset.done $0x0  }
0x56: {  	s28 =	sor.u32 $0x300, s21;
	[sflag:s17] =	ssyncadd.s32 $0xFFFFC000  }
0x57: {  	[tilespmem:s14], [sflag:$0x3] =	stream.indirect.gather [hbm4b:s4+s13], $0x80, s28, s13, $0xb8;
	[tilespmem:$0x1CC00] =	vst v63  }
0x58: {  	s29 =	sor.u32 $0xA80, s21  }
0x59: {  	[spmem:s2] =	stream.indirect.scatter.add.f32 [tilespmem:s16], [sflag:$0x5], $0x80, s29, s13, $0xb8;
	[tilespmem:$0x1CC00] =	vst v63  }
0x5a: {  	_ =	swait.ge [sflag:s9], $0x4000  }
0x5b: {  	[sflag:s9] =	ssyncset.done $0x0  }
0x5c: {  	[sflag:s9] =	ssyncadd.s32 $0xFFFFC000  }
0x5d: {  	_ =	swait.ge [sflag:s15], $0x4000  }
0x5e: {  	[sflag:s15] =	ssyncset.done $0x0  }
0x5f: {  	s30 =	sor.u32 $0x380, s21;
	[sflag:s15] =	ssyncadd.s32 $0xFFFFC000  }
0x60: {  	[tilespmem:s16], [sflag:$0x4] =	stream.indirect.gather [hbm4b:s4+s13], $0x80, s30, s13, $0xb8;
	[tilespmem:$0x1CC00] =	vst v63  }
0x61: {  	s21 =	sor.u32 $0xB00, s21  }
0x62: {  	[spmem:s2] =	stream.indirect.scatter.add.f32 [tilespmem:s14], [sflag:$0x5], $0x80, s21, s13, $0xb8;
	[tilespmem:$0x1CC00] =	vst v63  }
0x63: {  	_ =	swait.ge [sflag:s9], $0x4000  }
0x64: {  	[sflag:s9] =	ssyncset.done $0x0  }
0x65: {  	[sflag:s9] =	ssyncadd.s32 $0xFFFFC000  }
0x66: {  	_ =	swait.ge [sflag:s17], $0x4000  }
0x67: {  	[sflag:s17] =	ssyncset.done $0x0  }
0x68: {  	s21 =	simm.s32 @!p0 $0x1;
	[sflag:s17] =	ssyncadd.s32 $0xFFFFC000  }
0x69: {  	_ =	swait.ge @!p0 [sflag:s21], $0x400  }
0x6a: {  	[sflag:s21] =	ssyncset.done @!p0 $0x0  }
0x6b: {  	[sflag:s21] =	ssyncadd.s32 @!p0 $0xFFFFFC00;
	s21 =	simm.s32 @!p0 $0x2  }
0x6c: {  	_ =	swait.ge @!p0 [sflag:s21], $0x400  }
0x6d: {  	[sflag:s21] =	ssyncset.done @!p0 $0x0  }
0x6e: {  	s23 =	simm.s32 @!p0 $0x1000;
	[sflag:s21] =	ssyncadd.s32 @!p0 $0xFFFFFC00;
	s21 =	simm.s32 @!p0 $0x80  }
0x6f: {  	[tilespmem:s23], [sflag:$0x3] =	stream.indirect.gather @!p0 [hbm4b:s4+s21], $0x80, s20, s21, $0xb8;
	[tilespmem:$0x1CC00] =	vst v63  }
0x70: {  	s31 =	sor.u32 $0x800, s30  }
0x71: {  	[spmem:s2] =	stream.indirect.scatter.add.f32 [tilespmem:s16], [sflag:$0x5], $0x80, s31, s13, $0xb8;
	[tilespmem:$0x1CC00] =	vst v63  }
0x72: {  	s22 =	simm.s32 $0x100;
	s21 =	simm.s32 $0x80;
	_ =	swait.ge [sflag:s9], $0x4000  }
0x73: {  	s20 =	simm.s32 $0x400;
	s23 =	simm.s32 $0x2;
	[sflag:s9] =	ssyncset.done $0x0  }
.LBB2_2:
0x74: {  	s25 =	rddreg [dreg:$0x3];
	[sflag:s9] =	ssyncadd.s32 $0xFFFFC000  }
0x75: {  	s24 =	sand.u32 $0x1, s23;
	p1 =	seq.s32 s21, $0x480;
	s28 =	rddreg [dreg:$0x4]  }
0x76: {  	s24 =	sshll.u32 @!p1 s24, $0xA;
	s25 =	sadd.s32 @!p1 s21, s25;
	s29 =	simm.s32 @!p1 $0x0  }
0x77: {  	[tilespmem:s24], [sflag:$0x1] =	stream.linear.gather @!p1 [hbm4b:s25+s29], $0x400, $0x38;
	[tilespmem:$0x1CC00] =	vst v63  }
0x78: {  	s28 =	sadd.s32 @!p1 s21, s28;
	s25 =	sor.u32 @!p1 $0x800, s24  }
0x79: {  	[tilespmem:s25], [sflag:$0x2] =	stream.linear.gather @!p1 [hbm4b:s28+s29], $0x400, $0x38;
	[tilespmem:$0x1CC00] =	vst v63  }
0x7a: {  	_ =	swait.ge [sflag:s15], $0x4000  }
0x7b: {  	s25 =	sand.u32 $0x400, s20;
	[sflag:s15] =	ssyncset.done $0x0  }
0x7c: {  	s30 =	sor.u32 $0x80, s25;
	[sflag:s15] =	ssyncadd.s32 $0xFFFFC000  }
0x7d: {  	[tilespmem:s16], [sflag:$0x4] =	stream.indirect.gather [hbm4b:s4+s13], $0x80, s30, s13, $0xb8;
	[tilespmem:$0x1CC00] =	vst v63  }
0x7e: {  	s31 =	sor.u32 $0x800, s25  }
0x7f: {  	[spmem:s2] =	stream.indirect.scatter.add.f32 [tilespmem:s14], [sflag:$0x5], $0x80, s31, s13, $0xb8;
	[tilespmem:$0x1CC00] =	vst v63  }
0x80: {  	_ =	swait.ge [sflag:s9], $0x4000  }
0x81: {  	[sflag:s9] =	ssyncset.done $0x0  }
0x82: {  	[sflag:s9] =	ssyncadd.s32 $0xFFFFC000  }
0x83: {  	_ =	swait.ge [sflag:s17], $0x4000  }
0x84: {  	[sflag:s17] =	ssyncset.done $0x0  }
0x85: {  	s28 =	sor.u32 $0x100, s25;
	[sflag:s17] =	ssyncadd.s32 $0xFFFFC000  }
0x86: {  	[tilespmem:s14], [sflag:$0x3] =	stream.indirect.gather [hbm4b:s4+s13], $0x80, s28, s13, $0xb8;
	[tilespmem:$0x1CC00] =	vst v63  }
0x87: {  	s29 =	sor.u32 $0x880, s25  }
0x88: {  	[spmem:s2] =	stream.indirect.scatter.add.f32 [tilespmem:s16], [sflag:$0x5], $0x80, s29, s13, $0xb8;
	[tilespmem:$0x1CC00] =	vst v63  }
0x89: {  	_ =	swait.ge [sflag:s9], $0x4000  }
0x8a: {  	[sflag:s9] =	ssyncset.done $0x0  }
0x8b: {  	[sflag:s9] =	ssyncadd.s32 $0xFFFFC000  }
0x8c: {  	_ =	swait.ge [sflag:s15], $0x4000  }
0x8d: {  	[sflag:s15] =	ssyncset.done $0x0  }
0x8e: {  	s30 =	sor.u32 $0x180, s25;
	[sflag:s15] =	ssyncadd.s32 $0xFFFFC000  }
0x8f: {  	[tilespmem:s16], [sflag:$0x4] =	stream.indirect.gather [hbm4b:s4+s13], $0x80, s30, s13, $0xb8;
	[tilespmem:$0x1CC00] =	vst v63  }
0x90: {  	s31 =	sor.u32 $0x900, s25  }
0x91: {  	[spmem:s2] =	stream.indirect.scatter.add.f32 [tilespmem:s14], [sflag:$0x5], $0x80, s31, s13, $0xb8;
	[tilespmem:$0x1CC00] =	vst v63  }
0x92: {  	_ =	swait.ge [sflag:s9], $0x4000  }
0x93: {  	[sflag:s9] =	ssyncset.done $0x0  }
0x94: {  	[sflag:s9] =	ssyncadd.s32 $0xFFFFC000  }
0x95: {  	_ =	swait.ge [sflag:s17], $0x4000  }
0x96: {  	[sflag:s17] =	ssyncset.done $0x0  }
0x97: {  	s28 =	sor.u32 $0x200, s25;
	[sflag:s17] =	ssyncadd.s32 $0xFFFFC000  }
0x98: {  	[tilespmem:s14], [sflag:$0x3] =	stream.indirect.gather [hbm4b:s4+s13], $0x80, s28, s13, $0xb8;
	[tilespmem:$0x1CC00] =	vst v63  }
0x99: {  	s29 =	sor.u32 $0x980, s25  }
0x9a: {  	[spmem:s2] =	stream.indirect.scatter.add.f32 [tilespmem:s16], [sflag:$0x5], $0x80, s29, s13, $0xb8;
	[tilespmem:$0x1CC00] =	vst v63  }
0x9b: {  	_ =	swait.ge [sflag:s9], $0x4000  }
0x9c: {  	[sflag:s9] =	ssyncset.done $0x0  }
0x9d: {  	[sflag:s9] =	ssyncadd.s32 $0xFFFFC000  }
0x9e: {  	_ =	swait.ge [sflag:s15], $0x4000  }
0x9f: {  	[sflag:s15] =	ssyncset.done $0x0  }
0xa0: {  	s30 =	sor.u32 $0x280, s25;
	[sflag:s15] =	ssyncadd.s32 $0xFFFFC000  }
0xa1: {  	[tilespmem:s16], [sflag:$0x4] =	stream.indirect.gather [hbm4b:s4+s13], $0x80, s30, s13, $0xb8;
	[tilespmem:$0x1CC00] =	vst v63  }
0xa2: {  	s31 =	sor.u32 $0xA00, s25  }
0xa3: {  	[spmem:s2] =	stream.indirect.scatter.add.f32 [tilespmem:s14], [sflag:$0x5], $0x80, s31, s13, $0xb8;
	[tilespmem:$0x1CC00] =	vst v63  }
0xa4: {  	_ =	swait.ge [sflag:s9], $0x4000  }
0xa5: {  	[sflag:s9] =	ssyncset.done $0x0  }
0xa6: {  	[sflag:s9] =	ssyncadd.s32 $0xFFFFC000  }
0xa7: {  	_ =	swait.ge [sflag:s17], $0x4000  }
0xa8: {  	[sflag:s17] =	ssyncset.done $0x0  }
0xa9: {  	s28 =	sor.u32 $0x300, s25;
	[sflag:s17] =	ssyncadd.s32 $0xFFFFC000  }
0xaa: {  	[tilespmem:s14], [sflag:$0x3] =	stream.indirect.gather [hbm4b:s4+s13], $0x80, s28, s13, $0xb8;
	[tilespmem:$0x1CC00] =	vst v63  }
0xab: {  	s29 =	sor.u32 $0xA80, s25  }
0xac: {  	[spmem:s2] =	stream.indirect.scatter.add.f32 [tilespmem:s16], [sflag:$0x5], $0x80, s29, s13, $0xb8;
	[tilespmem:$0x1CC00] =	vst v63  }
0xad: {  	_ =	swait.ge [sflag:s9], $0x4000  }
0xae: {  	[sflag:s9] =	ssyncset.done $0x0  }
0xaf: {  	[sflag:s9] =	ssyncadd.s32 $0xFFFFC000  }
0xb0: {  	_ =	swait.ge [sflag:s15], $0x4000  }
0xb1: {  	[sflag:s15] =	ssyncset.done $0x0  }
0xb2: {  	s30 =	sor.u32 $0x380, s25;
	[sflag:s15] =	ssyncadd.s32 $0xFFFFC000  }
0xb3: {  	[tilespmem:s16], [sflag:$0x4] =	stream.indirect.gather [hbm4b:s4+s13], $0x80, s30, s13, $0xb8;
	[tilespmem:$0x1CC00] =	vst v63  }
0xb4: {  	s25 =	sor.u32 $0xB00, s25  }
0xb5: {  	[spmem:s2] =	stream.indirect.scatter.add.f32 [tilespmem:s14], [sflag:$0x5], $0x80, s25, s13, $0xb8;
	[tilespmem:$0x1CC00] =	vst v63  }
0xb6: {  	_ =	swait.ge [sflag:s9], $0x4000  }
0xb7: {  	[sflag:s9] =	ssyncset.done $0x0  }
0xb8: {  	[sflag:s9] =	ssyncadd.s32 $0xFFFFC000  }
0xb9: {  	_ =	swait.ge [sflag:s17], $0x4000  }
0xba: {  	[sflag:s17] =	ssyncset.done $0x0  }
0xbb: {  	s25 =	simm.s32 @!p1 $0x1;
	[sflag:s17] =	ssyncadd.s32 $0xFFFFC000  }
0xbc: {  	_ =	swait.ge @!p1 [sflag:s25], $0x400  }
0xbd: {  	[sflag:s25] =	ssyncset.done @!p1 $0x0  }
0xbe: {  	[sflag:s25] =	ssyncadd.s32 @!p1 $0xFFFFFC00;
	s25 =	simm.s32 @!p1 $0x2  }
0xbf: {  	s26 =	smov.u32 s22;
	s22 =	sadd.s32 $0x80, s22;
	_ =	swait.ge @!p1 [sflag:s25], $0x400  }
0xc0: {  	p0 =	sne.s32 s22, $0x500;
	[sflag:s25] =	ssyncset.done @!p1 $0x0  }
0xc1: {  	s28 =	simm.s32 @!p1 $0x1000;
	[sflag:s25] =	ssyncadd.s32 @!p1 $0xFFFFFC00;
	s25 =	simm.s32 @!p1 $0x80  }
0xc2: {  	[tilespmem:s28], [sflag:$0x3] =	stream.indirect.gather @!p1 [hbm4b:s4+s25], $0x80, s24, s25, $0xb8;
	[tilespmem:$0x1CC00] =	vst v63  }
.Ltmp0:
0xc3: {  	_ = 	snop;
	(pc) =	sbr.rel @p0 .LBB2_2-.Ltmp0, $4  }
0xc4: {  	s31 =	sor.u32 $0x800, s30  }
0xc5: {  	[spmem:s2] =	stream.indirect.scatter.add.f32 [tilespmem:s16], [sflag:$0x5], $0x80, s31, s13, $0xb8;
	[tilespmem:$0x1CC00] =	vst v63  }
0xc6: {  	s23 =	sadd.s32 $0x1, s23;
	_ =	swait.ge [sflag:s9], $0x4000  }
0xc7: {  	s21 =	smov.u32 s26;
	s20 =	sadd.s32 $0x400, s20;
	[sflag:s9] =	ssyncset.done $0x0  }
0xc8: {  	s24 =	rddreg [dreg:$0x3];
	[sflag:s9] =	ssyncadd.s32 $0xFFFFC000  }
0xc9: {  	s22 =	sand.u32 $0x1, s23;
	p0 =	seq.s32 s21, $0x480;
	s23 =	rddreg [dreg:$0x4]  }
0xca: {  	s22 =	sshll.u32 @!p0 s22, $0xA;
	s24 =	sadd.s32 @!p0 s21, s24;
	s25 =	simm.s32 @!p0 $0x0  }
0xcb: {  	[tilespmem:s22], [sflag:$0x1] =	stream.linear.gather @!p0 [hbm4b:s24+s25], $0x400, $0x38;
	[tilespmem:$0x1CC00] =	vst v63  }
0xcc: {  	s21 =	sadd.s32 @!p0 s21, s23;
	s24 =	sor.u32 @!p0 $0x800, s22  }
0xcd: {  	[tilespmem:s24], [sflag:$0x2] =	stream.linear.gather @!p0 [hbm4b:s21+s25], $0x400, $0x38;
	[tilespmem:$0x1CC00] =	vst v63  }
0xce: {  	_ =	swait.ge [sflag:s15], $0x4000  }
0xcf: {  	s20 =	sand.u32 $0x400, s20;
	[sflag:s15] =	ssyncset.done $0x0  }
0xd0: {  	s25 =	sor.u32 $0x80, s20;
	[sflag:s15] =	ssyncadd.s32 $0xFFFFC000  }
0xd1: {  	[tilespmem:s16], [sflag:$0x4] =	stream.indirect.gather [hbm4b:s4+s13], $0x80, s25, s13, $0xb8;
	[tilespmem:$0x1CC00] =	vst v63  }
0xd2: {  	s26 =	sor.u32 $0x800, s20  }
0xd3: {  	[spmem:s2] =	stream.indirect.scatter.add.f32 [tilespmem:s14], [sflag:$0x5], $0x80, s26, s13, $0xb8;
	[tilespmem:$0x1CC00] =	vst v63  }
0xd4: {  	_ =	swait.ge [sflag:s9], $0x4000  }
0xd5: {  	[sflag:s9] =	ssyncset.done $0x0  }
0xd6: {  	[sflag:s9] =	ssyncadd.s32 $0xFFFFC000  }
0xd7: {  	_ =	swait.ge [sflag:s17], $0x4000  }
0xd8: {  	[sflag:s17] =	ssyncset.done $0x0  }
0xd9: {  	s28 =	sor.u32 $0x100, s20;
	[sflag:s17] =	ssyncadd.s32 $0xFFFFC000  }
0xda: {  	[tilespmem:s14], [sflag:$0x3] =	stream.indirect.gather [hbm4b:s4+s13], $0x80, s28, s13, $0xb8;
	[tilespmem:$0x1CC00] =	vst v63  }
0xdb: {  	s29 =	sor.u32 $0x880, s20  }
0xdc: {  	[spmem:s2] =	stream.indirect.scatter.add.f32 [tilespmem:s16], [sflag:$0x5], $0x80, s29, s13, $0xb8;
	[tilespmem:$0x1CC00] =	vst v63  }
0xdd: {  	_ =	swait.ge [sflag:s9], $0x4000  }
0xde: {  	[sflag:s9] =	ssyncset.done $0x0  }
0xdf: {  	[sflag:s9] =	ssyncadd.s32 $0xFFFFC000  }
0xe0: {  	_ =	swait.ge [sflag:s15], $0x4000  }
0xe1: {  	[sflag:s15] =	ssyncset.done $0x0  }
0xe2: {  	s30 =	sor.u32 $0x180, s20;
	[sflag:s15] =	ssyncadd.s32 $0xFFFFC000  }
0xe3: {  	[tilespmem:s16], [sflag:$0x4] =	stream.indirect.gather [hbm4b:s4+s13], $0x80, s30, s13, $0xb8;
	[tilespmem:$0x1CC00] =	vst v63  }
0xe4: {  	s31 =	sor.u32 $0x900, s20  }
0xe5: {  	[spmem:s2] =	stream.indirect.scatter.add.f32 [tilespmem:s14], [sflag:$0x5], $0x80, s31, s13, $0xb8;
	[tilespmem:$0x1CC00] =	vst v63  }
0xe6: {  	_ =	swait.ge [sflag:s9], $0x4000  }
0xe7: {  	[sflag:s9] =	ssyncset.done $0x0  }
0xe8: {  	[sflag:s9] =	ssyncadd.s32 $0xFFFFC000  }
0xe9: {  	_ =	swait.ge [sflag:s17], $0x4000  }
0xea: {  	[sflag:s17] =	ssyncset.done $0x0  }
0xeb: {  	s23 =	sor.u32 $0x200, s20;
	[sflag:s17] =	ssyncadd.s32 $0xFFFFC000  }
0xec: {  	[tilespmem:s14], [sflag:$0x3] =	stream.indirect.gather [hbm4b:s4+s13], $0x80, s23, s13, $0xb8;
	[tilespmem:$0x1CC00] =	vst v63  }
0xed: {  	s24 =	sor.u32 $0x980, s20  }
0xee: {  	[spmem:s2] =	stream.indirect.scatter.add.f32 [tilespmem:s16], [sflag:$0x5], $0x80, s24, s13, $0xb8;
	[tilespmem:$0x1CC00] =	vst v63  }
0xef: {  	_ =	swait.ge [sflag:s9], $0x4000  }
0xf0: {  	[sflag:s9] =	ssyncset.done $0x0  }
0xf1: {  	[sflag:s9] =	ssyncadd.s32 $0xFFFFC000  }
0xf2: {  	_ =	swait.ge [sflag:s15], $0x4000  }
0xf3: {  	[sflag:s15] =	ssyncset.done $0x0  }
0xf4: {  	s25 =	sor.u32 $0x280, s20;
	[sflag:s15] =	ssyncadd.s32 $0xFFFFC000  }
0xf5: {  	[tilespmem:s16], [sflag:$0x4] =	stream.indirect.gather [hbm4b:s4+s13], $0x80, s25, s13, $0xb8;
	[tilespmem:$0x1CC00] =	vst v63  }
0xf6: {  	s26 =	sor.u32 $0xA00, s20  }
0xf7: {  	[spmem:s2] =	stream.indirect.scatter.add.f32 [tilespmem:s14], [sflag:$0x5], $0x80, s26, s13, $0xb8;
	[tilespmem:$0x1CC00] =	vst v63  }
0xf8: {  	_ =	swait.ge [sflag:s9], $0x4000  }
0xf9: {  	[sflag:s9] =	ssyncset.done $0x0  }
0xfa: {  	[sflag:s9] =	ssyncadd.s32 $0xFFFFC000  }
0xfb: {  	_ =	swait.ge [sflag:s17], $0x4000  }
0xfc: {  	[sflag:s17] =	ssyncset.done $0x0  }
0xfd: {  	s28 =	sor.u32 $0x300, s20;
	[sflag:s17] =	ssyncadd.s32 $0xFFFFC000  }
0xfe: {  	[tilespmem:s14], [sflag:$0x3] =	stream.indirect.gather [hbm4b:s4+s13], $0x80, s28, s13, $0xb8;
	[tilespmem:$0x1CC00] =	vst v63  }
0xff: {  	s29 =	sor.u32 $0xA80, s20  }
0x100: {  	[spmem:s2] =	stream.indirect.scatter.add.f32 [tilespmem:s16], [sflag:$0x5], $0x80, s29, s13, $0xb8;
	[tilespmem:$0x1CC00] =	vst v63  }
0x101: {  	_ =	swait.ge [sflag:s9], $0x4000  }
0x102: {  	[sflag:s9] =	ssyncset.done $0x0  }
0x103: {  	[sflag:s9] =	ssyncadd.s32 $0xFFFFC000  }
0x104: {  	_ =	swait.ge [sflag:s15], $0x4000  }
0x105: {  	[sflag:s15] =	ssyncset.done $0x0  }
0x106: {  	s30 =	sor.u32 $0x380, s20;
	[sflag:s15] =	ssyncadd.s32 $0xFFFFC000  }
0x107: {  	[tilespmem:s16], [sflag:$0x4] =	stream.indirect.gather [hbm4b:s4+s13], $0x80, s30, s13, $0xb8;
	[tilespmem:$0x1CC00] =	vst v63  }
0x108: {  	s20 =	sor.u32 $0xB00, s20  }
0x109: {  	[spmem:s2] =	stream.indirect.scatter.add.f32 [tilespmem:s14], [sflag:$0x5], $0x80, s20, s13, $0xb8;
	[tilespmem:$0x1CC00] =	vst v63  }
0x10a: {  	_ =	swait.ge [sflag:s9], $0x4000  }
0x10b: {  	[sflag:s9] =	ssyncset.done $0x0  }
0x10c: {  	[sflag:s9] =	ssyncadd.s32 $0xFFFFC000  }
0x10d: {  	_ =	swait.ge [sflag:s17], $0x4000  }
0x10e: {  	[sflag:s17] =	ssyncset.done $0x0  }
0x10f: {  	s20 =	simm.s32 @!p0 $0x1;
	[sflag:s17] =	ssyncadd.s32 $0xFFFFC000  }
0x110: {  	_ =	swait.ge @!p0 [sflag:s20], $0x400  }
0x111: {  	[sflag:s20] =	ssyncset.done @!p0 $0x0  }
0x112: {  	[sflag:s20] =	ssyncadd.s32 @!p0 $0xFFFFFC00;
	s20 =	simm.s32 @!p0 $0x2  }
0x113: {  	_ =	swait.ge @!p0 [sflag:s20], $0x400  }
0x114: {  	[sflag:s20] =	ssyncset.done @!p0 $0x0  }
0x115: {  	s23 =	simm.s32 @!p0 $0x1000;
	[sflag:s20] =	ssyncadd.s32 @!p0 $0xFFFFFC00;
	s20 =	simm.s32 @!p0 $0x80  }
0x116: {  	[tilespmem:s23], [sflag:$0x3] =	stream.indirect.gather @!p0 [hbm4b:s4+s20], $0x80, s22, s20, $0xb8;
	[tilespmem:$0x1CC00] =	vst v63  }
0x117: {  	s31 =	sor.u32 $0x800, s30  }
0x118: {  	[spmem:s2] =	stream.indirect.scatter.add.f32 [tilespmem:s16], [sflag:$0x5], $0x80, s31, s13, $0xb8;
	[tilespmem:$0x1CC00] =	vst v63  }
0x119: {  	_ =	swait.ge [sflag:s9], $0x4000  }
0x11a: {  	s19 =	sadd.s32 $0x1, s19;
	[sflag:s9] =	ssyncset.done $0x0  }
0x11b: {  	p0 =	sne.s32 s19, s8;
	[sflag:s9] =	ssyncadd.s32 $0xFFFFC000  }
.Ltmp1:
0x11c: {  	[bflag:$0x0] =	sbarrier.arrive $0xFFFF;
	(pc) =	sbr.rel @p0 .LBB2_1-.Ltmp1, $4  }
0x11d: {  	[hbm:s18], [sflag:s11] =	dma.local [spmem:s12], $0x2780  }
0x11e: {  	_ =	swait.ge [sflag:s9], $0x2780  }
0x11f: {  	[sflag:s9] =	ssyncset.done $0x0  }
0x120: {  	[sflag:s9] =	ssyncadd.s32 $0xFFFFD880  }
0x121: {  	_ =	sfence.sel $0x180000  }
0x122: {  	[bflag:$0x0] =	sbarrier.arrive $0xFFFF  }
0x123: {  	p0 =	sne.s32 s1, $0x0;
	_ =	strace $0x9000004A  }
0x124: {  	s0 =	sadd.s32 @!p0 $0x100000, s0;
	[bflag:$0x2] =	sbarrier.arrive $0xFFFF  }
0x125: {  	[sflag:s0] =	ssyncadd.tile.s32 @!p0 $0x1;
	_ =	shalt  }
.Lfunc_end2:
_tile_overlayer_lowered:
.L_overlay_start_2:
0x126: {  	(tag) =	ssettag $0x2  }
0x127: {  	s0 =	rddreg [dreg:$0x0];
	s2 =	stileid.u32  }
0x128: {  	s1 =	rddreg [dreg:$0x1];
	p0 =	sne.s32 s2, $0x0  }
0x129: {  	s3 =	rddreg [dreg:$0x2];
	[bflag:$0x3] =	sbarrier.arrive $0xFFFF;
	s2 =	simm.s32 @!p0 $0x1C05  }
0x12a: {  	[timem:s3], [sflag:s2] =	dma.local @!p0 [hbm:s0], s1  }
0x12b: {  	s0 =	simm.s32 @!p0 $0x5  }
0x12c: {  	_ =	swait.ge @!p0 [sflag:s0], s1  }
0x12d: {  	s1 =	ssub.s32 @!p0 $0x0, s1;
	[sflag:s0] =	ssyncset.done @!p0 $0x0  }
0x12e: {  	[sflag:s0] =	ssyncadd.s32 @!p0 s1  }
0x12f: {  	[bflag:$0x3] =	sbarrier.arrive $0xFFFF  }
0x130: {  	_ =	shalt  }

// kernel: kernel.15.cloned.1.call-start
scs
__scs_entry_jumppad:
0x0: {  	(pc) =	sbr.rel $0x88, $3  }
0x1: {  	(tag) =	ssettag $0x0;
	lr =	simm.s32 $0x1  }
0x2: {  	[smem:$0x3F90] =	sst lr;
	_ =	strace $0xD0000000  }
0x3: {  	_ = 	snop  }
0x4: {  	_ = 	snop  }
0x5: {  	_ = 	snop  }
0x6: {  	_ = 	snop  }
0x7: {  	_ = 	snop  }
__scs_overlays_trampoline_lowered:
0x8: {  	[smem:$0x3F9F] =	sst s0  }
0x9: {  	[smem:$0x3FA0] =	sst s1  }
0xa: {  	[smem:$0x3FA1] =	sst s2  }
0xb: {  	[smem:$0x3FA2] =	sst s3  }
0xc: {  	[smem:$0x3FA3] =	sst s4  }
0xd: {  	[smem:$0x3FA4] =	sst s5  }
0xe: {  	[smem:$0x3FA5] =	sst s6  }
0xf: {  	[smem:$0x3FA6] =	sst s7  }
0x10: {  	[smem:$0x3FA7] =	sst s8  }
0x11: {  	[smem:$0x3FA8] =	sst s9;
	s0 =	simm.s32 @!p0 $0x0  }
0x12: {  	s1 =	sld [smem:$0x3F8E];
	s0 =	simm.s32 @p0 $0x1  }
0x13: {  	[smem:$0x3FA9] =	sst s0;
	s0 =	simm.s32 @!p1 $0x0  }
0x14: {  	s2 =	sld [smem:$0x3F8D];
	s0 =	simm.s32 @p1 $0x1  }
0x15: {  	[smem:$0x3FAA] =	sst s0;
	s0 =	simm.s32 @!p2 $0x0  }
0x16: {  	s3 =	sld [smem:$0x3FDB];
	s0 =	simm.s32 @p2 $0x1  }
0x17: {  	s4 =	simm.s32 $0x1BF5;
	[smem:$0x3FAC] =	sst s0  }
0x18: {  	s0 =	sld [smem:$0x3F8F];
	_ =	swait.ge [sflag:s4], $0x0  }
0x19: {  	s7 =	sld [smem:$0x3F90]  }
0x1a: {  	s8 =	sadd.s32 $0xFFFFE003, lr  }
0x1b: {  	s9 =	sadd.s32 $0xFFFFFEF7, lr;
	s5 =	simm.s32 $0xFFFFFFFF;
	p2 =	slt.u32 s8, $0xFFFFF086  }
0x1c: {  	p1 =	slt.u32 s9, $0xF7A;
	s5 =	simm.s32 @!p2 $0x0  }
0x1d: {  	s5 =	simm.s32 @p1 $0x1;
	p0 =	seq.s32 s7, s2  }
0x1e: {  	s7 =	smul.u32 @!p0 $0xF7A, s2;
	p2 =	seq.s32 @!p0 s5, $0x0  }
0x1f: {  	s9 =	smul.u32 $0xF7A, s1;
	s8 =	simm.s32 @!p0 $0x1BF5;
	p2 =	por !p2, p0  }
0x20: {  	[sflag:s8] =	ssyncset.s32 @!p0 $0xFFFFF086;
	s6 =	sadd.s32 @!p0 s3, s7;
	s7 =	simm.s32 @!p0 $0x108  }
0x21: {  	s3 =	sadd.s32 s3, s9;
	s6 =	sadd.s32 @!p0 $0x88, s6;
	s7 =	simm.s32 @p2 $0x1082  }
0x22: {  	[simem:s7], [sflag:s8] =	dma.local @!p0 [hbm:s6], $0xF7A  }
0x23: {  	s9 =	sor.u32 $0xD0000000, s2;
	s6 =	simm.s32 $0x108;
	_ =	swait.ge @!p0 [sflag:s8], $0x0  }
0x24: {  	s3 =	sadd.s32 $0x88, s3;
	s6 =	simm.s32 @!p1 $0x1082;
	[sflag:s4] =	ssyncset.s32 $0xFFFFF086  }
0x25: {  	[simem:s6], [sflag:s4] =	dma.local [hbm:s3], $0xF7A  }
0x26: {  	[smem:$0x3F90] =	sst s1;
	(tag) =	ssettag s2;
	_ =	strace s9  }
0x27: {  	s1 =	sld [smem:$0x3FA0]  }
0x28: {  	s2 =	sld [smem:$0x3FA1]  }
0x29: {  	s4 =	sld [smem:$0x3FA3]  }
0x2a: {  	p0 =	seq.s32 s5, $0x0;
	s5 =	sld [smem:$0x3FA4]  }
0x2b: {  	s6 =	sld [smem:$0x3FA5]  }
0x2c: {  	s7 =	sld [smem:$0x3FA6]  }
0x2d: {  	s3 =	simm.s32 $0x108;
	s8 =	sld [smem:$0x3FA7]  }
0x2e: {  	s3 =	simm.s32 @!p0 $0x1082;
	s9 =	sld [smem:$0x3FA8]  }
0x2f: {  	lr =	sadd.s32 s0, s3;
	s0 =	sld [smem:$0x3F9F]  }
0x30: {  	s3 =	sld [smem:$0x3FA2]  }
0x31: {  	[smem:$0x3FAB] =	sst s10  }
0x32: {  	s10 =	sld [smem:$0x3FA9];
	_ =	sdelay $0x3  }
0x33: {  	p0 =	seq.s32 s10, $0x1;
	s10 =	sld [smem:$0x3FAB];
	_ =	sdelay $0x3  }
0x34: {  	[smem:$0x3FAB] =	sst s10  }
0x35: {  	s10 =	sld [smem:$0x3FAA];
	_ =	sdelay $0x3  }
0x36: {  	p1 =	seq.s32 s10, $0x1;
	s10 =	sld [smem:$0x3FAB];
	_ =	sdelay $0x3  }
0x37: {  	[smem:$0x3FAB] =	sst s10  }
0x38: {  	s10 =	sld [smem:$0x3FAC]  }
0x39: {  	_ = 	snop;
	(pc) =	sbr.ind lr, $3  }
0x3a: {  	_ = 	snop  }
0x3b: {  	_ = 	snop  }
0x3c: {  	p2 =	seq.s32 s10, $0x1;
	s10 =	sld [smem:$0x3FAB]  }
0x3d: {  	_ =	shalt  }
0x3e: {  	_ =	shalt  }
0x3f: {  	_ =	shalt  }
0x40: {  	_ =	shalt  }
0x41: {  	_ =	shalt  }
0x42: {  	_ =	shalt  }
0x43: {  	_ =	shalt  }
0x44: {  	_ =	shalt  }
0x45: {  	_ =	shalt  }
0x46: {  	_ =	shalt  }
0x47: {  	_ =	shalt  }
0x48: {  	_ =	shalt  }
0x49: {  	_ =	shalt  }
0x4a: {  	_ =	shalt  }
0x4b: {  	_ =	shalt  }
0x4c: {  	_ =	shalt  }
0x4d: {  	_ =	shalt  }
0x4e: {  	_ =	shalt  }
0x4f: {  	_ =	shalt  }
0x50: {  	_ =	shalt  }
0x51: {  	_ =	shalt  }
0x52: {  	_ =	shalt  }
0x53: {  	_ =	shalt  }
0x54: {  	_ =	shalt  }
0x55: {  	_ =	shalt  }
0x56: {  	_ =	shalt  }
0x57: {  	_ =	shalt  }
0x58: {  	_ =	shalt  }
0x59: {  	_ =	shalt  }
0x5a: {  	_ =	shalt  }
0x5b: {  	_ =	shalt  }
0x5c: {  	_ =	shalt  }
0x5d: {  	_ =	shalt  }
0x5e: {  	_ =	shalt  }
0x5f: {  	_ =	shalt  }
0x60: {  	_ =	shalt  }
0x61: {  	_ =	shalt  }
0x62: {  	_ =	shalt  }
0x63: {  	_ =	shalt  }
0x64: {  	_ =	shalt  }
0x65: {  	_ =	shalt  }
0x66: {  	_ =	shalt  }
0x67: {  	_ =	shalt  }
0x68: {  	_ =	shalt  }
0x69: {  	_ =	shalt  }
0x6a: {  	_ =	shalt  }
0x6b: {  	_ =	shalt  }
0x6c: {  	_ =	shalt  }
0x6d: {  	_ =	shalt  }
0x6e: {  	_ =	shalt  }
0x6f: {  	_ =	shalt  }
0x70: {  	_ =	shalt  }
0x71: {  	_ =	shalt  }
0x72: {  	_ =	shalt  }
0x73: {  	_ =	shalt  }
0x74: {  	_ =	shalt  }
0x75: {  	_ =	shalt  }
0x76: {  	_ =	shalt  }
0x77: {  	_ =	shalt  }
0x78: {  	_ =	shalt  }
0x79: {  	_ =	shalt  }
0x7a: {  	_ =	shalt  }
0x7b: {  	_ =	shalt  }
0x7c: {  	_ =	shalt  }
0x7d: {  	_ =	shalt  }
0x7e: {  	_ =	shalt  }
0x7f: {  	_ =	shalt  }
0x80: {  	_ =	shalt  }
0x81: {  	_ =	shalt  }
0x82: {  	_ =	shalt  }
0x83: {  	_ =	shalt  }
0x84: {  	_ =	shalt  }
0x85: {  	_ =	shalt  }
0x86: {  	_ =	shalt  }
0x87: {  	_ =	shalt  }
.Lfunc_end0:
.L_simem_size_0:
called_computation.2_lowered:
.L_overlay_start_0:
0x88: {  	s2 =	sld [smem:$0x3FD9]  }
0x89: {  	s3 =	sld [smem:$0x3FFE];
	_ =	sdelay $0x1  }
0x8a: {  	s1 =	srdreg.scid  }
0x8b: {  	s0 =	sand.u32 $0x1, s1  }
0x8c: {  	s16 =	sshll.u32 s0, $0xA;
	s2 =	sadd.s32 s3, s2  }
0x8d: {  	s2 =	sadd.s32 s2, s16  }
0x8e: {  	[smem:$0x3FB7] =	sst s2  }
0x8f: {  	_ = 	snop  }
0x90: {  	(tm) =	ssettm $0x1  }
0x91: {  	s17 =	sld [smem:$0x3FFB];
	_ =	sdelay $0x3  }
0x92: {  	_ =	strace s17  }
0x93: {  	s2 =	sld [smem:$0x3FFC];
	_ =	sdelay $0x3  }
0x94: {  	_ =	strace s2  }
0x95: {  	s2 =	sld [smem:$0x3FFD];
	_ =	sdelay $0x3  }
0x96: {  	_ =	strace s2  }
0x97: {  	_ =	strace $0x8FFFFFFF  }
0x98: {  	s18 =	sld [smem:$0x3FDB];
	_ =	sdelay $0x1  }
0x99: {  	s19 =	simm.s32 $_scs_section_size  }
0x9a: {  	s4 =	simm.s32 $_size__tile_overlayer_lowered;
	s5 =	simm.s32 $_tile_overlayer_lowered  }
0x9b: {  	s22 =	simm.s32 $0x1BFF;
	s21 =	sshll.u32 s5, $0x1;
	s2 =	sadd.s32 s19, s18  }
0x9c: {  	s6 =	simm.s32 $0x0;
	s20 =	sshll.u32 s4, $0x1;
	s4 =	sadd.s32 s21, s2  }
0x9d: {  	[timem:s6], [sflag:s22] =	dma.local [hbm:s4], s20  }
0x9e: {  	_ =	swait.ge [sflag:s22], s20  }
0x9f: {  	s3 =	ssub.s32 $0x0, s20;
	[sflag:s22] =	ssyncset.done $0x0  }
0xa0: {  	[sflag:s22] =	ssyncadd.s32 s3;
	_ =	sdelay $0x1  }
0xa1: {  	s23 =	simm.s32 $0x1B8B  }
0xa2: {  	_ =	swait.ge [sflag:s23], $0x1  }
0xa3: {  	[sflag:s23] =	ssyncset.done $0x0  }
0xa4: {  	s25 =	simm.s32 $0x1B8E;
	s24 =	sld [smem:$0x3FFE];
	[sflag:s23] =	ssyncadd.s32 $0xFFFFFFFF  }
0xa5: {  	s26 =	simm.s32 $execute0_lowered;
	[smem:$0x3FD2] =	sst s25  }
0xa6: {  	s4 =	sshll.u32 s26, $0x1;
	_ =	strace $0x8000004C;
	[dreg:$0x1] =	wrdreg $0xFFFFFFFF  }
0xa7: {  	s28 =	simm.s32 $_size_execute0_lowered;
	s2 =	sadd.s32 s2, s4;
	[dreg:$0x0] =	wrdreg $0x0  }
0xa8: {  	s4 =	sshll.u32 s28, $0x1;
	[dreg:$0x2] =	wrdreg s2  }
0xa9: {  	[dreg:$0x3] =	wrdreg s4  }
0xaa: {  	[dreg:$0x4] =	wrdreg $0xC0  }
0xab: {  	_ =	task [dreg:s6], $0x5FFFF  }
0xac: {  	[dreg:$0x1] =	wrdreg $0xFFFFFFFF  }
0xad: {  	[dreg:$0x0] =	wrdreg $0x60  }
0xae: {  	[dreg:$0x2] =	wrdreg s24  }
0xaf: {  	[dreg:$0x3] =	wrdreg $0x90000  }
0xb0: {  	[dreg:$0x4] =	wrdreg $0x9  }
0xb1: {  	_ =	task.clear_ibuf [dreg:s6], $0x5FFFF;
	_ =	strace $0x9000004C  }
0xb2: {  	s29 =	simm.s32 $0x9;
	_ =	strace $0x8000004E  }
0xb3: {  	_ =	swait.ge [sflag:s29], $0x1  }
0xb4: {  	[sflag:s29] =	ssyncadd.s32 $0xFFFFFFFF  }
0xb5: {  	_ =	strace $0x9000004E  }
0xb6: {  	_ =	sfence  }
0xb7: {  	s30 =	sld [smem:$0x0];
	_ =	sdelay $0x2  }
0xb8: {  	s31 =	sshll.u32 s1, $0xD;
	s1 =	sshrl.u32 s1, $0x2  }
0xb9: {  	s3 =	sand.u32 $0x4000, s31;
	s1 =	sadd.s32 s1, s30  }
0xba: {  	s0 =	sor.u32 s3, s0;
	s1 =	sshll.u32 s1, $0x11  }
0xbb: {  	s0 =	sor.u32 s1, s0  }
0xbc: {  	s0 =	sadd.s32 $0x8F2B, s0  }
0xbd: {  	[sflag:s0] =	ssyncadd.remote.s32 $0x1  }
0xbe: {  	_ =	sfence.sel $0xFFFF  }
0xbf: {  	[dreg:$0x0] =	wrdreg $0xFFFFFFFF;
	(pc) =	sbr.abs _section_cstart, $3  }
0xc0: {  	[dreg:$0x1] =	wrdreg $0xFFFFFFFF  }
0xc1: {  	_ =	task.clear_ibuf [dreg:s6], $0x2FFFF;
	_ =	strace $0x9FFFFFFF  }
0xc2: {  	(tm) =	ssettm $0x7FFFFFFF  }
0xc3: {  	_ =	shalt  }
tec
execute0_lowered:
.L_overlay_start_1:
0x0: {  	(tag) =	ssettag $0x1  }
0x1: {  	s5 =	rddreg [dreg:$0x0]  }
0x2: {  	s2 =	rddreg [dreg:$0x1]  }
0x3: {  	s0 =	rddreg [dreg:$0x2];
	s3 =	simm.s32 $0x0  }
0x4: {  	s1 =	stileid.u32;
	s4 =	srdreg.scid;
	s15 =	simm.s32 $0x3  }
0x5: {  	s16 =	simm.s32 $0x5000;
	s17 =	simm.s32 $0x4;
	s18 =	smul.u32 $0x2780, s1  }
0x6: {  	[smem:$0x7FF] =	sst s3;
	s6 =	sand.u32 $0x1, s4;
	s13 =	smul.u32 $0xA, s1  }
0x7: {  	s4 =	sadd.s32 $0x17A00, s5;
	s7 =	sadd.s32 $0x3A00, s5;
	s14 =	smul.u32 $0x4F000, s1  }
0x8: {  	s9 =	sadd.s32 $0xDA00, s5;
	s31 =	sshll.u32 s1, $0x6;
	s8 =	smul.u32 $0x27800, s6  }
0x9: {  	_ =	strace $0x8000004D;
	s10 =	sshll.u32 s6, $0x4;
	s11 =	smul.u32 $0xA0, s6  }
0xa: {  	s25 =	ssub.s32 $0x2, s6;
	s12 =	sadd.s32 s18, s5;
	s10 =	sor.u32 s1, s10  }
0xb: {  	s28 =	sshrl.u32 s25, $0x1;
	s29 =	sshrl.u32 s14, $0x2;
	s14 =	simm.s32 $0x1000  }
0xc: {  	s8 =	sadd.s32 s8, s5;
	s26 =	smul.u32 $0x500, s10;
	s11 =	sadd.s32 s13, s11  }
0xd: {  	s10 =	ssub.s32 s25, s28;
	s13 =	sadd.s32 s29, s2;
	s11 =	sshll.u32 s11, $0x7  }
0xe: {  	s19 =	sadd.s32 $0x66400, s8;
	s8 =	smax.u32 s10, $0x1;
	s10 =	simm.s32 $0x800  }
0xf: {  	s5 =	sadd.s32 s7, s26;
	s6 =	sadd.s32 s9, s26;
	s7 =	sadd.s32 s11, s7  }
0x10: {  	s9 =	sadd.s32 s11, s9;
	s11 =	sor.u32 $0x1C05, s31;
	s18 =	sadd.s32 s18, s19  }
0x11: {  	s19 =	simm.s32 $0x0;
	s30 =	sadd.s32 $0x80, s7;
	s7 =	sadd.s32 $0x3EC00, s12  }
0x12: {  	s9 =	sadd.s32 $0x80, s9;
	s12 =	sshrl.u32 s13, $0x3;
	[dreg:$0x3] =	wrdreg s30  }
0x13: {  	s13 =	simm.s32 $0x80;
	[dreg:$0x4] =	wrdreg s9;
	s9 =	simm.s32 $0x5  }
.LBB2_1:
0x14: {  	[tilespmem:s3], [sflag:$0x5] =	stream.linear.gather [hbm4b:s5+s3], $0x400, $0x38;
	[tilespmem:$0x1CC00] =	vst v63  }
0x15: {  	_ =	swait.ge [sflag:s9], $0x400  }
0x16: {  	[sflag:s9] =	ssyncset.done $0x0  }
0x17: {  	[sflag:s9] =	ssyncadd.s32 $0xFFFFFC00  }
0x18: {  	[tilespmem:s10], [sflag:$0x5] =	stream.linear.gather [hbm4b:s6+s3], $0x400, $0x38;
	[tilespmem:$0x1CC00] =	vst v63  }
0x19: {  	_ =	swait.ge [sflag:s9], $0x400  }
0x1a: {  	[sflag:s9] =	ssyncset.done $0x0  }
0x1b: {  	[sflag:s9] =	ssyncadd.s32 $0xFFFFFC00  }
0x1c: {  	[spmem:s12], [sflag:s11] =	dma.local [hbm:s7], $0x2780  }
0x1d: {  	_ =	swait.ge [sflag:s9], $0x2780  }
0x1e: {  	[sflag:s9] =	ssyncset.done $0x0  }
0x1f: {  	[sflag:s9] =	ssyncadd.s32 $0xFFFFD880  }
0x20: {  	s20 =	simm.s32 $0x1;
	p0 =	por $0x0, $0x0;
	[bflag:$0x0] =	sbarrier.arrive $0xFFFF  }
0x21: {  	[tilespmem:s14], [sflag:$0x3] =	stream.indirect.gather [hbm4b:s4+s13], $0x80, s3, s13, $0xb8;
	[tilespmem:$0x1CC00] =	vst v63  }
0x22: {  	s20 =	sand.u32 $0x1, s20;
	s23 =	simm.s32 @!p0 $0x0;
	s21 =	rddreg [dreg:$0x3]  }
0x23: {  	s20 =	sshll.u32 @!p0 s20, $0xA;
	s22 =	rddreg [dreg:$0x4];
	s21 =	sadd.s32 @!p0 $0x0, s21  }
0x24: {  	[tilespmem:s20], [sflag:$0x1] =	stream.linear.gather @!p0 [hbm4b:s21+s23], $0x400, $0x38;
	[tilespmem:$0x1CC00] =	vst v63  }
0x25: {  	s22 =	sadd.s32 @!p0 $0x0, s22;
	s21 =	sor.u32 @!p0 $0x800, s20  }
0x26: {  	[tilespmem:s21], [sflag:$0x2] =	stream.linear.gather @!p0 [hbm4b:s22+s23], $0x400, $0x38;
	[tilespmem:$0x1CC00] =	vst v63  }
0x27: {  	_ =	swait.ge [sflag:s15], $0x4000  }
0x28: {  	s21 =	sand.u32 $0x400, s3;
	[sflag:s15] =	ssyncset.done $0x0  }
0x29: {  	s25 =	sor.u32 $0x80, s21;
	[sflag:s15] =	ssyncadd.s32 $0xFFFFC000  }
0x2a: {  	[tilespmem:s16], [sflag:$0x4] =	stream.indirect.gather [hbm4b:s4+s13], $0x80, s25, s13, $0xb8;
	[tilespmem:$0x1CC00] =	vst v63  }
0x2b: {  	s26 =	sor.u32 $0x800, s21  }
0x2c: {  	[spmem:s2] =	stream.indirect.scatter.add.f32 [tilespmem:s14], [sflag:$0x5], $0x80, s26, s13, $0xb8;
	[tilespmem:$0x1CC00] =	vst v63  }
0x2d: {  	_ =	swait.ge [sflag:s9], $0x4000  }
0x2e: {  	[sflag:s9] =	ssyncset.done $0x0  }
0x2f: {  	[sflag:s9] =	ssyncadd.s32 $0xFFFFC000  }
0x30: {  	_ =	swait.ge [sflag:s17], $0x4000  }
0x31: {  	[sflag:s17] =	ssyncset.done $0x0  }
0x32: {  	s28 =	sor.u32 $0x100, s21;
	[sflag:s17] =	ssyncadd.s32 $0xFFFFC000  }
0x33: {  	[tilespmem:s14], [sflag:$0x3] =	stream.indirect.gather [hbm4b:s4+s13], $0x80, s28, s13, $0xb8;
	[tilespmem:$0x1CC00] =	vst v63  }
0x34: {  	s29 =	sor.u32 $0x880, s21  }
0x35: {  	[spmem:s2] =	stream.indirect.scatter.add.f32 [tilespmem:s16], [sflag:$0x5], $0x80, s29, s13, $0xb8;
	[tilespmem:$0x1CC00] =	vst v63  }
0x36: {  	_ =	swait.ge [sflag:s9], $0x4000  }
0x37: {  	[sflag:s9] =	ssyncset.done $0x0  }
0x38: {  	[sflag:s9] =	ssyncadd.s32 $0xFFFFC000  }
0x39: {  	_ =	swait.ge [sflag:s15], $0x4000  }
0x3a: {  	[sflag:s15] =	ssyncset.done $0x0  }
0x3b: {  	s30 =	sor.u32 $0x180, s21;
	[sflag:s15] =	ssyncadd.s32 $0xFFFFC000  }
0x3c: {  	[tilespmem:s16], [sflag:$0x4] =	stream.indirect.gather [hbm4b:s4+s13], $0x80, s30, s13, $0xb8;
	[tilespmem:$0x1CC00] =	vst v63  }
0x3d: {  	s31 =	sor.u32 $0x900, s21  }
0x3e: {  	[spmem:s2] =	stream.indirect.scatter.add.f32 [tilespmem:s14], [sflag:$0x5], $0x80, s31, s13, $0xb8;
	[tilespmem:$0x1CC00] =	vst v63  }
0x3f: {  	_ =	swait.ge [sflag:s9], $0x4000  }
0x40: {  	[sflag:s9] =	ssyncset.done $0x0  }
0x41: {  	[sflag:s9] =	ssyncadd.s32 $0xFFFFC000  }
0x42: {  	_ =	swait.ge [sflag:s17], $0x4000  }
0x43: {  	[sflag:s17] =	ssyncset.done $0x0  }
0x44: {  	s23 =	sor.u32 $0x200, s21;
	[sflag:s17] =	ssyncadd.s32 $0xFFFFC000  }
0x45: {  	[tilespmem:s14], [sflag:$0x3] =	stream.indirect.gather [hbm4b:s4+s13], $0x80, s23, s13, $0xb8;
	[tilespmem:$0x1CC00] =	vst v63  }
0x46: {  	s24 =	sor.u32 $0x980, s21  }
0x47: {  	[spmem:s2] =	stream.indirect.scatter.add.f32 [tilespmem:s16], [sflag:$0x5], $0x80, s24, s13, $0xb8;
	[tilespmem:$0x1CC00] =	vst v63  }
0x48: {  	_ =	swait.ge [sflag:s9], $0x4000  }
0x49: {  	[sflag:s9] =	ssyncset.done $0x0  }
0x4a: {  	[sflag:s9] =	ssyncadd.s32 $0xFFFFC000  }
0x4b: {  	_ =	swait.ge [sflag:s15], $0x4000  }
0x4c: {  	[sflag:s15] =	ssyncset.done $0x0  }
0x4d: {  	s25 =	sor.u32 $0x280, s21;
	[sflag:s15] =	ssyncadd.s32 $0xFFFFC000  }
0x4e: {  	[tilespmem:s16], [sflag:$0x4] =	stream.indirect.gather [hbm4b:s4+s13], $0x80, s25, s13, $0xb8;
	[tilespmem:$0x1CC00] =	vst v63  }
0x4f: {  	s26 =	sor.u32 $0xA00, s21  }
0x50: {  	[spmem:s2] =	stream.indirect.scatter.add.f32 [tilespmem:s14], [sflag:$0x5], $0x80, s26, s13, $0xb8;
	[tilespmem:$0x1CC00] =	vst v63  }
0x51: {  	_ =	swait.ge [sflag:s9], $0x4000  }
0x52: {  	[sflag:s9] =	ssyncset.done $0x0  }
0x53: {  	[sflag:s9] =	ssyncadd.s32 $0xFFFFC000  }
0x54: {  	_ =	swait.ge [sflag:s17], $0x4000  }
0x55: {  	[sflag:s17] =	ssyncset.done $0x0  }
0x56: {  	s28 =	sor.u32 $0x300, s21;
	[sflag:s17] =	ssyncadd.s32 $0xFFFFC000  }
0x57: {  	[tilespmem:s14], [sflag:$0x3] =	stream.indirect.gather [hbm4b:s4+s13], $0x80, s28, s13, $0xb8;
	[tilespmem:$0x1CC00] =	vst v63  }
0x58: {  	s29 =	sor.u32 $0xA80, s21  }
0x59: {  	[spmem:s2] =	stream.indirect.scatter.add.f32 [tilespmem:s16], [sflag:$0x5], $0x80, s29, s13, $0xb8;
	[tilespmem:$0x1CC00] =	vst v63  }
0x5a: {  	_ =	swait.ge [sflag:s9], $0x4000  }
0x5b: {  	[sflag:s9] =	ssyncset.done $0x0  }
0x5c: {  	[sflag:s9] =	ssyncadd.s32 $0xFFFFC000  }
0x5d: {  	_ =	swait.ge [sflag:s15], $0x4000  }
0x5e: {  	[sflag:s15] =	ssyncset.done $0x0  }
0x5f: {  	s30 =	sor.u32 $0x380, s21;
	[sflag:s15] =	ssyncadd.s32 $0xFFFFC000  }
0x60: {  	[tilespmem:s16], [sflag:$0x4] =	stream.indirect.gather [hbm4b:s4+s13], $0x80, s30, s13, $0xb8;
	[tilespmem:$0x1CC00] =	vst v63  }
0x61: {  	s21 =	sor.u32 $0xB00, s21  }
0x62: {  	[spmem:s2] =	stream.indirect.scatter.add.f32 [tilespmem:s14], [sflag:$0x5], $0x80, s21, s13, $0xb8;
	[tilespmem:$0x1CC00] =	vst v63  }
0x63: {  	_ =	swait.ge [sflag:s9], $0x4000  }
0x64: {  	[sflag:s9] =	ssyncset.done $0x0  }
0x65: {  	[sflag:s9] =	ssyncadd.s32 $0xFFFFC000  }
0x66: {  	_ =	swait.ge [sflag:s17], $0x4000  }
0x67: {  	[sflag:s17] =	ssyncset.done $0x0  }
0x68: {  	s21 =	simm.s32 @!p0 $0x1;
	[sflag:s17] =	ssyncadd.s32 $0xFFFFC000  }
0x69: {  	_ =	swait.ge @!p0 [sflag:s21], $0x400  }
0x6a: {  	[sflag:s21] =	ssyncset.done @!p0 $0x0  }
0x6b: {  	[sflag:s21] =	ssyncadd.s32 @!p0 $0xFFFFFC00;
	s21 =	simm.s32 @!p0 $0x2  }
0x6c: {  	_ =	swait.ge @!p0 [sflag:s21], $0x400  }
0x6d: {  	[sflag:s21] =	ssyncset.done @!p0 $0x0  }
0x6e: {  	s23 =	simm.s32 @!p0 $0x1000;
	[sflag:s21] =	ssyncadd.s32 @!p0 $0xFFFFFC00;
	s21 =	simm.s32 @!p0 $0x80  }
0x6f: {  	[tilespmem:s23], [sflag:$0x3] =	stream.indirect.gather @!p0 [hbm4b:s4+s21], $0x80, s20, s21, $0xb8;
	[tilespmem:$0x1CC00] =	vst v63  }
0x70: {  	s31 =	sor.u32 $0x800, s30  }
0x71: {  	[spmem:s2] =	stream.indirect.scatter.add.f32 [tilespmem:s16], [sflag:$0x5], $0x80, s31, s13, $0xb8;
	[tilespmem:$0x1CC00] =	vst v63  }
0x72: {  	s22 =	simm.s32 $0x100;
	s21 =	simm.s32 $0x80;
	_ =	swait.ge [sflag:s9], $0x4000  }
0x73: {  	s20 =	simm.s32 $0x400;
	s23 =	simm.s32 $0x2;
	[sflag:s9] =	ssyncset.done $0x0  }
.LBB2_2:
0x74: {  	s25 =	rddreg [dreg:$0x3];
	[sflag:s9] =	ssyncadd.s32 $0xFFFFC000  }
0x75: {  	s24 =	sand.u32 $0x1, s23;
	p1 =	seq.s32 s21, $0x480;
	s28 =	rddreg [dreg:$0x4]  }
0x76: {  	s24 =	sshll.u32 @!p1 s24, $0xA;
	s25 =	sadd.s32 @!p1 s21, s25;
	s29 =	simm.s32 @!p1 $0x0  }
0x77: {  	[tilespmem:s24], [sflag:$0x1] =	stream.linear.gather @!p1 [hbm4b:s25+s29], $0x400, $0x38;
	[tilespmem:$0x1CC00] =	vst v63  }
0x78: {  	s28 =	sadd.s32 @!p1 s21, s28;
	s25 =	sor.u32 @!p1 $0x800, s24  }
0x79: {  	[tilespmem:s25], [sflag:$0x2] =	stream.linear.gather @!p1 [hbm4b:s28+s29], $0x400, $0x38;
	[tilespmem:$0x1CC00] =	vst v63  }
0x7a: {  	_ =	swait.ge [sflag:s15], $0x4000  }
0x7b: {  	s25 =	sand.u32 $0x400, s20;
	[sflag:s15] =	ssyncset.done $0x0  }
0x7c: {  	s30 =	sor.u32 $0x80, s25;
	[sflag:s15] =	ssyncadd.s32 $0xFFFFC000  }
0x7d: {  	[tilespmem:s16], [sflag:$0x4] =	stream.indirect.gather [hbm4b:s4+s13], $0x80, s30, s13, $0xb8;
	[tilespmem:$0x1CC00] =	vst v63  }
0x7e: {  	s31 =	sor.u32 $0x800, s25  }
0x7f: {  	[spmem:s2] =	stream.indirect.scatter.add.f32 [tilespmem:s14], [sflag:$0x5], $0x80, s31, s13, $0xb8;
	[tilespmem:$0x1CC00] =	vst v63  }
0x80: {  	_ =	swait.ge [sflag:s9], $0x4000  }
0x81: {  	[sflag:s9] =	ssyncset.done $0x0  }
0x82: {  	[sflag:s9] =	ssyncadd.s32 $0xFFFFC000  }
0x83: {  	_ =	swait.ge [sflag:s17], $0x4000  }
0x84: {  	[sflag:s17] =	ssyncset.done $0x0  }
0x85: {  	s28 =	sor.u32 $0x100, s25;
	[sflag:s17] =	ssyncadd.s32 $0xFFFFC000  }
0x86: {  	[tilespmem:s14], [sflag:$0x3] =	stream.indirect.gather [hbm4b:s4+s13], $0x80, s28, s13, $0xb8;
	[tilespmem:$0x1CC00] =	vst v63  }
0x87: {  	s29 =	sor.u32 $0x880, s25  }
0x88: {  	[spmem:s2] =	stream.indirect.scatter.add.f32 [tilespmem:s16], [sflag:$0x5], $0x80, s29, s13, $0xb8;
	[tilespmem:$0x1CC00] =	vst v63  }
0x89: {  	_ =	swait.ge [sflag:s9], $0x4000  }
0x8a: {  	[sflag:s9] =	ssyncset.done $0x0  }
0x8b: {  	[sflag:s9] =	ssyncadd.s32 $0xFFFFC000  }
0x8c: {  	_ =	swait.ge [sflag:s15], $0x4000  }
0x8d: {  	[sflag:s15] =	ssyncset.done $0x0  }
0x8e: {  	s30 =	sor.u32 $0x180, s25;
	[sflag:s15] =	ssyncadd.s32 $0xFFFFC000  }
0x8f: {  	[tilespmem:s16], [sflag:$0x4] =	stream.indirect.gather [hbm4b:s4+s13], $0x80, s30, s13, $0xb8;
	[tilespmem:$0x1CC00] =	vst v63  }
0x90: {  	s31 =	sor.u32 $0x900, s25  }
0x91: {  	[spmem:s2] =	stream.indirect.scatter.add.f32 [tilespmem:s14], [sflag:$0x5], $0x80, s31, s13, $0xb8;
	[tilespmem:$0x1CC00] =	vst v63  }
0x92: {  	_ =	swait.ge [sflag:s9], $0x4000  }
0x93: {  	[sflag:s9] =	ssyncset.done $0x0  }
0x94: {  	[sflag:s9] =	ssyncadd.s32 $0xFFFFC000  }
0x95: {  	_ =	swait.ge [sflag:s17], $0x4000  }
0x96: {  	[sflag:s17] =	ssyncset.done $0x0  }
0x97: {  	s28 =	sor.u32 $0x200, s25;
	[sflag:s17] =	ssyncadd.s32 $0xFFFFC000  }
0x98: {  	[tilespmem:s14], [sflag:$0x3] =	stream.indirect.gather [hbm4b:s4+s13], $0x80, s28, s13, $0xb8;
	[tilespmem:$0x1CC00] =	vst v63  }
0x99: {  	s29 =	sor.u32 $0x980, s25  }
0x9a: {  	[spmem:s2] =	stream.indirect.scatter.add.f32 [tilespmem:s16], [sflag:$0x5], $0x80, s29, s13, $0xb8;
	[tilespmem:$0x1CC00] =	vst v63  }
0x9b: {  	_ =	swait.ge [sflag:s9], $0x4000  }
0x9c: {  	[sflag:s9] =	ssyncset.done $0x0  }
0x9d: {  	[sflag:s9] =	ssyncadd.s32 $0xFFFFC000  }
0x9e: {  	_ =	swait.ge [sflag:s15], $0x4000  }
0x9f: {  	[sflag:s15] =	ssyncset.done $0x0  }
0xa0: {  	s30 =	sor.u32 $0x280, s25;
	[sflag:s15] =	ssyncadd.s32 $0xFFFFC000  }
0xa1: {  	[tilespmem:s16], [sflag:$0x4] =	stream.indirect.gather [hbm4b:s4+s13], $0x80, s30, s13, $0xb8;
	[tilespmem:$0x1CC00] =	vst v63  }
0xa2: {  	s31 =	sor.u32 $0xA00, s25  }
0xa3: {  	[spmem:s2] =	stream.indirect.scatter.add.f32 [tilespmem:s14], [sflag:$0x5], $0x80, s31, s13, $0xb8;
	[tilespmem:$0x1CC00] =	vst v63  }
0xa4: {  	_ =	swait.ge [sflag:s9], $0x4000  }
0xa5: {  	[sflag:s9] =	ssyncset.done $0x0  }
0xa6: {  	[sflag:s9] =	ssyncadd.s32 $0xFFFFC000  }
0xa7: {  	_ =	swait.ge [sflag:s17], $0x4000  }
0xa8: {  	[sflag:s17] =	ssyncset.done $0x0  }
0xa9: {  	s28 =	sor.u32 $0x300, s25;
	[sflag:s17] =	ssyncadd.s32 $0xFFFFC000  }
0xaa: {  	[tilespmem:s14], [sflag:$0x3] =	stream.indirect.gather [hbm4b:s4+s13], $0x80, s28, s13, $0xb8;
	[tilespmem:$0x1CC00] =	vst v63  }
0xab: {  	s29 =	sor.u32 $0xA80, s25  }
0xac: {  	[spmem:s2] =	stream.indirect.scatter.add.f32 [tilespmem:s16], [sflag:$0x5], $0x80, s29, s13, $0xb8;
	[tilespmem:$0x1CC00] =	vst v63  }
0xad: {  	_ =	swait.ge [sflag:s9], $0x4000  }
0xae: {  	[sflag:s9] =	ssyncset.done $0x0  }
0xaf: {  	[sflag:s9] =	ssyncadd.s32 $0xFFFFC000  }
0xb0: {  	_ =	swait.ge [sflag:s15], $0x4000  }
0xb1: {  	[sflag:s15] =	ssyncset.done $0x0  }
0xb2: {  	s30 =	sor.u32 $0x380, s25;
	[sflag:s15] =	ssyncadd.s32 $0xFFFFC000  }
0xb3: {  	[tilespmem:s16], [sflag:$0x4] =	stream.indirect.gather [hbm4b:s4+s13], $0x80, s30, s13, $0xb8;
	[tilespmem:$0x1CC00] =	vst v63  }
0xb4: {  	s25 =	sor.u32 $0xB00, s25  }
0xb5: {  	[spmem:s2] =	stream.indirect.scatter.add.f32 [tilespmem:s14], [sflag:$0x5], $0x80, s25, s13, $0xb8;
	[tilespmem:$0x1CC00] =	vst v63  }
0xb6: {  	_ =	swait.ge [sflag:s9], $0x4000  }
0xb7: {  	[sflag:s9] =	ssyncset.done $0x0  }
0xb8: {  	[sflag:s9] =	ssyncadd.s32 $0xFFFFC000  }
0xb9: {  	_ =	swait.ge [sflag:s17], $0x4000  }
0xba: {  	[sflag:s17] =	ssyncset.done $0x0  }
0xbb: {  	s25 =	simm.s32 @!p1 $0x1;
	[sflag:s17] =	ssyncadd.s32 $0xFFFFC000  }
0xbc: {  	_ =	swait.ge @!p1 [sflag:s25], $0x400  }
0xbd: {  	[sflag:s25] =	ssyncset.done @!p1 $0x0  }
0xbe: {  	[sflag:s25] =	ssyncadd.s32 @!p1 $0xFFFFFC00;
	s25 =	simm.s32 @!p1 $0x2  }
0xbf: {  	s26 =	smov.u32 s22;
	s22 =	sadd.s32 $0x80, s22;
	_ =	swait.ge @!p1 [sflag:s25], $0x400  }
0xc0: {  	p0 =	sne.s32 s22, $0x500;
	[sflag:s25] =	ssyncset.done @!p1 $0x0  }
0xc1: {  	s28 =	simm.s32 @!p1 $0x1000;
	[sflag:s25] =	ssyncadd.s32 @!p1 $0xFFFFFC00;
	s25 =	simm.s32 @!p1 $0x80  }
0xc2: {  	[tilespmem:s28], [sflag:$0x3] =	stream.indirect.gather @!p1 [hbm4b:s4+s25], $0x80, s24, s25, $0xb8;
	[tilespmem:$0x1CC00] =	vst v63  }
.Ltmp0:
0xc3: {  	_ = 	snop;
	(pc) =	sbr.rel @p0 .LBB2_2-.Ltmp0, $4  }
0xc4: {  	s31 =	sor.u32 $0x800, s30  }
0xc5: {  	[spmem:s2] =	stream.indirect.scatter.add.f32 [tilespmem:s16], [sflag:$0x5], $0x80, s31, s13, $0xb8;
	[tilespmem:$0x1CC00] =	vst v63  }
0xc6: {  	s23 =	sadd.s32 $0x1, s23;
	_ =	swait.ge [sflag:s9], $0x4000  }
0xc7: {  	s21 =	smov.u32 s26;
	s20 =	sadd.s32 $0x400, s20;
	[sflag:s9] =	ssyncset.done $0x0  }
0xc8: {  	s24 =	rddreg [dreg:$0x3];
	[sflag:s9] =	ssyncadd.s32 $0xFFFFC000  }
0xc9: {  	s22 =	sand.u32 $0x1, s23;
	p0 =	seq.s32 s21, $0x480;
	s23 =	rddreg [dreg:$0x4]  }
0xca: {  	s22 =	sshll.u32 @!p0 s22, $0xA;
	s24 =	sadd.s32 @!p0 s21, s24;
	s25 =	simm.s32 @!p0 $0x0  }
0xcb: {  	[tilespmem:s22], [sflag:$0x1] =	stream.linear.gather @!p0 [hbm4b:s24+s25], $0x400, $0x38;
	[tilespmem:$0x1CC00] =	vst v63  }
0xcc: {  	s21 =	sadd.s32 @!p0 s21, s23;
	s24 =	sor.u32 @!p0 $0x800, s22  }
0xcd: {  	[tilespmem:s24], [sflag:$0x2] =	stream.linear.gather @!p0 [hbm4b:s21+s25], $0x400, $0x38;
	[tilespmem:$0x1CC00] =	vst v63  }
0xce: {  	_ =	swait.ge [sflag:s15], $0x4000  }
0xcf: {  	s20 =	sand.u32 $0x400, s20;
	[sflag:s15] =	ssyncset.done $0x0  }
0xd0: {  	s25 =	sor.u32 $0x80, s20;
	[sflag:s15] =	ssyncadd.s32 $0xFFFFC000  }
0xd1: {  	[tilespmem:s16], [sflag:$0x4] =	stream.indirect.gather [hbm4b:s4+s13], $0x80, s25, s13, $0xb8;
	[tilespmem:$0x1CC00] =	vst v63  }
0xd2: {  	s26 =	sor.u32 $0x800, s20  }
0xd3: {  	[spmem:s2] =	stream.indirect.scatter.add.f32 [tilespmem:s14], [sflag:$0x5], $0x80, s26, s13, $0xb8;
	[tilespmem:$0x1CC00] =	vst v63  }
0xd4: {  	_ =	swait.ge [sflag:s9], $0x4000  }
0xd5: {  	[sflag:s9] =	ssyncset.done $0x0  }
0xd6: {  	[sflag:s9] =	ssyncadd.s32 $0xFFFFC000  }
0xd7: {  	_ =	swait.ge [sflag:s17], $0x4000  }
0xd8: {  	[sflag:s17] =	ssyncset.done $0x0  }
0xd9: {  	s28 =	sor.u32 $0x100, s20;
	[sflag:s17] =	ssyncadd.s32 $0xFFFFC000  }
0xda: {  	[tilespmem:s14], [sflag:$0x3] =	stream.indirect.gather [hbm4b:s4+s13], $0x80, s28, s13, $0xb8;
	[tilespmem:$0x1CC00] =	vst v63  }
0xdb: {  	s29 =	sor.u32 $0x880, s20  }
0xdc: {  	[spmem:s2] =	stream.indirect.scatter.add.f32 [tilespmem:s16], [sflag:$0x5], $0x80, s29, s13, $0xb8;
	[tilespmem:$0x1CC00] =	vst v63  }
0xdd: {  	_ =	swait.ge [sflag:s9], $0x4000  }
0xde: {  	[sflag:s9] =	ssyncset.done $0x0  }
0xdf: {  	[sflag:s9] =	ssyncadd.s32 $0xFFFFC000  }
0xe0: {  	_ =	swait.ge [sflag:s15], $0x4000  }
0xe1: {  	[sflag:s15] =	ssyncset.done $0x0  }
0xe2: {  	s30 =	sor.u32 $0x180, s20;
	[sflag:s15] =	ssyncadd.s32 $0xFFFFC000  }
0xe3: {  	[tilespmem:s16], [sflag:$0x4] =	stream.indirect.gather [hbm4b:s4+s13], $0x80, s30, s13, $0xb8;
	[tilespmem:$0x1CC00] =	vst v63  }
0xe4: {  	s31 =	sor.u32 $0x900, s20  }
0xe5: {  	[spmem:s2] =	stream.indirect.scatter.add.f32 [tilespmem:s14], [sflag:$0x5], $0x80, s31, s13, $0xb8;
	[tilespmem:$0x1CC00] =	vst v63  }
0xe6: {  	_ =	swait.ge [sflag:s9], $0x4000  }
0xe7: {  	[sflag:s9] =	ssyncset.done $0x0  }
0xe8: {  	[sflag:s9] =	ssyncadd.s32 $0xFFFFC000  }
0xe9: {  	_ =	swait.ge [sflag:s17], $0x4000  }
0xea: {  	[sflag:s17] =	ssyncset.done $0x0  }
0xeb: {  	s23 =	sor.u32 $0x200, s20;
	[sflag:s17] =	ssyncadd.s32 $0xFFFFC000  }
0xec: {  	[tilespmem:s14], [sflag:$0x3] =	stream.indirect.gather [hbm4b:s4+s13], $0x80, s23, s13, $0xb8;
	[tilespmem:$0x1CC00] =	vst v63  }
0xed: {  	s24 =	sor.u32 $0x980, s20  }
0xee: {  	[spmem:s2] =	stream.indirect.scatter.add.f32 [tilespmem:s16], [sflag:$0x5], $0x80, s24, s13, $0xb8;
	[tilespmem:$0x1CC00] =	vst v63  }
0xef: {  	_ =	swait.ge [sflag:s9], $0x4000  }
0xf0: {  	[sflag:s9] =	ssyncset.done $0x0  }
0xf1: {  	[sflag:s9] =	ssyncadd.s32 $0xFFFFC000  }
0xf2: {  	_ =	swait.ge [sflag:s15], $0x4000  }
0xf3: {  	[sflag:s15] =	ssyncset.done $0x0  }
0xf4: {  	s25 =	sor.u32 $0x280, s20;
	[sflag:s15] =	ssyncadd.s32 $0xFFFFC000  }
0xf5: {  	[tilespmem:s16], [sflag:$0x4] =	stream.indirect.gather [hbm4b:s4+s13], $0x80, s25, s13, $0xb8;
	[tilespmem:$0x1CC00] =	vst v63  }
0xf6: {  	s26 =	sor.u32 $0xA00, s20  }
0xf7: {  	[spmem:s2] =	stream.indirect.scatter.add.f32 [tilespmem:s14], [sflag:$0x5], $0x80, s26, s13, $0xb8;
	[tilespmem:$0x1CC00] =	vst v63  }
0xf8: {  	_ =	swait.ge [sflag:s9], $0x4000  }
0xf9: {  	[sflag:s9] =	ssyncset.done $0x0  }
0xfa: {  	[sflag:s9] =	ssyncadd.s32 $0xFFFFC000  }
0xfb: {  	_ =	swait.ge [sflag:s17], $0x4000  }
0xfc: {  	[sflag:s17] =	ssyncset.done $0x0  }
0xfd: {  	s28 =	sor.u32 $0x300, s20;
	[sflag:s17] =	ssyncadd.s32 $0xFFFFC000  }
0xfe: {  	[tilespmem:s14], [sflag:$0x3] =	stream.indirect.gather [hbm4b:s4+s13], $0x80, s28, s13, $0xb8;
	[tilespmem:$0x1CC00] =	vst v63  }
0xff: {  	s29 =	sor.u32 $0xA80, s20  }
0x100: {  	[spmem:s2] =	stream.indirect.scatter.add.f32 [tilespmem:s16], [sflag:$0x5], $0x80, s29, s13, $0xb8;
	[tilespmem:$0x1CC00] =	vst v63  }
0x101: {  	_ =	swait.ge [sflag:s9], $0x4000  }
0x102: {  	[sflag:s9] =	ssyncset.done $0x0  }
0x103: {  	[sflag:s9] =	ssyncadd.s32 $0xFFFFC000  }
0x104: {  	_ =	swait.ge [sflag:s15], $0x4000  }
0x105: {  	[sflag:s15] =	ssyncset.done $0x0  }
0x106: {  	s30 =	sor.u32 $0x380, s20;
	[sflag:s15] =	ssyncadd.s32 $0xFFFFC000  }
0x107: {  	[tilespmem:s16], [sflag:$0x4] =	stream.indirect.gather [hbm4b:s4+s13], $0x80, s30, s13, $0xb8;
	[tilespmem:$0x1CC00] =	vst v63  }
0x108: {  	s20 =	sor.u32 $0xB00, s20  }
0x109: {  	[spmem:s2] =	stream.indirect.scatter.add.f32 [tilespmem:s14], [sflag:$0x5], $0x80, s20, s13, $0xb8;
	[tilespmem:$0x1CC00] =	vst v63  }
0x10a: {  	_ =	swait.ge [sflag:s9], $0x4000  }
0x10b: {  	[sflag:s9] =	ssyncset.done $0x0  }
0x10c: {  	[sflag:s9] =	ssyncadd.s32 $0xFFFFC000  }
0x10d: {  	_ =	swait.ge [sflag:s17], $0x4000  }
0x10e: {  	[sflag:s17] =	ssyncset.done $0x0  }
0x10f: {  	s20 =	simm.s32 @!p0 $0x1;
	[sflag:s17] =	ssyncadd.s32 $0xFFFFC000  }
0x110: {  	_ =	swait.ge @!p0 [sflag:s20], $0x400  }
0x111: {  	[sflag:s20] =	ssyncset.done @!p0 $0x0  }
0x112: {  	[sflag:s20] =	ssyncadd.s32 @!p0 $0xFFFFFC00;
	s20 =	simm.s32 @!p0 $0x2  }
0x113: {  	_ =	swait.ge @!p0 [sflag:s20], $0x400  }
0x114: {  	[sflag:s20] =	ssyncset.done @!p0 $0x0  }
0x115: {  	s23 =	simm.s32 @!p0 $0x1000;
	[sflag:s20] =	ssyncadd.s32 @!p0 $0xFFFFFC00;
	s20 =	simm.s32 @!p0 $0x80  }
0x116: {  	[tilespmem:s23], [sflag:$0x3] =	stream.indirect.gather @!p0 [hbm4b:s4+s20], $0x80, s22, s20, $0xb8;
	[tilespmem:$0x1CC00] =	vst v63  }
0x117: {  	s31 =	sor.u32 $0x800, s30  }
0x118: {  	[spmem:s2] =	stream.indirect.scatter.add.f32 [tilespmem:s16], [sflag:$0x5], $0x80, s31, s13, $0xb8;
	[tilespmem:$0x1CC00] =	vst v63  }
0x119: {  	_ =	swait.ge [sflag:s9], $0x4000  }
0x11a: {  	s19 =	sadd.s32 $0x1, s19;
	[sflag:s9] =	ssyncset.done $0x0  }
0x11b: {  	p0 =	sne.s32 s19, s8;
	[sflag:s9] =	ssyncadd.s32 $0xFFFFC000  }
.Ltmp1:
0x11c: {  	[bflag:$0x0] =	sbarrier.arrive $0xFFFF;
	(pc) =	sbr.rel @p0 .LBB2_1-.Ltmp1, $4  }
0x11d: {  	[hbm:s18], [sflag:s11] =	dma.local [spmem:s12], $0x2780  }
0x11e: {  	_ =	swait.ge [sflag:s9], $0x2780  }
0x11f: {  	[sflag:s9] =	ssyncset.done $0x0  }
0x120: {  	[sflag:s9] =	ssyncadd.s32 $0xFFFFD880  }
0x121: {  	_ =	sfence.sel $0x180000  }
0x122: {  	[bflag:$0x0] =	sbarrier.arrive $0xFFFF  }
0x123: {  	p0 =	sne.s32 s1, $0x0;
	_ =	strace $0x9000004D  }
0x124: {  	s0 =	sadd.s32 @!p0 $0x100000, s0;
	[bflag:$0x2] =	sbarrier.arrive $0xFFFF  }
0x125: {  	[sflag:s0] =	ssyncadd.tile.s32 @!p0 $0x1;
	_ =	shalt  }
.Lfunc_end2:
_tile_overlayer_lowered:
.L_overlay_start_2:
0x126: {  	(tag) =	ssettag $0x2  }
0x127: {  	s0 =	rddreg [dreg:$0x0];
	s2 =	stileid.u32  }
0x128: {  	s1 =	rddreg [dreg:$0x1];
	p0 =	sne.s32 s2, $0x0  }
0x129: {  	s3 =	rddreg [dreg:$0x2];
	[bflag:$0x3] =	sbarrier.arrive $0xFFFF;
	s2 =	simm.s32 @!p0 $0x1C05  }
0x12a: {  	[timem:s3], [sflag:s2] =	dma.local @!p0 [hbm:s0], s1  }
0x12b: {  	s0 =	simm.s32 @!p0 $0x5  }
0x12c: {  	_ =	swait.ge @!p0 [sflag:s0], s1  }
0x12d: {  	s1 =	ssub.s32 @!p0 $0x0, s1;
	[sflag:s0] =	ssyncset.done @!p0 $0x0  }
0x12e: {  	[sflag:s0] =	ssyncadd.s32 @!p0 s1  }
0x12f: {  	[bflag:$0x3] =	sbarrier.arrive $0xFFFF  }
0x130: {  	_ =	shalt  }

// kernel: kernel.9.cloned.1.call-start
scs
__scs_entry_jumppad:
0x0: {  	(pc) =	sbr.rel $0x88, $3  }
0x1: {  	(tag) =	ssettag $0x0;
	lr =	simm.s32 $0x1  }
0x2: {  	[smem:$0x3F90] =	sst lr;
	_ =	strace $0xD0000000  }
0x3: {  	_ = 	snop  }
0x4: {  	_ = 	snop  }
0x5: {  	_ = 	snop  }
0x6: {  	_ = 	snop  }
0x7: {  	_ = 	snop  }
__scs_overlays_trampoline_lowered:
0x8: {  	[smem:$0x3F9F] =	sst s0  }
0x9: {  	[smem:$0x3FA0] =	sst s1  }
0xa: {  	[smem:$0x3FA1] =	sst s2  }
0xb: {  	[smem:$0x3FA2] =	sst s3  }
0xc: {  	[smem:$0x3FA3] =	sst s4  }
0xd: {  	[smem:$0x3FA4] =	sst s5  }
0xe: {  	[smem:$0x3FA5] =	sst s6  }
0xf: {  	[smem:$0x3FA6] =	sst s7  }
0x10: {  	[smem:$0x3FA7] =	sst s8  }
0x11: {  	[smem:$0x3FA8] =	sst s9;
	s0 =	simm.s32 @!p0 $0x0  }
0x12: {  	s1 =	sld [smem:$0x3F8E];
	s0 =	simm.s32 @p0 $0x1  }
0x13: {  	[smem:$0x3FA9] =	sst s0;
	s0 =	simm.s32 @!p1 $0x0  }
0x14: {  	s2 =	sld [smem:$0x3F8D];
	s0 =	simm.s32 @p1 $0x1  }
0x15: {  	[smem:$0x3FAA] =	sst s0;
	s0 =	simm.s32 @!p2 $0x0  }
0x16: {  	s3 =	sld [smem:$0x3FDB];
	s0 =	simm.s32 @p2 $0x1  }
0x17: {  	s4 =	simm.s32 $0x1BF5;
	[smem:$0x3FAC] =	sst s0  }
0x18: {  	s0 =	sld [smem:$0x3F8F];
	_ =	swait.ge [sflag:s4], $0x0  }
0x19: {  	s7 =	sld [smem:$0x3F90]  }
0x1a: {  	s8 =	sadd.s32 $0xFFFFE003, lr  }
0x1b: {  	s9 =	sadd.s32 $0xFFFFFEF7, lr;
	s5 =	simm.s32 $0xFFFFFFFF;
	p2 =	slt.u32 s8, $0xFFFFF086  }
0x1c: {  	p1 =	slt.u32 s9, $0xF7A;
	s5 =	simm.s32 @!p2 $0x0  }
0x1d: {  	s5 =	simm.s32 @p1 $0x1;
	p0 =	seq.s32 s7, s2  }
0x1e: {  	s7 =	smul.u32 @!p0 $0xF7A, s2;
	p2 =	seq.s32 @!p0 s5, $0x0  }
0x1f: {  	s9 =	smul.u32 $0xF7A, s1;
	s8 =	simm.s32 @!p0 $0x1BF5;
	p2 =	por !p2, p0  }
0x20: {  	[sflag:s8] =	ssyncset.s32 @!p0 $0xFFFFF086;
	s6 =	sadd.s32 @!p0 s3, s7;
	s7 =	simm.s32 @!p0 $0x108  }
0x21: {  	s3 =	sadd.s32 s3, s9;
	s6 =	sadd.s32 @!p0 $0x88, s6;
	s7 =	simm.s32 @p2 $0x1082  }
0x22: {  	[simem:s7], [sflag:s8] =	dma.local @!p0 [hbm:s6], $0xF7A  }
0x23: {  	s9 =	sor.u32 $0xD0000000, s2;
	s6 =	simm.s32 $0x108;
	_ =	swait.ge @!p0 [sflag:s8], $0x0  }
0x24: {  	s3 =	sadd.s32 $0x88, s3;
	s6 =	simm.s32 @!p1 $0x1082;
	[sflag:s4] =	ssyncset.s32 $0xFFFFF086  }
0x25: {  	[simem:s6], [sflag:s4] =	dma.local [hbm:s3], $0xF7A  }
0x26: {  	[smem:$0x3F90] =	sst s1;
	(tag) =	ssettag s2;
	_ =	strace s9  }
0x27: {  	s1 =	sld [smem:$0x3FA0]  }
0x28: {  	s2 =	sld [smem:$0x3FA1]  }
0x29: {  	s4 =	sld [smem:$0x3FA3]  }
0x2a: {  	p0 =	seq.s32 s5, $0x0;
	s5 =	sld [smem:$0x3FA4]  }
0x2b: {  	s6 =	sld [smem:$0x3FA5]  }
0x2c: {  	s7 =	sld [smem:$0x3FA6]  }
0x2d: {  	s3 =	simm.s32 $0x108;
	s8 =	sld [smem:$0x3FA7]  }
0x2e: {  	s3 =	simm.s32 @!p0 $0x1082;
	s9 =	sld [smem:$0x3FA8]  }
0x2f: {  	lr =	sadd.s32 s0, s3;
	s0 =	sld [smem:$0x3F9F]  }
0x30: {  	s3 =	sld [smem:$0x3FA2]  }
0x31: {  	[smem:$0x3FAB] =	sst s10  }
0x32: {  	s10 =	sld [smem:$0x3FA9];
	_ =	sdelay $0x3  }
0x33: {  	p0 =	seq.s32 s10, $0x1;
	s10 =	sld [smem:$0x3FAB];
	_ =	sdelay $0x3  }
0x34: {  	[smem:$0x3FAB] =	sst s10  }
0x35: {  	s10 =	sld [smem:$0x3FAA];
	_ =	sdelay $0x3  }
0x36: {  	p1 =	seq.s32 s10, $0x1;
	s10 =	sld [smem:$0x3FAB];
	_ =	sdelay $0x3  }
0x37: {  	[smem:$0x3FAB] =	sst s10  }
0x38: {  	s10 =	sld [smem:$0x3FAC]  }
0x39: {  	_ = 	snop;
	(pc) =	sbr.ind lr, $3  }
0x3a: {  	_ = 	snop  }
0x3b: {  	_ = 	snop  }
0x3c: {  	p2 =	seq.s32 s10, $0x1;
	s10 =	sld [smem:$0x3FAB]  }
0x3d: {  	_ =	shalt  }
0x3e: {  	_ =	shalt  }
0x3f: {  	_ =	shalt  }
0x40: {  	_ =	shalt  }
0x41: {  	_ =	shalt  }
0x42: {  	_ =	shalt  }
0x43: {  	_ =	shalt  }
0x44: {  	_ =	shalt  }
0x45: {  	_ =	shalt  }
0x46: {  	_ =	shalt  }
0x47: {  	_ =	shalt  }
0x48: {  	_ =	shalt  }
0x49: {  	_ =	shalt  }
0x4a: {  	_ =	shalt  }
0x4b: {  	_ =	shalt  }
0x4c: {  	_ =	shalt  }
0x4d: {  	_ =	shalt  }
0x4e: {  	_ =	shalt  }
0x4f: {  	_ =	shalt  }
0x50: {  	_ =	shalt  }
0x51: {  	_ =	shalt  }
0x52: {  	_ =	shalt  }
0x53: {  	_ =	shalt  }
0x54: {  	_ =	shalt  }
0x55: {  	_ =	shalt  }
0x56: {  	_ =	shalt  }
0x57: {  	_ =	shalt  }
0x58: {  	_ =	shalt  }
0x59: {  	_ =	shalt  }
0x5a: {  	_ =	shalt  }
0x5b: {  	_ =	shalt  }
0x5c: {  	_ =	shalt  }
0x5d: {  	_ =	shalt  }
0x5e: {  	_ =	shalt  }
0x5f: {  	_ =	shalt  }
0x60: {  	_ =	shalt  }
0x61: {  	_ =	shalt  }
0x62: {  	_ =	shalt  }
0x63: {  	_ =	shalt  }
0x64: {  	_ =	shalt  }
0x65: {  	_ =	shalt  }
0x66: {  	_ =	shalt  }
0x67: {  	_ =	shalt  }
0x68: {  	_ =	shalt  }
0x69: {  	_ =	shalt  }
0x6a: {  	_ =	shalt  }
0x6b: {  	_ =	shalt  }
0x6c: {  	_ =	shalt  }
0x6d: {  	_ =	shalt  }
0x6e: {  	_ =	shalt  }
0x6f: {  	_ =	shalt  }
0x70: {  	_ =	shalt  }
0x71: {  	_ =	shalt  }
0x72: {  	_ =	shalt  }
0x73: {  	_ =	shalt  }
0x74: {  	_ =	shalt  }
0x75: {  	_ =	shalt  }
0x76: {  	_ =	shalt  }
0x77: {  	_ =	shalt  }
0x78: {  	_ =	shalt  }
0x79: {  	_ =	shalt  }
0x7a: {  	_ =	shalt  }
0x7b: {  	_ =	shalt  }
0x7c: {  	_ =	shalt  }
0x7d: {  	_ =	shalt  }
0x7e: {  	_ =	shalt  }
0x7f: {  	_ =	shalt  }
0x80: {  	_ =	shalt  }
0x81: {  	_ =	shalt  }
0x82: {  	_ =	shalt  }
0x83: {  	_ =	shalt  }
0x84: {  	_ =	shalt  }
0x85: {  	_ =	shalt  }
0x86: {  	_ =	shalt  }
0x87: {  	_ =	shalt  }
.Lfunc_end0:
.L_simem_size_0:
called_computation_lowered:
.L_overlay_start_0:
0x88: {  	s2 =	sld [smem:$0x3FD9]  }
0x89: {  	s3 =	sld [smem:$0x3FFE];
	_ =	sdelay $0x1  }
0x8a: {  	s1 =	srdreg.scid  }
0x8b: {  	s0 =	sand.u32 $0x1, s1  }
0x8c: {  	s16 =	sshll.u32 s0, $0xA;
	s2 =	sadd.s32 s3, s2  }
0x8d: {  	s2 =	sadd.s32 s2, s16  }
0x8e: {  	[smem:$0x3FB7] =	sst s2  }
0x8f: {  	_ = 	snop  }
0x90: {  	(tm) =	ssettm $0x1  }
0x91: {  	s17 =	sld [smem:$0x3FFB];
	_ =	sdelay $0x3  }
0x92: {  	_ =	strace s17  }
0x93: {  	s2 =	sld [smem:$0x3FFC];
	_ =	sdelay $0x3  }
0x94: {  	_ =	strace s2  }
0x95: {  	s2 =	sld [smem:$0x3FFD];
	_ =	sdelay $0x3  }
0x96: {  	_ =	strace s2  }
0x97: {  	_ =	strace $0x8FFFFFFF  }
0x98: {  	s18 =	sld [smem:$0x3FDB];
	_ =	sdelay $0x1  }
0x99: {  	s19 =	simm.s32 $_scs_section_size  }
0x9a: {  	s4 =	simm.s32 $_size__tile_overlayer_lowered;
	s5 =	simm.s32 $_tile_overlayer_lowered  }
0x9b: {  	s22 =	simm.s32 $0x1BFF;
	s21 =	sshll.u32 s5, $0x1;
	s2 =	sadd.s32 s19, s18  }
0x9c: {  	s6 =	simm.s32 $0x0;
	s20 =	sshll.u32 s4, $0x1;
	s4 =	sadd.s32 s21, s2  }
0x9d: {  	[timem:s6], [sflag:s22] =	dma.local [hbm:s4], s20  }
0x9e: {  	_ =	swait.ge [sflag:s22], s20  }
0x9f: {  	s3 =	ssub.s32 $0x0, s20;
	[sflag:s22] =	ssyncset.done $0x0  }
0xa0: {  	[sflag:s22] =	ssyncadd.s32 s3;
	_ =	sdelay $0x1  }
0xa1: {  	s23 =	simm.s32 $0x1B8B  }
0xa2: {  	_ =	swait.ge [sflag:s23], $0x1  }
0xa3: {  	[sflag:s23] =	ssyncset.done $0x0  }
0xa4: {  	s25 =	simm.s32 $0x1B8E;
	s24 =	sld [smem:$0x3FFE];
	[sflag:s23] =	ssyncadd.s32 $0xFFFFFFFF  }
0xa5: {  	s26 =	simm.s32 $execute0_lowered;
	[smem:$0x3FD2] =	sst s25  }
0xa6: {  	s4 =	sshll.u32 s26, $0x1;
	_ =	strace $0x80000046;
	[dreg:$0x1] =	wrdreg $0xFFFFFFFF  }
0xa7: {  	s28 =	simm.s32 $_size_execute0_lowered;
	s2 =	sadd.s32 s2, s4;
	[dreg:$0x0] =	wrdreg $0x0  }
0xa8: {  	s4 =	sshll.u32 s28, $0x1;
	[dreg:$0x2] =	wrdreg s2  }
0xa9: {  	[dreg:$0x3] =	wrdreg s4  }
0xaa: {  	[dreg:$0x4] =	wrdreg $0xC0  }
0xab: {  	_ =	task [dreg:s6], $0x5FFFF  }
0xac: {  	[dreg:$0x1] =	wrdreg $0xFFFFFFFF  }
0xad: {  	[dreg:$0x0] =	wrdreg $0x60  }
0xae: {  	[dreg:$0x2] =	wrdreg s24  }
0xaf: {  	[dreg:$0x3] =	wrdreg $0x90000  }
0xb0: {  	[dreg:$0x4] =	wrdreg $0x9  }
0xb1: {  	_ =	task.clear_ibuf [dreg:s6], $0x5FFFF;
	_ =	strace $0x90000046  }
0xb2: {  	s29 =	simm.s32 $0x9;
	_ =	strace $0x80000048  }
0xb3: {  	_ =	swait.ge [sflag:s29], $0x1  }
0xb4: {  	[sflag:s29] =	ssyncadd.s32 $0xFFFFFFFF  }
0xb5: {  	_ =	strace $0x90000048  }
0xb6: {  	_ =	sfence  }
0xb7: {  	s30 =	sld [smem:$0x0];
	_ =	sdelay $0x2  }
0xb8: {  	s31 =	sshll.u32 s1, $0xD;
	s1 =	sshrl.u32 s1, $0x2  }
0xb9: {  	s3 =	sand.u32 $0x4000, s31;
	s1 =	sadd.s32 s1, s30  }
0xba: {  	s0 =	sor.u32 s3, s0;
	s1 =	sshll.u32 s1, $0x11  }
0xbb: {  	s0 =	sor.u32 s1, s0  }
0xbc: {  	s0 =	sadd.s32 $0x8F2B, s0  }
0xbd: {  	[sflag:s0] =	ssyncadd.remote.s32 $0x1  }
0xbe: {  	_ =	sfence.sel $0xFFFF  }
0xbf: {  	[dreg:$0x0] =	wrdreg $0xFFFFFFFF;
	(pc) =	sbr.abs _section_cstart, $3  }
0xc0: {  	[dreg:$0x1] =	wrdreg $0xFFFFFFFF  }
0xc1: {  	_ =	task.clear_ibuf [dreg:s6], $0x2FFFF;
	_ =	strace $0x9FFFFFFF  }
0xc2: {  	(tm) =	ssettm $0x7FFFFFFF  }
0xc3: {  	_ =	shalt  }
tec
execute0_lowered:
.L_overlay_start_1:
0x0: {  	(tag) =	ssettag $0x1  }
0x1: {  	s5 =	rddreg [dreg:$0x0]  }
0x2: {  	s2 =	rddreg [dreg:$0x1]  }
0x3: {  	s0 =	rddreg [dreg:$0x2];
	s3 =	simm.s32 $0x0  }
0x4: {  	s1 =	stileid.u32;
	s4 =	srdreg.scid;
	s15 =	simm.s32 $0x3  }
0x5: {  	s16 =	simm.s32 $0x5000;
	s17 =	simm.s32 $0x4;
	s18 =	smul.u32 $0x2780, s1  }
0x6: {  	[smem:$0x7FF] =	sst s3;
	s6 =	sand.u32 $0x1, s4;
	s13 =	smul.u32 $0xA, s1  }
0x7: {  	s4 =	sadd.s32 $0x17A00, s5;
	s7 =	sadd.s32 $0x3A00, s5;
	s14 =	smul.u32 $0x4F000, s1  }
0x8: {  	s9 =	sadd.s32 $0xDA00, s5;
	s31 =	sshll.u32 s1, $0x6;
	s8 =	smul.u32 $0x27800, s6  }
0x9: {  	_ =	strace $0x80000047;
	s10 =	sshll.u32 s6, $0x4;
	s11 =	smul.u32 $0xA0, s6  }
0xa: {  	s25 =	ssub.s32 $0x2, s6;
	s12 =	sadd.s32 s18, s5;
	s10 =	sor.u32 s1, s10  }
0xb: {  	s28 =	sshrl.u32 s25, $0x1;
	s29 =	sshrl.u32 s14, $0x2;
	s14 =	simm.s32 $0x1000  }
0xc: {  	s8 =	sadd.s32 s8, s5;
	s26 =	smul.u32 $0x500, s10;
	s11 =	sadd.s32 s13, s11  }
0xd: {  	s10 =	ssub.s32 s25, s28;
	s13 =	sadd.s32 s29, s2;
	s11 =	sshll.u32 s11, $0x7  }
0xe: {  	s19 =	sadd.s32 $0x66400, s8;
	s8 =	smax.u32 s10, $0x1;
	s10 =	simm.s32 $0x800  }
0xf: {  	s5 =	sadd.s32 s7, s26;
	s6 =	sadd.s32 s9, s26;
	s7 =	sadd.s32 s11, s7  }
0x10: {  	s9 =	sadd.s32 s11, s9;
	s11 =	sor.u32 $0x1C05, s31;
	s18 =	sadd.s32 s18, s19  }
0x11: {  	s19 =	simm.s32 $0x0;
	s30 =	sadd.s32 $0x80, s7;
	s7 =	sadd.s32 $0x3EC00, s12  }
0x12: {  	s9 =	sadd.s32 $0x80, s9;
	s12 =	sshrl.u32 s13, $0x3;
	[dreg:$0x3] =	wrdreg s30  }
0x13: {  	s13 =	simm.s32 $0x80;
	[dreg:$0x4] =	wrdreg s9;
	s9 =	simm.s32 $0x5  }
.LBB2_1:
0x14: {  	[tilespmem:s3], [sflag:$0x5] =	stream.linear.gather [hbm4b:s5+s3], $0x400, $0x38;
	[tilespmem:$0x1CC00] =	vst v63  }
0x15: {  	_ =	swait.ge [sflag:s9], $0x400  }
0x16: {  	[sflag:s9] =	ssyncset.done $0x0  }
0x17: {  	[sflag:s9] =	ssyncadd.s32 $0xFFFFFC00  }
0x18: {  	[tilespmem:s10], [sflag:$0x5] =	stream.linear.gather [hbm4b:s6+s3], $0x400, $0x38;
	[tilespmem:$0x1CC00] =	vst v63  }
0x19: {  	_ =	swait.ge [sflag:s9], $0x400  }
0x1a: {  	[sflag:s9] =	ssyncset.done $0x0  }
0x1b: {  	[sflag:s9] =	ssyncadd.s32 $0xFFFFFC00  }
0x1c: {  	[spmem:s12], [sflag:s11] =	dma.local [hbm:s7], $0x2780  }
0x1d: {  	_ =	swait.ge [sflag:s9], $0x2780  }
0x1e: {  	[sflag:s9] =	ssyncset.done $0x0  }
0x1f: {  	[sflag:s9] =	ssyncadd.s32 $0xFFFFD880  }
0x20: {  	s20 =	simm.s32 $0x1;
	p0 =	por $0x0, $0x0;
	[bflag:$0x0] =	sbarrier.arrive $0xFFFF  }
0x21: {  	[tilespmem:s14], [sflag:$0x3] =	stream.indirect.gather [hbm4b:s4+s13], $0x80, s3, s13, $0xb8;
	[tilespmem:$0x1CC00] =	vst v63  }
0x22: {  	s20 =	sand.u32 $0x1, s20;
	s23 =	simm.s32 @!p0 $0x0;
	s21 =	rddreg [dreg:$0x3]  }
0x23: {  	s20 =	sshll.u32 @!p0 s20, $0xA;
	s22 =	rddreg [dreg:$0x4];
	s21 =	sadd.s32 @!p0 $0x0, s21  }
0x24: {  	[tilespmem:s20], [sflag:$0x1] =	stream.linear.gather @!p0 [hbm4b:s21+s23], $0x400, $0x38;
	[tilespmem:$0x1CC00] =	vst v63  }
0x25: {  	s22 =	sadd.s32 @!p0 $0x0, s22;
	s21 =	sor.u32 @!p0 $0x800, s20  }
0x26: {  	[tilespmem:s21], [sflag:$0x2] =	stream.linear.gather @!p0 [hbm4b:s22+s23], $0x400, $0x38;
	[tilespmem:$0x1CC00] =	vst v63  }
0x27: {  	_ =	swait.ge [sflag:s15], $0x4000  }
0x28: {  	s21 =	sand.u32 $0x400, s3;
	[sflag:s15] =	ssyncset.done $0x0  }
0x29: {  	s25 =	sor.u32 $0x80, s21;
	[sflag:s15] =	ssyncadd.s32 $0xFFFFC000  }
0x2a: {  	[tilespmem:s16], [sflag:$0x4] =	stream.indirect.gather [hbm4b:s4+s13], $0x80, s25, s13, $0xb8;
	[tilespmem:$0x1CC00] =	vst v63  }
0x2b: {  	s26 =	sor.u32 $0x800, s21  }
0x2c: {  	[spmem:s2] =	stream.indirect.scatter.add.f32 [tilespmem:s14], [sflag:$0x5], $0x80, s26, s13, $0xb8;
	[tilespmem:$0x1CC00] =	vst v63  }
0x2d: {  	_ =	swait.ge [sflag:s9], $0x4000  }
0x2e: {  	[sflag:s9] =	ssyncset.done $0x0  }
0x2f: {  	[sflag:s9] =	ssyncadd.s32 $0xFFFFC000  }
0x30: {  	_ =	swait.ge [sflag:s17], $0x4000  }
0x31: {  	[sflag:s17] =	ssyncset.done $0x0  }
0x32: {  	s28 =	sor.u32 $0x100, s21;
	[sflag:s17] =	ssyncadd.s32 $0xFFFFC000  }
0x33: {  	[tilespmem:s14], [sflag:$0x3] =	stream.indirect.gather [hbm4b:s4+s13], $0x80, s28, s13, $0xb8;
	[tilespmem:$0x1CC00] =	vst v63  }
0x34: {  	s29 =	sor.u32 $0x880, s21  }
0x35: {  	[spmem:s2] =	stream.indirect.scatter.add.f32 [tilespmem:s16], [sflag:$0x5], $0x80, s29, s13, $0xb8;
	[tilespmem:$0x1CC00] =	vst v63  }
0x36: {  	_ =	swait.ge [sflag:s9], $0x4000  }
0x37: {  	[sflag:s9] =	ssyncset.done $0x0  }
0x38: {  	[sflag:s9] =	ssyncadd.s32 $0xFFFFC000  }
0x39: {  	_ =	swait.ge [sflag:s15], $0x4000  }
0x3a: {  	[sflag:s15] =	ssyncset.done $0x0  }
0x3b: {  	s30 =	sor.u32 $0x180, s21;
	[sflag:s15] =	ssyncadd.s32 $0xFFFFC000  }
0x3c: {  	[tilespmem:s16], [sflag:$0x4] =	stream.indirect.gather [hbm4b:s4+s13], $0x80, s30, s13, $0xb8;
	[tilespmem:$0x1CC00] =	vst v63  }
0x3d: {  	s31 =	sor.u32 $0x900, s21  }
0x3e: {  	[spmem:s2] =	stream.indirect.scatter.add.f32 [tilespmem:s14], [sflag:$0x5], $0x80, s31, s13, $0xb8;
	[tilespmem:$0x1CC00] =	vst v63  }
0x3f: {  	_ =	swait.ge [sflag:s9], $0x4000  }
0x40: {  	[sflag:s9] =	ssyncset.done $0x0  }
0x41: {  	[sflag:s9] =	ssyncadd.s32 $0xFFFFC000  }
0x42: {  	_ =	swait.ge [sflag:s17], $0x4000  }
0x43: {  	[sflag:s17] =	ssyncset.done $0x0  }
0x44: {  	s23 =	sor.u32 $0x200, s21;
	[sflag:s17] =	ssyncadd.s32 $0xFFFFC000  }
0x45: {  	[tilespmem:s14], [sflag:$0x3] =	stream.indirect.gather [hbm4b:s4+s13], $0x80, s23, s13, $0xb8;
	[tilespmem:$0x1CC00] =	vst v63  }
0x46: {  	s24 =	sor.u32 $0x980, s21  }
0x47: {  	[spmem:s2] =	stream.indirect.scatter.add.f32 [tilespmem:s16], [sflag:$0x5], $0x80, s24, s13, $0xb8;
	[tilespmem:$0x1CC00] =	vst v63  }
0x48: {  	_ =	swait.ge [sflag:s9], $0x4000  }
0x49: {  	[sflag:s9] =	ssyncset.done $0x0  }
0x4a: {  	[sflag:s9] =	ssyncadd.s32 $0xFFFFC000  }
0x4b: {  	_ =	swait.ge [sflag:s15], $0x4000  }
0x4c: {  	[sflag:s15] =	ssyncset.done $0x0  }
0x4d: {  	s25 =	sor.u32 $0x280, s21;
	[sflag:s15] =	ssyncadd.s32 $0xFFFFC000  }
0x4e: {  	[tilespmem:s16], [sflag:$0x4] =	stream.indirect.gather [hbm4b:s4+s13], $0x80, s25, s13, $0xb8;
	[tilespmem:$0x1CC00] =	vst v63  }
0x4f: {  	s26 =	sor.u32 $0xA00, s21  }
0x50: {  	[spmem:s2] =	stream.indirect.scatter.add.f32 [tilespmem:s14], [sflag:$0x5], $0x80, s26, s13, $0xb8;
	[tilespmem:$0x1CC00] =	vst v63  }
0x51: {  	_ =	swait.ge [sflag:s9], $0x4000  }
0x52: {  	[sflag:s9] =	ssyncset.done $0x0  }
0x53: {  	[sflag:s9] =	ssyncadd.s32 $0xFFFFC000  }
0x54: {  	_ =	swait.ge [sflag:s17], $0x4000  }
0x55: {  	[sflag:s17] =	ssyncset.done $0x0  }
0x56: {  	s28 =	sor.u32 $0x300, s21;
	[sflag:s17] =	ssyncadd.s32 $0xFFFFC000  }
0x57: {  	[tilespmem:s14], [sflag:$0x3] =	stream.indirect.gather [hbm4b:s4+s13], $0x80, s28, s13, $0xb8;
	[tilespmem:$0x1CC00] =	vst v63  }
0x58: {  	s29 =	sor.u32 $0xA80, s21  }
0x59: {  	[spmem:s2] =	stream.indirect.scatter.add.f32 [tilespmem:s16], [sflag:$0x5], $0x80, s29, s13, $0xb8;
	[tilespmem:$0x1CC00] =	vst v63  }
0x5a: {  	_ =	swait.ge [sflag:s9], $0x4000  }
0x5b: {  	[sflag:s9] =	ssyncset.done $0x0  }
0x5c: {  	[sflag:s9] =	ssyncadd.s32 $0xFFFFC000  }
0x5d: {  	_ =	swait.ge [sflag:s15], $0x4000  }
0x5e: {  	[sflag:s15] =	ssyncset.done $0x0  }
0x5f: {  	s30 =	sor.u32 $0x380, s21;
	[sflag:s15] =	ssyncadd.s32 $0xFFFFC000  }
0x60: {  	[tilespmem:s16], [sflag:$0x4] =	stream.indirect.gather [hbm4b:s4+s13], $0x80, s30, s13, $0xb8;
	[tilespmem:$0x1CC00] =	vst v63  }
0x61: {  	s21 =	sor.u32 $0xB00, s21  }
0x62: {  	[spmem:s2] =	stream.indirect.scatter.add.f32 [tilespmem:s14], [sflag:$0x5], $0x80, s21, s13, $0xb8;
	[tilespmem:$0x1CC00] =	vst v63  }
0x63: {  	_ =	swait.ge [sflag:s9], $0x4000  }
0x64: {  	[sflag:s9] =	ssyncset.done $0x0  }
0x65: {  	[sflag:s9] =	ssyncadd.s32 $0xFFFFC000  }
0x66: {  	_ =	swait.ge [sflag:s17], $0x4000  }
0x67: {  	[sflag:s17] =	ssyncset.done $0x0  }
0x68: {  	s21 =	simm.s32 @!p0 $0x1;
	[sflag:s17] =	ssyncadd.s32 $0xFFFFC000  }
0x69: {  	_ =	swait.ge @!p0 [sflag:s21], $0x400  }
0x6a: {  	[sflag:s21] =	ssyncset.done @!p0 $0x0  }
0x6b: {  	[sflag:s21] =	ssyncadd.s32 @!p0 $0xFFFFFC00;
	s21 =	simm.s32 @!p0 $0x2  }
0x6c: {  	_ =	swait.ge @!p0 [sflag:s21], $0x400  }
0x6d: {  	[sflag:s21] =	ssyncset.done @!p0 $0x0  }
0x6e: {  	s23 =	simm.s32 @!p0 $0x1000;
	[sflag:s21] =	ssyncadd.s32 @!p0 $0xFFFFFC00;
	s21 =	simm.s32 @!p0 $0x80  }
0x6f: {  	[tilespmem:s23], [sflag:$0x3] =	stream.indirect.gather @!p0 [hbm4b:s4+s21], $0x80, s20, s21, $0xb8;
	[tilespmem:$0x1CC00] =	vst v63  }
0x70: {  	s31 =	sor.u32 $0x800, s30  }
0x71: {  	[spmem:s2] =	stream.indirect.scatter.add.f32 [tilespmem:s16], [sflag:$0x5], $0x80, s31, s13, $0xb8;
	[tilespmem:$0x1CC00] =	vst v63  }
0x72: {  	s22 =	simm.s32 $0x100;
	s21 =	simm.s32 $0x80;
	_ =	swait.ge [sflag:s9], $0x4000  }
0x73: {  	s20 =	simm.s32 $0x400;
	s23 =	simm.s32 $0x2;
	[sflag:s9] =	ssyncset.done $0x0  }
.LBB2_2:
0x74: {  	s25 =	rddreg [dreg:$0x3];
	[sflag:s9] =	ssyncadd.s32 $0xFFFFC000  }
0x75: {  	s24 =	sand.u32 $0x1, s23;
	p1 =	seq.s32 s21, $0x480;
	s28 =	rddreg [dreg:$0x4]  }
0x76: {  	s24 =	sshll.u32 @!p1 s24, $0xA;
	s25 =	sadd.s32 @!p1 s21, s25;
	s29 =	simm.s32 @!p1 $0x0  }
0x77: {  	[tilespmem:s24], [sflag:$0x1] =	stream.linear.gather @!p1 [hbm4b:s25+s29], $0x400, $0x38;
	[tilespmem:$0x1CC00] =	vst v63  }
0x78: {  	s28 =	sadd.s32 @!p1 s21, s28;
	s25 =	sor.u32 @!p1 $0x800, s24  }
0x79: {  	[tilespmem:s25], [sflag:$0x2] =	stream.linear.gather @!p1 [hbm4b:s28+s29], $0x400, $0x38;
	[tilespmem:$0x1CC00] =	vst v63  }
0x7a: {  	_ =	swait.ge [sflag:s15], $0x4000  }
0x7b: {  	s25 =	sand.u32 $0x400, s20;
	[sflag:s15] =	ssyncset.done $0x0  }
0x7c: {  	s30 =	sor.u32 $0x80, s25;
	[sflag:s15] =	ssyncadd.s32 $0xFFFFC000  }
0x7d: {  	[tilespmem:s16], [sflag:$0x4] =	stream.indirect.gather [hbm4b:s4+s13], $0x80, s30, s13, $0xb8;
	[tilespmem:$0x1CC00] =	vst v63  }
0x7e: {  	s31 =	sor.u32 $0x800, s25  }
0x7f: {  	[spmem:s2] =	stream.indirect.scatter.add.f32 [tilespmem:s14], [sflag:$0x5], $0x80, s31, s13, $0xb8;
	[tilespmem:$0x1CC00] =	vst v63  }
0x80: {  	_ =	swait.ge [sflag:s9], $0x4000  }
0x81: {  	[sflag:s9] =	ssyncset.done $0x0  }
0x82: {  	[sflag:s9] =	ssyncadd.s32 $0xFFFFC000  }
0x83: {  	_ =	swait.ge [sflag:s17], $0x4000  }
0x84: {  	[sflag:s17] =	ssyncset.done $0x0  }
0x85: {  	s28 =	sor.u32 $0x100, s25;
	[sflag:s17] =	ssyncadd.s32 $0xFFFFC000  }
0x86: {  	[tilespmem:s14], [sflag:$0x3] =	stream.indirect.gather [hbm4b:s4+s13], $0x80, s28, s13, $0xb8;
	[tilespmem:$0x1CC00] =	vst v63  }
0x87: {  	s29 =	sor.u32 $0x880, s25  }
0x88: {  	[spmem:s2] =	stream.indirect.scatter.add.f32 [tilespmem:s16], [sflag:$0x5], $0x80, s29, s13, $0xb8;
	[tilespmem:$0x1CC00] =	vst v63  }
0x89: {  	_ =	swait.ge [sflag:s9], $0x4000  }
0x8a: {  	[sflag:s9] =	ssyncset.done $0x0  }
0x8b: {  	[sflag:s9] =	ssyncadd.s32 $0xFFFFC000  }
0x8c: {  	_ =	swait.ge [sflag:s15], $0x4000  }
0x8d: {  	[sflag:s15] =	ssyncset.done $0x0  }
0x8e: {  	s30 =	sor.u32 $0x180, s25;
	[sflag:s15] =	ssyncadd.s32 $0xFFFFC000  }
0x8f: {  	[tilespmem:s16], [sflag:$0x4] =	stream.indirect.gather [hbm4b:s4+s13], $0x80, s30, s13, $0xb8;
	[tilespmem:$0x1CC00] =	vst v63  }
0x90: {  	s31 =	sor.u32 $0x900, s25  }
0x91: {  	[spmem:s2] =	stream.indirect.scatter.add.f32 [tilespmem:s14], [sflag:$0x5], $0x80, s31, s13, $0xb8;
	[tilespmem:$0x1CC00] =	vst v63  }
0x92: {  	_ =	swait.ge [sflag:s9], $0x4000  }
0x93: {  	[sflag:s9] =	ssyncset.done $0x0  }
0x94: {  	[sflag:s9] =	ssyncadd.s32 $0xFFFFC000  }
0x95: {  	_ =	swait.ge [sflag:s17], $0x4000  }
0x96: {  	[sflag:s17] =	ssyncset.done $0x0  }
0x97: {  	s28 =	sor.u32 $0x200, s25;
	[sflag:s17] =	ssyncadd.s32 $0xFFFFC000  }
0x98: {  	[tilespmem:s14], [sflag:$0x3] =	stream.indirect.gather [hbm4b:s4+s13], $0x80, s28, s13, $0xb8;
	[tilespmem:$0x1CC00] =	vst v63  }
0x99: {  	s29 =	sor.u32 $0x980, s25  }
0x9a: {  	[spmem:s2] =	stream.indirect.scatter.add.f32 [tilespmem:s16], [sflag:$0x5], $0x80, s29, s13, $0xb8;
	[tilespmem:$0x1CC00] =	vst v63  }
0x9b: {  	_ =	swait.ge [sflag:s9], $0x4000  }
0x9c: {  	[sflag:s9] =	ssyncset.done $0x0  }
0x9d: {  	[sflag:s9] =	ssyncadd.s32 $0xFFFFC000  }
0x9e: {  	_ =	swait.ge [sflag:s15], $0x4000  }
0x9f: {  	[sflag:s15] =	ssyncset.done $0x0  }
0xa0: {  	s30 =	sor.u32 $0x280, s25;
	[sflag:s15] =	ssyncadd.s32 $0xFFFFC000  }
0xa1: {  	[tilespmem:s16], [sflag:$0x4] =	stream.indirect.gather [hbm4b:s4+s13], $0x80, s30, s13, $0xb8;
	[tilespmem:$0x1CC00] =	vst v63  }
0xa2: {  	s31 =	sor.u32 $0xA00, s25  }
0xa3: {  	[spmem:s2] =	stream.indirect.scatter.add.f32 [tilespmem:s14], [sflag:$0x5], $0x80, s31, s13, $0xb8;
	[tilespmem:$0x1CC00] =	vst v63  }
0xa4: {  	_ =	swait.ge [sflag:s9], $0x4000  }
0xa5: {  	[sflag:s9] =	ssyncset.done $0x0  }
0xa6: {  	[sflag:s9] =	ssyncadd.s32 $0xFFFFC000  }
0xa7: {  	_ =	swait.ge [sflag:s17], $0x4000  }
0xa8: {  	[sflag:s17] =	ssyncset.done $0x0  }
0xa9: {  	s28 =	sor.u32 $0x300, s25;
	[sflag:s17] =	ssyncadd.s32 $0xFFFFC000  }
0xaa: {  	[tilespmem:s14], [sflag:$0x3] =	stream.indirect.gather [hbm4b:s4+s13], $0x80, s28, s13, $0xb8;
	[tilespmem:$0x1CC00] =	vst v63  }
0xab: {  	s29 =	sor.u32 $0xA80, s25  }
0xac: {  	[spmem:s2] =	stream.indirect.scatter.add.f32 [tilespmem:s16], [sflag:$0x5], $0x80, s29, s13, $0xb8;
	[tilespmem:$0x1CC00] =	vst v63  }
0xad: {  	_ =	swait.ge [sflag:s9], $0x4000  }
0xae: {  	[sflag:s9] =	ssyncset.done $0x0  }
0xaf: {  	[sflag:s9] =	ssyncadd.s32 $0xFFFFC000  }
0xb0: {  	_ =	swait.ge [sflag:s15], $0x4000  }
0xb1: {  	[sflag:s15] =	ssyncset.done $0x0  }
0xb2: {  	s30 =	sor.u32 $0x380, s25;
	[sflag:s15] =	ssyncadd.s32 $0xFFFFC000  }
0xb3: {  	[tilespmem:s16], [sflag:$0x4] =	stream.indirect.gather [hbm4b:s4+s13], $0x80, s30, s13, $0xb8;
	[tilespmem:$0x1CC00] =	vst v63  }
0xb4: {  	s25 =	sor.u32 $0xB00, s25  }
0xb5: {  	[spmem:s2] =	stream.indirect.scatter.add.f32 [tilespmem:s14], [sflag:$0x5], $0x80, s25, s13, $0xb8;
	[tilespmem:$0x1CC00] =	vst v63  }
0xb6: {  	_ =	swait.ge [sflag:s9], $0x4000  }
0xb7: {  	[sflag:s9] =	ssyncset.done $0x0  }
0xb8: {  	[sflag:s9] =	ssyncadd.s32 $0xFFFFC000  }
0xb9: {  	_ =	swait.ge [sflag:s17], $0x4000  }
0xba: {  	[sflag:s17] =	ssyncset.done $0x0  }
0xbb: {  	s25 =	simm.s32 @!p1 $0x1;
	[sflag:s17] =	ssyncadd.s32 $0xFFFFC000  }
0xbc: {  	_ =	swait.ge @!p1 [sflag:s25], $0x400  }
0xbd: {  	[sflag:s25] =	ssyncset.done @!p1 $0x0  }
0xbe: {  	[sflag:s25] =	ssyncadd.s32 @!p1 $0xFFFFFC00;
	s25 =	simm.s32 @!p1 $0x2  }
0xbf: {  	s26 =	smov.u32 s22;
	s22 =	sadd.s32 $0x80, s22;
	_ =	swait.ge @!p1 [sflag:s25], $0x400  }
0xc0: {  	p0 =	sne.s32 s22, $0x500;
	[sflag:s25] =	ssyncset.done @!p1 $0x0  }
0xc1: {  	s28 =	simm.s32 @!p1 $0x1000;
	[sflag:s25] =	ssyncadd.s32 @!p1 $0xFFFFFC00;
	s25 =	simm.s32 @!p1 $0x80  }
0xc2: {  	[tilespmem:s28], [sflag:$0x3] =	stream.indirect.gather @!p1 [hbm4b:s4+s25], $0x80, s24, s25, $0xb8;
	[tilespmem:$0x1CC00] =	vst v63  }
.Ltmp0:
0xc3: {  	_ = 	snop;
	(pc) =	sbr.rel @p0 .LBB2_2-.Ltmp0, $4  }
0xc4: {  	s31 =	sor.u32 $0x800, s30  }
0xc5: {  	[spmem:s2] =	stream.indirect.scatter.add.f32 [tilespmem:s16], [sflag:$0x5], $0x80, s31, s13, $0xb8;
	[tilespmem:$0x1CC00] =	vst v63  }
0xc6: {  	s23 =	sadd.s32 $0x1, s23;
	_ =	swait.ge [sflag:s9], $0x4000  }
0xc7: {  	s21 =	smov.u32 s26;
	s20 =	sadd.s32 $0x400, s20;
	[sflag:s9] =	ssyncset.done $0x0  }
0xc8: {  	s24 =	rddreg [dreg:$0x3];
	[sflag:s9] =	ssyncadd.s32 $0xFFFFC000  }
0xc9: {  	s22 =	sand.u32 $0x1, s23;
	p0 =	seq.s32 s21, $0x480;
	s23 =	rddreg [dreg:$0x4]  }
0xca: {  	s22 =	sshll.u32 @!p0 s22, $0xA;
	s24 =	sadd.s32 @!p0 s21, s24;
	s25 =	simm.s32 @!p0 $0x0  }
0xcb: {  	[tilespmem:s22], [sflag:$0x1] =	stream.linear.gather @!p0 [hbm4b:s24+s25], $0x400, $0x38;
	[tilespmem:$0x1CC00] =	vst v63  }
0xcc: {  	s21 =	sadd.s32 @!p0 s21, s23;
	s24 =	sor.u32 @!p0 $0x800, s22  }
0xcd: {  	[tilespmem:s24], [sflag:$0x2] =	stream.linear.gather @!p0 [hbm4b:s21+s25], $0x400, $0x38;
	[tilespmem:$0x1CC00] =	vst v63  }
0xce: {  	_ =	swait.ge [sflag:s15], $0x4000  }
0xcf: {  	s20 =	sand.u32 $0x400, s20;
	[sflag:s15] =	ssyncset.done $0x0  }
0xd0: {  	s25 =	sor.u32 $0x80, s20;
	[sflag:s15] =	ssyncadd.s32 $0xFFFFC000  }
0xd1: {  	[tilespmem:s16], [sflag:$0x4] =	stream.indirect.gather [hbm4b:s4+s13], $0x80, s25, s13, $0xb8;
	[tilespmem:$0x1CC00] =	vst v63  }
0xd2: {  	s26 =	sor.u32 $0x800, s20  }
0xd3: {  	[spmem:s2] =	stream.indirect.scatter.add.f32 [tilespmem:s14], [sflag:$0x5], $0x80, s26, s13, $0xb8;
	[tilespmem:$0x1CC00] =	vst v63  }
0xd4: {  	_ =	swait.ge [sflag:s9], $0x4000  }
0xd5: {  	[sflag:s9] =	ssyncset.done $0x0  }
0xd6: {  	[sflag:s9] =	ssyncadd.s32 $0xFFFFC000  }
0xd7: {  	_ =	swait.ge [sflag:s17], $0x4000  }
0xd8: {  	[sflag:s17] =	ssyncset.done $0x0  }
0xd9: {  	s28 =	sor.u32 $0x100, s20;
	[sflag:s17] =	ssyncadd.s32 $0xFFFFC000  }
0xda: {  	[tilespmem:s14], [sflag:$0x3] =	stream.indirect.gather [hbm4b:s4+s13], $0x80, s28, s13, $0xb8;
	[tilespmem:$0x1CC00] =	vst v63  }
0xdb: {  	s29 =	sor.u32 $0x880, s20  }
0xdc: {  	[spmem:s2] =	stream.indirect.scatter.add.f32 [tilespmem:s16], [sflag:$0x5], $0x80, s29, s13, $0xb8;
	[tilespmem:$0x1CC00] =	vst v63  }
0xdd: {  	_ =	swait.ge [sflag:s9], $0x4000  }
0xde: {  	[sflag:s9] =	ssyncset.done $0x0  }
0xdf: {  	[sflag:s9] =	ssyncadd.s32 $0xFFFFC000  }
0xe0: {  	_ =	swait.ge [sflag:s15], $0x4000  }
0xe1: {  	[sflag:s15] =	ssyncset.done $0x0  }
0xe2: {  	s30 =	sor.u32 $0x180, s20;
	[sflag:s15] =	ssyncadd.s32 $0xFFFFC000  }
0xe3: {  	[tilespmem:s16], [sflag:$0x4] =	stream.indirect.gather [hbm4b:s4+s13], $0x80, s30, s13, $0xb8;
	[tilespmem:$0x1CC00] =	vst v63  }
0xe4: {  	s31 =	sor.u32 $0x900, s20  }
0xe5: {  	[spmem:s2] =	stream.indirect.scatter.add.f32 [tilespmem:s14], [sflag:$0x5], $0x80, s31, s13, $0xb8;
	[tilespmem:$0x1CC00] =	vst v63  }
0xe6: {  	_ =	swait.ge [sflag:s9], $0x4000  }
0xe7: {  	[sflag:s9] =	ssyncset.done $0x0  }
0xe8: {  	[sflag:s9] =	ssyncadd.s32 $0xFFFFC000  }
0xe9: {  	_ =	swait.ge [sflag:s17], $0x4000  }
0xea: {  	[sflag:s17] =	ssyncset.done $0x0  }
0xeb: {  	s23 =	sor.u32 $0x200, s20;
	[sflag:s17] =	ssyncadd.s32 $0xFFFFC000  }
0xec: {  	[tilespmem:s14], [sflag:$0x3] =	stream.indirect.gather [hbm4b:s4+s13], $0x80, s23, s13, $0xb8;
	[tilespmem:$0x1CC00] =	vst v63  }
0xed: {  	s24 =	sor.u32 $0x980, s20  }
0xee: {  	[spmem:s2] =	stream.indirect.scatter.add.f32 [tilespmem:s16], [sflag:$0x5], $0x80, s24, s13, $0xb8;
	[tilespmem:$0x1CC00] =	vst v63  }
0xef: {  	_ =	swait.ge [sflag:s9], $0x4000  }
0xf0: {  	[sflag:s9] =	ssyncset.done $0x0  }
0xf1: {  	[sflag:s9] =	ssyncadd.s32 $0xFFFFC000  }
0xf2: {  	_ =	swait.ge [sflag:s15], $0x4000  }
0xf3: {  	[sflag:s15] =	ssyncset.done $0x0  }
0xf4: {  	s25 =	sor.u32 $0x280, s20;
	[sflag:s15] =	ssyncadd.s32 $0xFFFFC000  }
0xf5: {  	[tilespmem:s16], [sflag:$0x4] =	stream.indirect.gather [hbm4b:s4+s13], $0x80, s25, s13, $0xb8;
	[tilespmem:$0x1CC00] =	vst v63  }
0xf6: {  	s26 =	sor.u32 $0xA00, s20  }
0xf7: {  	[spmem:s2] =	stream.indirect.scatter.add.f32 [tilespmem:s14], [sflag:$0x5], $0x80, s26, s13, $0xb8;
	[tilespmem:$0x1CC00] =	vst v63  }
0xf8: {  	_ =	swait.ge [sflag:s9], $0x4000  }
0xf9: {  	[sflag:s9] =	ssyncset.done $0x0  }
0xfa: {  	[sflag:s9] =	ssyncadd.s32 $0xFFFFC000  }
0xfb: {  	_ =	swait.ge [sflag:s17], $0x4000  }
0xfc: {  	[sflag:s17] =	ssyncset.done $0x0  }
0xfd: {  	s28 =	sor.u32 $0x300, s20;
	[sflag:s17] =	ssyncadd.s32 $0xFFFFC000  }
0xfe: {  	[tilespmem:s14], [sflag:$0x3] =	stream.indirect.gather [hbm4b:s4+s13], $0x80, s28, s13, $0xb8;
	[tilespmem:$0x1CC00] =	vst v63  }
0xff: {  	s29 =	sor.u32 $0xA80, s20  }
0x100: {  	[spmem:s2] =	stream.indirect.scatter.add.f32 [tilespmem:s16], [sflag:$0x5], $0x80, s29, s13, $0xb8;
	[tilespmem:$0x1CC00] =	vst v63  }
0x101: {  	_ =	swait.ge [sflag:s9], $0x4000  }
0x102: {  	[sflag:s9] =	ssyncset.done $0x0  }
0x103: {  	[sflag:s9] =	ssyncadd.s32 $0xFFFFC000  }
0x104: {  	_ =	swait.ge [sflag:s15], $0x4000  }
0x105: {  	[sflag:s15] =	ssyncset.done $0x0  }
0x106: {  	s30 =	sor.u32 $0x380, s20;
	[sflag:s15] =	ssyncadd.s32 $0xFFFFC000  }
0x107: {  	[tilespmem:s16], [sflag:$0x4] =	stream.indirect.gather [hbm4b:s4+s13], $0x80, s30, s13, $0xb8;
	[tilespmem:$0x1CC00] =	vst v63  }
0x108: {  	s20 =	sor.u32 $0xB00, s20  }
0x109: {  	[spmem:s2] =	stream.indirect.scatter.add.f32 [tilespmem:s14], [sflag:$0x5], $0x80, s20, s13, $0xb8;
	[tilespmem:$0x1CC00] =	vst v63  }
0x10a: {  	_ =	swait.ge [sflag:s9], $0x4000  }
0x10b: {  	[sflag:s9] =	ssyncset.done $0x0  }
0x10c: {  	[sflag:s9] =	ssyncadd.s32 $0xFFFFC000  }
0x10d: {  	_ =	swait.ge [sflag:s17], $0x4000  }
0x10e: {  	[sflag:s17] =	ssyncset.done $0x0  }
0x10f: {  	s20 =	simm.s32 @!p0 $0x1;
	[sflag:s17] =	ssyncadd.s32 $0xFFFFC000  }
0x110: {  	_ =	swait.ge @!p0 [sflag:s20], $0x400  }
0x111: {  	[sflag:s20] =	ssyncset.done @!p0 $0x0  }
0x112: {  	[sflag:s20] =	ssyncadd.s32 @!p0 $0xFFFFFC00;
	s20 =	simm.s32 @!p0 $0x2  }
0x113: {  	_ =	swait.ge @!p0 [sflag:s20], $0x400  }
0x114: {  	[sflag:s20] =	ssyncset.done @!p0 $0x0  }
0x115: {  	s23 =	simm.s32 @!p0 $0x1000;
	[sflag:s20] =	ssyncadd.s32 @!p0 $0xFFFFFC00;
	s20 =	simm.s32 @!p0 $0x80  }
0x116: {  	[tilespmem:s23], [sflag:$0x3] =	stream.indirect.gather @!p0 [hbm4b:s4+s20], $0x80, s22, s20, $0xb8;
	[tilespmem:$0x1CC00] =	vst v63  }
0x117: {  	s31 =	sor.u32 $0x800, s30  }
0x118: {  	[spmem:s2] =	stream.indirect.scatter.add.f32 [tilespmem:s16], [sflag:$0x5], $0x80, s31, s13, $0xb8;
	[tilespmem:$0x1CC00] =	vst v63  }
0x119: {  	_ =	swait.ge [sflag:s9], $0x4000  }
0x11a: {  	s19 =	sadd.s32 $0x1, s19;
	[sflag:s9] =	ssyncset.done $0x0  }
0x11b: {  	p0 =	sne.s32 s19, s8;
	[sflag:s9] =	ssyncadd.s32 $0xFFFFC000  }
.Ltmp1:
0x11c: {  	[bflag:$0x0] =	sbarrier.arrive $0xFFFF;
	(pc) =	sbr.rel @p0 .LBB2_1-.Ltmp1, $4  }
0x11d: {  	[hbm:s18], [sflag:s11] =	dma.local [spmem:s12], $0x2780  }
0x11e: {  	_ =	swait.ge [sflag:s9], $0x2780  }
0x11f: {  	[sflag:s9] =	ssyncset.done $0x0  }
0x120: {  	[sflag:s9] =	ssyncadd.s32 $0xFFFFD880  }
0x121: {  	_ =	sfence.sel $0x180000  }
0x122: {  	[bflag:$0x0] =	sbarrier.arrive $0xFFFF  }
0x123: {  	p0 =	sne.s32 s1, $0x0;
	_ =	strace $0x90000047  }
0x124: {  	s0 =	sadd.s32 @!p0 $0x100000, s0;
	[bflag:$0x2] =	sbarrier.arrive $0xFFFF  }
0x125: {  	[sflag:s0] =	ssyncadd.tile.s32 @!p0 $0x1;
	_ =	shalt  }
.Lfunc_end2:
_tile_overlayer_lowered:
.L_overlay_start_2:
0x126: {  	(tag) =	ssettag $0x2  }
0x127: {  	s0 =	rddreg [dreg:$0x0];
	s2 =	stileid.u32  }
0x128: {  	s1 =	rddreg [dreg:$0x1];
	p0 =	sne.s32 s2, $0x0  }
0x129: {  	s3 =	rddreg [dreg:$0x2];
	[bflag:$0x3] =	sbarrier.arrive $0xFFFF;
	s2 =	simm.s32 @!p0 $0x1C05  }
0x12a: {  	[timem:s3], [sflag:s2] =	dma.local @!p0 [hbm:s0], s1  }
0x12b: {  	s0 =	simm.s32 @!p0 $0x5  }
0x12c: {  	_ =	swait.ge @!p0 [sflag:s0], s1  }
0x12d: {  	s1 =	ssub.s32 @!p0 $0x0, s1;
	[sflag:s0] =	ssyncset.done @!p0 $0x0  }
0x12e: {  	[sflag:s0] =	ssyncadd.s32 @!p0 s1  }
0x12f: {  	[bflag:$0x3] =	sbarrier.arrive $0xFFFF  }
0x130: {  	_ =	shalt  }

</sc_bundles>
